<compile_context>
chip_gen: v7x
topology: tpu7x:2x2x1
jax: 0.10.2.dev20260603
libtpu: 0.0.44.dev20260713+nightly
codegen_flags: <defaults>
</compile_context>

<pallas_src>
import functools

import jax
import jax.numpy as jnp
from jax import lax
from jax.experimental import pallas as pl
from jax.experimental.pallas import tpu as pltpu
from jax.experimental.pallas import tpu_sc as plsc

NUM_NODES = 1000000
EMB_SIZE = 64
NUM_FEATURES = 1000
BATCH = 4096

_NC = 2
_NS = 16
_NW = _NC * _NS
_BPW = BATCH // _NW

_FPAD = 1024
_TILE = 512


@functools.lru_cache(maxsize=None)
def _make_sc_gather():
    mesh = plsc.VectorSubcoreMesh(
        core_axis_name="c", subcore_axis_name="s",
        num_cores=_NC, num_subcores=_NS)

    @functools.partial(
        pl.kernel,
        mesh=mesh,
        out_type=(
            jax.ShapeDtypeStruct((BATCH, EMB_SIZE), jnp.float32),
            jax.ShapeDtypeStruct((BATCH, EMB_SIZE), jnp.float32),
        ),
        scratch_types=[
            pltpu.VMEM((_BPW,), jnp.int32),
            pltpu.VMEM((_BPW,), jnp.int32),
            pltpu.VMEM((_BPW, EMB_SIZE), jnp.float32),
            pltpu.VMEM((_BPW, EMB_SIZE), jnp.float32),
            pltpu.SemaphoreType.DMA,
        ],
    )
    def sc_gather(table_hbm, tidx_hbm, cidx_hbm, out_t, out_c,
                  tidx_s, cidx_s, rows_t, rows_c, sem):
        wid = lax.axis_index("s") * _NC + lax.axis_index("c")
        base = wid * _BPW
        pltpu.sync_copy(tidx_hbm.at[pl.ds(base, _BPW)], tidx_s)
        pltpu.sync_copy(cidx_hbm.at[pl.ds(base, _BPW)], cidx_s)

        for idx_ref, rows in ((tidx_s, rows_t), (cidx_s, rows_c)):
            for k in range(_BPW // 16):
                v = idx_ref[pl.ds(k * 16, 16)]
                for j in range(16):
                    pltpu.async_copy(table_hbm.at[pl.ds(v[j], 1)],
                                     rows.at[pl.ds(k * 16 + j, 1)], sem)

        def drain(i, carry):
            pltpu.make_async_copy(table_hbm.at[pl.ds(0, 1)],
                                  rows_t.at[pl.ds(0, 1)], sem).wait()
            return carry

        lax.fori_loop(0, 2 * _BPW, drain, 0, unroll=8)

        pltpu.sync_copy(rows_t, out_t.at[pl.ds(base, _BPW)])
        pltpu.sync_copy(rows_c, out_c.at[pl.ds(base, _BPW)])

    return sc_gather


def _tc_body(tf_ref, cf_ref, ftab_ref, a_ref, b_ref, o_ref, s_ref):
    i = pl.program_id(0)

    @pl.when(i == 0)
    def _():
        lin = (lax.broadcasted_iota(jnp.int32, (8, 128), 0) * 128
               + lax.broadcasted_iota(jnp.int32, (8, 128), 1))
        big = jnp.int32(1 << 30)
        t_idx = jnp.min(jnp.where(tf_ref[...] != 0.0, lin, big))
        c_idx = jnp.min(jnp.where(cf_ref[...] != 0.0, lin, big))
        t_idx = jnp.where(t_idx >= NUM_FEATURES, 0, t_idx)
        c_idx = jnp.where(c_idx >= NUM_FEATURES, 0, c_idx)
        row_t = ftab_ref[pl.ds(t_idx, 1), :]
        row_c = ftab_ref[pl.ds(c_idx, 1), :]
        s_ref[0, 0] = jnp.sum(row_t * row_c)

    a = a_ref[...]
    b = b_ref[...]
    a_hi = a.astype(jnp.bfloat16)
    b_hi = b.astype(jnp.bfloat16)
    a_lo = (a - a_hi.astype(jnp.float32)).astype(jnp.bfloat16)
    b_lo = (b - b_hi.astype(jnp.float32)).astype(jnp.bfloat16)
    dims = (((1,), (1,)), ((), ()))
    acc = lax.dot_general(a_hi, b_hi, dims,
                          preferred_element_type=jnp.float32)
    acc += lax.dot_general(a_hi, b_lo, dims,
                           preferred_element_type=jnp.float32)
    acc += lax.dot_general(a_lo, b_hi, dims,
                           preferred_element_type=jnp.float32)
    o_ref[...] = acc + s_ref[0, 0]


_tc_score = pl.pallas_call(
    _tc_body,
    grid=(BATCH // _TILE,),
    in_specs=[
        pl.BlockSpec((8, 128), lambda i: (0, 0)),
        pl.BlockSpec((8, 128), lambda i: (0, 0)),
        pl.BlockSpec((NUM_FEATURES, EMB_SIZE), lambda i: (0, 0)),
        pl.BlockSpec((_TILE, EMB_SIZE), lambda i: (i, 0)),
        pl.BlockSpec((BATCH, EMB_SIZE), lambda i: (0, 0)),
    ],
    out_specs=pl.BlockSpec((_TILE, BATCH), lambda i: (i, 0)),
    out_shape=jax.ShapeDtypeStruct((BATCH, BATCH), jnp.float32),
    scratch_shapes=[pltpu.SMEM((1, 1), jnp.float32)],
)


def kernel(target_node, context_node, target_feature, context_feature,
           node_table, feature_table):
    emb_t, emb_c = _make_sc_gather()(node_table, target_node, context_node)
    pad = jnp.zeros((_FPAD - NUM_FEATURES,), jnp.float32)
    tf = jnp.concatenate([target_feature, pad]).reshape(8, 128)
    cf = jnp.concatenate([context_feature, pad]).reshape(8, 128)
    return _tc_score(tf, cf, feature_table, emb_t, emb_c)

# --- scband reference (transcript-rebuilt; emitter-appended) ---
"""Pipeline reference for scband-skip-gram-11733850653166 (READ-ONLY COPY).

The authoritative reference and input builder live on the scoring server;
editing this copy changes nothing except your own understanding.
"""

import jax, jax.numpy as jnp
import numpy as np

NUM_NODES = 1000000
EMB_SIZE = 64
NUM_FEATURES = 1000
BATCH = 4096

def setup_inputs(seed: int = 0) -> dict:
    key = jax.random.key(seed)
    k1, k2, k3, k4, k5, k6 = jax.random.split(key, 6)
    target_node = jax.random.randint(k1, (BATCH,), 0, NUM_NODES, dtype=jnp.int64 if jax.config.jax_enable_x64 else jnp.int32).astype(jnp.int32)
    context_node = jax.random.randint(k2, (BATCH,), 0, NUM_NODES, dtype=jnp.int32)
    target_feature = jax.random.uniform(k3, (NUM_FEATURES,), dtype=jnp.float32)
    context_feature = jax.random.uniform(k4, (NUM_FEATURES,), dtype=jnp.float32)
    node_table = jax.random.normal(k5, (NUM_NODES, EMB_SIZE), dtype=jnp.float32) * 0.02
    feature_table = jax.random.normal(k6, (NUM_FEATURES, EMB_SIZE), dtype=jnp.float32) * 0.02
    return {
        "target_node": target_node,
        "context_node": context_node,
        "target_feature": target_feature,
        "context_feature": context_feature,
        "node_table": node_table,
        "feature_table": feature_table,
    }

def reference(target_node, context_node, target_feature, context_feature, node_table, feature_table):
    # nn.Embedding lookups -> gathers
    emb_target_node = jnp.take(node_table, target_node, axis=0)      # [B, D]
    emb_context_node = jnp.take(node_table, context_node, axis=0)    # [B, D]
    # torch.nonzero(x)[0, 0] on a 1-D tensor == index of first nonzero element
    target_feature_index = jnp.argmax(target_feature != 0)
    context_feature_index = jnp.argmax(context_feature != 0)
    emb_target_feature = jnp.take(feature_table, target_feature_index[None], axis=0)   # [1, D]
    emb_context_feature = jnp.take(feature_table, context_feature_index[None], axis=0) # [1, D]
    scores_node = jnp.matmul(emb_target_node, emb_context_node.T)        # [B, B]
    scores_feature = jnp.matmul(emb_target_feature, emb_context_feature.T)  # [1, 1]
    return scores_node + scores_feature  # broadcast -> [B, B]

if __name__ == "__main__":
    import jax
    _d = setup_inputs()
    print(jax.jit(kernel)(*tuple(_d.values())))

</pallas_src>

<mosaic_0001>
#map = affine_map<(d0, d1) -> (0, 0)>
#map1 = affine_map<(d0, d1) -> (0)>
module attributes {stable_mosaic.version = 14 : i64} {
  func.func @sc_gather(%arg0: i32, %arg1: i32, %arg2: memref<1000000x64xf32, #tpu.memory_space<hbm>>, %arg3: memref<4096xi32, #tpu.memory_space<hbm>>, %arg4: memref<4096xi32, #tpu.memory_space<hbm>>, %arg5: memref<4096x64xf32, #tpu.memory_space<hbm>>, %arg6: memref<4096x64xf32, #tpu.memory_space<hbm>>, %arg7: memref<128xi32, #tpu.memory_space<vmem>>, %arg8: memref<128xi32, #tpu.memory_space<vmem>>, %arg9: memref<128x64xf32, #tpu.memory_space<vmem>>, %arg10: memref<128x64xf32, #tpu.memory_space<vmem>>, %arg11: memref<!tpu.dma_semaphore, #tpu.memory_space<semaphore_mem>>) attributes {dimension_semantics = [#tpu.dimension_semantics<core_parallel>, #tpu.dimension_semantics<subcore_parallel>], iteration_bounds = array<i64: 2, 16>, scalar_prefetch = 0 : i64, scratch_operands = 5 : i64, tpu.core_type = #tpu.core_type<sc_vector_subcore>, window_params = [{transform_indices = #map}, {transform_indices = #map1}, {transform_indices = #map1}, {transform_indices = #map}, {transform_indices = #map}]} {
    %mul3A = arith.constant 2 : i32
    %mul3A_0 = arith.muli %arg1, %mul3A : i32
    %add3A = arith.addi %mul3A_0, %arg0 : i32
    %mul3A_1 = arith.constant 128 : i32
    %mul3A_2 = arith.muli %add3A, %mul3A_1 : i32
    "tpu.region"() ({
      %run_scoped3A = tpu.sem_alloc : memref<!tpu.dma_semaphore, #tpu.memory_space<semaphore_mem>>
      %dma_start3A_3124 = tpu.memref_slice %arg3[%mul3A_2] : memref<4096xi32, #tpu.memory_space<hbm>> -> memref<128xi32, #tpu.memory_space<hbm>>
      %dma_start3A_3125 = tpu.memref_slice %arg3[%mul3A_2] : memref<4096xi32, #tpu.memory_space<hbm>> -> memref<128xi32, #tpu.memory_space<hbm>>
      tpu.enqueue_dma source(%dma_start3A_3125 : memref<128xi32, #tpu.memory_space<hbm>>) target(%arg7 : memref<128xi32, #tpu.memory_space<vmem>>) target_semaphore(%run_scoped3A : memref<!tpu.dma_semaphore, #tpu.memory_space<semaphore_mem>>)
      %dma_wait3A = tpu.memref_slice %arg3[%mul3A_2] : memref<4096xi32, #tpu.memory_space<hbm>> -> memref<128xi32, #tpu.memory_space<hbm>>
      %dma_wait3A_3126 = tpu.memref_slice %arg3[%mul3A_2] : memref<4096xi32, #tpu.memory_space<hbm>> -> memref<128xi32, #tpu.memory_space<hbm>>
      tpu.wait_dma2 semaphore(%run_scoped3A : memref<!tpu.dma_semaphore, #tpu.memory_space<semaphore_mem>>) src(%dma_wait3A_3126 : memref<128xi32, #tpu.memory_space<hbm>>) dst(%arg7 : memref<128xi32, #tpu.memory_space<vmem>>)
      tpu.yield
    }) : () -> ()
    "tpu.region"() ({
      %run_scoped3A = tpu.sem_alloc : memref<!tpu.dma_semaphore, #tpu.memory_space<semaphore_mem>>
      %dma_start3A_3124 = tpu.memref_slice %arg4[%mul3A_2] : memref<4096xi32, #tpu.memory_space<hbm>> -> memref<128xi32, #tpu.memory_space<hbm>>
      %dma_start3A_3125 = tpu.memref_slice %arg4[%mul3A_2] : memref<4096xi32, #tpu.memory_space<hbm>> -> memref<128xi32, #tpu.memory_space<hbm>>
      tpu.enqueue_dma source(%dma_start3A_3125 : memref<128xi32, #tpu.memory_space<hbm>>) target(%arg8 : memref<128xi32, #tpu.memory_space<vmem>>) target_semaphore(%run_scoped3A : memref<!tpu.dma_semaphore, #tpu.memory_space<semaphore_mem>>)
      %dma_wait3A = tpu.memref_slice %arg4[%mul3A_2] : memref<4096xi32, #tpu.memory_space<hbm>> -> memref<128xi32, #tpu.memory_space<hbm>>
      %dma_wait3A_3126 = tpu.memref_slice %arg4[%mul3A_2] : memref<4096xi32, #tpu.memory_space<hbm>> -> memref<128xi32, #tpu.memory_space<hbm>>
      tpu.wait_dma2 semaphore(%run_scoped3A : memref<!tpu.dma_semaphore, #tpu.memory_space<semaphore_mem>>) src(%dma_wait3A_3126 : memref<128xi32, #tpu.memory_space<hbm>>) dst(%arg8 : memref<128xi32, #tpu.memory_space<vmem>>)
      tpu.yield
    }) : () -> ()
    %get3A = arith.constant 0 : index
    %get3A_3 = tpu.vector_load %arg7[%get3A] {strides = array<i32>} : memref<128xi32, #tpu.memory_space<vmem>>, vector<16xi32>,
    %get3A_4 = vector.shape_cast %get3A_3 : vector<16xi32> to vector<16xi32>
    %slice3A = vector.extract_strided_slice %get3A_4 {offsets = [0], sizes = [1], strides = [1]} : vector<16xi32> to vector<1xi32>
    %squeeze3A = vector.extract %slice3A[0] : i32 from vector<1xi32>
    %dma_start3A = arith.constant 0 : i32
    %dma_start3A_5 = arith.constant 0 : i32
    %dma_start3A_6 = tpu.memref_slice %arg9[%dma_start3A, %dma_start3A_5] : memref<128x64xf32, #tpu.memory_space<vmem>> -> memref<1x64xf32, #tpu.memory_space<vmem>>
    %dma_start3A_7 = arith.constant 0 : i32
    %dma_start3A_8 = tpu.memref_slice %arg2[%squeeze3A, %dma_start3A_7] : memref<1000000x64xf32, #tpu.memory_space<hbm>> -> memref<1x64xf32, #tpu.memory_space<hbm>>
    %dma_start3A_9 = arith.constant 0 : i32
    %dma_start3A_10 = arith.constant 0 : i32
    %dma_start3A_11 = tpu.memref_slice %arg9[%dma_start3A_9, %dma_start3A_10] : memref<128x64xf32, #tpu.memory_space<vmem>> -> memref<1x64xf32, #tpu.memory_space<vmem>>
    %dma_start3A_12 = arith.constant 0 : i32
    %dma_start3A_13 = tpu.memref_slice %arg2[%squeeze3A, %dma_start3A_12] : memref<1000000x64xf32, #tpu.memory_space<hbm>> -> memref<1x64xf32, #tpu.memory_space<hbm>>
    tpu.enqueue_dma source(%dma_start3A_13 : memref<1x64xf32, #tpu.memory_space<hbm>>) target(%dma_start3A_11 : memref<1x64xf32, #tpu.memory_space<vmem>>) target_semaphore(%arg11 : memref<!tpu.dma_semaphore, #tpu.memory_space<semaphore_mem>>)
    %slice3A_14 = vector.extract_strided_slice %get3A_4 {offsets = [1], sizes = [1], strides = [1]} : vector<16xi32> to vector<1xi32>
    %squeeze3A_15 = vector.extract %slice3A_14[0] : i32 from vector<1xi32>
    %dma_start3A_16 = arith.constant 1 : i32
    %dma_start3A_17 = arith.constant 0 : i32
    %dma_start3A_18 = tpu.memref_slice %arg9[%dma_start3A_16, %dma_start3A_17] : memref<128x64xf32, #tpu.memory_space<vmem>> -> memref<1x64xf32, #tpu.memory_space<vmem>>
    %dma_start3A_19 = arith.constant 0 : i32
    %dma_start3A_20 = tpu.memref_slice %arg2[%squeeze3A_15, %dma_start3A_19] : memref<1000000x64xf32, #tpu.memory_space<hbm>> -> memref<1x64xf32, #tpu.memory_space<hbm>>
    %dma_start3A_21 = arith.constant 1 : i32
    %dma_start3A_22 = arith.constant 0 : i32
    %dma_start3A_23 = tpu.memref_slice %arg9[%dma_start3A_21, %dma_start3A_22] : memref<128x64xf32, #tpu.memory_space<vmem>> -> memref<1x64xf32, #tpu.memory_space<vmem>>
    %dma_start3A_24 = arith.constant 0 : i32
    %dma_start3A_25 = tpu.memref_slice %arg2[%squeeze3A_15, %dma_start3A_24] : memref<1000000x64xf32, #tpu.memory_space<hbm>> -> memref<1x64xf32, #tpu.memory_space<hbm>>
    tpu.enqueue_dma source(%dma_start3A_25 : memref<1x64xf32, #tpu.memory_space<hbm>>) target(%dma_start3A_23 : memref<1x64xf32, #tpu.memory_space<vmem>>) target_semaphore(%arg11 : memref<!tpu.dma_semaphore, #tpu.memory_space<semaphore_mem>>)
    %slice3A_26 = vector.extract_strided_slice %get3A_4 {offsets = [2], sizes = [1], strides = [1]} : vector<16xi32> to vector<1xi32>
    %squeeze3A_27 = vector.extract %slice3A_26[0] : i32 from vector<1xi32>
    %dma_start3A_28 = arith.constant 2 : i32
    %dma_start3A_29 = arith.constant 0 : i32
    %dma_start3A_30 = tpu.memref_slice %arg9[%dma_start3A_28, %dma_start3A_29] : memref<128x64xf32, #tpu.memory_space<vmem>> -> memref<1x64xf32, #tpu.memory_space<vmem>>
    %dma_start3A_31 = arith.constant 0 : i32
    %dma_start3A_32 = tpu.memref_slice %arg2[%squeeze3A_27, %dma_start3A_31] : memref<1000000x64xf32, #tpu.memory_space<hbm>> -> memref<1x64xf32, #tpu.memory_space<hbm>>
    %dma_start3A_33 = arith.constant 2 : i32
    %dma_start3A_34 = arith.constant 0 : i32
    %dma_start3A_35 = tpu.memref_slice %arg9[%dma_start3A_33, %dma_start3A_34] : memref<128x64xf32, #tpu.memory_space<vmem>> -> memref<1x64xf32, #tpu.memory_space<vmem>>
    %dma_start3A_36 = arith.constant 0 : i32
    %dma_start3A_37 = tpu.memref_slice %arg2[%squeeze3A_27, %dma_start3A_36] : memref<1000000x64xf32, #tpu.memory_space<hbm>> -> memref<1x64xf32, #tpu.memory_space<hbm>>
    tpu.enqueue_dma source(%dma_start3A_37 : memref<1x64xf32, #tpu.memory_space<hbm>>) target(%dma_start3A_35 : memref<1x64xf32, #tpu.memory_space<vmem>>) target_semaphore(%arg11 : memref<!tpu.dma_semaphore, #tpu.memory_space<semaphore_mem>>)
    %slice3A_38 = vector.extract_strided_slice %get3A_4 {offsets = [3], sizes = [1], strides = [1]} : vector<16xi32> to vector<1xi32>
    %squeeze3A_39 = vector.extract %slice3A_38[0] : i32 from vector<1xi32>
    %dma_start3A_40 = arith.constant 3 : i32
    %dma_start3A_41 = arith.constant 0 : i32
    %dma_start3A_42 = tpu.memref_slice %arg9[%dma_start3A_40, %dma_start3A_41] : memref<128x64xf32, #tpu.memory_space<vmem>> -> memref<1x64xf32, #tpu.memory_space<vmem>>
    %dma_start3A_43 = arith.constant 0 : i32
    %dma_start3A_44 = tpu.memref_slice %arg2[%squeeze3A_39, %dma_start3A_43] : memref<1000000x64xf32, #tpu.memory_space<hbm>> -> memref<1x64xf32, #tpu.memory_space<hbm>>
    %dma_start3A_45 = arith.constant 3 : i32
    %dma_start3A_46 = arith.constant 0 : i32
    %dma_start3A_47 = tpu.memref_slice %arg9[%dma_start3A_45, %dma_start3A_46] : memref<128x64xf32, #tpu.memory_space<vmem>> -> memref<1x64xf32, #tpu.memory_space<vmem>>
    %dma_start3A_48 = arith.constant 0 : i32
    %dma_start3A_49 = tpu.memref_slice %arg2[%squeeze3A_39, %dma_start3A_48] : memref<1000000x64xf32, #tpu.memory_space<hbm>> -> memref<1x64xf32, #tpu.memory_space<hbm>>
    tpu.enqueue_dma source(%dma_start3A_49 : memref<1x64xf32, #tpu.memory_space<hbm>>) target(%dma_start3A_47 : memref<1x64xf32, #tpu.memory_space<vmem>>) target_semaphore(%arg11 : memref<!tpu.dma_semaphore, #tpu.memory_space<semaphore_mem>>)
    %slice3A_50 = vector.extract_strided_slice %get3A_4 {offsets = [4], sizes = [1], strides = [1]} : vector<16xi32> to vector<1xi32>
    %squeeze3A_51 = vector.extract %slice3A_50[0] : i32 from vector<1xi32>
    %dma_start3A_52 = arith.constant 4 : i32
    %dma_start3A_53 = arith.constant 0 : i32
    %dma_start3A_54 = tpu.memref_slice %arg9[%dma_start3A_52, %dma_start3A_53] : memref<128x64xf32, #tpu.memory_space<vmem>> -> memref<1x64xf32, #tpu.memory_space<vmem>>
    %dma_start3A_55 = arith.constant 0 : i32
    %dma_start3A_56 = tpu.memref_slice %arg2[%squeeze3A_51, %dma_start3A_55] : memref<1000000x64xf32, #tpu.memory_space<hbm>> -> memref<1x64xf32, #tpu.memory_space<hbm>>
    %dma_start3A_57 = arith.constant 4 : i32
    %dma_start3A_58 = arith.constant 0 : i32
    %dma_start3A_59 = tpu.memref_slice %arg9[%dma_start3A_57, %dma_start3A_58] : memref<128x64xf32, #tpu.memory_space<vmem>> -> memref<1x64xf32, #tpu.memory_space<vmem>>
    %dma_start3A_60 = arith.constant 0 : i32
    %dma_start3A_61 = tpu.memref_slice %arg2[%squeeze3A_51, %dma_start3A_60] : memref<1000000x64xf32, #tpu.memory_space<hbm>> -> memref<1x64xf32, #tpu.memory_space<hbm>>
    tpu.enqueue_dma source(%dma_start3A_61 : memref<1x64xf32, #tpu.memory_space<hbm>>) target(%dma_start3A_59 : memref<1x64xf32, #tpu.memory_space<vmem>>) target_semaphore(%arg11 : memref<!tpu.dma_semaphore, #tpu.memory_space<semaphore_mem>>)
    %slice3A_62 = vector.extract_strided_slice %get3A_4 {offsets = [5], sizes = [1], strides = [1]} : vector<16xi32> to vector<1xi32>
    %squeeze3A_63 = vector.extract %slice3A_62[0] : i32 from vector<1xi32>
    %dma_start3A_64 = arith.constant 5 : i32
    %dma_start3A_65 = arith.constant 0 : i32
    %dma_start3A_66 = tpu.memref_slice %arg9[%dma_start3A_64, %dma_start3A_65] : memref<128x64xf32, #tpu.memory_space<vmem>> -> memref<1x64xf32, #tpu.memory_space<vmem>>
    %dma_start3A_67 = arith.constant 0 : i32
    %dma_start3A_68 = tpu.memref_slice %arg2[%squeeze3A_63, %dma_start3A_67] : memref<1000000x64xf32, #tpu.memory_space<hbm>> -> memref<1x64xf32, #tpu.memory_space<hbm>>
    %dma_start3A_69 = arith.constant 5 : i32
    %dma_start3A_70 = arith.constant 0 : i32
    %dma_start3A_71 = tpu.memref_slice %arg9[%dma_start3A_69, %dma_start3A_70] : memref<128x64xf32, #tpu.memory_space<vmem>> -> memref<1x64xf32, #tpu.memory_space<vmem>>
    %dma_start3A_72 = arith.constant 0 : i32
    %dma_start3A_73 = tpu.memref_slice %arg2[%squeeze3A_63, %dma_start3A_72] : memref<1000000x64xf32, #tpu.memory_space<hbm>> -> memref<1x64xf32, #tpu.memory_space<hbm>>
    tpu.enqueue_dma source(%dma_start3A_73 : memref<1x64xf32, #tpu.memory_space<hbm>>) target(%dma_start3A_71 : memref<1x64xf32, #tpu.memory_space<vmem>>) target_semaphore(%arg11 : memref<!tpu.dma_semaphore, #tpu.memory_space<semaphore_mem>>)
    %slice3A_74 = vector.extract_strided_slice %get3A_4 {offsets = [6], sizes = [1], strides = [1]} : vector<16xi32> to vector<1xi32>
    %squeeze3A_75 = vector.extract %slice3A_74[0] : i32 from vector<1xi32>
    %dma_start3A_76 = arith.constant 6 : i32
    %dma_start3A_77 = arith.constant 0 : i32
    %dma_start3A_78 = tpu.memref_slice %arg9[%dma_start3A_76, %dma_start3A_77] : memref<128x64xf32, #tpu.memory_space<vmem>> -> memref<1x64xf32, #tpu.memory_space<vmem>>
    %dma_start3A_79 = arith.constant 0 : i32
    %dma_start3A_80 = tpu.memref_slice %arg2[%squeeze3A_75, %dma_start3A_79] : memref<1000000x64xf32, #tpu.memory_space<hbm>> -> memref<1x64xf32, #tpu.memory_space<hbm>>
    %dma_start3A_81 = arith.constant 6 : i32
    %dma_start3A_82 = arith.constant 0 : i32
    %dma_start3A_83 = tpu.memref_slice %arg9[%dma_start3A_81, %dma_start3A_82] : memref<128x64xf32, #tpu.memory_space<vmem>> -> memref<1x64xf32, #tpu.memory_space<vmem>>
    %dma_start3A_84 = arith.constant 0 : i32
    %dma_start3A_85 = tpu.memref_slice %arg2[%squeeze3A_75, %dma_start3A_84] : memref<1000000x64xf32, #tpu.memory_space<hbm>> -> memref<1x64xf32, #tpu.memory_space<hbm>>
    tpu.enqueue_dma source(%dma_start3A_85 : memref<1x64xf32, #tpu.memory_space<hbm>>) target(%dma_start3A_83 : memref<1x64xf32, #tpu.memory_space<vmem>>) target_semaphore(%arg11 : memref<!tpu.dma_semaphore, #tpu.memory_space<semaphore_mem>>)
    %slice3A_86 = vector.extract_strided_slice %get3A_4 {offsets = [7], sizes = [1], strides = [1]} : vector<16xi32> to vector<1xi32>
    %squeeze3A_87 = vector.extract %slice3A_86[0] : i32 from vector<1xi32>
    %dma_start3A_88 = arith.constant 7 : i32
    %dma_start3A_89 = arith.constant 0 : i32
    %dma_start3A_90 = tpu.memref_slice %arg9[%dma_start3A_88, %dma_start3A_89] : memref<128x64xf32, #tpu.memory_space<vmem>> -> memref<1x64xf32, #tpu.memory_space<vmem>>
    %dma_start3A_91 = arith.constant 0 : i32
    %dma_start3A_92 = tpu.memref_slice %arg2[%squeeze3A_87, %dma_start3A_91] : memref<1000000x64xf32, #tpu.memory_space<hbm>> -> memref<1x64xf32, #tpu.memory_space<hbm>>
    %dma_start3A_93 = arith.constant 7 : i32
    %dma_start3A_94 = arith.constant 0 : i32
    %dma_start3A_95 = tpu.memref_slice %arg9[%dma_start3A_93, %dma_start3A_94] : memref<128x64xf32, #tpu.memory_space<vmem>> -> memref<1x64xf32, #tpu.memory_space<vmem>>
    %dma_start3A_96 = arith.constant 0 : i32
    %dma_start3A_97 = tpu.memref_slice %arg2[%squeeze3A_87, %dma_start3A_96] : memref<1000000x64xf32, #tpu.memory_space<hbm>> -> memref<1x64xf32, #tpu.memory_space<hbm>>
    tpu.enqueue_dma source(%dma_start3A_97 : memref<1x64xf32, #tpu.memory_space<hbm>>) target(%dma_start3A_95 : memref<1x64xf32, #tpu.memory_space<vmem>>) target_semaphore(%arg11 : memref<!tpu.dma_semaphore, #tpu.memory_space<semaphore_mem>>)
    %slice3A_98 = vector.extract_strided_slice %get3A_4 {offsets = [8], sizes = [1], strides = [1]} : vector<16xi32> to vector<1xi32>
    %squeeze3A_99 = vector.extract %slice3A_98[0] : i32 from vector<1xi32>
    %dma_start3A_100 = arith.constant 8 : i32
    %dma_start3A_101 = arith.constant 0 : i32
    %dma_start3A_102 = tpu.memref_slice %arg9[%dma_start3A_100, %dma_start3A_101] : memref<128x64xf32, #tpu.memory_space<vmem>> -> memref<1x64xf32, #tpu.memory_space<vmem>>
    %dma_start3A_103 = arith.constant 0 : i32
    %dma_start3A_104 = tpu.memref_slice %arg2[%squeeze3A_99, %dma_start3A_103] : memref<1000000x64xf32, #tpu.memory_space<hbm>> -> memref<1x64xf32, #tpu.memory_space<hbm>>
    %dma_start3A_105 = arith.constant 8 : i32
    %dma_start3A_106 = arith.constant 0 : i32
    %dma_start3A_107 = tpu.memref_slice %arg9[%dma_start3A_105, %dma_start3A_106] : memref<128x64xf32, #tpu.memory_space<vmem>> -> memref<1x64xf32, #tpu.memory_space<vmem>>
    %dma_start3A_108 = arith.constant 0 : i32
    %dma_start3A_109 = tpu.memref_slice %arg2[%squeeze3A_99, %dma_start3A_108] : memref<1000000x64xf32, #tpu.memory_space<hbm>> -> memref<1x64xf32, #tpu.memory_space<hbm>>
    tpu.enqueue_dma source(%dma_start3A_109 : memref<1x64xf32, #tpu.memory_space<hbm>>) target(%dma_start3A_107 : memref<1x64xf32, #tpu.memory_space<vmem>>) target_semaphore(%arg11 : memref<!tpu.dma_semaphore, #tpu.memory_space<semaphore_mem>>)
    %slice3A_110 = vector.extract_strided_slice %get3A_4 {offsets = [9], sizes = [1], strides = [1]} : vector<16xi32> to vector<1xi32>
    %squeeze3A_111 = vector.extract %slice3A_110[0] : i32 from vector<1xi32>
    %dma_start3A_112 = arith.constant 9 : i32
    %dma_start3A_113 = arith.constant 0 : i32
    %dma_start3A_114 = tpu.memref_slice %arg9[%dma_start3A_112, %dma_start3A_113] : memref<128x64xf32, #tpu.memory_space<vmem>> -> memref<1x64xf32, #tpu.memory_space<vmem>>
    %dma_start3A_115 = arith.constant 0 : i32
    %dma_start3A_116 = tpu.memref_slice %arg2[%squeeze3A_111, %dma_start3A_115] : memref<1000000x64xf32, #tpu.memory_space<hbm>> -> memref<1x64xf32, #tpu.memory_space<hbm>>
    %dma_start3A_117 = arith.constant 9 : i32
    %dma_start3A_118 = arith.constant 0 : i32
    %dma_start3A_119 = tpu.memref_slice %arg9[%dma_start3A_117, %dma_start3A_118] : memref<128x64xf32, #tpu.memory_space<vmem>> -> memref<1x64xf32, #tpu.memory_space<vmem>>
    %dma_start3A_120 = arith.constant 0 : i32
    %dma_start3A_121 = tpu.memref_slice %arg2[%squeeze3A_111, %dma_start3A_120] : memref<1000000x64xf32, #tpu.memory_space<hbm>> -> memref<1x64xf32, #tpu.memory_space<hbm>>
    tpu.enqueue_dma source(%dma_start3A_121 : memref<1x64xf32, #tpu.memory_space<hbm>>) target(%dma_start3A_119 : memref<1x64xf32, #tpu.memory_space<vmem>>) target_semaphore(%arg11 : memref<!tpu.dma_semaphore, #tpu.memory_space<semaphore_mem>>)
    %slice3A_122 = vector.extract_strided_slice %get3A_4 {offsets = [10], sizes = [1], strides = [1]} : vector<16xi32> to vector<1xi32>
    %squeeze3A_123 = vector.extract %slice3A_122[0] : i32 from vector<1xi32>
    %dma_start3A_124 = arith.constant 10 : i32
    %dma_start3A_125 = arith.constant 0 : i32
    %dma_start3A_126 = tpu.memref_slice %arg9[%dma_start3A_124, %dma_start3A_125] : memref<128x64xf32, #tpu.memory_space<vmem>> -> memref<1x64xf32, #tpu.memory_space<vmem>>
    %dma_start3A_127 = arith.constant 0 : i32
    %dma_start3A_128 = tpu.memref_slice %arg2[%squeeze3A_123, %dma_start3A_127] : memref<1000000x64xf32, #tpu.memory_space<hbm>> -> memref<1x64xf32, #tpu.memory_space<hbm>>
    %dma_start3A_129 = arith.constant 10 : i32
    %dma_start3A_130 = arith.constant 0 : i32
    %dma_start3A_131 = tpu.memref_slice %arg9[%dma_start3A_129, %dma_start3A_130] : memref<128x64xf32, #tpu.memory_space<vmem>> -> memref<1x64xf32, #tpu.memory_space<vmem>>
    %dma_start3A_132 = arith.constant 0 : i32
    %dma_start3A_133 = tpu.memref_slice %arg2[%squeeze3A_123, %dma_start3A_132] : memref<1000000x64xf32, #tpu.memory_space<hbm>> -> memref<1x64xf32, #tpu.memory_space<hbm>>
    tpu.enqueue_dma source(%dma_start3A_133 : memref<1x64xf32, #tpu.memory_space<hbm>>) target(%dma_start3A_131 : memref<1x64xf32, #tpu.memory_space<vmem>>) target_semaphore(%arg11 : memref<!tpu.dma_semaphore, #tpu.memory_space<semaphore_mem>>)
    %slice3A_134 = vector.extract_strided_slice %get3A_4 {offsets = [11], sizes = [1], strides = [1]} : vector<16xi32> to vector<1xi32>
    %squeeze3A_135 = vector.extract %slice3A_134[0] : i32 from vector<1xi32>
    %dma_start3A_136 = arith.constant 11 : i32
    %dma_start3A_137 = arith.constant 0 : i32
    %dma_start3A_138 = tpu.memref_slice %arg9[%dma_start3A_136, %dma_start3A_137] : memref<128x64xf32, #tpu.memory_space<vmem>> -> memref<1x64xf32, #tpu.memory_space<vmem>>
    %dma_start3A_139 = arith.constant 0 : i32
    %dma_start3A_140 = tpu.memref_slice %arg2[%squeeze3A_135, %dma_start3A_139] : memref<1000000x64xf32, #tpu.memory_space<hbm>> -> memref<1x64xf32, #tpu.memory_space<hbm>>
    %dma_start3A_141 = arith.constant 11 : i32
    %dma_start3A_142 = arith.constant 0 : i32
    %dma_start3A_143 = tpu.memref_slice %arg9[%dma_start3A_141, %dma_start3A_142] : memref<128x64xf32, #tpu.memory_space<vmem>> -> memref<1x64xf32, #tpu.memory_space<vmem>>
    %dma_start3A_144 = arith.constant 0 : i32
    %dma_start3A_145 = tpu.memref_slice %arg2[%squeeze3A_135, %dma_start3A_144] : memref<1000000x64xf32, #tpu.memory_space<hbm>> -> memref<1x64xf32, #tpu.memory_space<hbm>>
    tpu.enqueue_dma source(%dma_start3A_145 : memref<1x64xf32, #tpu.memory_space<hbm>>) target(%dma_start3A_143 : memref<1x64xf32, #tpu.memory_space<vmem>>) target_semaphore(%arg11 : memref<!tpu.dma_semaphore, #tpu.memory_space<semaphore_mem>>)
    %slice3A_146 = vector.extract_strided_slice %get3A_4 {offsets = [12], sizes = [1], strides = [1]} : vector<16xi32> to vector<1xi32>
    %squeeze3A_147 = vector.extract %slice3A_146[0] : i32 from vector<1xi32>
    %dma_start3A_148 = arith.constant 12 : i32
    %dma_start3A_149 = arith.constant 0 : i32
    %dma_start3A_150 = tpu.memref_slice %arg9[%dma_start3A_148, %dma_start3A_149] : memref<128x64xf32, #tpu.memory_space<vmem>> -> memref<1x64xf32, #tpu.memory_space<vmem>>
    %dma_start3A_151 = arith.constant 0 : i32
    %dma_start3A_152 = tpu.memref_slice %arg2[%squeeze3A_147, %dma_start3A_151] : memref<1000000x64xf32, #tpu.memory_space<hbm>> -> memref<1x64xf32, #tpu.memory_space<hbm>>
    %dma_start3A_153 = arith.constant 12 : i32
    %dma_start3A_154 = arith.constant 0 : i32
    %dma_start3A_155 = tpu.memref_slice %arg9[%dma_start3A_153, %dma_start3A_154] : memref<128x64xf32, #tpu.memory_space<vmem>> -> memref<1x64xf32, #tpu.memory_space<vmem>>
    %dma_start3A_156 = arith.constant 0 : i32
    %dma_start3A_157 = tpu.memref_slice %arg2[%squeeze3A_147, %dma_start3A_156] : memref<1000000x64xf32, #tpu.memory_space<hbm>> -> memref<1x64xf32, #tpu.memory_space<hbm>>
    tpu.enqueue_dma source(%dma_start3A_157 : memref<1x64xf32, #tpu.memory_space<hbm>>) target(%dma_start3A_155 : memref<1x64xf32, #tpu.memory_space<vmem>>) target_semaphore(%arg11 : memref<!tpu.dma_semaphore, #tpu.memory_space<semaphore_mem>>)
    %slice3A_158 = vector.extract_strided_slice %get3A_4 {offsets = [13], sizes = [1], strides = [1]} : vector<16xi32> to vector<1xi32>
    %squeeze3A_159 = vector.extract %slice3A_158[0] : i32 from vector<1xi32>
    %dma_start3A_160 = arith.constant 13 : i32
    %dma_start3A_161 = arith.constant 0 : i32
    %dma_start3A_162 = tpu.memref_slice %arg9[%dma_start3A_160, %dma_start3A_161] : memref<128x64xf32, #tpu.memory_space<vmem>> -> memref<1x64xf32, #tpu.memory_space<vmem>>
    %dma_start3A_163 = arith.constant 0 : i32
    %dma_start3A_164 = tpu.memref_slice %arg2[%squeeze3A_159, %dma_start3A_163] : memref<1000000x64xf32, #tpu.memory_space<hbm>> -> memref<1x64xf32, #tpu.memory_space<hbm>>
    %dma_start3A_165 = arith.constant 13 : i32
    %dma_start3A_166 = arith.constant 0 : i32
    %dma_start3A_167 = tpu.memref_slice %arg9[%dma_start3A_165, %dma_start3A_166] : memref<128x64xf32, #tpu.memory_space<vmem>> -> memref<1x64xf32, #tpu.memory_space<vmem>>
    %dma_start3A_168 = arith.constant 0 : i32
    %dma_start3A_169 = tpu.memref_slice %arg2[%squeeze3A_159, %dma_start3A_168] : memref<1000000x64xf32, #tpu.memory_space<hbm>> -> memref<1x64xf32, #tpu.memory_space<hbm>>
    tpu.enqueue_dma source(%dma_start3A_169 : memref<1x64xf32, #tpu.memory_space<hbm>>) target(%dma_start3A_167 : memref<1x64xf32, #tpu.memory_space<vmem>>) target_semaphore(%arg11 : memref<!tpu.dma_semaphore, #tpu.memory_space<semaphore_mem>>)
    %slice3A_170 = vector.extract_strided_slice %get3A_4 {offsets = [14], sizes = [1], strides = [1]} : vector<16xi32> to vector<1xi32>
    %squeeze3A_171 = vector.extract %slice3A_170[0] : i32 from vector<1xi32>
    %dma_start3A_172 = arith.constant 14 : i32
    %dma_start3A_173 = arith.constant 0 : i32
    %dma_start3A_174 = tpu.memref_slice %arg9[%dma_start3A_172, %dma_start3A_173] : memref<128x64xf32, #tpu.memory_space<vmem>> -> memref<1x64xf32, #tpu.memory_space<vmem>>
    %dma_start3A_175 = arith.constant 0 : i32
    %dma_start3A_176 = tpu.memref_slice %arg2[%squeeze3A_171, %dma_start3A_175] : memref<1000000x64xf32, #tpu.memory_space<hbm>> -> memref<1x64xf32, #tpu.memory_space<hbm>>
    %dma_start3A_177 = arith.constant 14 : i32
    %dma_start3A_178 = arith.constant 0 : i32
    %dma_start3A_179 = tpu.memref_slice %arg9[%dma_start3A_177, %dma_start3A_178] : memref<128x64xf32, #tpu.memory_space<vmem>> -> memref<1x64xf32, #tpu.memory_space<vmem>>
    %dma_start3A_180 = arith.constant 0 : i32
    %dma_start3A_181 = tpu.memref_slice %arg2[%squeeze3A_171, %dma_start3A_180] : memref<1000000x64xf32, #tpu.memory_space<hbm>> -> memref<1x64xf32, #tpu.memory_space<hbm>>
    tpu.enqueue_dma source(%dma_start3A_181 : memref<1x64xf32, #tpu.memory_space<hbm>>) target(%dma_start3A_179 : memref<1x64xf32, #tpu.memory_space<vmem>>) target_semaphore(%arg11 : memref<!tpu.dma_semaphore, #tpu.memory_space<semaphore_mem>>)
    %slice3A_182 = vector.extract_strided_slice %get3A_4 {offsets = [15], sizes = [1], strides = [1]} : vector<16xi32> to vector<1xi32>
    %squeeze3A_183 = vector.extract %slice3A_182[0] : i32 from vector<1xi32>
    %dma_start3A_184 = arith.constant 15 : i32
    %dma_start3A_185 = arith.constant 0 : i32
    %dma_start3A_186 = tpu.memref_slice %arg9[%dma_start3A_184, %dma_start3A_185] : memref<128x64xf32, #tpu.memory_space<vmem>> -> memref<1x64xf32, #tpu.memory_space<vmem>>
    %dma_start3A_187 = arith.constant 0 : i32
    %dma_start3A_188 = tpu.memref_slice %arg2[%squeeze3A_183, %dma_start3A_187] : memref<1000000x64xf32, #tpu.memory_space<hbm>> -> memref<1x64xf32, #tpu.memory_space<hbm>>
    %dma_start3A_189 = arith.constant 15 : i32
    %dma_start3A_190 = arith.constant 0 : i32
    %dma_start3A_191 = tpu.memref_slice %arg9[%dma_start3A_189, %dma_start3A_190] : memref<128x64xf32, #tpu.memory_space<vmem>> -> memref<1x64xf32, #tpu.memory_space<vmem>>
    %dma_start3A_192 = arith.constant 0 : i32
    %dma_start3A_193 = tpu.memref_slice %arg2[%squeeze3A_183, %dma_start3A_192] : memref<1000000x64xf32, #tpu.memory_space<hbm>> -> memref<1x64xf32, #tpu.memory_space<hbm>>
    tpu.enqueue_dma source(%dma_start3A_193 : memref<1x64xf32, #tpu.memory_space<hbm>>) target(%dma_start3A_191 : memref<1x64xf32, #tpu.memory_space<vmem>>) target_semaphore(%arg11 : memref<!tpu.dma_semaphore, #tpu.memory_space<semaphore_mem>>)
    %get3A_194 = arith.constant 16 : index
    %get3A_195 = tpu.vector_load %arg7[%get3A_194] {strides = array<i32>} : memref<128xi32, #tpu.memory_space<vmem>>, vector<16xi32>,
    %get3A_196 = vector.shape_cast %get3A_195 : vector<16xi32> to vector<16xi32>
    %slice3A_197 = vector.extract_strided_slice %get3A_196 {offsets = [0], sizes = [1], strides = [1]} : vector<16xi32> to vector<1xi32>
    %squeeze3A_198 = vector.extract %slice3A_197[0] : i32 from vector<1xi32>
    %dma_start3A_199 = arith.constant 16 : i32
    %dma_start3A_200 = arith.constant 0 : i32
    %dma_start3A_201 = tpu.memref_slice %arg9[%dma_start3A_199, %dma_start3A_200] : memref<128x64xf32, #tpu.memory_space<vmem>> -> memref<1x64xf32, #tpu.memory_space<vmem>>
    %dma_start3A_202 = arith.constant 0 : i32
    %dma_start3A_203 = tpu.memref_slice %arg2[%squeeze3A_198, %dma_start3A_202] : memref<1000000x64xf32, #tpu.memory_space<hbm>> -> memref<1x64xf32, #tpu.memory_space<hbm>>
    %dma_start3A_204 = arith.constant 16 : i32
    %dma_start3A_205 = arith.constant 0 : i32
    %dma_start3A_206 = tpu.memref_slice %arg9[%dma_start3A_204, %dma_start3A_205] : memref<128x64xf32, #tpu.memory_space<vmem>> -> memref<1x64xf32, #tpu.memory_space<vmem>>
    %dma_start3A_207 = arith.constant 0 : i32
    %dma_start3A_208 = tpu.memref_slice %arg2[%squeeze3A_198, %dma_start3A_207] : memref<1000000x64xf32, #tpu.memory_space<hbm>> -> memref<1x64xf32, #tpu.memory_space<hbm>>
    tpu.enqueue_dma source(%dma_start3A_208 : memref<1x64xf32, #tpu.memory_space<hbm>>) target(%dma_start3A_206 : memref<1x64xf32, #tpu.memory_space<vmem>>) target_semaphore(%arg11 : memref<!tpu.dma_semaphore, #tpu.memory_space<semaphore_mem>>)
    %slice3A_209 = vector.extract_strided_slice %get3A_196 {offsets = [1], sizes = [1], strides = [1]} : vector<16xi32> to vector<1xi32>
    %squeeze3A_210 = vector.extract %slice3A_209[0] : i32 from vector<1xi32>
    %dma_start3A_211 = arith.constant 17 : i32
    %dma_start3A_212 = arith.constant 0 : i32
    %dma_start3A_213 = tpu.memref_slice %arg9[%dma_start3A_211, %dma_start3A_212] : memref<128x64xf32, #tpu.memory_space<vmem>> -> memref<1x64xf32, #tpu.memory_space<vmem>>
    %dma_start3A_214 = arith.constant 0 : i32
    %dma_start3A_215 = tpu.memref_slice %arg2[%squeeze3A_210, %dma_start3A_214] : memref<1000000x64xf32, #tpu.memory_space<hbm>> -> memref<1x64xf32, #tpu.memory_space<hbm>>
    %dma_start3A_216 = arith.constant 17 : i32
    %dma_start3A_217 = arith.constant 0 : i32
    %dma_start3A_218 = tpu.memref_slice %arg9[%dma_start3A_216, %dma_start3A_217] : memref<128x64xf32, #tpu.memory_space<vmem>> -> memref<1x64xf32, #tpu.memory_space<vmem>>
    %dma_start3A_219 = arith.constant 0 : i32
    %dma_start3A_220 = tpu.memref_slice %arg2[%squeeze3A_210, %dma_start3A_219] : memref<1000000x64xf32, #tpu.memory_space<hbm>> -> memref<1x64xf32, #tpu.memory_space<hbm>>
    tpu.enqueue_dma source(%dma_start3A_220 : memref<1x64xf32, #tpu.memory_space<hbm>>) target(%dma_start3A_218 : memref<1x64xf32, #tpu.memory_space<vmem>>) target_semaphore(%arg11 : memref<!tpu.dma_semaphore, #tpu.memory_space<semaphore_mem>>)
    %slice3A_221 = vector.extract_strided_slice %get3A_196 {offsets = [2], sizes = [1], strides = [1]} : vector<16xi32> to vector<1xi32>
    %squeeze3A_222 = vector.extract %slice3A_221[0] : i32 from vector<1xi32>
    %dma_start3A_223 = arith.constant 18 : i32
    %dma_start3A_224 = arith.constant 0 : i32
    %dma_start3A_225 = tpu.memref_slice %arg9[%dma_start3A_223, %dma_start3A_224] : memref<128x64xf32, #tpu.memory_space<vmem>> -> memref<1x64xf32, #tpu.memory_space<vmem>>
    %dma_start3A_226 = arith.constant 0 : i32
    %dma_start3A_227 = tpu.memref_slice %arg2[%squeeze3A_222, %dma_start3A_226] : memref<1000000x64xf32, #tpu.memory_space<hbm>> -> memref<1x64xf32, #tpu.memory_space<hbm>>
    %dma_start3A_228 = arith.constant 18 : i32
    %dma_start3A_229 = arith.constant 0 : i32
    %dma_start3A_230 = tpu.memref_slice %arg9[%dma_start3A_228, %dma_start3A_229] : memref<128x64xf32, #tpu.memory_space<vmem>> -> memref<1x64xf32, #tpu.memory_space<vmem>>
    %dma_start3A_231 = arith.constant 0 : i32
    %dma_start3A_232 = tpu.memref_slice %arg2[%squeeze3A_222, %dma_start3A_231] : memref<1000000x64xf32, #tpu.memory_space<hbm>> -> memref<1x64xf32, #tpu.memory_space<hbm>>
    tpu.enqueue_dma source(%dma_start3A_232 : memref<1x64xf32, #tpu.memory_space<hbm>>) target(%dma_start3A_230 : memref<1x64xf32, #tpu.memory_space<vmem>>) target_semaphore(%arg11 : memref<!tpu.dma_semaphore, #tpu.memory_space<semaphore_mem>>)
    %slice3A_233 = vector.extract_strided_slice %get3A_196 {offsets = [3], sizes = [1], strides = [1]} : vector<16xi32> to vector<1xi32>
    %squeeze3A_234 = vector.extract %slice3A_233[0] : i32 from vector<1xi32>
    %dma_start3A_235 = arith.constant 19 : i32
    %dma_start3A_236 = arith.constant 0 : i32
    %dma_start3A_237 = tpu.memref_slice %arg9[%dma_start3A_235, %dma_start3A_236] : memref<128x64xf32, #tpu.memory_space<vmem>> -> memref<1x64xf32, #tpu.memory_space<vmem>>
    %dma_start3A_238 = arith.constant 0 : i32
    %dma_start3A_239 = tpu.memref_slice %arg2[%squeeze3A_234, %dma_start3A_238] : memref<1000000x64xf32, #tpu.memory_space<hbm>> -> memref<1x64xf32, #tpu.memory_space<hbm>>
    %dma_start3A_240 = arith.constant 19 : i32
    %dma_start3A_241 = arith.constant 0 : i32
    %dma_start3A_242 = tpu.memref_slice %arg9[%dma_start3A_240, %dma_start3A_241] : memref<128x64xf32, #tpu.memory_space<vmem>> -> memref<1x64xf32, #tpu.memory_space<vmem>>
    %dma_start3A_243 = arith.constant 0 : i32
    %dma_start3A_244 = tpu.memref_slice %arg2[%squeeze3A_234, %dma_start3A_243] : memref<1000000x64xf32, #tpu.memory_space<hbm>> -> memref<1x64xf32, #tpu.memory_space<hbm>>
    tpu.enqueue_dma source(%dma_start3A_244 : memref<1x64xf32, #tpu.memory_space<hbm>>) target(%dma_start3A_242 : memref<1x64xf32, #tpu.memory_space<vmem>>) target_semaphore(%arg11 : memref<!tpu.dma_semaphore, #tpu.memory_space<semaphore_mem>>)
    %slice3A_245 = vector.extract_strided_slice %get3A_196 {offsets = [4], sizes = [1], strides = [1]} : vector<16xi32> to vector<1xi32>
    %squeeze3A_246 = vector.extract %slice3A_245[0] : i32 from vector<1xi32>
    %dma_start3A_247 = arith.constant 20 : i32
    %dma_start3A_248 = arith.constant 0 : i32
    %dma_start3A_249 = tpu.memref_slice %arg9[%dma_start3A_247, %dma_start3A_248] : memref<128x64xf32, #tpu.memory_space<vmem>> -> memref<1x64xf32, #tpu.memory_space<vmem>>
    %dma_start3A_250 = arith.constant 0 : i32
    %dma_start3A_251 = tpu.memref_slice %arg2[%squeeze3A_246, %dma_start3A_250] : memref<1000000x64xf32, #tpu.memory_space<hbm>> -> memref<1x64xf32, #tpu.memory_space<hbm>>
    %dma_start3A_252 = arith.constant 20 : i32
    %dma_start3A_253 = arith.constant 0 : i32
    %dma_start3A_254 = tpu.memref_slice %arg9[%dma_start3A_252, %dma_start3A_253] : memref<128x64xf32, #tpu.memory_space<vmem>> -> memref<1x64xf32, #tpu.memory_space<vmem>>
    %dma_start3A_255 = arith.constant 0 : i32
    %dma_start3A_256 = tpu.memref_slice %arg2[%squeeze3A_246, %dma_start3A_255] : memref<1000000x64xf32, #tpu.memory_space<hbm>> -> memref<1x64xf32, #tpu.memory_space<hbm>>
    tpu.enqueue_dma source(%dma_start3A_256 : memref<1x64xf32, #tpu.memory_space<hbm>>) target(%dma_start3A_254 : memref<1x64xf32, #tpu.memory_space<vmem>>) target_semaphore(%arg11 : memref<!tpu.dma_semaphore, #tpu.memory_space<semaphore_mem>>)
    %slice3A_257 = vector.extract_strided_slice %get3A_196 {offsets = [5], sizes = [1], strides = [1]} : vector<16xi32> to vector<1xi32>
    %squeeze3A_258 = vector.extract %slice3A_257[0] : i32 from vector<1xi32>
    %dma_start3A_259 = arith.constant 21 : i32
    %dma_start3A_260 = arith.constant 0 : i32
    %dma_start3A_261 = tpu.memref_slice %arg9[%dma_start3A_259, %dma_start3A_260] : memref<128x64xf32, #tpu.memory_space<vmem>> -> memref<1x64xf32, #tpu.memory_space<vmem>>
    %dma_start3A_262 = arith.constant 0 : i32
    %dma_start3A_263 = tpu.memref_slice %arg2[%squeeze3A_258, %dma_start3A_262] : memref<1000000x64xf32, #tpu.memory_space<hbm>> -> memref<1x64xf32, #tpu.memory_space<hbm>>
    %dma_start3A_264 = arith.constant 21 : i32
    %dma_start3A_265 = arith.constant 0 : i32
    %dma_start3A_266 = tpu.memref_slice %arg9[%dma_start3A_264, %dma_start3A_265] : memref<128x64xf32, #tpu.memory_space<vmem>> -> memref<1x64xf32, #tpu.memory_space<vmem>>
    %dma_start3A_267 = arith.constant 0 : i32
    %dma_start3A_268 = tpu.memref_slice %arg2[%squeeze3A_258, %dma_start3A_267] : memref<1000000x64xf32, #tpu.memory_space<hbm>> -> memref<1x64xf32, #tpu.memory_space<hbm>>
    tpu.enqueue_dma source(%dma_start3A_268 : memref<1x64xf32, #tpu.memory_space<hbm>>) target(%dma_start3A_266 : memref<1x64xf32, #tpu.memory_space<vmem>>) target_semaphore(%arg11 : memref<!tpu.dma_semaphore, #tpu.memory_space<semaphore_mem>>)
    %slice3A_269 = vector.extract_strided_slice %get3A_196 {offsets = [6], sizes = [1], strides = [1]} : vector<16xi32> to vector<1xi32>
    %squeeze3A_270 = vector.extract %slice3A_269[0] : i32 from vector<1xi32>
    %dma_start3A_271 = arith.constant 22 : i32
    %dma_start3A_272 = arith.constant 0 : i32
    %dma_start3A_273 = tpu.memref_slice %arg9[%dma_start3A_271, %dma_start3A_272] : memref<128x64xf32, #tpu.memory_space<vmem>> -> memref<1x64xf32, #tpu.memory_space<vmem>>
    %dma_start3A_274 = arith.constant 0 : i32
    %dma_start3A_275 = tpu.memref_slice %arg2[%squeeze3A_270, %dma_start3A_274] : memref<1000000x64xf32, #tpu.memory_space<hbm>> -> memref<1x64xf32, #tpu.memory_space<hbm>>
    %dma_start3A_276 = arith.constant 22 : i32
    %dma_start3A_277 = arith.constant 0 : i32
    %dma_start3A_278 = tpu.memref_slice %arg9[%dma_start3A_276, %dma_start3A_277] : memref<128x64xf32, #tpu.memory_space<vmem>> -> memref<1x64xf32, #tpu.memory_space<vmem>>
    %dma_start3A_279 = arith.constant 0 : i32
    %dma_start3A_280 = tpu.memref_slice %arg2[%squeeze3A_270, %dma_start3A_279] : memref<1000000x64xf32, #tpu.memory_space<hbm>> -> memref<1x64xf32, #tpu.memory_space<hbm>>
    tpu.enqueue_dma source(%dma_start3A_280 : memref<1x64xf32, #tpu.memory_space<hbm>>) target(%dma_start3A_278 : memref<1x64xf32, #tpu.memory_space<vmem>>) target_semaphore(%arg11 : memref<!tpu.dma_semaphore, #tpu.memory_space<semaphore_mem>>)
    %slice3A_281 = vector.extract_strided_slice %get3A_196 {offsets = [7], sizes = [1], strides = [1]} : vector<16xi32> to vector<1xi32>
    %squeeze3A_282 = vector.extract %slice3A_281[0] : i32 from vector<1xi32>
    %dma_start3A_283 = arith.constant 23 : i32
    %dma_start3A_284 = arith.constant 0 : i32
    %dma_start3A_285 = tpu.memref_slice %arg9[%dma_start3A_283, %dma_start3A_284] : memref<128x64xf32, #tpu.memory_space<vmem>> -> memref<1x64xf32, #tpu.memory_space<vmem>>
    %dma_start3A_286 = arith.constant 0 : i32
    %dma_start3A_287 = tpu.memref_slice %arg2[%squeeze3A_282, %dma_start3A_286] : memref<1000000x64xf32, #tpu.memory_space<hbm>> -> memref<1x64xf32, #tpu.memory_space<hbm>>
    %dma_start3A_288 = arith.constant 23 : i32
    %dma_start3A_289 = arith.constant 0 : i32
    %dma_start3A_290 = tpu.memref_slice %arg9[%dma_start3A_288, %dma_start3A_289] : memref<128x64xf32, #tpu.memory_space<vmem>> -> memref<1x64xf32, #tpu.memory_space<vmem>>
    %dma_start3A_291 = arith.constant 0 : i32
    %dma_start3A_292 = tpu.memref_slice %arg2[%squeeze3A_282, %dma_start3A_291] : memref<1000000x64xf32, #tpu.memory_space<hbm>> -> memref<1x64xf32, #tpu.memory_space<hbm>>
    tpu.enqueue_dma source(%dma_start3A_292 : memref<1x64xf32, #tpu.memory_space<hbm>>) target(%dma_start3A_290 : memref<1x64xf32, #tpu.memory_space<vmem>>) target_semaphore(%arg11 : memref<!tpu.dma_semaphore, #tpu.memory_space<semaphore_mem>>)
    %slice3A_293 = vector.extract_strided_slice %get3A_196 {offsets = [8], sizes = [1], strides = [1]} : vector<16xi32> to vector<1xi32>
    %squeeze3A_294 = vector.extract %slice3A_293[0] : i32 from vector<1xi32>
    %dma_start3A_295 = arith.constant 24 : i32
    %dma_start3A_296 = arith.constant 0 : i32
    %dma_start3A_297 = tpu.memref_slice %arg9[%dma_start3A_295, %dma_start3A_296] : memref<128x64xf32, #tpu.memory_space<vmem>> -> memref<1x64xf32, #tpu.memory_space<vmem>>
    %dma_start3A_298 = arith.constant 0 : i32
    %dma_start3A_299 = tpu.memref_slice %arg2[%squeeze3A_294, %dma_start3A_298] : memref<1000000x64xf32, #tpu.memory_space<hbm>> -> memref<1x64xf32, #tpu.memory_space<hbm>>
    %dma_start3A_300 = arith.constant 24 : i32
    %dma_start3A_301 = arith.constant 0 : i32
    %dma_start3A_302 = tpu.memref_slice %arg9[%dma_start3A_300, %dma_start3A_301] : memref<128x64xf32, #tpu.memory_space<vmem>> -> memref<1x64xf32, #tpu.memory_space<vmem>>
    %dma_start3A_303 = arith.constant 0 : i32
    %dma_start3A_304 = tpu.memref_slice %arg2[%squeeze3A_294, %dma_start3A_303] : memref<1000000x64xf32, #tpu.memory_space<hbm>> -> memref<1x64xf32, #tpu.memory_space<hbm>>
    tpu.enqueue_dma source(%dma_start3A_304 : memref<1x64xf32, #tpu.memory_space<hbm>>) target(%dma_start3A_302 : memref<1x64xf32, #tpu.memory_space<vmem>>) target_semaphore(%arg11 : memref<!tpu.dma_semaphore, #tpu.memory_space<semaphore_mem>>)
    %slice3A_305 = vector.extract_strided_slice %get3A_196 {offsets = [9], sizes = [1], strides = [1]} : vector<16xi32> to vector<1xi32>
    %squeeze3A_306 = vector.extract %slice3A_305[0] : i32 from vector<1xi32>
    %dma_start3A_307 = arith.constant 25 : i32
    %dma_start3A_308 = arith.constant 0 : i32
    %dma_start3A_309 = tpu.memref_slice %arg9[%dma_start3A_307, %dma_start3A_308] : memref<128x64xf32, #tpu.memory_space<vmem>> -> memref<1x64xf32, #tpu.memory_space<vmem>>
    %dma_start3A_310 = arith.constant 0 : i32
    %dma_start3A_311 = tpu.memref_slice %arg2[%squeeze3A_306, %dma_start3A_310] : memref<1000000x64xf32, #tpu.memory_space<hbm>> -> memref<1x64xf32, #tpu.memory_space<hbm>>
    %dma_start3A_312 = arith.constant 25 : i32
    %dma_start3A_313 = arith.constant 0 : i32
    %dma_start3A_314 = tpu.memref_slice %arg9[%dma_start3A_312, %dma_start3A_313] : memref<128x64xf32, #tpu.memory_space<vmem>> -> memref<1x64xf32, #tpu.memory_space<vmem>>
    %dma_start3A_315 = arith.constant 0 : i32
    %dma_start3A_316 = tpu.memref_slice %arg2[%squeeze3A_306, %dma_start3A_315] : memref<1000000x64xf32, #tpu.memory_space<hbm>> -> memref<1x64xf32, #tpu.memory_space<hbm>>
    tpu.enqueue_dma source(%dma_start3A_316 : memref<1x64xf32, #tpu.memory_space<hbm>>) target(%dma_start3A_314 : memref<1x64xf32, #tpu.memory_space<vmem>>) target_semaphore(%arg11 : memref<!tpu.dma_semaphore, #tpu.memory_space<semaphore_mem>>)
    %slice3A_317 = vector.extract_strided_slice %get3A_196 {offsets = [10], sizes = [1], strides = [1]} : vector<16xi32> to vector<1xi32>
    %squeeze3A_318 = vector.extract %slice3A_317[0] : i32 from vector<1xi32>
    %dma_start3A_319 = arith.constant 26 : i32
    %dma_start3A_320 = arith.constant 0 : i32
    %dma_start3A_321 = tpu.memref_slice %arg9[%dma_start3A_319, %dma_start3A_320] : memref<128x64xf32, #tpu.memory_space<vmem>> -> memref<1x64xf32, #tpu.memory_space<vmem>>
    %dma_start3A_322 = arith.constant 0 : i32
    %dma_start3A_323 = tpu.memref_slice %arg2[%squeeze3A_318, %dma_start3A_322] : memref<1000000x64xf32, #tpu.memory_space<hbm>> -> memref<1x64xf32, #tpu.memory_space<hbm>>
    %dma_start3A_324 = arith.constant 26 : i32
    %dma_start3A_325 = arith.constant 0 : i32
    %dma_start3A_326 = tpu.memref_slice %arg9[%dma_start3A_324, %dma_start3A_325] : memref<128x64xf32, #tpu.memory_space<vmem>> -> memref<1x64xf32, #tpu.memory_space<vmem>>
    %dma_start3A_327 = arith.constant 0 : i32
    %dma_start3A_328 = tpu.memref_slice %arg2[%squeeze3A_318, %dma_start3A_327] : memref<1000000x64xf32, #tpu.memory_space<hbm>> -> memref<1x64xf32, #tpu.memory_space<hbm>>
    tpu.enqueue_dma source(%dma_start3A_328 : memref<1x64xf32, #tpu.memory_space<hbm>>) target(%dma_start3A_326 : memref<1x64xf32, #tpu.memory_space<vmem>>) target_semaphore(%arg11 : memref<!tpu.dma_semaphore, #tpu.memory_space<semaphore_mem>>)
    %slice3A_329 = vector.extract_strided_slice %get3A_196 {offsets = [11], sizes = [1], strides = [1]} : vector<16xi32> to vector<1xi32>
    %squeeze3A_330 = vector.extract %slice3A_329[0] : i32 from vector<1xi32>
    %dma_start3A_331 = arith.constant 27 : i32
    %dma_start3A_332 = arith.constant 0 : i32
    %dma_start3A_333 = tpu.memref_slice %arg9[%dma_start3A_331, %dma_start3A_332] : memref<128x64xf32, #tpu.memory_space<vmem>> -> memref<1x64xf32, #tpu.memory_space<vmem>>
    %dma_start3A_334 = arith.constant 0 : i32
    %dma_start3A_335 = tpu.memref_slice %arg2[%squeeze3A_330, %dma_start3A_334] : memref<1000000x64xf32, #tpu.memory_space<hbm>> -> memref<1x64xf32, #tpu.memory_space<hbm>>
    %dma_start3A_336 = arith.constant 27 : i32
    %dma_start3A_337 = arith.constant 0 : i32
    %dma_start3A_338 = tpu.memref_slice %arg9[%dma_start3A_336, %dma_start3A_337] : memref<128x64xf32, #tpu.memory_space<vmem>> -> memref<1x64xf32, #tpu.memory_space<vmem>>
    %dma_start3A_339 = arith.constant 0 : i32
    %dma_start3A_340 = tpu.memref_slice %arg2[%squeeze3A_330, %dma_start3A_339] : memref<1000000x64xf32, #tpu.memory_space<hbm>> -> memref<1x64xf32, #tpu.memory_space<hbm>>
    tpu.enqueue_dma source(%dma_start3A_340 : memref<1x64xf32, #tpu.memory_space<hbm>>) target(%dma_start3A_338 : memref<1x64xf32, #tpu.memory_space<vmem>>) target_semaphore(%arg11 : memref<!tpu.dma_semaphore, #tpu.memory_space<semaphore_mem>>)
    %slice3A_341 = vector.extract_strided_slice %get3A_196 {offsets = [12], sizes = [1], strides = [1]} : vector<16xi32> to vector<1xi32>
    %squeeze3A_342 = vector.extract %slice3A_341[0] : i32 from vector<1xi32>
    %dma_start3A_343 = arith.constant 28 : i32
    %dma_start3A_344 = arith.constant 0 : i32
    %dma_start3A_345 = tpu.memref_slice %arg9[%dma_start3A_343, %dma_start3A_344] : memref<128x64xf32, #tpu.memory_space<vmem>> -> memref<1x64xf32, #tpu.memory_space<vmem>>
    %dma_start3A_346 = arith.constant 0 : i32
    %dma_start3A_347 = tpu.memref_slice %arg2[%squeeze3A_342, %dma_start3A_346] : memref<1000000x64xf32, #tpu.memory_space<hbm>> -> memref<1x64xf32, #tpu.memory_space<hbm>>
    %dma_start3A_348 = arith.constant 28 : i32
    %dma_start3A_349 = arith.constant 0 : i32
    %dma_start3A_350 = tpu.memref_slice %arg9[%dma_start3A_348, %dma_start3A_349] : memref<128x64xf32, #tpu.memory_space<vmem>> -> memref<1x64xf32, #tpu.memory_space<vmem>>
    %dma_start3A_351 = arith.constant 0 : i32
    %dma_start3A_352 = tpu.memref_slice %arg2[%squeeze3A_342, %dma_start3A_351] : memref<1000000x64xf32, #tpu.memory_space<hbm>> -> memref<1x64xf32, #tpu.memory_space<hbm>>
    tpu.enqueue_dma source(%dma_start3A_352 : memref<1x64xf32, #tpu.memory_space<hbm>>) target(%dma_start3A_350 : memref<1x64xf32, #tpu.memory_space<vmem>>) target_semaphore(%arg11 : memref<!tpu.dma_semaphore, #tpu.memory_space<semaphore_mem>>)
    %slice3A_353 = vector.extract_strided_slice %get3A_196 {offsets = [13], sizes = [1], strides = [1]} : vector<16xi32> to vector<1xi32>
    %squeeze3A_354 = vector.extract %slice3A_353[0] : i32 from vector<1xi32>
    %dma_start3A_355 = arith.constant 29 : i32
    %dma_start3A_356 = arith.constant 0 : i32
    %dma_start3A_357 = tpu.memref_slice %arg9[%dma_start3A_355, %dma_start3A_356] : memref<128x64xf32, #tpu.memory_space<vmem>> -> memref<1x64xf32, #tpu.memory_space<vmem>>
    %dma_start3A_358 = arith.constant 0 : i32
    %dma_start3A_359 = tpu.memref_slice %arg2[%squeeze3A_354, %dma_start3A_358] : memref<1000000x64xf32, #tpu.memory_space<hbm>> -> memref<1x64xf32, #tpu.memory_space<hbm>>
    %dma_start3A_360 = arith.constant 29 : i32
    %dma_start3A_361 = arith.constant 0 : i32
    %dma_start3A_362 = tpu.memref_slice %arg9[%dma_start3A_360, %dma_start3A_361] : memref<128x64xf32, #tpu.memory_space<vmem>> -> memref<1x64xf32, #tpu.memory_space<vmem>>
    %dma_start3A_363 = arith.constant 0 : i32
    %dma_start3A_364 = tpu.memref_slice %arg2[%squeeze3A_354, %dma_start3A_363] : memref<1000000x64xf32, #tpu.memory_space<hbm>> -> memref<1x64xf32, #tpu.memory_space<hbm>>
    tpu.enqueue_dma source(%dma_start3A_364 : memref<1x64xf32, #tpu.memory_space<hbm>>) target(%dma_start3A_362 : memref<1x64xf32, #tpu.memory_space<vmem>>) target_semaphore(%arg11 : memref<!tpu.dma_semaphore, #tpu.memory_space<semaphore_mem>>)
    %slice3A_365 = vector.extract_strided_slice %get3A_196 {offsets = [14], sizes = [1], strides = [1]} : vector<16xi32> to vector<1xi32>
    %squeeze3A_366 = vector.extract %slice3A_365[0] : i32 from vector<1xi32>
    %dma_start3A_367 = arith.constant 30 : i32
    %dma_start3A_368 = arith.constant 0 : i32
    %dma_start3A_369 = tpu.memref_slice %arg9[%dma_start3A_367, %dma_start3A_368] : memref<128x64xf32, #tpu.memory_space<vmem>> -> memref<1x64xf32, #tpu.memory_space<vmem>>
    %dma_start3A_370 = arith.constant 0 : i32
    %dma_start3A_371 = tpu.memref_slice %arg2[%squeeze3A_366, %dma_start3A_370] : memref<1000000x64xf32, #tpu.memory_space<hbm>> -> memref<1x64xf32, #tpu.memory_space<hbm>>
    %dma_start3A_372 = arith.constant 30 : i32
    %dma_start3A_373 = arith.constant 0 : i32
    %dma_start3A_374 = tpu.memref_slice %arg9[%dma_start3A_372, %dma_start3A_373] : memref<128x64xf32, #tpu.memory_space<vmem>> -> memref<1x64xf32, #tpu.memory_space<vmem>>
    %dma_start3A_375 = arith.constant 0 : i32
    %dma_start3A_376 = tpu.memref_slice %arg2[%squeeze3A_366, %dma_start3A_375] : memref<1000000x64xf32, #tpu.memory_space<hbm>> -> memref<1x64xf32, #tpu.memory_space<hbm>>
    tpu.enqueue_dma source(%dma_start3A_376 : memref<1x64xf32, #tpu.memory_space<hbm>>) target(%dma_start3A_374 : memref<1x64xf32, #tpu.memory_space<vmem>>) target_semaphore(%arg11 : memref<!tpu.dma_semaphore, #tpu.memory_space<semaphore_mem>>)
    %slice3A_377 = vector.extract_strided_slice %get3A_196 {offsets = [15], sizes = [1], strides = [1]} : vector<16xi32> to vector<1xi32>
    %squeeze3A_378 = vector.extract %slice3A_377[0] : i32 from vector<1xi32>
    %dma_start3A_379 = arith.constant 31 : i32
    %dma_start3A_380 = arith.constant 0 : i32
    %dma_start3A_381 = tpu.memref_slice %arg9[%dma_start3A_379, %dma_start3A_380] : memref<128x64xf32, #tpu.memory_space<vmem>> -> memref<1x64xf32, #tpu.memory_space<vmem>>
    %dma_start3A_382 = arith.constant 0 : i32
    %dma_start3A_383 = tpu.memref_slice %arg2[%squeeze3A_378, %dma_start3A_382] : memref<1000000x64xf32, #tpu.memory_space<hbm>> -> memref<1x64xf32, #tpu.memory_space<hbm>>
    %dma_start3A_384 = arith.constant 31 : i32
    %dma_start3A_385 = arith.constant 0 : i32
    %dma_start3A_386 = tpu.memref_slice %arg9[%dma_start3A_384, %dma_start3A_385] : memref<128x64xf32, #tpu.memory_space<vmem>> -> memref<1x64xf32, #tpu.memory_space<vmem>>
    %dma_start3A_387 = arith.constant 0 : i32
    %dma_start3A_388 = tpu.memref_slice %arg2[%squeeze3A_378, %dma_start3A_387] : memref<1000000x64xf32, #tpu.memory_space<hbm>> -> memref<1x64xf32, #tpu.memory_space<hbm>>
    tpu.enqueue_dma source(%dma_start3A_388 : memref<1x64xf32, #tpu.memory_space<hbm>>) target(%dma_start3A_386 : memref<1x64xf32, #tpu.memory_space<vmem>>) target_semaphore(%arg11 : memref<!tpu.dma_semaphore, #tpu.memory_space<semaphore_mem>>)
    %get3A_389 = arith.constant 32 : index
    %get3A_390 = tpu.vector_load %arg7[%get3A_389] {strides = array<i32>} : memref<128xi32, #tpu.memory_space<vmem>>, vector<16xi32>,
    %get3A_391 = vector.shape_cast %get3A_390 : vector<16xi32> to vector<16xi32>
    %slice3A_392 = vector.extract_strided_slice %get3A_391 {offsets = [0], sizes = [1], strides = [1]} : vector<16xi32> to vector<1xi32>
    %squeeze3A_393 = vector.extract %slice3A_392[0] : i32 from vector<1xi32>
    %dma_start3A_394 = arith.constant 32 : i32
    %dma_start3A_395 = arith.constant 0 : i32
    %dma_start3A_396 = tpu.memref_slice %arg9[%dma_start3A_394, %dma_start3A_395] : memref<128x64xf32, #tpu.memory_space<vmem>> -> memref<1x64xf32, #tpu.memory_space<vmem>>
    %dma_start3A_397 = arith.constant 0 : i32
    %dma_start3A_398 = tpu.memref_slice %arg2[%squeeze3A_393, %dma_start3A_397] : memref<1000000x64xf32, #tpu.memory_space<hbm>> -> memref<1x64xf32, #tpu.memory_space<hbm>>
    %dma_start3A_399 = arith.constant 32 : i32
    %dma_start3A_400 = arith.constant 0 : i32
    %dma_start3A_401 = tpu.memref_slice %arg9[%dma_start3A_399, %dma_start3A_400] : memref<128x64xf32, #tpu.memory_space<vmem>> -> memref<1x64xf32, #tpu.memory_space<vmem>>
    %dma_start3A_402 = arith.constant 0 : i32
    %dma_start3A_403 = tpu.memref_slice %arg2[%squeeze3A_393, %dma_start3A_402] : memref<1000000x64xf32, #tpu.memory_space<hbm>> -> memref<1x64xf32, #tpu.memory_space<hbm>>
    tpu.enqueue_dma source(%dma_start3A_403 : memref<1x64xf32, #tpu.memory_space<hbm>>) target(%dma_start3A_401 : memref<1x64xf32, #tpu.memory_space<vmem>>) target_semaphore(%arg11 : memref<!tpu.dma_semaphore, #tpu.memory_space<semaphore_mem>>)
    %slice3A_404 = vector.extract_strided_slice %get3A_391 {offsets = [1], sizes = [1], strides = [1]} : vector<16xi32> to vector<1xi32>
    %squeeze3A_405 = vector.extract %slice3A_404[0] : i32 from vector<1xi32>
    %dma_start3A_406 = arith.constant 33 : i32
    %dma_start3A_407 = arith.constant 0 : i32
    %dma_start3A_408 = tpu.memref_slice %arg9[%dma_start3A_406, %dma_start3A_407] : memref<128x64xf32, #tpu.memory_space<vmem>> -> memref<1x64xf32, #tpu.memory_space<vmem>>
    %dma_start3A_409 = arith.constant 0 : i32
    %dma_start3A_410 = tpu.memref_slice %arg2[%squeeze3A_405, %dma_start3A_409] : memref<1000000x64xf32, #tpu.memory_space<hbm>> -> memref<1x64xf32, #tpu.memory_space<hbm>>
    %dma_start3A_411 = arith.constant 33 : i32
    %dma_start3A_412 = arith.constant 0 : i32
    %dma_start3A_413 = tpu.memref_slice %arg9[%dma_start3A_411, %dma_start3A_412] : memref<128x64xf32, #tpu.memory_space<vmem>> -> memref<1x64xf32, #tpu.memory_space<vmem>>
    %dma_start3A_414 = arith.constant 0 : i32
    %dma_start3A_415 = tpu.memref_slice %arg2[%squeeze3A_405, %dma_start3A_414] : memref<1000000x64xf32, #tpu.memory_space<hbm>> -> memref<1x64xf32, #tpu.memory_space<hbm>>
    tpu.enqueue_dma source(%dma_start3A_415 : memref<1x64xf32, #tpu.memory_space<hbm>>) target(%dma_start3A_413 : memref<1x64xf32, #tpu.memory_space<vmem>>) target_semaphore(%arg11 : memref<!tpu.dma_semaphore, #tpu.memory_space<semaphore_mem>>)
    %slice3A_416 = vector.extract_strided_slice %get3A_391 {offsets = [2], sizes = [1], strides = [1]} : vector<16xi32> to vector<1xi32>
    %squeeze3A_417 = vector.extract %slice3A_416[0] : i32 from vector<1xi32>
    %dma_start3A_418 = arith.constant 34 : i32
    %dma_start3A_419 = arith.constant 0 : i32
    %dma_start3A_420 = tpu.memref_slice %arg9[%dma_start3A_418, %dma_start3A_419] : memref<128x64xf32, #tpu.memory_space<vmem>> -> memref<1x64xf32, #tpu.memory_space<vmem>>
    %dma_start3A_421 = arith.constant 0 : i32
    %dma_start3A_422 = tpu.memref_slice %arg2[%squeeze3A_417, %dma_start3A_421] : memref<1000000x64xf32, #tpu.memory_space<hbm>> -> memref<1x64xf32, #tpu.memory_space<hbm>>
    %dma_start3A_423 = arith.constant 34 : i32
    %dma_start3A_424 = arith.constant 0 : i32
    %dma_start3A_425 = tpu.memref_slice %arg9[%dma_start3A_423, %dma_start3A_424] : memref<128x64xf32, #tpu.memory_space<vmem>> -> memref<1x64xf32, #tpu.memory_space<vmem>>
    %dma_start3A_426 = arith.constant 0 : i32
    %dma_start3A_427 = tpu.memref_slice %arg2[%squeeze3A_417, %dma_start3A_426] : memref<1000000x64xf32, #tpu.memory_space<hbm>> -> memref<1x64xf32, #tpu.memory_space<hbm>>
    tpu.enqueue_dma source(%dma_start3A_427 : memref<1x64xf32, #tpu.memory_space<hbm>>) target(%dma_start3A_425 : memref<1x64xf32, #tpu.memory_space<vmem>>) target_semaphore(%arg11 : memref<!tpu.dma_semaphore, #tpu.memory_space<semaphore_mem>>)
    %slice3A_428 = vector.extract_strided_slice %get3A_391 {offsets = [3], sizes = [1], strides = [1]} : vector<16xi32> to vector<1xi32>
    %squeeze3A_429 = vector.extract %slice3A_428[0] : i32 from vector<1xi32>
    %dma_start3A_430 = arith.constant 35 : i32
    %dma_start3A_431 = arith.constant 0 : i32
    %dma_start3A_432 = tpu.memref_slice %arg9[%dma_start3A_430, %dma_start3A_431] : memref<128x64xf32, #tpu.memory_space<vmem>> -> memref<1x64xf32, #tpu.memory_space<vmem>>
    %dma_start3A_433 = arith.constant 0 : i32
    %dma_start3A_434 = tpu.memref_slice %arg2[%squeeze3A_429, %dma_start3A_433] : memref<1000000x64xf32, #tpu.memory_space<hbm>> -> memref<1x64xf32, #tpu.memory_space<hbm>>
    %dma_start3A_435 = arith.constant 35 : i32
    %dma_start3A_436 = arith.constant 0 : i32
    %dma_start3A_437 = tpu.memref_slice %arg9[%dma_start3A_435, %dma_start3A_436] : memref<128x64xf32, #tpu.memory_space<vmem>> -> memref<1x64xf32, #tpu.memory_space<vmem>>
    %dma_start3A_438 = arith.constant 0 : i32
    %dma_start3A_439 = tpu.memref_slice %arg2[%squeeze3A_429, %dma_start3A_438] : memref<1000000x64xf32, #tpu.memory_space<hbm>> -> memref<1x64xf32, #tpu.memory_space<hbm>>
    tpu.enqueue_dma source(%dma_start3A_439 : memref<1x64xf32, #tpu.memory_space<hbm>>) target(%dma_start3A_437 : memref<1x64xf32, #tpu.memory_space<vmem>>) target_semaphore(%arg11 : memref<!tpu.dma_semaphore, #tpu.memory_space<semaphore_mem>>)
    %slice3A_440 = vector.extract_strided_slice %get3A_391 {offsets = [4], sizes = [1], strides = [1]} : vector<16xi32> to vector<1xi32>
    %squeeze3A_441 = vector.extract %slice3A_440[0] : i32 from vector<1xi32>
    %dma_start3A_442 = arith.constant 36 : i32
    %dma_start3A_443 = arith.constant 0 : i32
    %dma_start3A_444 = tpu.memref_slice %arg9[%dma_start3A_442, %dma_start3A_443] : memref<128x64xf32, #tpu.memory_space<vmem>> -> memref<1x64xf32, #tpu.memory_space<vmem>>
    %dma_start3A_445 = arith.constant 0 : i32
    %dma_start3A_446 = tpu.memref_slice %arg2[%squeeze3A_441, %dma_start3A_445] : memref<1000000x64xf32, #tpu.memory_space<hbm>> -> memref<1x64xf32, #tpu.memory_space<hbm>>
    %dma_start3A_447 = arith.constant 36 : i32
    %dma_start3A_448 = arith.constant 0 : i32
    %dma_start3A_449 = tpu.memref_slice %arg9[%dma_start3A_447, %dma_start3A_448] : memref<128x64xf32, #tpu.memory_space<vmem>> -> memref<1x64xf32, #tpu.memory_space<vmem>>
    %dma_start3A_450 = arith.constant 0 : i32
    %dma_start3A_451 = tpu.memref_slice %arg2[%squeeze3A_441, %dma_start3A_450] : memref<1000000x64xf32, #tpu.memory_space<hbm>> -> memref<1x64xf32, #tpu.memory_space<hbm>>
    tpu.enqueue_dma source(%dma_start3A_451 : memref<1x64xf32, #tpu.memory_space<hbm>>) target(%dma_start3A_449 : memref<1x64xf32, #tpu.memory_space<vmem>>) target_semaphore(%arg11 : memref<!tpu.dma_semaphore, #tpu.memory_space<semaphore_mem>>)
    %slice3A_452 = vector.extract_strided_slice %get3A_391 {offsets = [5], sizes = [1], strides = [1]} : vector<16xi32> to vector<1xi32>
    %squeeze3A_453 = vector.extract %slice3A_452[0] : i32 from vector<1xi32>
    %dma_start3A_454 = arith.constant 37 : i32
    %dma_start3A_455 = arith.constant 0 : i32
    %dma_start3A_456 = tpu.memref_slice %arg9[%dma_start3A_454, %dma_start3A_455] : memref<128x64xf32, #tpu.memory_space<vmem>> -> memref<1x64xf32, #tpu.memory_space<vmem>>
    %dma_start3A_457 = arith.constant 0 : i32
    %dma_start3A_458 = tpu.memref_slice %arg2[%squeeze3A_453, %dma_start3A_457] : memref<1000000x64xf32, #tpu.memory_space<hbm>> -> memref<1x64xf32, #tpu.memory_space<hbm>>
    %dma_start3A_459 = arith.constant 37 : i32
    %dma_start3A_460 = arith.constant 0 : i32
    %dma_start3A_461 = tpu.memref_slice %arg9[%dma_start3A_459, %dma_start3A_460] : memref<128x64xf32, #tpu.memory_space<vmem>> -> memref<1x64xf32, #tpu.memory_space<vmem>>
    %dma_start3A_462 = arith.constant 0 : i32
    %dma_start3A_463 = tpu.memref_slice %arg2[%squeeze3A_453, %dma_start3A_462] : memref<1000000x64xf32, #tpu.memory_space<hbm>> -> memref<1x64xf32, #tpu.memory_space<hbm>>
    tpu.enqueue_dma source(%dma_start3A_463 : memref<1x64xf32, #tpu.memory_space<hbm>>) target(%dma_start3A_461 : memref<1x64xf32, #tpu.memory_space<vmem>>) target_semaphore(%arg11 : memref<!tpu.dma_semaphore, #tpu.memory_space<semaphore_mem>>)
    %slice3A_464 = vector.extract_strided_slice %get3A_391 {offsets = [6], sizes = [1], strides = [1]} : vector<16xi32> to vector<1xi32>
    %squeeze3A_465 = vector.extract %slice3A_464[0] : i32 from vector<1xi32>
    %dma_start3A_466 = arith.constant 38 : i32
    %dma_start3A_467 = arith.constant 0 : i32
    %dma_start3A_468 = tpu.memref_slice %arg9[%dma_start3A_466, %dma_start3A_467] : memref<128x64xf32, #tpu.memory_space<vmem>> -> memref<1x64xf32, #tpu.memory_space<vmem>>
    %dma_start3A_469 = arith.constant 0 : i32
    %dma_start3A_470 = tpu.memref_slice %arg2[%squeeze3A_465, %dma_start3A_469] : memref<1000000x64xf32, #tpu.memory_space<hbm>> -> memref<1x64xf32, #tpu.memory_space<hbm>>
    %dma_start3A_471 = arith.constant 38 : i32
    %dma_start3A_472 = arith.constant 0 : i32
    %dma_start3A_473 = tpu.memref_slice %arg9[%dma_start3A_471, %dma_start3A_472] : memref<128x64xf32, #tpu.memory_space<vmem>> -> memref<1x64xf32, #tpu.memory_space<vmem>>
    %dma_start3A_474 = arith.constant 0 : i32
    %dma_start3A_475 = tpu.memref_slice %arg2[%squeeze3A_465, %dma_start3A_474] : memref<1000000x64xf32, #tpu.memory_space<hbm>> -> memref<1x64xf32, #tpu.memory_space<hbm>>
    tpu.enqueue_dma source(%dma_start3A_475 : memref<1x64xf32, #tpu.memory_space<hbm>>) target(%dma_start3A_473 : memref<1x64xf32, #tpu.memory_space<vmem>>) target_semaphore(%arg11 : memref<!tpu.dma_semaphore, #tpu.memory_space<semaphore_mem>>)
    %slice3A_476 = vector.extract_strided_slice %get3A_391 {offsets = [7], sizes = [1], strides = [1]} : vector<16xi32> to vector<1xi32>
    %squeeze3A_477 = vector.extract %slice3A_476[0] : i32 from vector<1xi32>
    %dma_start3A_478 = arith.constant 39 : i32
    %dma_start3A_479 = arith.constant 0 : i32
    %dma_start3A_480 = tpu.memref_slice %arg9[%dma_start3A_478, %dma_start3A_479] : memref<128x64xf32, #tpu.memory_space<vmem>> -> memref<1x64xf32, #tpu.memory_space<vmem>>
    %dma_start3A_481 = arith.constant 0 : i32
    %dma_start3A_482 = tpu.memref_slice %arg2[%squeeze3A_477, %dma_start3A_481] : memref<1000000x64xf32, #tpu.memory_space<hbm>> -> memref<1x64xf32, #tpu.memory_space<hbm>>
    %dma_start3A_483 = arith.constant 39 : i32
    %dma_start3A_484 = arith.constant 0 : i32
    %dma_start3A_485 = tpu.memref_slice %arg9[%dma_start3A_483, %dma_start3A_484] : memref<128x64xf32, #tpu.memory_space<vmem>> -> memref<1x64xf32, #tpu.memory_space<vmem>>
    %dma_start3A_486 = arith.constant 0 : i32
    %dma_start3A_487 = tpu.memref_slice %arg2[%squeeze3A_477, %dma_start3A_486] : memref<1000000x64xf32, #tpu.memory_space<hbm>> -> memref<1x64xf32, #tpu.memory_space<hbm>>
    tpu.enqueue_dma source(%dma_start3A_487 : memref<1x64xf32, #tpu.memory_space<hbm>>) target(%dma_start3A_485 : memref<1x64xf32, #tpu.memory_space<vmem>>) target_semaphore(%arg11 : memref<!tpu.dma_semaphore, #tpu.memory_space<semaphore_mem>>)
    %slice3A_488 = vector.extract_strided_slice %get3A_391 {offsets = [8], sizes = [1], strides = [1]} : vector<16xi32> to vector<1xi32>
    %squeeze3A_489 = vector.extract %slice3A_488[0] : i32 from vector<1xi32>
    %dma_start3A_490 = arith.constant 40 : i32
    %dma_start3A_491 = arith.constant 0 : i32
    %dma_start3A_492 = tpu.memref_slice %arg9[%dma_start3A_490, %dma_start3A_491] : memref<128x64xf32, #tpu.memory_space<vmem>> -> memref<1x64xf32, #tpu.memory_space<vmem>>
    %dma_start3A_493 = arith.constant 0 : i32
    %dma_start3A_494 = tpu.memref_slice %arg2[%squeeze3A_489, %dma_start3A_493] : memref<1000000x64xf32, #tpu.memory_space<hbm>> -> memref<1x64xf32, #tpu.memory_space<hbm>>
    %dma_start3A_495 = arith.constant 40 : i32
    %dma_start3A_496 = arith.constant 0 : i32
    %dma_start3A_497 = tpu.memref_slice %arg9[%dma_start3A_495, %dma_start3A_496] : memref<128x64xf32, #tpu.memory_space<vmem>> -> memref<1x64xf32, #tpu.memory_space<vmem>>
    %dma_start3A_498 = arith.constant 0 : i32
    %dma_start3A_499 = tpu.memref_slice %arg2[%squeeze3A_489, %dma_start3A_498] : memref<1000000x64xf32, #tpu.memory_space<hbm>> -> memref<1x64xf32, #tpu.memory_space<hbm>>
    tpu.enqueue_dma source(%dma_start3A_499 : memref<1x64xf32, #tpu.memory_space<hbm>>) target(%dma_start3A_497 : memref<1x64xf32, #tpu.memory_space<vmem>>) target_semaphore(%arg11 : memref<!tpu.dma_semaphore, #tpu.memory_space<semaphore_mem>>)
    %slice3A_500 = vector.extract_strided_slice %get3A_391 {offsets = [9], sizes = [1], strides = [1]} : vector<16xi32> to vector<1xi32>
    %squeeze3A_501 = vector.extract %slice3A_500[0] : i32 from vector<1xi32>
    %dma_start3A_502 = arith.constant 41 : i32
    %dma_start3A_503 = arith.constant 0 : i32
    %dma_start3A_504 = tpu.memref_slice %arg9[%dma_start3A_502, %dma_start3A_503] : memref<128x64xf32, #tpu.memory_space<vmem>> -> memref<1x64xf32, #tpu.memory_space<vmem>>
    %dma_start3A_505 = arith.constant 0 : i32
    %dma_start3A_506 = tpu.memref_slice %arg2[%squeeze3A_501, %dma_start3A_505] : memref<1000000x64xf32, #tpu.memory_space<hbm>> -> memref<1x64xf32, #tpu.memory_space<hbm>>
    %dma_start3A_507 = arith.constant 41 : i32
    %dma_start3A_508 = arith.constant 0 : i32
    %dma_start3A_509 = tpu.memref_slice %arg9[%dma_start3A_507, %dma_start3A_508] : memref<128x64xf32, #tpu.memory_space<vmem>> -> memref<1x64xf32, #tpu.memory_space<vmem>>
    %dma_start3A_510 = arith.constant 0 : i32
    %dma_start3A_511 = tpu.memref_slice %arg2[%squeeze3A_501, %dma_start3A_510] : memref<1000000x64xf32, #tpu.memory_space<hbm>> -> memref<1x64xf32, #tpu.memory_space<hbm>>
    tpu.enqueue_dma source(%dma_start3A_511 : memref<1x64xf32, #tpu.memory_space<hbm>>) target(%dma_start3A_509 : memref<1x64xf32, #tpu.memory_space<vmem>>) target_semaphore(%arg11 : memref<!tpu.dma_semaphore, #tpu.memory_space<semaphore_mem>>)
    %slice3A_512 = vector.extract_strided_slice %get3A_391 {offsets = [10], sizes = [1], strides = [1]} : vector<16xi32> to vector<1xi32>
    %squeeze3A_513 = vector.extract %slice3A_512[0] : i32 from vector<1xi32>
    %dma_start3A_514 = arith.constant 42 : i32
    %dma_start3A_515 = arith.constant 0 : i32
    %dma_start3A_516 = tpu.memref_slice %arg9[%dma_start3A_514, %dma_start3A_515] : memref<128x64xf32, #tpu.memory_space<vmem>> -> memref<1x64xf32, #tpu.memory_space<vmem>>
    %dma_start3A_517 = arith.constant 0 : i32
    %dma_start3A_518 = tpu.memref_slice %arg2[%squeeze3A_513, %dma_start3A_517] : memref<1000000x64xf32, #tpu.memory_space<hbm>> -> memref<1x64xf32, #tpu.memory_space<hbm>>
    %dma_start3A_519 = arith.constant 42 : i32
    %dma_start3A_520 = arith.constant 0 : i32
    %dma_start3A_521 = tpu.memref_slice %arg9[%dma_start3A_519, %dma_start3A_520] : memref<128x64xf32, #tpu.memory_space<vmem>> -> memref<1x64xf32, #tpu.memory_space<vmem>>
    %dma_start3A_522 = arith.constant 0 : i32
    %dma_start3A_523 = tpu.memref_slice %arg2[%squeeze3A_513, %dma_start3A_522] : memref<1000000x64xf32, #tpu.memory_space<hbm>> -> memref<1x64xf32, #tpu.memory_space<hbm>>
    tpu.enqueue_dma source(%dma_start3A_523 : memref<1x64xf32, #tpu.memory_space<hbm>>) target(%dma_start3A_521 : memref<1x64xf32, #tpu.memory_space<vmem>>) target_semaphore(%arg11 : memref<!tpu.dma_semaphore, #tpu.memory_space<semaphore_mem>>)
    %slice3A_524 = vector.extract_strided_slice %get3A_391 {offsets = [11], sizes = [1], strides = [1]} : vector<16xi32> to vector<1xi32>
    %squeeze3A_525 = vector.extract %slice3A_524[0] : i32 from vector<1xi32>
    %dma_start3A_526 = arith.constant 43 : i32
    %dma_start3A_527 = arith.constant 0 : i32
    %dma_start3A_528 = tpu.memref_slice %arg9[%dma_start3A_526, %dma_start3A_527] : memref<128x64xf32, #tpu.memory_space<vmem>> -> memref<1x64xf32, #tpu.memory_space<vmem>>
    %dma_start3A_529 = arith.constant 0 : i32
    %dma_start3A_530 = tpu.memref_slice %arg2[%squeeze3A_525, %dma_start3A_529] : memref<1000000x64xf32, #tpu.memory_space<hbm>> -> memref<1x64xf32, #tpu.memory_space<hbm>>
    %dma_start3A_531 = arith.constant 43 : i32
    %dma_start3A_532 = arith.constant 0 : i32
    %dma_start3A_533 = tpu.memref_slice %arg9[%dma_start3A_531, %dma_start3A_532] : memref<128x64xf32, #tpu.memory_space<vmem>> -> memref<1x64xf32, #tpu.memory_space<vmem>>
    %dma_start3A_534 = arith.constant 0 : i32
    %dma_start3A_535 = tpu.memref_slice %arg2[%squeeze3A_525, %dma_start3A_534] : memref<1000000x64xf32, #tpu.memory_space<hbm>> -> memref<1x64xf32, #tpu.memory_space<hbm>>
    tpu.enqueue_dma source(%dma_start3A_535 : memref<1x64xf32, #tpu.memory_space<hbm>>) target(%dma_start3A_533 : memref<1x64xf32, #tpu.memory_space<vmem>>) target_semaphore(%arg11 : memref<!tpu.dma_semaphore, #tpu.memory_space<semaphore_mem>>)
    %slice3A_536 = vector.extract_strided_slice %get3A_391 {offsets = [12], sizes = [1], strides = [1]} : vector<16xi32> to vector<1xi32>
    %squeeze3A_537 = vector.extract %slice3A_536[0] : i32 from vector<1xi32>
    %dma_start3A_538 = arith.constant 44 : i32
    %dma_start3A_539 = arith.constant 0 : i32
    %dma_start3A_540 = tpu.memref_slice %arg9[%dma_start3A_538, %dma_start3A_539] : memref<128x64xf32, #tpu.memory_space<vmem>> -> memref<1x64xf32, #tpu.memory_space<vmem>>
    %dma_start3A_541 = arith.constant 0 : i32
    %dma_start3A_542 = tpu.memref_slice %arg2[%squeeze3A_537, %dma_start3A_541] : memref<1000000x64xf32, #tpu.memory_space<hbm>> -> memref<1x64xf32, #tpu.memory_space<hbm>>
    %dma_start3A_543 = arith.constant 44 : i32
    %dma_start3A_544 = arith.constant 0 : i32
    %dma_start3A_545 = tpu.memref_slice %arg9[%dma_start3A_543, %dma_start3A_544] : memref<128x64xf32, #tpu.memory_space<vmem>> -> memref<1x64xf32, #tpu.memory_space<vmem>>
    %dma_start3A_546 = arith.constant 0 : i32
    %dma_start3A_547 = tpu.memref_slice %arg2[%squeeze3A_537, %dma_start3A_546] : memref<1000000x64xf32, #tpu.memory_space<hbm>> -> memref<1x64xf32, #tpu.memory_space<hbm>>
    tpu.enqueue_dma source(%dma_start3A_547 : memref<1x64xf32, #tpu.memory_space<hbm>>) target(%dma_start3A_545 : memref<1x64xf32, #tpu.memory_space<vmem>>) target_semaphore(%arg11 : memref<!tpu.dma_semaphore, #tpu.memory_space<semaphore_mem>>)
    %slice3A_548 = vector.extract_strided_slice %get3A_391 {offsets = [13], sizes = [1], strides = [1]} : vector<16xi32> to vector<1xi32>
    %squeeze3A_549 = vector.extract %slice3A_548[0] : i32 from vector<1xi32>
    %dma_start3A_550 = arith.constant 45 : i32
    %dma_start3A_551 = arith.constant 0 : i32
    %dma_start3A_552 = tpu.memref_slice %arg9[%dma_start3A_550, %dma_start3A_551] : memref<128x64xf32, #tpu.memory_space<vmem>> -> memref<1x64xf32, #tpu.memory_space<vmem>>
    %dma_start3A_553 = arith.constant 0 : i32
    %dma_start3A_554 = tpu.memref_slice %arg2[%squeeze3A_549, %dma_start3A_553] : memref<1000000x64xf32, #tpu.memory_space<hbm>> -> memref<1x64xf32, #tpu.memory_space<hbm>>
    %dma_start3A_555 = arith.constant 45 : i32
    %dma_start3A_556 = arith.constant 0 : i32
    %dma_start3A_557 = tpu.memref_slice %arg9[%dma_start3A_555, %dma_start3A_556] : memref<128x64xf32, #tpu.memory_space<vmem>> -> memref<1x64xf32, #tpu.memory_space<vmem>>
    %dma_start3A_558 = arith.constant 0 : i32
    %dma_start3A_559 = tpu.memref_slice %arg2[%squeeze3A_549, %dma_start3A_558] : memref<1000000x64xf32, #tpu.memory_space<hbm>> -> memref<1x64xf32, #tpu.memory_space<hbm>>
    tpu.enqueue_dma source(%dma_start3A_559 : memref<1x64xf32, #tpu.memory_space<hbm>>) target(%dma_start3A_557 : memref<1x64xf32, #tpu.memory_space<vmem>>) target_semaphore(%arg11 : memref<!tpu.dma_semaphore, #tpu.memory_space<semaphore_mem>>)
    %slice3A_560 = vector.extract_strided_slice %get3A_391 {offsets = [14], sizes = [1], strides = [1]} : vector<16xi32> to vector<1xi32>
    %squeeze3A_561 = vector.extract %slice3A_560[0] : i32 from vector<1xi32>
    %dma_start3A_562 = arith.constant 46 : i32
    %dma_start3A_563 = arith.constant 0 : i32
    %dma_start3A_564 = tpu.memref_slice %arg9[%dma_start3A_562, %dma_start3A_563] : memref<128x64xf32, #tpu.memory_space<vmem>> -> memref<1x64xf32, #tpu.memory_space<vmem>>
    %dma_start3A_565 = arith.constant 0 : i32
    %dma_start3A_566 = tpu.memref_slice %arg2[%squeeze3A_561, %dma_start3A_565] : memref<1000000x64xf32, #tpu.memory_space<hbm>> -> memref<1x64xf32, #tpu.memory_space<hbm>>
    %dma_start3A_567 = arith.constant 46 : i32
    %dma_start3A_568 = arith.constant 0 : i32
    %dma_start3A_569 = tpu.memref_slice %arg9[%dma_start3A_567, %dma_start3A_568] : memref<128x64xf32, #tpu.memory_space<vmem>> -> memref<1x64xf32, #tpu.memory_space<vmem>>
    %dma_start3A_570 = arith.constant 0 : i32
    %dma_start3A_571 = tpu.memref_slice %arg2[%squeeze3A_561, %dma_start3A_570] : memref<1000000x64xf32, #tpu.memory_space<hbm>> -> memref<1x64xf32, #tpu.memory_space<hbm>>
    tpu.enqueue_dma source(%dma_start3A_571 : memref<1x64xf32, #tpu.memory_space<hbm>>) target(%dma_start3A_569 : memref<1x64xf32, #tpu.memory_space<vmem>>) target_semaphore(%arg11 : memref<!tpu.dma_semaphore, #tpu.memory_space<semaphore_mem>>)
    %slice3A_572 = vector.extract_strided_slice %get3A_391 {offsets = [15], sizes = [1], strides = [1]} : vector<16xi32> to vector<1xi32>
    %squeeze3A_573 = vector.extract %slice3A_572[0] : i32 from vector<1xi32>
    %dma_start3A_574 = arith.constant 47 : i32
    %dma_start3A_575 = arith.constant 0 : i32
    %dma_start3A_576 = tpu.memref_slice %arg9[%dma_start3A_574, %dma_start3A_575] : memref<128x64xf32, #tpu.memory_space<vmem>> -> memref<1x64xf32, #tpu.memory_space<vmem>>
    %dma_start3A_577 = arith.constant 0 : i32
    %dma_start3A_578 = tpu.memref_slice %arg2[%squeeze3A_573, %dma_start3A_577] : memref<1000000x64xf32, #tpu.memory_space<hbm>> -> memref<1x64xf32, #tpu.memory_space<hbm>>
    %dma_start3A_579 = arith.constant 47 : i32
    %dma_start3A_580 = arith.constant 0 : i32
    %dma_start3A_581 = tpu.memref_slice %arg9[%dma_start3A_579, %dma_start3A_580] : memref<128x64xf32, #tpu.memory_space<vmem>> -> memref<1x64xf32, #tpu.memory_space<vmem>>
    %dma_start3A_582 = arith.constant 0 : i32
    %dma_start3A_583 = tpu.memref_slice %arg2[%squeeze3A_573, %dma_start3A_582] : memref<1000000x64xf32, #tpu.memory_space<hbm>> -> memref<1x64xf32, #tpu.memory_space<hbm>>
    tpu.enqueue_dma source(%dma_start3A_583 : memref<1x64xf32, #tpu.memory_space<hbm>>) target(%dma_start3A_581 : memref<1x64xf32, #tpu.memory_space<vmem>>) target_semaphore(%arg11 : memref<!tpu.dma_semaphore, #tpu.memory_space<semaphore_mem>>)
    %get3A_584 = arith.constant 48 : index
    %get3A_585 = tpu.vector_load %arg7[%get3A_584] {strides = array<i32>} : memref<128xi32, #tpu.memory_space<vmem>>, vector<16xi32>,
    %get3A_586 = vector.shape_cast %get3A_585 : vector<16xi32> to vector<16xi32>
    %slice3A_587 = vector.extract_strided_slice %get3A_586 {offsets = [0], sizes = [1], strides = [1]} : vector<16xi32> to vector<1xi32>
    %squeeze3A_588 = vector.extract %slice3A_587[0] : i32 from vector<1xi32>
    %dma_start3A_589 = arith.constant 48 : i32
    %dma_start3A_590 = arith.constant 0 : i32
    %dma_start3A_591 = tpu.memref_slice %arg9[%dma_start3A_589, %dma_start3A_590] : memref<128x64xf32, #tpu.memory_space<vmem>> -> memref<1x64xf32, #tpu.memory_space<vmem>>
    %dma_start3A_592 = arith.constant 0 : i32
    %dma_start3A_593 = tpu.memref_slice %arg2[%squeeze3A_588, %dma_start3A_592] : memref<1000000x64xf32, #tpu.memory_space<hbm>> -> memref<1x64xf32, #tpu.memory_space<hbm>>
    %dma_start3A_594 = arith.constant 48 : i32
    %dma_start3A_595 = arith.constant 0 : i32
    %dma_start3A_596 = tpu.memref_slice %arg9[%dma_start3A_594, %dma_start3A_595] : memref<128x64xf32, #tpu.memory_space<vmem>> -> memref<1x64xf32, #tpu.memory_space<vmem>>
    %dma_start3A_597 = arith.constant 0 : i32
    %dma_start3A_598 = tpu.memref_slice %arg2[%squeeze3A_588, %dma_start3A_597] : memref<1000000x64xf32, #tpu.memory_space<hbm>> -> memref<1x64xf32, #tpu.memory_space<hbm>>
    tpu.enqueue_dma source(%dma_start3A_598 : memref<1x64xf32, #tpu.memory_space<hbm>>) target(%dma_start3A_596 : memref<1x64xf32, #tpu.memory_space<vmem>>) target_semaphore(%arg11 : memref<!tpu.dma_semaphore, #tpu.memory_space<semaphore_mem>>)
    %slice3A_599 = vector.extract_strided_slice %get3A_586 {offsets = [1], sizes = [1], strides = [1]} : vector<16xi32> to vector<1xi32>
    %squeeze3A_600 = vector.extract %slice3A_599[0] : i32 from vector<1xi32>
    %dma_start3A_601 = arith.constant 49 : i32
    %dma_start3A_602 = arith.constant 0 : i32
    %dma_start3A_603 = tpu.memref_slice %arg9[%dma_start3A_601, %dma_start3A_602] : memref<128x64xf32, #tpu.memory_space<vmem>> -> memref<1x64xf32, #tpu.memory_space<vmem>>
    %dma_start3A_604 = arith.constant 0 : i32
    %dma_start3A_605 = tpu.memref_slice %arg2[%squeeze3A_600, %dma_start3A_604] : memref<1000000x64xf32, #tpu.memory_space<hbm>> -> memref<1x64xf32, #tpu.memory_space<hbm>>
    %dma_start3A_606 = arith.constant 49 : i32
    %dma_start3A_607 = arith.constant 0 : i32
    %dma_start3A_608 = tpu.memref_slice %arg9[%dma_start3A_606, %dma_start3A_607] : memref<128x64xf32, #tpu.memory_space<vmem>> -> memref<1x64xf32, #tpu.memory_space<vmem>>
    %dma_start3A_609 = arith.constant 0 : i32
    %dma_start3A_610 = tpu.memref_slice %arg2[%squeeze3A_600, %dma_start3A_609] : memref<1000000x64xf32, #tpu.memory_space<hbm>> -> memref<1x64xf32, #tpu.memory_space<hbm>>
    tpu.enqueue_dma source(%dma_start3A_610 : memref<1x64xf32, #tpu.memory_space<hbm>>) target(%dma_start3A_608 : memref<1x64xf32, #tpu.memory_space<vmem>>) target_semaphore(%arg11 : memref<!tpu.dma_semaphore, #tpu.memory_space<semaphore_mem>>)
    %slice3A_611 = vector.extract_strided_slice %get3A_586 {offsets = [2], sizes = [1], strides = [1]} : vector<16xi32> to vector<1xi32>
    %squeeze3A_612 = vector.extract %slice3A_611[0] : i32 from vector<1xi32>
    %dma_start3A_613 = arith.constant 50 : i32
    %dma_start3A_614 = arith.constant 0 : i32
    %dma_start3A_615 = tpu.memref_slice %arg9[%dma_start3A_613, %dma_start3A_614] : memref<128x64xf32, #tpu.memory_space<vmem>> -> memref<1x64xf32, #tpu.memory_space<vmem>>
    %dma_start3A_616 = arith.constant 0 : i32
    %dma_start3A_617 = tpu.memref_slice %arg2[%squeeze3A_612, %dma_start3A_616] : memref<1000000x64xf32, #tpu.memory_space<hbm>> -> memref<1x64xf32, #tpu.memory_space<hbm>>
    %dma_start3A_618 = arith.constant 50 : i32
    %dma_start3A_619 = arith.constant 0 : i32
    %dma_start3A_620 = tpu.memref_slice %arg9[%dma_start3A_618, %dma_start3A_619] : memref<128x64xf32, #tpu.memory_space<vmem>> -> memref<1x64xf32, #tpu.memory_space<vmem>>
    %dma_start3A_621 = arith.constant 0 : i32
    %dma_start3A_622 = tpu.memref_slice %arg2[%squeeze3A_612, %dma_start3A_621] : memref<1000000x64xf32, #tpu.memory_space<hbm>> -> memref<1x64xf32, #tpu.memory_space<hbm>>
    tpu.enqueue_dma source(%dma_start3A_622 : memref<1x64xf32, #tpu.memory_space<hbm>>) target(%dma_start3A_620 : memref<1x64xf32, #tpu.memory_space<vmem>>) target_semaphore(%arg11 : memref<!tpu.dma_semaphore, #tpu.memory_space<semaphore_mem>>)
    %slice3A_623 = vector.extract_strided_slice %get3A_586 {offsets = [3], sizes = [1], strides = [1]} : vector<16xi32> to vector<1xi32>
    %squeeze3A_624 = vector.extract %slice3A_623[0] : i32 from vector<1xi32>
    %dma_start3A_625 = arith.constant 51 : i32
    %dma_start3A_626 = arith.constant 0 : i32
    %dma_start3A_627 = tpu.memref_slice %arg9[%dma_start3A_625, %dma_start3A_626] : memref<128x64xf32, #tpu.memory_space<vmem>> -> memref<1x64xf32, #tpu.memory_space<vmem>>
    %dma_start3A_628 = arith.constant 0 : i32
    %dma_start3A_629 = tpu.memref_slice %arg2[%squeeze3A_624, %dma_start3A_628] : memref<1000000x64xf32, #tpu.memory_space<hbm>> -> memref<1x64xf32, #tpu.memory_space<hbm>>
    %dma_start3A_630 = arith.constant 51 : i32
    %dma_start3A_631 = arith.constant 0 : i32
    %dma_start3A_632 = tpu.memref_slice %arg9[%dma_start3A_630, %dma_start3A_631] : memref<128x64xf32, #tpu.memory_space<vmem>> -> memref<1x64xf32, #tpu.memory_space<vmem>>
    %dma_start3A_633 = arith.constant 0 : i32
    %dma_start3A_634 = tpu.memref_slice %arg2[%squeeze3A_624, %dma_start3A_633] : memref<1000000x64xf32, #tpu.memory_space<hbm>> -> memref<1x64xf32, #tpu.memory_space<hbm>>
    tpu.enqueue_dma source(%dma_start3A_634 : memref<1x64xf32, #tpu.memory_space<hbm>>) target(%dma_start3A_632 : memref<1x64xf32, #tpu.memory_space<vmem>>) target_semaphore(%arg11 : memref<!tpu.dma_semaphore, #tpu.memory_space<semaphore_mem>>)
    %slice3A_635 = vector.extract_strided_slice %get3A_586 {offsets = [4], sizes = [1], strides = [1]} : vector<16xi32> to vector<1xi32>
    %squeeze3A_636 = vector.extract %slice3A_635[0] : i32 from vector<1xi32>
    %dma_start3A_637 = arith.constant 52 : i32
    %dma_start3A_638 = arith.constant 0 : i32
    %dma_start3A_639 = tpu.memref_slice %arg9[%dma_start3A_637, %dma_start3A_638] : memref<128x64xf32, #tpu.memory_space<vmem>> -> memref<1x64xf32, #tpu.memory_space<vmem>>
    %dma_start3A_640 = arith.constant 0 : i32
    %dma_start3A_641 = tpu.memref_slice %arg2[%squeeze3A_636, %dma_start3A_640] : memref<1000000x64xf32, #tpu.memory_space<hbm>> -> memref<1x64xf32, #tpu.memory_space<hbm>>
    %dma_start3A_642 = arith.constant 52 : i32
    %dma_start3A_643 = arith.constant 0 : i32
    %dma_start3A_644 = tpu.memref_slice %arg9[%dma_start3A_642, %dma_start3A_643] : memref<128x64xf32, #tpu.memory_space<vmem>> -> memref<1x64xf32, #tpu.memory_space<vmem>>
    %dma_start3A_645 = arith.constant 0 : i32
    %dma_start3A_646 = tpu.memref_slice %arg2[%squeeze3A_636, %dma_start3A_645] : memref<1000000x64xf32, #tpu.memory_space<hbm>> -> memref<1x64xf32, #tpu.memory_space<hbm>>
    tpu.enqueue_dma source(%dma_start3A_646 : memref<1x64xf32, #tpu.memory_space<hbm>>) target(%dma_start3A_644 : memref<1x64xf32, #tpu.memory_space<vmem>>) target_semaphore(%arg11 : memref<!tpu.dma_semaphore, #tpu.memory_space<semaphore_mem>>)
    %slice3A_647 = vector.extract_strided_slice %get3A_586 {offsets = [5], sizes = [1], strides = [1]} : vector<16xi32> to vector<1xi32>
    %squeeze3A_648 = vector.extract %slice3A_647[0] : i32 from vector<1xi32>
    %dma_start3A_649 = arith.constant 53 : i32
    %dma_start3A_650 = arith.constant 0 : i32
    %dma_start3A_651 = tpu.memref_slice %arg9[%dma_start3A_649, %dma_start3A_650] : memref<128x64xf32, #tpu.memory_space<vmem>> -> memref<1x64xf32, #tpu.memory_space<vmem>>
    %dma_start3A_652 = arith.constant 0 : i32
    %dma_start3A_653 = tpu.memref_slice %arg2[%squeeze3A_648, %dma_start3A_652] : memref<1000000x64xf32, #tpu.memory_space<hbm>> -> memref<1x64xf32, #tpu.memory_space<hbm>>
    %dma_start3A_654 = arith.constant 53 : i32
    %dma_start3A_655 = arith.constant 0 : i32
    %dma_start3A_656 = tpu.memref_slice %arg9[%dma_start3A_654, %dma_start3A_655] : memref<128x64xf32, #tpu.memory_space<vmem>> -> memref<1x64xf32, #tpu.memory_space<vmem>>
    %dma_start3A_657 = arith.constant 0 : i32
    %dma_start3A_658 = tpu.memref_slice %arg2[%squeeze3A_648, %dma_start3A_657] : memref<1000000x64xf32, #tpu.memory_space<hbm>> -> memref<1x64xf32, #tpu.memory_space<hbm>>
    tpu.enqueue_dma source(%dma_start3A_658 : memref<1x64xf32, #tpu.memory_space<hbm>>) target(%dma_start3A_656 : memref<1x64xf32, #tpu.memory_space<vmem>>) target_semaphore(%arg11 : memref<!tpu.dma_semaphore, #tpu.memory_space<semaphore_mem>>)
    %slice3A_659 = vector.extract_strided_slice %get3A_586 {offsets = [6], sizes = [1], strides = [1]} : vector<16xi32> to vector<1xi32>
    %squeeze3A_660 = vector.extract %slice3A_659[0] : i32 from vector<1xi32>
    %dma_start3A_661 = arith.constant 54 : i32
    %dma_start3A_662 = arith.constant 0 : i32
    %dma_start3A_663 = tpu.memref_slice %arg9[%dma_start3A_661, %dma_start3A_662] : memref<128x64xf32, #tpu.memory_space<vmem>> -> memref<1x64xf32, #tpu.memory_space<vmem>>
    %dma_start3A_664 = arith.constant 0 : i32
    %dma_start3A_665 = tpu.memref_slice %arg2[%squeeze3A_660, %dma_start3A_664] : memref<1000000x64xf32, #tpu.memory_space<hbm>> -> memref<1x64xf32, #tpu.memory_space<hbm>>
    %dma_start3A_666 = arith.constant 54 : i32
    %dma_start3A_667 = arith.constant 0 : i32
    %dma_start3A_668 = tpu.memref_slice %arg9[%dma_start3A_666, %dma_start3A_667] : memref<128x64xf32, #tpu.memory_space<vmem>> -> memref<1x64xf32, #tpu.memory_space<vmem>>
    %dma_start3A_669 = arith.constant 0 : i32
    %dma_start3A_670 = tpu.memref_slice %arg2[%squeeze3A_660, %dma_start3A_669] : memref<1000000x64xf32, #tpu.memory_space<hbm>> -> memref<1x64xf32, #tpu.memory_space<hbm>>
    tpu.enqueue_dma source(%dma_start3A_670 : memref<1x64xf32, #tpu.memory_space<hbm>>) target(%dma_start3A_668 : memref<1x64xf32, #tpu.memory_space<vmem>>) target_semaphore(%arg11 : memref<!tpu.dma_semaphore, #tpu.memory_space<semaphore_mem>>)
    %slice3A_671 = vector.extract_strided_slice %get3A_586 {offsets = [7], sizes = [1], strides = [1]} : vector<16xi32> to vector<1xi32>
    %squeeze3A_672 = vector.extract %slice3A_671[0] : i32 from vector<1xi32>
    %dma_start3A_673 = arith.constant 55 : i32
    %dma_start3A_674 = arith.constant 0 : i32
    %dma_start3A_675 = tpu.memref_slice %arg9[%dma_start3A_673, %dma_start3A_674] : memref<128x64xf32, #tpu.memory_space<vmem>> -> memref<1x64xf32, #tpu.memory_space<vmem>>
    %dma_start3A_676 = arith.constant 0 : i32
    %dma_start3A_677 = tpu.memref_slice %arg2[%squeeze3A_672, %dma_start3A_676] : memref<1000000x64xf32, #tpu.memory_space<hbm>> -> memref<1x64xf32, #tpu.memory_space<hbm>>
    %dma_start3A_678 = arith.constant 55 : i32
    %dma_start3A_679 = arith.constant 0 : i32
    %dma_start3A_680 = tpu.memref_slice %arg9[%dma_start3A_678, %dma_start3A_679] : memref<128x64xf32, #tpu.memory_space<vmem>> -> memref<1x64xf32, #tpu.memory_space<vmem>>
    %dma_start3A_681 = arith.constant 0 : i32
    %dma_start3A_682 = tpu.memref_slice %arg2[%squeeze3A_672, %dma_start3A_681] : memref<1000000x64xf32, #tpu.memory_space<hbm>> -> memref<1x64xf32, #tpu.memory_space<hbm>>
    tpu.enqueue_dma source(%dma_start3A_682 : memref<1x64xf32, #tpu.memory_space<hbm>>) target(%dma_start3A_680 : memref<1x64xf32, #tpu.memory_space<vmem>>) target_semaphore(%arg11 : memref<!tpu.dma_semaphore, #tpu.memory_space<semaphore_mem>>)
    %slice3A_683 = vector.extract_strided_slice %get3A_586 {offsets = [8], sizes = [1], strides = [1]} : vector<16xi32> to vector<1xi32>
    %squeeze3A_684 = vector.extract %slice3A_683[0] : i32 from vector<1xi32>
    %dma_start3A_685 = arith.constant 56 : i32
    %dma_start3A_686 = arith.constant 0 : i32
    %dma_start3A_687 = tpu.memref_slice %arg9[%dma_start3A_685, %dma_start3A_686] : memref<128x64xf32, #tpu.memory_space<vmem>> -> memref<1x64xf32, #tpu.memory_space<vmem>>
    %dma_start3A_688 = arith.constant 0 : i32
    %dma_start3A_689 = tpu.memref_slice %arg2[%squeeze3A_684, %dma_start3A_688] : memref<1000000x64xf32, #tpu.memory_space<hbm>> -> memref<1x64xf32, #tpu.memory_space<hbm>>
    %dma_start3A_690 = arith.constant 56 : i32
    %dma_start3A_691 = arith.constant 0 : i32
    %dma_start3A_692 = tpu.memref_slice %arg9[%dma_start3A_690, %dma_start3A_691] : memref<128x64xf32, #tpu.memory_space<vmem>> -> memref<1x64xf32, #tpu.memory_space<vmem>>
    %dma_start3A_693 = arith.constant 0 : i32
    %dma_start3A_694 = tpu.memref_slice %arg2[%squeeze3A_684, %dma_start3A_693] : memref<1000000x64xf32, #tpu.memory_space<hbm>> -> memref<1x64xf32, #tpu.memory_space<hbm>>
    tpu.enqueue_dma source(%dma_start3A_694 : memref<1x64xf32, #tpu.memory_space<hbm>>) target(%dma_start3A_692 : memref<1x64xf32, #tpu.memory_space<vmem>>) target_semaphore(%arg11 : memref<!tpu.dma_semaphore, #tpu.memory_space<semaphore_mem>>)
    %slice3A_695 = vector.extract_strided_slice %get3A_586 {offsets = [9], sizes = [1], strides = [1]} : vector<16xi32> to vector<1xi32>
    %squeeze3A_696 = vector.extract %slice3A_695[0] : i32 from vector<1xi32>
    %dma_start3A_697 = arith.constant 57 : i32
    %dma_start3A_698 = arith.constant 0 : i32
    %dma_start3A_699 = tpu.memref_slice %arg9[%dma_start3A_697, %dma_start3A_698] : memref<128x64xf32, #tpu.memory_space<vmem>> -> memref<1x64xf32, #tpu.memory_space<vmem>>
    %dma_start3A_700 = arith.constant 0 : i32
    %dma_start3A_701 = tpu.memref_slice %arg2[%squeeze3A_696, %dma_start3A_700] : memref<1000000x64xf32, #tpu.memory_space<hbm>> -> memref<1x64xf32, #tpu.memory_space<hbm>>
    %dma_start3A_702 = arith.constant 57 : i32
    %dma_start3A_703 = arith.constant 0 : i32
    %dma_start3A_704 = tpu.memref_slice %arg9[%dma_start3A_702, %dma_start3A_703] : memref<128x64xf32, #tpu.memory_space<vmem>> -> memref<1x64xf32, #tpu.memory_space<vmem>>
    %dma_start3A_705 = arith.constant 0 : i32
    %dma_start3A_706 = tpu.memref_slice %arg2[%squeeze3A_696, %dma_start3A_705] : memref<1000000x64xf32, #tpu.memory_space<hbm>> -> memref<1x64xf32, #tpu.memory_space<hbm>>
    tpu.enqueue_dma source(%dma_start3A_706 : memref<1x64xf32, #tpu.memory_space<hbm>>) target(%dma_start3A_704 : memref<1x64xf32, #tpu.memory_space<vmem>>) target_semaphore(%arg11 : memref<!tpu.dma_semaphore, #tpu.memory_space<semaphore_mem>>)
    %slice3A_707 = vector.extract_strided_slice %get3A_586 {offsets = [10], sizes = [1], strides = [1]} : vector<16xi32> to vector<1xi32>
    %squeeze3A_708 = vector.extract %slice3A_707[0] : i32 from vector<1xi32>
    %dma_start3A_709 = arith.constant 58 : i32
    %dma_start3A_710 = arith.constant 0 : i32
    %dma_start3A_711 = tpu.memref_slice %arg9[%dma_start3A_709, %dma_start3A_710] : memref<128x64xf32, #tpu.memory_space<vmem>> -> memref<1x64xf32, #tpu.memory_space<vmem>>
    %dma_start3A_712 = arith.constant 0 : i32
    %dma_start3A_713 = tpu.memref_slice %arg2[%squeeze3A_708, %dma_start3A_712] : memref<1000000x64xf32, #tpu.memory_space<hbm>> -> memref<1x64xf32, #tpu.memory_space<hbm>>
    %dma_start3A_714 = arith.constant 58 : i32
    %dma_start3A_715 = arith.constant 0 : i32
    %dma_start3A_716 = tpu.memref_slice %arg9[%dma_start3A_714, %dma_start3A_715] : memref<128x64xf32, #tpu.memory_space<vmem>> -> memref<1x64xf32, #tpu.memory_space<vmem>>
    %dma_start3A_717 = arith.constant 0 : i32
    %dma_start3A_718 = tpu.memref_slice %arg2[%squeeze3A_708, %dma_start3A_717] : memref<1000000x64xf32, #tpu.memory_space<hbm>> -> memref<1x64xf32, #tpu.memory_space<hbm>>
    tpu.enqueue_dma source(%dma_start3A_718 : memref<1x64xf32, #tpu.memory_space<hbm>>) target(%dma_start3A_716 : memref<1x64xf32, #tpu.memory_space<vmem>>) target_semaphore(%arg11 : memref<!tpu.dma_semaphore, #tpu.memory_space<semaphore_mem>>)
    %slice3A_719 = vector.extract_strided_slice %get3A_586 {offsets = [11], sizes = [1], strides = [1]} : vector<16xi32> to vector<1xi32>
    %squeeze3A_720 = vector.extract %slice3A_719[0] : i32 from vector<1xi32>
    %dma_start3A_721 = arith.constant 59 : i32
    %dma_start3A_722 = arith.constant 0 : i32
    %dma_start3A_723 = tpu.memref_slice %arg9[%dma_start3A_721, %dma_start3A_722] : memref<128x64xf32, #tpu.memory_space<vmem>> -> memref<1x64xf32, #tpu.memory_space<vmem>>
    %dma_start3A_724 = arith.constant 0 : i32
    %dma_start3A_725 = tpu.memref_slice %arg2[%squeeze3A_720, %dma_start3A_724] : memref<1000000x64xf32, #tpu.memory_space<hbm>> -> memref<1x64xf32, #tpu.memory_space<hbm>>
    %dma_start3A_726 = arith.constant 59 : i32
    %dma_start3A_727 = arith.constant 0 : i32
    %dma_start3A_728 = tpu.memref_slice %arg9[%dma_start3A_726, %dma_start3A_727] : memref<128x64xf32, #tpu.memory_space<vmem>> -> memref<1x64xf32, #tpu.memory_space<vmem>>
    %dma_start3A_729 = arith.constant 0 : i32
    %dma_start3A_730 = tpu.memref_slice %arg2[%squeeze3A_720, %dma_start3A_729] : memref<1000000x64xf32, #tpu.memory_space<hbm>> -> memref<1x64xf32, #tpu.memory_space<hbm>>
    tpu.enqueue_dma source(%dma_start3A_730 : memref<1x64xf32, #tpu.memory_space<hbm>>) target(%dma_start3A_728 : memref<1x64xf32, #tpu.memory_space<vmem>>) target_semaphore(%arg11 : memref<!tpu.dma_semaphore, #tpu.memory_space<semaphore_mem>>)
    %slice3A_731 = vector.extract_strided_slice %get3A_586 {offsets = [12], sizes = [1], strides = [1]} : vector<16xi32> to vector<1xi32>
    %squeeze3A_732 = vector.extract %slice3A_731[0] : i32 from vector<1xi32>
    %dma_start3A_733 = arith.constant 60 : i32
    %dma_start3A_734 = arith.constant 0 : i32
    %dma_start3A_735 = tpu.memref_slice %arg9[%dma_start3A_733, %dma_start3A_734] : memref<128x64xf32, #tpu.memory_space<vmem>> -> memref<1x64xf32, #tpu.memory_space<vmem>>
    %dma_start3A_736 = arith.constant 0 : i32
    %dma_start3A_737 = tpu.memref_slice %arg2[%squeeze3A_732, %dma_start3A_736] : memref<1000000x64xf32, #tpu.memory_space<hbm>> -> memref<1x64xf32, #tpu.memory_space<hbm>>
    %dma_start3A_738 = arith.constant 60 : i32
    %dma_start3A_739 = arith.constant 0 : i32
    %dma_start3A_740 = tpu.memref_slice %arg9[%dma_start3A_738, %dma_start3A_739] : memref<128x64xf32, #tpu.memory_space<vmem>> -> memref<1x64xf32, #tpu.memory_space<vmem>>
    %dma_start3A_741 = arith.constant 0 : i32
    %dma_start3A_742 = tpu.memref_slice %arg2[%squeeze3A_732, %dma_start3A_741] : memref<1000000x64xf32, #tpu.memory_space<hbm>> -> memref<1x64xf32, #tpu.memory_space<hbm>>
    tpu.enqueue_dma source(%dma_start3A_742 : memref<1x64xf32, #tpu.memory_space<hbm>>) target(%dma_start3A_740 : memref<1x64xf32, #tpu.memory_space<vmem>>) target_semaphore(%arg11 : memref<!tpu.dma_semaphore, #tpu.memory_space<semaphore_mem>>)
    %slice3A_743 = vector.extract_strided_slice %get3A_586 {offsets = [13], sizes = [1], strides = [1]} : vector<16xi32> to vector<1xi32>
    %squeeze3A_744 = vector.extract %slice3A_743[0] : i32 from vector<1xi32>
    %dma_start3A_745 = arith.constant 61 : i32
    %dma_start3A_746 = arith.constant 0 : i32
    %dma_start3A_747 = tpu.memref_slice %arg9[%dma_start3A_745, %dma_start3A_746] : memref<128x64xf32, #tpu.memory_space<vmem>> -> memref<1x64xf32, #tpu.memory_space<vmem>>
    %dma_start3A_748 = arith.constant 0 : i32
    %dma_start3A_749 = tpu.memref_slice %arg2[%squeeze3A_744, %dma_start3A_748] : memref<1000000x64xf32, #tpu.memory_space<hbm>> -> memref<1x64xf32, #tpu.memory_space<hbm>>
    %dma_start3A_750 = arith.constant 61 : i32
    %dma_start3A_751 = arith.constant 0 : i32
    %dma_start3A_752 = tpu.memref_slice %arg9[%dma_start3A_750, %dma_start3A_751] : memref<128x64xf32, #tpu.memory_space<vmem>> -> memref<1x64xf32, #tpu.memory_space<vmem>>
    %dma_start3A_753 = arith.constant 0 : i32
    %dma_start3A_754 = tpu.memref_slice %arg2[%squeeze3A_744, %dma_start3A_753] : memref<1000000x64xf32, #tpu.memory_space<hbm>> -> memref<1x64xf32, #tpu.memory_space<hbm>>
    tpu.enqueue_dma source(%dma_start3A_754 : memref<1x64xf32, #tpu.memory_space<hbm>>) target(%dma_start3A_752 : memref<1x64xf32, #tpu.memory_space<vmem>>) target_semaphore(%arg11 : memref<!tpu.dma_semaphore, #tpu.memory_space<semaphore_mem>>)
    %slice3A_755 = vector.extract_strided_slice %get3A_586 {offsets = [14], sizes = [1], strides = [1]} : vector<16xi32> to vector<1xi32>
    %squeeze3A_756 = vector.extract %slice3A_755[0] : i32 from vector<1xi32>
    %dma_start3A_757 = arith.constant 62 : i32
    %dma_start3A_758 = arith.constant 0 : i32
    %dma_start3A_759 = tpu.memref_slice %arg9[%dma_start3A_757, %dma_start3A_758] : memref<128x64xf32, #tpu.memory_space<vmem>> -> memref<1x64xf32, #tpu.memory_space<vmem>>
    %dma_start3A_760 = arith.constant 0 : i32
    %dma_start3A_761 = tpu.memref_slice %arg2[%squeeze3A_756, %dma_start3A_760] : memref<1000000x64xf32, #tpu.memory_space<hbm>> -> memref<1x64xf32, #tpu.memory_space<hbm>>
    %dma_start3A_762 = arith.constant 62 : i32
    %dma_start3A_763 = arith.constant 0 : i32
    %dma_start3A_764 = tpu.memref_slice %arg9[%dma_start3A_762, %dma_start3A_763] : memref<128x64xf32, #tpu.memory_space<vmem>> -> memref<1x64xf32, #tpu.memory_space<vmem>>
    %dma_start3A_765 = arith.constant 0 : i32
    %dma_start3A_766 = tpu.memref_slice %arg2[%squeeze3A_756, %dma_start3A_765] : memref<1000000x64xf32, #tpu.memory_space<hbm>> -> memref<1x64xf32, #tpu.memory_space<hbm>>
    tpu.enqueue_dma source(%dma_start3A_766 : memref<1x64xf32, #tpu.memory_space<hbm>>) target(%dma_start3A_764 : memref<1x64xf32, #tpu.memory_space<vmem>>) target_semaphore(%arg11 : memref<!tpu.dma_semaphore, #tpu.memory_space<semaphore_mem>>)
    %slice3A_767 = vector.extract_strided_slice %get3A_586 {offsets = [15], sizes = [1], strides = [1]} : vector<16xi32> to vector<1xi32>
    %squeeze3A_768 = vector.extract %slice3A_767[0] : i32 from vector<1xi32>
    %dma_start3A_769 = arith.constant 63 : i32
    %dma_start3A_770 = arith.constant 0 : i32
    %dma_start3A_771 = tpu.memref_slice %arg9[%dma_start3A_769, %dma_start3A_770] : memref<128x64xf32, #tpu.memory_space<vmem>> -> memref<1x64xf32, #tpu.memory_space<vmem>>
    %dma_start3A_772 = arith.constant 0 : i32
    %dma_start3A_773 = tpu.memref_slice %arg2[%squeeze3A_768, %dma_start3A_772] : memref<1000000x64xf32, #tpu.memory_space<hbm>> -> memref<1x64xf32, #tpu.memory_space<hbm>>
    %dma_start3A_774 = arith.constant 63 : i32
    %dma_start3A_775 = arith.constant 0 : i32
    %dma_start3A_776 = tpu.memref_slice %arg9[%dma_start3A_774, %dma_start3A_775] : memref<128x64xf32, #tpu.memory_space<vmem>> -> memref<1x64xf32, #tpu.memory_space<vmem>>
    %dma_start3A_777 = arith.constant 0 : i32
    %dma_start3A_778 = tpu.memref_slice %arg2[%squeeze3A_768, %dma_start3A_777] : memref<1000000x64xf32, #tpu.memory_space<hbm>> -> memref<1x64xf32, #tpu.memory_space<hbm>>
    tpu.enqueue_dma source(%dma_start3A_778 : memref<1x64xf32, #tpu.memory_space<hbm>>) target(%dma_start3A_776 : memref<1x64xf32, #tpu.memory_space<vmem>>) target_semaphore(%arg11 : memref<!tpu.dma_semaphore, #tpu.memory_space<semaphore_mem>>)
    %get3A_779 = arith.constant 64 : index
    %get3A_780 = tpu.vector_load %arg7[%get3A_779] {strides = array<i32>} : memref<128xi32, #tpu.memory_space<vmem>>, vector<16xi32>,
    %get3A_781 = vector.shape_cast %get3A_780 : vector<16xi32> to vector<16xi32>
    %slice3A_782 = vector.extract_strided_slice %get3A_781 {offsets = [0], sizes = [1], strides = [1]} : vector<16xi32> to vector<1xi32>
    %squeeze3A_783 = vector.extract %slice3A_782[0] : i32 from vector<1xi32>
    %dma_start3A_784 = arith.constant 64 : i32
    %dma_start3A_785 = arith.constant 0 : i32
    %dma_start3A_786 = tpu.memref_slice %arg9[%dma_start3A_784, %dma_start3A_785] : memref<128x64xf32, #tpu.memory_space<vmem>> -> memref<1x64xf32, #tpu.memory_space<vmem>>
    %dma_start3A_787 = arith.constant 0 : i32
    %dma_start3A_788 = tpu.memref_slice %arg2[%squeeze3A_783, %dma_start3A_787] : memref<1000000x64xf32, #tpu.memory_space<hbm>> -> memref<1x64xf32, #tpu.memory_space<hbm>>
    %dma_start3A_789 = arith.constant 64 : i32
    %dma_start3A_790 = arith.constant 0 : i32
    %dma_start3A_791 = tpu.memref_slice %arg9[%dma_start3A_789, %dma_start3A_790] : memref<128x64xf32, #tpu.memory_space<vmem>> -> memref<1x64xf32, #tpu.memory_space<vmem>>
    %dma_start3A_792 = arith.constant 0 : i32
    %dma_start3A_793 = tpu.memref_slice %arg2[%squeeze3A_783, %dma_start3A_792] : memref<1000000x64xf32, #tpu.memory_space<hbm>> -> memref<1x64xf32, #tpu.memory_space<hbm>>
    tpu.enqueue_dma source(%dma_start3A_793 : memref<1x64xf32, #tpu.memory_space<hbm>>) target(%dma_start3A_791 : memref<1x64xf32, #tpu.memory_space<vmem>>) target_semaphore(%arg11 : memref<!tpu.dma_semaphore, #tpu.memory_space<semaphore_mem>>)
    %slice3A_794 = vector.extract_strided_slice %get3A_781 {offsets = [1], sizes = [1], strides = [1]} : vector<16xi32> to vector<1xi32>
    %squeeze3A_795 = vector.extract %slice3A_794[0] : i32 from vector<1xi32>
    %dma_start3A_796 = arith.constant 65 : i32
    %dma_start3A_797 = arith.constant 0 : i32
    %dma_start3A_798 = tpu.memref_slice %arg9[%dma_start3A_796, %dma_start3A_797] : memref<128x64xf32, #tpu.memory_space<vmem>> -> memref<1x64xf32, #tpu.memory_space<vmem>>
    %dma_start3A_799 = arith.constant 0 : i32
    %dma_start3A_800 = tpu.memref_slice %arg2[%squeeze3A_795, %dma_start3A_799] : memref<1000000x64xf32, #tpu.memory_space<hbm>> -> memref<1x64xf32, #tpu.memory_space<hbm>>
    %dma_start3A_801 = arith.constant 65 : i32
    %dma_start3A_802 = arith.constant 0 : i32
    %dma_start3A_803 = tpu.memref_slice %arg9[%dma_start3A_801, %dma_start3A_802] : memref<128x64xf32, #tpu.memory_space<vmem>> -> memref<1x64xf32, #tpu.memory_space<vmem>>
    %dma_start3A_804 = arith.constant 0 : i32
    %dma_start3A_805 = tpu.memref_slice %arg2[%squeeze3A_795, %dma_start3A_804] : memref<1000000x64xf32, #tpu.memory_space<hbm>> -> memref<1x64xf32, #tpu.memory_space<hbm>>
    tpu.enqueue_dma source(%dma_start3A_805 : memref<1x64xf32, #tpu.memory_space<hbm>>) target(%dma_start3A_803 : memref<1x64xf32, #tpu.memory_space<vmem>>) target_semaphore(%arg11 : memref<!tpu.dma_semaphore, #tpu.memory_space<semaphore_mem>>)
    %slice3A_806 = vector.extract_strided_slice %get3A_781 {offsets = [2], sizes = [1], strides = [1]} : vector<16xi32> to vector<1xi32>
    %squeeze3A_807 = vector.extract %slice3A_806[0] : i32 from vector<1xi32>
    %dma_start3A_808 = arith.constant 66 : i32
    %dma_start3A_809 = arith.constant 0 : i32
    %dma_start3A_810 = tpu.memref_slice %arg9[%dma_start3A_808, %dma_start3A_809] : memref<128x64xf32, #tpu.memory_space<vmem>> -> memref<1x64xf32, #tpu.memory_space<vmem>>
    %dma_start3A_811 = arith.constant 0 : i32
    %dma_start3A_812 = tpu.memref_slice %arg2[%squeeze3A_807, %dma_start3A_811] : memref<1000000x64xf32, #tpu.memory_space<hbm>> -> memref<1x64xf32, #tpu.memory_space<hbm>>
    %dma_start3A_813 = arith.constant 66 : i32
    %dma_start3A_814 = arith.constant 0 : i32
    %dma_start3A_815 = tpu.memref_slice %arg9[%dma_start3A_813, %dma_start3A_814] : memref<128x64xf32, #tpu.memory_space<vmem>> -> memref<1x64xf32, #tpu.memory_space<vmem>>
    %dma_start3A_816 = arith.constant 0 : i32
    %dma_start3A_817 = tpu.memref_slice %arg2[%squeeze3A_807, %dma_start3A_816] : memref<1000000x64xf32, #tpu.memory_space<hbm>> -> memref<1x64xf32, #tpu.memory_space<hbm>>
    tpu.enqueue_dma source(%dma_start3A_817 : memref<1x64xf32, #tpu.memory_space<hbm>>) target(%dma_start3A_815 : memref<1x64xf32, #tpu.memory_space<vmem>>) target_semaphore(%arg11 : memref<!tpu.dma_semaphore, #tpu.memory_space<semaphore_mem>>)
    %slice3A_818 = vector.extract_strided_slice %get3A_781 {offsets = [3], sizes = [1], strides = [1]} : vector<16xi32> to vector<1xi32>
    %squeeze3A_819 = vector.extract %slice3A_818[0] : i32 from vector<1xi32>
    %dma_start3A_820 = arith.constant 67 : i32
    %dma_start3A_821 = arith.constant 0 : i32
    %dma_start3A_822 = tpu.memref_slice %arg9[%dma_start3A_820, %dma_start3A_821] : memref<128x64xf32, #tpu.memory_space<vmem>> -> memref<1x64xf32, #tpu.memory_space<vmem>>
    %dma_start3A_823 = arith.constant 0 : i32
    %dma_start3A_824 = tpu.memref_slice %arg2[%squeeze3A_819, %dma_start3A_823] : memref<1000000x64xf32, #tpu.memory_space<hbm>> -> memref<1x64xf32, #tpu.memory_space<hbm>>
    %dma_start3A_825 = arith.constant 67 : i32
    %dma_start3A_826 = arith.constant 0 : i32
    %dma_start3A_827 = tpu.memref_slice %arg9[%dma_start3A_825, %dma_start3A_826] : memref<128x64xf32, #tpu.memory_space<vmem>> -> memref<1x64xf32, #tpu.memory_space<vmem>>
    %dma_start3A_828 = arith.constant 0 : i32
    %dma_start3A_829 = tpu.memref_slice %arg2[%squeeze3A_819, %dma_start3A_828] : memref<1000000x64xf32, #tpu.memory_space<hbm>> -> memref<1x64xf32, #tpu.memory_space<hbm>>
    tpu.enqueue_dma source(%dma_start3A_829 : memref<1x64xf32, #tpu.memory_space<hbm>>) target(%dma_start3A_827 : memref<1x64xf32, #tpu.memory_space<vmem>>) target_semaphore(%arg11 : memref<!tpu.dma_semaphore, #tpu.memory_space<semaphore_mem>>)
    %slice3A_830 = vector.extract_strided_slice %get3A_781 {offsets = [4], sizes = [1], strides = [1]} : vector<16xi32> to vector<1xi32>
    %squeeze3A_831 = vector.extract %slice3A_830[0] : i32 from vector<1xi32>
    %dma_start3A_832 = arith.constant 68 : i32
    %dma_start3A_833 = arith.constant 0 : i32
    %dma_start3A_834 = tpu.memref_slice %arg9[%dma_start3A_832, %dma_start3A_833] : memref<128x64xf32, #tpu.memory_space<vmem>> -> memref<1x64xf32, #tpu.memory_space<vmem>>
    %dma_start3A_835 = arith.constant 0 : i32
    %dma_start3A_836 = tpu.memref_slice %arg2[%squeeze3A_831, %dma_start3A_835] : memref<1000000x64xf32, #tpu.memory_space<hbm>> -> memref<1x64xf32, #tpu.memory_space<hbm>>
    %dma_start3A_837 = arith.constant 68 : i32
    %dma_start3A_838 = arith.constant 0 : i32
    %dma_start3A_839 = tpu.memref_slice %arg9[%dma_start3A_837, %dma_start3A_838] : memref<128x64xf32, #tpu.memory_space<vmem>> -> memref<1x64xf32, #tpu.memory_space<vmem>>
    %dma_start3A_840 = arith.constant 0 : i32
    %dma_start3A_841 = tpu.memref_slice %arg2[%squeeze3A_831, %dma_start3A_840] : memref<1000000x64xf32, #tpu.memory_space<hbm>> -> memref<1x64xf32, #tpu.memory_space<hbm>>
    tpu.enqueue_dma source(%dma_start3A_841 : memref<1x64xf32, #tpu.memory_space<hbm>>) target(%dma_start3A_839 : memref<1x64xf32, #tpu.memory_space<vmem>>) target_semaphore(%arg11 : memref<!tpu.dma_semaphore, #tpu.memory_space<semaphore_mem>>)
    %slice3A_842 = vector.extract_strided_slice %get3A_781 {offsets = [5], sizes = [1], strides = [1]} : vector<16xi32> to vector<1xi32>
    %squeeze3A_843 = vector.extract %slice3A_842[0] : i32 from vector<1xi32>
    %dma_start3A_844 = arith.constant 69 : i32
    %dma_start3A_845 = arith.constant 0 : i32
    %dma_start3A_846 = tpu.memref_slice %arg9[%dma_start3A_844, %dma_start3A_845] : memref<128x64xf32, #tpu.memory_space<vmem>> -> memref<1x64xf32, #tpu.memory_space<vmem>>
    %dma_start3A_847 = arith.constant 0 : i32
    %dma_start3A_848 = tpu.memref_slice %arg2[%squeeze3A_843, %dma_start3A_847] : memref<1000000x64xf32, #tpu.memory_space<hbm>> -> memref<1x64xf32, #tpu.memory_space<hbm>>
    %dma_start3A_849 = arith.constant 69 : i32
    %dma_start3A_850 = arith.constant 0 : i32
    %dma_start3A_851 = tpu.memref_slice %arg9[%dma_start3A_849, %dma_start3A_850] : memref<128x64xf32, #tpu.memory_space<vmem>> -> memref<1x64xf32, #tpu.memory_space<vmem>>
    %dma_start3A_852 = arith.constant 0 : i32
    %dma_start3A_853 = tpu.memref_slice %arg2[%squeeze3A_843, %dma_start3A_852] : memref<1000000x64xf32, #tpu.memory_space<hbm>> -> memref<1x64xf32, #tpu.memory_space<hbm>>
    tpu.enqueue_dma source(%dma_start3A_853 : memref<1x64xf32, #tpu.memory_space<hbm>>) target(%dma_start3A_851 : memref<1x64xf32, #tpu.memory_space<vmem>>) target_semaphore(%arg11 : memref<!tpu.dma_semaphore, #tpu.memory_space<semaphore_mem>>)
    %slice3A_854 = vector.extract_strided_slice %get3A_781 {offsets = [6], sizes = [1], strides = [1]} : vector<16xi32> to vector<1xi32>
    %squeeze3A_855 = vector.extract %slice3A_854[0] : i32 from vector<1xi32>
    %dma_start3A_856 = arith.constant 70 : i32
    %dma_start3A_857 = arith.constant 0 : i32
    %dma_start3A_858 = tpu.memref_slice %arg9[%dma_start3A_856, %dma_start3A_857] : memref<128x64xf32, #tpu.memory_space<vmem>> -> memref<1x64xf32, #tpu.memory_space<vmem>>
    %dma_start3A_859 = arith.constant 0 : i32
    %dma_start3A_860 = tpu.memref_slice %arg2[%squeeze3A_855, %dma_start3A_859] : memref<1000000x64xf32, #tpu.memory_space<hbm>> -> memref<1x64xf32, #tpu.memory_space<hbm>>
    %dma_start3A_861 = arith.constant 70 : i32
    %dma_start3A_862 = arith.constant 0 : i32
    %dma_start3A_863 = tpu.memref_slice %arg9[%dma_start3A_861, %dma_start3A_862] : memref<128x64xf32, #tpu.memory_space<vmem>> -> memref<1x64xf32, #tpu.memory_space<vmem>>
    %dma_start3A_864 = arith.constant 0 : i32
    %dma_start3A_865 = tpu.memref_slice %arg2[%squeeze3A_855, %dma_start3A_864] : memref<1000000x64xf32, #tpu.memory_space<hbm>> -> memref<1x64xf32, #tpu.memory_space<hbm>>
    tpu.enqueue_dma source(%dma_start3A_865 : memref<1x64xf32, #tpu.memory_space<hbm>>) target(%dma_start3A_863 : memref<1x64xf32, #tpu.memory_space<vmem>>) target_semaphore(%arg11 : memref<!tpu.dma_semaphore, #tpu.memory_space<semaphore_mem>>)
    %slice3A_866 = vector.extract_strided_slice %get3A_781 {offsets = [7], sizes = [1], strides = [1]} : vector<16xi32> to vector<1xi32>
    %squeeze3A_867 = vector.extract %slice3A_866[0] : i32 from vector<1xi32>
    %dma_start3A_868 = arith.constant 71 : i32
    %dma_start3A_869 = arith.constant 0 : i32
    %dma_start3A_870 = tpu.memref_slice %arg9[%dma_start3A_868, %dma_start3A_869] : memref<128x64xf32, #tpu.memory_space<vmem>> -> memref<1x64xf32, #tpu.memory_space<vmem>>
    %dma_start3A_871 = arith.constant 0 : i32
    %dma_start3A_872 = tpu.memref_slice %arg2[%squeeze3A_867, %dma_start3A_871] : memref<1000000x64xf32, #tpu.memory_space<hbm>> -> memref<1x64xf32, #tpu.memory_space<hbm>>
    %dma_start3A_873 = arith.constant 71 : i32
    %dma_start3A_874 = arith.constant 0 : i32
    %dma_start3A_875 = tpu.memref_slice %arg9[%dma_start3A_873, %dma_start3A_874] : memref<128x64xf32, #tpu.memory_space<vmem>> -> memref<1x64xf32, #tpu.memory_space<vmem>>
    %dma_start3A_876 = arith.constant 0 : i32
    %dma_start3A_877 = tpu.memref_slice %arg2[%squeeze3A_867, %dma_start3A_876] : memref<1000000x64xf32, #tpu.memory_space<hbm>> -> memref<1x64xf32, #tpu.memory_space<hbm>>
    tpu.enqueue_dma source(%dma_start3A_877 : memref<1x64xf32, #tpu.memory_space<hbm>>) target(%dma_start3A_875 : memref<1x64xf32, #tpu.memory_space<vmem>>) target_semaphore(%arg11 : memref<!tpu.dma_semaphore, #tpu.memory_space<semaphore_mem>>)
    %slice3A_878 = vector.extract_strided_slice %get3A_781 {offsets = [8], sizes = [1], strides = [1]} : vector<16xi32> to vector<1xi32>
    %squeeze3A_879 = vector.extract %slice3A_878[0] : i32 from vector<1xi32>
    %dma_start3A_880 = arith.constant 72 : i32
    %dma_start3A_881 = arith.constant 0 : i32
    %dma_start3A_882 = tpu.memref_slice %arg9[%dma_start3A_880, %dma_start3A_881] : memref<128x64xf32, #tpu.memory_space<vmem>> -> memref<1x64xf32, #tpu.memory_space<vmem>>
    %dma_start3A_883 = arith.constant 0 : i32
    %dma_start3A_884 = tpu.memref_slice %arg2[%squeeze3A_879, %dma_start3A_883] : memref<1000000x64xf32, #tpu.memory_space<hbm>> -> memref<1x64xf32, #tpu.memory_space<hbm>>
    %dma_start3A_885 = arith.constant 72 : i32
    %dma_start3A_886 = arith.constant 0 : i32
    %dma_start3A_887 = tpu.memref_slice %arg9[%dma_start3A_885, %dma_start3A_886] : memref<128x64xf32, #tpu.memory_space<vmem>> -> memref<1x64xf32, #tpu.memory_space<vmem>>
    %dma_start3A_888 = arith.constant 0 : i32
    %dma_start3A_889 = tpu.memref_slice %arg2[%squeeze3A_879, %dma_start3A_888] : memref<1000000x64xf32, #tpu.memory_space<hbm>> -> memref<1x64xf32, #tpu.memory_space<hbm>>
    tpu.enqueue_dma source(%dma_start3A_889 : memref<1x64xf32, #tpu.memory_space<hbm>>) target(%dma_start3A_887 : memref<1x64xf32, #tpu.memory_space<vmem>>) target_semaphore(%arg11 : memref<!tpu.dma_semaphore, #tpu.memory_space<semaphore_mem>>)
    %slice3A_890 = vector.extract_strided_slice %get3A_781 {offsets = [9], sizes = [1], strides = [1]} : vector<16xi32> to vector<1xi32>
    %squeeze3A_891 = vector.extract %slice3A_890[0] : i32 from vector<1xi32>
    %dma_start3A_892 = arith.constant 73 : i32
    %dma_start3A_893 = arith.constant 0 : i32
    %dma_start3A_894 = tpu.memref_slice %arg9[%dma_start3A_892, %dma_start3A_893] : memref<128x64xf32, #tpu.memory_space<vmem>> -> memref<1x64xf32, #tpu.memory_space<vmem>>
    %dma_start3A_895 = arith.constant 0 : i32
    %dma_start3A_896 = tpu.memref_slice %arg2[%squeeze3A_891, %dma_start3A_895] : memref<1000000x64xf32, #tpu.memory_space<hbm>> -> memref<1x64xf32, #tpu.memory_space<hbm>>
    %dma_start3A_897 = arith.constant 73 : i32
    %dma_start3A_898 = arith.constant 0 : i32
    %dma_start3A_899 = tpu.memref_slice %arg9[%dma_start3A_897, %dma_start3A_898] : memref<128x64xf32, #tpu.memory_space<vmem>> -> memref<1x64xf32, #tpu.memory_space<vmem>>
    %dma_start3A_900 = arith.constant 0 : i32
    %dma_start3A_901 = tpu.memref_slice %arg2[%squeeze3A_891, %dma_start3A_900] : memref<1000000x64xf32, #tpu.memory_space<hbm>> -> memref<1x64xf32, #tpu.memory_space<hbm>>
    tpu.enqueue_dma source(%dma_start3A_901 : memref<1x64xf32, #tpu.memory_space<hbm>>) target(%dma_start3A_899 : memref<1x64xf32, #tpu.memory_space<vmem>>) target_semaphore(%arg11 : memref<!tpu.dma_semaphore, #tpu.memory_space<semaphore_mem>>)
    %slice3A_902 = vector.extract_strided_slice %get3A_781 {offsets = [10], sizes = [1], strides = [1]} : vector<16xi32> to vector<1xi32>
    %squeeze3A_903 = vector.extract %slice3A_902[0] : i32 from vector<1xi32>
    %dma_start3A_904 = arith.constant 74 : i32
    %dma_start3A_905 = arith.constant 0 : i32
    %dma_start3A_906 = tpu.memref_slice %arg9[%dma_start3A_904, %dma_start3A_905] : memref<128x64xf32, #tpu.memory_space<vmem>> -> memref<1x64xf32, #tpu.memory_space<vmem>>
    %dma_start3A_907 = arith.constant 0 : i32
    %dma_start3A_908 = tpu.memref_slice %arg2[%squeeze3A_903, %dma_start3A_907] : memref<1000000x64xf32, #tpu.memory_space<hbm>> -> memref<1x64xf32, #tpu.memory_space<hbm>>
    %dma_start3A_909 = arith.constant 74 : i32
    %dma_start3A_910 = arith.constant 0 : i32
    %dma_start3A_911 = tpu.memref_slice %arg9[%dma_start3A_909, %dma_start3A_910] : memref<128x64xf32, #tpu.memory_space<vmem>> -> memref<1x64xf32, #tpu.memory_space<vmem>>
    %dma_start3A_912 = arith.constant 0 : i32
    %dma_start3A_913 = tpu.memref_slice %arg2[%squeeze3A_903, %dma_start3A_912] : memref<1000000x64xf32, #tpu.memory_space<hbm>> -> memref<1x64xf32, #tpu.memory_space<hbm>>
    tpu.enqueue_dma source(%dma_start3A_913 : memref<1x64xf32, #tpu.memory_space<hbm>>) target(%dma_start3A_911 : memref<1x64xf32, #tpu.memory_space<vmem>>) target_semaphore(%arg11 : memref<!tpu.dma_semaphore, #tpu.memory_space<semaphore_mem>>)
    %slice3A_914 = vector.extract_strided_slice %get3A_781 {offsets = [11], sizes = [1], strides = [1]} : vector<16xi32> to vector<1xi32>
    %squeeze3A_915 = vector.extract %slice3A_914[0] : i32 from vector<1xi32>
    %dma_start3A_916 = arith.constant 75 : i32
    %dma_start3A_917 = arith.constant 0 : i32
    %dma_start3A_918 = tpu.memref_slice %arg9[%dma_start3A_916, %dma_start3A_917] : memref<128x64xf32, #tpu.memory_space<vmem>> -> memref<1x64xf32, #tpu.memory_space<vmem>>
    %dma_start3A_919 = arith.constant 0 : i32
    %dma_start3A_920 = tpu.memref_slice %arg2[%squeeze3A_915, %dma_start3A_919] : memref<1000000x64xf32, #tpu.memory_space<hbm>> -> memref<1x64xf32, #tpu.memory_space<hbm>>
    %dma_start3A_921 = arith.constant 75 : i32
    %dma_start3A_922 = arith.constant 0 : i32
    %dma_start3A_923 = tpu.memref_slice %arg9[%dma_start3A_921, %dma_start3A_922] : memref<128x64xf32, #tpu.memory_space<vmem>> -> memref<1x64xf32, #tpu.memory_space<vmem>>
    %dma_start3A_924 = arith.constant 0 : i32
    %dma_start3A_925 = tpu.memref_slice %arg2[%squeeze3A_915, %dma_start3A_924] : memref<1000000x64xf32, #tpu.memory_space<hbm>> -> memref<1x64xf32, #tpu.memory_space<hbm>>
    tpu.enqueue_dma source(%dma_start3A_925 : memref<1x64xf32, #tpu.memory_space<hbm>>) target(%dma_start3A_923 : memref<1x64xf32, #tpu.memory_space<vmem>>) target_semaphore(%arg11 : memref<!tpu.dma_semaphore, #tpu.memory_space<semaphore_mem>>)
    %slice3A_926 = vector.extract_strided_slice %get3A_781 {offsets = [12], sizes = [1], strides = [1]} : vector<16xi32> to vector<1xi32>
    %squeeze3A_927 = vector.extract %slice3A_926[0] : i32 from vector<1xi32>
    %dma_start3A_928 = arith.constant 76 : i32
    %dma_start3A_929 = arith.constant 0 : i32
    %dma_start3A_930 = tpu.memref_slice %arg9[%dma_start3A_928, %dma_start3A_929] : memref<128x64xf32, #tpu.memory_space<vmem>> -> memref<1x64xf32, #tpu.memory_space<vmem>>
    %dma_start3A_931 = arith.constant 0 : i32
    %dma_start3A_932 = tpu.memref_slice %arg2[%squeeze3A_927, %dma_start3A_931] : memref<1000000x64xf32, #tpu.memory_space<hbm>> -> memref<1x64xf32, #tpu.memory_space<hbm>>
    %dma_start3A_933 = arith.constant 76 : i32
    %dma_start3A_934 = arith.constant 0 : i32
    %dma_start3A_935 = tpu.memref_slice %arg9[%dma_start3A_933, %dma_start3A_934] : memref<128x64xf32, #tpu.memory_space<vmem>> -> memref<1x64xf32, #tpu.memory_space<vmem>>
    %dma_start3A_936 = arith.constant 0 : i32
    %dma_start3A_937 = tpu.memref_slice %arg2[%squeeze3A_927, %dma_start3A_936] : memref<1000000x64xf32, #tpu.memory_space<hbm>> -> memref<1x64xf32, #tpu.memory_space<hbm>>
    tpu.enqueue_dma source(%dma_start3A_937 : memref<1x64xf32, #tpu.memory_space<hbm>>) target(%dma_start3A_935 : memref<1x64xf32, #tpu.memory_space<vmem>>) target_semaphore(%arg11 : memref<!tpu.dma_semaphore, #tpu.memory_space<semaphore_mem>>)
    %slice3A_938 = vector.extract_strided_slice %get3A_781 {offsets = [13], sizes = [1], strides = [1]} : vector<16xi32> to vector<1xi32>
    %squeeze3A_939 = vector.extract %slice3A_938[0] : i32 from vector<1xi32>
    %dma_start3A_940 = arith.constant 77 : i32
    %dma_start3A_941 = arith.constant 0 : i32
    %dma_start3A_942 = tpu.memref_slice %arg9[%dma_start3A_940, %dma_start3A_941] : memref<128x64xf32, #tpu.memory_space<vmem>> -> memref<1x64xf32, #tpu.memory_space<vmem>>
    %dma_start3A_943 = arith.constant 0 : i32
    %dma_start3A_944 = tpu.memref_slice %arg2[%squeeze3A_939, %dma_start3A_943] : memref<1000000x64xf32, #tpu.memory_space<hbm>> -> memref<1x64xf32, #tpu.memory_space<hbm>>
    %dma_start3A_945 = arith.constant 77 : i32
    %dma_start3A_946 = arith.constant 0 : i32
    %dma_start3A_947 = tpu.memref_slice %arg9[%dma_start3A_945, %dma_start3A_946] : memref<128x64xf32, #tpu.memory_space<vmem>> -> memref<1x64xf32, #tpu.memory_space<vmem>>
    %dma_start3A_948 = arith.constant 0 : i32
    %dma_start3A_949 = tpu.memref_slice %arg2[%squeeze3A_939, %dma_start3A_948] : memref<1000000x64xf32, #tpu.memory_space<hbm>> -> memref<1x64xf32, #tpu.memory_space<hbm>>
    tpu.enqueue_dma source(%dma_start3A_949 : memref<1x64xf32, #tpu.memory_space<hbm>>) target(%dma_start3A_947 : memref<1x64xf32, #tpu.memory_space<vmem>>) target_semaphore(%arg11 : memref<!tpu.dma_semaphore, #tpu.memory_space<semaphore_mem>>)
    %slice3A_950 = vector.extract_strided_slice %get3A_781 {offsets = [14], sizes = [1], strides = [1]} : vector<16xi32> to vector<1xi32>
    %squeeze3A_951 = vector.extract %slice3A_950[0] : i32 from vector<1xi32>
    %dma_start3A_952 = arith.constant 78 : i32
    %dma_start3A_953 = arith.constant 0 : i32
    %dma_start3A_954 = tpu.memref_slice %arg9[%dma_start3A_952, %dma_start3A_953] : memref<128x64xf32, #tpu.memory_space<vmem>> -> memref<1x64xf32, #tpu.memory_space<vmem>>
    %dma_start3A_955 = arith.constant 0 : i32
    %dma_start3A_956 = tpu.memref_slice %arg2[%squeeze3A_951, %dma_start3A_955] : memref<1000000x64xf32, #tpu.memory_space<hbm>> -> memref<1x64xf32, #tpu.memory_space<hbm>>
    %dma_start3A_957 = arith.constant 78 : i32
    %dma_start3A_958 = arith.constant 0 : i32
    %dma_start3A_959 = tpu.memref_slice %arg9[%dma_start3A_957, %dma_start3A_958] : memref<128x64xf32, #tpu.memory_space<vmem>> -> memref<1x64xf32, #tpu.memory_space<vmem>>
    %dma_start3A_960 = arith.constant 0 : i32
    %dma_start3A_961 = tpu.memref_slice %arg2[%squeeze3A_951, %dma_start3A_960] : memref<1000000x64xf32, #tpu.memory_space<hbm>> -> memref<1x64xf32, #tpu.memory_space<hbm>>
    tpu.enqueue_dma source(%dma_start3A_961 : memref<1x64xf32, #tpu.memory_space<hbm>>) target(%dma_start3A_959 : memref<1x64xf32, #tpu.memory_space<vmem>>) target_semaphore(%arg11 : memref<!tpu.dma_semaphore, #tpu.memory_space<semaphore_mem>>)
    %slice3A_962 = vector.extract_strided_slice %get3A_781 {offsets = [15], sizes = [1], strides = [1]} : vector<16xi32> to vector<1xi32>
    %squeeze3A_963 = vector.extract %slice3A_962[0] : i32 from vector<1xi32>
    %dma_start3A_964 = arith.constant 79 : i32
    %dma_start3A_965 = arith.constant 0 : i32
    %dma_start3A_966 = tpu.memref_slice %arg9[%dma_start3A_964, %dma_start3A_965] : memref<128x64xf32, #tpu.memory_space<vmem>> -> memref<1x64xf32, #tpu.memory_space<vmem>>
    %dma_start3A_967 = arith.constant 0 : i32
    %dma_start3A_968 = tpu.memref_slice %arg2[%squeeze3A_963, %dma_start3A_967] : memref<1000000x64xf32, #tpu.memory_space<hbm>> -> memref<1x64xf32, #tpu.memory_space<hbm>>
    %dma_start3A_969 = arith.constant 79 : i32
    %dma_start3A_970 = arith.constant 0 : i32
    %dma_start3A_971 = tpu.memref_slice %arg9[%dma_start3A_969, %dma_start3A_970] : memref<128x64xf32, #tpu.memory_space<vmem>> -> memref<1x64xf32, #tpu.memory_space<vmem>>
    %dma_start3A_972 = arith.constant 0 : i32
    %dma_start3A_973 = tpu.memref_slice %arg2[%squeeze3A_963, %dma_start3A_972] : memref<1000000x64xf32, #tpu.memory_space<hbm>> -> memref<1x64xf32, #tpu.memory_space<hbm>>
    tpu.enqueue_dma source(%dma_start3A_973 : memref<1x64xf32, #tpu.memory_space<hbm>>) target(%dma_start3A_971 : memref<1x64xf32, #tpu.memory_space<vmem>>) target_semaphore(%arg11 : memref<!tpu.dma_semaphore, #tpu.memory_space<semaphore_mem>>)
    %get3A_974 = arith.constant 80 : index
    %get3A_975 = tpu.vector_load %arg7[%get3A_974] {strides = array<i32>} : memref<128xi32, #tpu.memory_space<vmem>>, vector<16xi32>,
    %get3A_976 = vector.shape_cast %get3A_975 : vector<16xi32> to vector<16xi32>
    %slice3A_977 = vector.extract_strided_slice %get3A_976 {offsets = [0], sizes = [1], strides = [1]} : vector<16xi32> to vector<1xi32>
    %squeeze3A_978 = vector.extract %slice3A_977[0] : i32 from vector<1xi32>
    %dma_start3A_979 = arith.constant 80 : i32
    %dma_start3A_980 = arith.constant 0 : i32
    %dma_start3A_981 = tpu.memref_slice %arg9[%dma_start3A_979, %dma_start3A_980] : memref<128x64xf32, #tpu.memory_space<vmem>> -> memref<1x64xf32, #tpu.memory_space<vmem>>
    %dma_start3A_982 = arith.constant 0 : i32
    %dma_start3A_983 = tpu.memref_slice %arg2[%squeeze3A_978, %dma_start3A_982] : memref<1000000x64xf32, #tpu.memory_space<hbm>> -> memref<1x64xf32, #tpu.memory_space<hbm>>
    %dma_start3A_984 = arith.constant 80 : i32
    %dma_start3A_985 = arith.constant 0 : i32
    %dma_start3A_986 = tpu.memref_slice %arg9[%dma_start3A_984, %dma_start3A_985] : memref<128x64xf32, #tpu.memory_space<vmem>> -> memref<1x64xf32, #tpu.memory_space<vmem>>
    %dma_start3A_987 = arith.constant 0 : i32
    %dma_start3A_988 = tpu.memref_slice %arg2[%squeeze3A_978, %dma_start3A_987] : memref<1000000x64xf32, #tpu.memory_space<hbm>> -> memref<1x64xf32, #tpu.memory_space<hbm>>
    tpu.enqueue_dma source(%dma_start3A_988 : memref<1x64xf32, #tpu.memory_space<hbm>>) target(%dma_start3A_986 : memref<1x64xf32, #tpu.memory_space<vmem>>) target_semaphore(%arg11 : memref<!tpu.dma_semaphore, #tpu.memory_space<semaphore_mem>>)
    %slice3A_989 = vector.extract_strided_slice %get3A_976 {offsets = [1], sizes = [1], strides = [1]} : vector<16xi32> to vector<1xi32>
    %squeeze3A_990 = vector.extract %slice3A_989[0] : i32 from vector<1xi32>
    %dma_start3A_991 = arith.constant 81 : i32
    %dma_start3A_992 = arith.constant 0 : i32
    %dma_start3A_993 = tpu.memref_slice %arg9[%dma_start3A_991, %dma_start3A_992] : memref<128x64xf32, #tpu.memory_space<vmem>> -> memref<1x64xf32, #tpu.memory_space<vmem>>
    %dma_start3A_994 = arith.constant 0 : i32
    %dma_start3A_995 = tpu.memref_slice %arg2[%squeeze3A_990, %dma_start3A_994] : memref<1000000x64xf32, #tpu.memory_space<hbm>> -> memref<1x64xf32, #tpu.memory_space<hbm>>
    %dma_start3A_996 = arith.constant 81 : i32
    %dma_start3A_997 = arith.constant 0 : i32
    %dma_start3A_998 = tpu.memref_slice %arg9[%dma_start3A_996, %dma_start3A_997] : memref<128x64xf32, #tpu.memory_space<vmem>> -> memref<1x64xf32, #tpu.memory_space<vmem>>
    %dma_start3A_999 = arith.constant 0 : i32
    %dma_start3A_1000 = tpu.memref_slice %arg2[%squeeze3A_990, %dma_start3A_999] : memref<1000000x64xf32, #tpu.memory_space<hbm>> -> memref<1x64xf32, #tpu.memory_space<hbm>>
    tpu.enqueue_dma source(%dma_start3A_1000 : memref<1x64xf32, #tpu.memory_space<hbm>>) target(%dma_start3A_998 : memref<1x64xf32, #tpu.memory_space<vmem>>) target_semaphore(%arg11 : memref<!tpu.dma_semaphore, #tpu.memory_space<semaphore_mem>>)
    %slice3A_1001 = vector.extract_strided_slice %get3A_976 {offsets = [2], sizes = [1], strides = [1]} : vector<16xi32> to vector<1xi32>
    %squeeze3A_1002 = vector.extract %slice3A_1001[0] : i32 from vector<1xi32>
    %dma_start3A_1003 = arith.constant 82 : i32
    %dma_start3A_1004 = arith.constant 0 : i32
    %dma_start3A_1005 = tpu.memref_slice %arg9[%dma_start3A_1003, %dma_start3A_1004] : memref<128x64xf32, #tpu.memory_space<vmem>> -> memref<1x64xf32, #tpu.memory_space<vmem>>
    %dma_start3A_1006 = arith.constant 0 : i32
    %dma_start3A_1007 = tpu.memref_slice %arg2[%squeeze3A_1002, %dma_start3A_1006] : memref<1000000x64xf32, #tpu.memory_space<hbm>> -> memref<1x64xf32, #tpu.memory_space<hbm>>
    %dma_start3A_1008 = arith.constant 82 : i32
    %dma_start3A_1009 = arith.constant 0 : i32
    %dma_start3A_1010 = tpu.memref_slice %arg9[%dma_start3A_1008, %dma_start3A_1009] : memref<128x64xf32, #tpu.memory_space<vmem>> -> memref<1x64xf32, #tpu.memory_space<vmem>>
    %dma_start3A_1011 = arith.constant 0 : i32
    %dma_start3A_1012 = tpu.memref_slice %arg2[%squeeze3A_1002, %dma_start3A_1011] : memref<1000000x64xf32, #tpu.memory_space<hbm>> -> memref<1x64xf32, #tpu.memory_space<hbm>>
    tpu.enqueue_dma source(%dma_start3A_1012 : memref<1x64xf32, #tpu.memory_space<hbm>>) target(%dma_start3A_1010 : memref<1x64xf32, #tpu.memory_space<vmem>>) target_semaphore(%arg11 : memref<!tpu.dma_semaphore, #tpu.memory_space<semaphore_mem>>)
    %slice3A_1013 = vector.extract_strided_slice %get3A_976 {offsets = [3], sizes = [1], strides = [1]} : vector<16xi32> to vector<1xi32>
    %squeeze3A_1014 = vector.extract %slice3A_1013[0] : i32 from vector<1xi32>
    %dma_start3A_1015 = arith.constant 83 : i32
    %dma_start3A_1016 = arith.constant 0 : i32
    %dma_start3A_1017 = tpu.memref_slice %arg9[%dma_start3A_1015, %dma_start3A_1016] : memref<128x64xf32, #tpu.memory_space<vmem>> -> memref<1x64xf32, #tpu.memory_space<vmem>>
    %dma_start3A_1018 = arith.constant 0 : i32
    %dma_start3A_1019 = tpu.memref_slice %arg2[%squeeze3A_1014, %dma_start3A_1018] : memref<1000000x64xf32, #tpu.memory_space<hbm>> -> memref<1x64xf32, #tpu.memory_space<hbm>>
    %dma_start3A_1020 = arith.constant 83 : i32
    %dma_start3A_1021 = arith.constant 0 : i32
    %dma_start3A_1022 = tpu.memref_slice %arg9[%dma_start3A_1020, %dma_start3A_1021] : memref<128x64xf32, #tpu.memory_space<vmem>> -> memref<1x64xf32, #tpu.memory_space<vmem>>
    %dma_start3A_1023 = arith.constant 0 : i32
    %dma_start3A_1024 = tpu.memref_slice %arg2[%squeeze3A_1014, %dma_start3A_1023] : memref<1000000x64xf32, #tpu.memory_space<hbm>> -> memref<1x64xf32, #tpu.memory_space<hbm>>
    tpu.enqueue_dma source(%dma_start3A_1024 : memref<1x64xf32, #tpu.memory_space<hbm>>) target(%dma_start3A_1022 : memref<1x64xf32, #tpu.memory_space<vmem>>) target_semaphore(%arg11 : memref<!tpu.dma_semaphore, #tpu.memory_space<semaphore_mem>>)
    %slice3A_1025 = vector.extract_strided_slice %get3A_976 {offsets = [4], sizes = [1], strides = [1]} : vector<16xi32> to vector<1xi32>
    %squeeze3A_1026 = vector.extract %slice3A_1025[0] : i32 from vector<1xi32>
    %dma_start3A_1027 = arith.constant 84 : i32
    %dma_start3A_1028 = arith.constant 0 : i32
    %dma_start3A_1029 = tpu.memref_slice %arg9[%dma_start3A_1027, %dma_start3A_1028] : memref<128x64xf32, #tpu.memory_space<vmem>> -> memref<1x64xf32, #tpu.memory_space<vmem>>
    %dma_start3A_1030 = arith.constant 0 : i32
    %dma_start3A_1031 = tpu.memref_slice %arg2[%squeeze3A_1026, %dma_start3A_1030] : memref<1000000x64xf32, #tpu.memory_space<hbm>> -> memref<1x64xf32, #tpu.memory_space<hbm>>
    %dma_start3A_1032 = arith.constant 84 : i32
    %dma_start3A_1033 = arith.constant 0 : i32
    %dma_start3A_1034 = tpu.memref_slice %arg9[%dma_start3A_1032, %dma_start3A_1033] : memref<128x64xf32, #tpu.memory_space<vmem>> -> memref<1x64xf32, #tpu.memory_space<vmem>>
    %dma_start3A_1035 = arith.constant 0 : i32
    %dma_start3A_1036 = tpu.memref_slice %arg2[%squeeze3A_1026, %dma_start3A_1035] : memref<1000000x64xf32, #tpu.memory_space<hbm>> -> memref<1x64xf32, #tpu.memory_space<hbm>>
    tpu.enqueue_dma source(%dma_start3A_1036 : memref<1x64xf32, #tpu.memory_space<hbm>>) target(%dma_start3A_1034 : memref<1x64xf32, #tpu.memory_space<vmem>>) target_semaphore(%arg11 : memref<!tpu.dma_semaphore, #tpu.memory_space<semaphore_mem>>)
    %slice3A_1037 = vector.extract_strided_slice %get3A_976 {offsets = [5], sizes = [1], strides = [1]} : vector<16xi32> to vector<1xi32>
    %squeeze3A_1038 = vector.extract %slice3A_1037[0] : i32 from vector<1xi32>
    %dma_start3A_1039 = arith.constant 85 : i32
    %dma_start3A_1040 = arith.constant 0 : i32
    %dma_start3A_1041 = tpu.memref_slice %arg9[%dma_start3A_1039, %dma_start3A_1040] : memref<128x64xf32, #tpu.memory_space<vmem>> -> memref<1x64xf32, #tpu.memory_space<vmem>>
    %dma_start3A_1042 = arith.constant 0 : i32
    %dma_start3A_1043 = tpu.memref_slice %arg2[%squeeze3A_1038, %dma_start3A_1042] : memref<1000000x64xf32, #tpu.memory_space<hbm>> -> memref<1x64xf32, #tpu.memory_space<hbm>>
    %dma_start3A_1044 = arith.constant 85 : i32
    %dma_start3A_1045 = arith.constant 0 : i32
    %dma_start3A_1046 = tpu.memref_slice %arg9[%dma_start3A_1044, %dma_start3A_1045] : memref<128x64xf32, #tpu.memory_space<vmem>> -> memref<1x64xf32, #tpu.memory_space<vmem>>
    %dma_start3A_1047 = arith.constant 0 : i32
    %dma_start3A_1048 = tpu.memref_slice %arg2[%squeeze3A_1038, %dma_start3A_1047] : memref<1000000x64xf32, #tpu.memory_space<hbm>> -> memref<1x64xf32, #tpu.memory_space<hbm>>
    tpu.enqueue_dma source(%dma_start3A_1048 : memref<1x64xf32, #tpu.memory_space<hbm>>) target(%dma_start3A_1046 : memref<1x64xf32, #tpu.memory_space<vmem>>) target_semaphore(%arg11 : memref<!tpu.dma_semaphore, #tpu.memory_space<semaphore_mem>>)
    %slice3A_1049 = vector.extract_strided_slice %get3A_976 {offsets = [6], sizes = [1], strides = [1]} : vector<16xi32> to vector<1xi32>
    %squeeze3A_1050 = vector.extract %slice3A_1049[0] : i32 from vector<1xi32>
    %dma_start3A_1051 = arith.constant 86 : i32
    %dma_start3A_1052 = arith.constant 0 : i32
    %dma_start3A_1053 = tpu.memref_slice %arg9[%dma_start3A_1051, %dma_start3A_1052] : memref<128x64xf32, #tpu.memory_space<vmem>> -> memref<1x64xf32, #tpu.memory_space<vmem>>
    %dma_start3A_1054 = arith.constant 0 : i32
    %dma_start3A_1055 = tpu.memref_slice %arg2[%squeeze3A_1050, %dma_start3A_1054] : memref<1000000x64xf32, #tpu.memory_space<hbm>> -> memref<1x64xf32, #tpu.memory_space<hbm>>
    %dma_start3A_1056 = arith.constant 86 : i32
    %dma_start3A_1057 = arith.constant 0 : i32
    %dma_start3A_1058 = tpu.memref_slice %arg9[%dma_start3A_1056, %dma_start3A_1057] : memref<128x64xf32, #tpu.memory_space<vmem>> -> memref<1x64xf32, #tpu.memory_space<vmem>>
    %dma_start3A_1059 = arith.constant 0 : i32
    %dma_start3A_1060 = tpu.memref_slice %arg2[%squeeze3A_1050, %dma_start3A_1059] : memref<1000000x64xf32, #tpu.memory_space<hbm>> -> memref<1x64xf32, #tpu.memory_space<hbm>>
    tpu.enqueue_dma source(%dma_start3A_1060 : memref<1x64xf32, #tpu.memory_space<hbm>>) target(%dma_start3A_1058 : memref<1x64xf32, #tpu.memory_space<vmem>>) target_semaphore(%arg11 : memref<!tpu.dma_semaphore, #tpu.memory_space<semaphore_mem>>)
    %slice3A_1061 = vector.extract_strided_slice %get3A_976 {offsets = [7], sizes = [1], strides = [1]} : vector<16xi32> to vector<1xi32>
    %squeeze3A_1062 = vector.extract %slice3A_1061[0] : i32 from vector<1xi32>
    %dma_start3A_1063 = arith.constant 87 : i32
    %dma_start3A_1064 = arith.constant 0 : i32
    %dma_start3A_1065 = tpu.memref_slice %arg9[%dma_start3A_1063, %dma_start3A_1064] : memref<128x64xf32, #tpu.memory_space<vmem>> -> memref<1x64xf32, #tpu.memory_space<vmem>>
    %dma_start3A_1066 = arith.constant 0 : i32
    %dma_start3A_1067 = tpu.memref_slice %arg2[%squeeze3A_1062, %dma_start3A_1066] : memref<1000000x64xf32, #tpu.memory_space<hbm>> -> memref<1x64xf32, #tpu.memory_space<hbm>>
    %dma_start3A_1068 = arith.constant 87 : i32
    %dma_start3A_1069 = arith.constant 0 : i32
    %dma_start3A_1070 = tpu.memref_slice %arg9[%dma_start3A_1068, %dma_start3A_1069] : memref<128x64xf32, #tpu.memory_space<vmem>> -> memref<1x64xf32, #tpu.memory_space<vmem>>
    %dma_start3A_1071 = arith.constant 0 : i32
    %dma_start3A_1072 = tpu.memref_slice %arg2[%squeeze3A_1062, %dma_start3A_1071] : memref<1000000x64xf32, #tpu.memory_space<hbm>> -> memref<1x64xf32, #tpu.memory_space<hbm>>
    tpu.enqueue_dma source(%dma_start3A_1072 : memref<1x64xf32, #tpu.memory_space<hbm>>) target(%dma_start3A_1070 : memref<1x64xf32, #tpu.memory_space<vmem>>) target_semaphore(%arg11 : memref<!tpu.dma_semaphore, #tpu.memory_space<semaphore_mem>>)
    %slice3A_1073 = vector.extract_strided_slice %get3A_976 {offsets = [8], sizes = [1], strides = [1]} : vector<16xi32> to vector<1xi32>
    %squeeze3A_1074 = vector.extract %slice3A_1073[0] : i32 from vector<1xi32>
    %dma_start3A_1075 = arith.constant 88 : i32
    %dma_start3A_1076 = arith.constant 0 : i32
    %dma_start3A_1077 = tpu.memref_slice %arg9[%dma_start3A_1075, %dma_start3A_1076] : memref<128x64xf32, #tpu.memory_space<vmem>> -> memref<1x64xf32, #tpu.memory_space<vmem>>
    %dma_start3A_1078 = arith.constant 0 : i32
    %dma_start3A_1079 = tpu.memref_slice %arg2[%squeeze3A_1074, %dma_start3A_1078] : memref<1000000x64xf32, #tpu.memory_space<hbm>> -> memref<1x64xf32, #tpu.memory_space<hbm>>
    %dma_start3A_1080 = arith.constant 88 : i32
    %dma_start3A_1081 = arith.constant 0 : i32
    %dma_start3A_1082 = tpu.memref_slice %arg9[%dma_start3A_1080, %dma_start3A_1081] : memref<128x64xf32, #tpu.memory_space<vmem>> -> memref<1x64xf32, #tpu.memory_space<vmem>>
    %dma_start3A_1083 = arith.constant 0 : i32
    %dma_start3A_1084 = tpu.memref_slice %arg2[%squeeze3A_1074, %dma_start3A_1083] : memref<1000000x64xf32, #tpu.memory_space<hbm>> -> memref<1x64xf32, #tpu.memory_space<hbm>>
    tpu.enqueue_dma source(%dma_start3A_1084 : memref<1x64xf32, #tpu.memory_space<hbm>>) target(%dma_start3A_1082 : memref<1x64xf32, #tpu.memory_space<vmem>>) target_semaphore(%arg11 : memref<!tpu.dma_semaphore, #tpu.memory_space<semaphore_mem>>)
    %slice3A_1085 = vector.extract_strided_slice %get3A_976 {offsets = [9], sizes = [1], strides = [1]} : vector<16xi32> to vector<1xi32>
    %squeeze3A_1086 = vector.extract %slice3A_1085[0] : i32 from vector<1xi32>
    %dma_start3A_1087 = arith.constant 89 : i32
    %dma_start3A_1088 = arith.constant 0 : i32
    %dma_start3A_1089 = tpu.memref_slice %arg9[%dma_start3A_1087, %dma_start3A_1088] : memref<128x64xf32, #tpu.memory_space<vmem>> -> memref<1x64xf32, #tpu.memory_space<vmem>>
    %dma_start3A_1090 = arith.constant 0 : i32
    %dma_start3A_1091 = tpu.memref_slice %arg2[%squeeze3A_1086, %dma_start3A_1090] : memref<1000000x64xf32, #tpu.memory_space<hbm>> -> memref<1x64xf32, #tpu.memory_space<hbm>>
    %dma_start3A_1092 = arith.constant 89 : i32
    %dma_start3A_1093 = arith.constant 0 : i32
    %dma_start3A_1094 = tpu.memref_slice %arg9[%dma_start3A_1092, %dma_start3A_1093] : memref<128x64xf32, #tpu.memory_space<vmem>> -> memref<1x64xf32, #tpu.memory_space<vmem>>
    %dma_start3A_1095 = arith.constant 0 : i32
    %dma_start3A_1096 = tpu.memref_slice %arg2[%squeeze3A_1086, %dma_start3A_1095] : memref<1000000x64xf32, #tpu.memory_space<hbm>> -> memref<1x64xf32, #tpu.memory_space<hbm>>
    tpu.enqueue_dma source(%dma_start3A_1096 : memref<1x64xf32, #tpu.memory_space<hbm>>) target(%dma_start3A_1094 : memref<1x64xf32, #tpu.memory_space<vmem>>) target_semaphore(%arg11 : memref<!tpu.dma_semaphore, #tpu.memory_space<semaphore_mem>>)
    %slice3A_1097 = vector.extract_strided_slice %get3A_976 {offsets = [10], sizes = [1], strides = [1]} : vector<16xi32> to vector<1xi32>
    %squeeze3A_1098 = vector.extract %slice3A_1097[0] : i32 from vector<1xi32>
    %dma_start3A_1099 = arith.constant 90 : i32
    %dma_start3A_1100 = arith.constant 0 : i32
    %dma_start3A_1101 = tpu.memref_slice %arg9[%dma_start3A_1099, %dma_start3A_1100] : memref<128x64xf32, #tpu.memory_space<vmem>> -> memref<1x64xf32, #tpu.memory_space<vmem>>
    %dma_start3A_1102 = arith.constant 0 : i32
    %dma_start3A_1103 = tpu.memref_slice %arg2[%squeeze3A_1098, %dma_start3A_1102] : memref<1000000x64xf32, #tpu.memory_space<hbm>> -> memref<1x64xf32, #tpu.memory_space<hbm>>
    %dma_start3A_1104 = arith.constant 90 : i32
    %dma_start3A_1105 = arith.constant 0 : i32
    %dma_start3A_1106 = tpu.memref_slice %arg9[%dma_start3A_1104, %dma_start3A_1105] : memref<128x64xf32, #tpu.memory_space<vmem>> -> memref<1x64xf32, #tpu.memory_space<vmem>>
    %dma_start3A_1107 = arith.constant 0 : i32
    %dma_start3A_1108 = tpu.memref_slice %arg2[%squeeze3A_1098, %dma_start3A_1107] : memref<1000000x64xf32, #tpu.memory_space<hbm>> -> memref<1x64xf32, #tpu.memory_space<hbm>>
    tpu.enqueue_dma source(%dma_start3A_1108 : memref<1x64xf32, #tpu.memory_space<hbm>>) target(%dma_start3A_1106 : memref<1x64xf32, #tpu.memory_space<vmem>>) target_semaphore(%arg11 : memref<!tpu.dma_semaphore, #tpu.memory_space<semaphore_mem>>)
    %slice3A_1109 = vector.extract_strided_slice %get3A_976 {offsets = [11], sizes = [1], strides = [1]} : vector<16xi32> to vector<1xi32>
    %squeeze3A_1110 = vector.extract %slice3A_1109[0] : i32 from vector<1xi32>
    %dma_start3A_1111 = arith.constant 91 : i32
    %dma_start3A_1112 = arith.constant 0 : i32
    %dma_start3A_1113 = tpu.memref_slice %arg9[%dma_start3A_1111, %dma_start3A_1112] : memref<128x64xf32, #tpu.memory_space<vmem>> -> memref<1x64xf32, #tpu.memory_space<vmem>>
    %dma_start3A_1114 = arith.constant 0 : i32
    %dma_start3A_1115 = tpu.memref_slice %arg2[%squeeze3A_1110, %dma_start3A_1114] : memref<1000000x64xf32, #tpu.memory_space<hbm>> -> memref<1x64xf32, #tpu.memory_space<hbm>>
    %dma_start3A_1116 = arith.constant 91 : i32
    %dma_start3A_1117 = arith.constant 0 : i32
    %dma_start3A_1118 = tpu.memref_slice %arg9[%dma_start3A_1116, %dma_start3A_1117] : memref<128x64xf32, #tpu.memory_space<vmem>> -> memref<1x64xf32, #tpu.memory_space<vmem>>
    %dma_start3A_1119 = arith.constant 0 : i32
    %dma_start3A_1120 = tpu.memref_slice %arg2[%squeeze3A_1110, %dma_start3A_1119] : memref<1000000x64xf32, #tpu.memory_space<hbm>> -> memref<1x64xf32, #tpu.memory_space<hbm>>
    tpu.enqueue_dma source(%dma_start3A_1120 : memref<1x64xf32, #tpu.memory_space<hbm>>) target(%dma_start3A_1118 : memref<1x64xf32, #tpu.memory_space<vmem>>) target_semaphore(%arg11 : memref<!tpu.dma_semaphore, #tpu.memory_space<semaphore_mem>>)
    %slice3A_1121 = vector.extract_strided_slice %get3A_976 {offsets = [12], sizes = [1], strides = [1]} : vector<16xi32> to vector<1xi32>
    %squeeze3A_1122 = vector.extract %slice3A_1121[0] : i32 from vector<1xi32>
    %dma_start3A_1123 = arith.constant 92 : i32
    %dma_start3A_1124 = arith.constant 0 : i32
    %dma_start3A_1125 = tpu.memref_slice %arg9[%dma_start3A_1123, %dma_start3A_1124] : memref<128x64xf32, #tpu.memory_space<vmem>> -> memref<1x64xf32, #tpu.memory_space<vmem>>
    %dma_start3A_1126 = arith.constant 0 : i32
    %dma_start3A_1127 = tpu.memref_slice %arg2[%squeeze3A_1122, %dma_start3A_1126] : memref<1000000x64xf32, #tpu.memory_space<hbm>> -> memref<1x64xf32, #tpu.memory_space<hbm>>
    %dma_start3A_1128 = arith.constant 92 : i32
    %dma_start3A_1129 = arith.constant 0 : i32
    %dma_start3A_1130 = tpu.memref_slice %arg9[%dma_start3A_1128, %dma_start3A_1129] : memref<128x64xf32, #tpu.memory_space<vmem>> -> memref<1x64xf32, #tpu.memory_space<vmem>>
    %dma_start3A_1131 = arith.constant 0 : i32
    %dma_start3A_1132 = tpu.memref_slice %arg2[%squeeze3A_1122, %dma_start3A_1131] : memref<1000000x64xf32, #tpu.memory_space<hbm>> -> memref<1x64xf32, #tpu.memory_space<hbm>>
    tpu.enqueue_dma source(%dma_start3A_1132 : memref<1x64xf32, #tpu.memory_space<hbm>>) target(%dma_start3A_1130 : memref<1x64xf32, #tpu.memory_space<vmem>>) target_semaphore(%arg11 : memref<!tpu.dma_semaphore, #tpu.memory_space<semaphore_mem>>)
    %slice3A_1133 = vector.extract_strided_slice %get3A_976 {offsets = [13], sizes = [1], strides = [1]} : vector<16xi32> to vector<1xi32>
    %squeeze3A_1134 = vector.extract %slice3A_1133[0] : i32 from vector<1xi32>
    %dma_start3A_1135 = arith.constant 93 : i32
    %dma_start3A_1136 = arith.constant 0 : i32
    %dma_start3A_1137 = tpu.memref_slice %arg9[%dma_start3A_1135, %dma_start3A_1136] : memref<128x64xf32, #tpu.memory_space<vmem>> -> memref<1x64xf32, #tpu.memory_space<vmem>>
    %dma_start3A_1138 = arith.constant 0 : i32
    %dma_start3A_1139 = tpu.memref_slice %arg2[%squeeze3A_1134, %dma_start3A_1138] : memref<1000000x64xf32, #tpu.memory_space<hbm>> -> memref<1x64xf32, #tpu.memory_space<hbm>>
    %dma_start3A_1140 = arith.constant 93 : i32
    %dma_start3A_1141 = arith.constant 0 : i32
    %dma_start3A_1142 = tpu.memref_slice %arg9[%dma_start3A_1140, %dma_start3A_1141] : memref<128x64xf32, #tpu.memory_space<vmem>> -> memref<1x64xf32, #tpu.memory_space<vmem>>
    %dma_start3A_1143 = arith.constant 0 : i32
    %dma_start3A_1144 = tpu.memref_slice %arg2[%squeeze3A_1134, %dma_start3A_1143] : memref<1000000x64xf32, #tpu.memory_space<hbm>> -> memref<1x64xf32, #tpu.memory_space<hbm>>
    tpu.enqueue_dma source(%dma_start3A_1144 : memref<1x64xf32, #tpu.memory_space<hbm>>) target(%dma_start3A_1142 : memref<1x64xf32, #tpu.memory_space<vmem>>) target_semaphore(%arg11 : memref<!tpu.dma_semaphore, #tpu.memory_space<semaphore_mem>>)
    %slice3A_1145 = vector.extract_strided_slice %get3A_976 {offsets = [14], sizes = [1], strides = [1]} : vector<16xi32> to vector<1xi32>
    %squeeze3A_1146 = vector.extract %slice3A_1145[0] : i32 from vector<1xi32>
    %dma_start3A_1147 = arith.constant 94 : i32
    %dma_start3A_1148 = arith.constant 0 : i32
    %dma_start3A_1149 = tpu.memref_slice %arg9[%dma_start3A_1147, %dma_start3A_1148] : memref<128x64xf32, #tpu.memory_space<vmem>> -> memref<1x64xf32, #tpu.memory_space<vmem>>
    %dma_start3A_1150 = arith.constant 0 : i32
    %dma_start3A_1151 = tpu.memref_slice %arg2[%squeeze3A_1146, %dma_start3A_1150] : memref<1000000x64xf32, #tpu.memory_space<hbm>> -> memref<1x64xf32, #tpu.memory_space<hbm>>
    %dma_start3A_1152 = arith.constant 94 : i32
    %dma_start3A_1153 = arith.constant 0 : i32
    %dma_start3A_1154 = tpu.memref_slice %arg9[%dma_start3A_1152, %dma_start3A_1153] : memref<128x64xf32, #tpu.memory_space<vmem>> -> memref<1x64xf32, #tpu.memory_space<vmem>>
    %dma_start3A_1155 = arith.constant 0 : i32
    %dma_start3A_1156 = tpu.memref_slice %arg2[%squeeze3A_1146, %dma_start3A_1155] : memref<1000000x64xf32, #tpu.memory_space<hbm>> -> memref<1x64xf32, #tpu.memory_space<hbm>>
    tpu.enqueue_dma source(%dma_start3A_1156 : memref<1x64xf32, #tpu.memory_space<hbm>>) target(%dma_start3A_1154 : memref<1x64xf32, #tpu.memory_space<vmem>>) target_semaphore(%arg11 : memref<!tpu.dma_semaphore, #tpu.memory_space<semaphore_mem>>)
    %slice3A_1157 = vector.extract_strided_slice %get3A_976 {offsets = [15], sizes = [1], strides = [1]} : vector<16xi32> to vector<1xi32>
    %squeeze3A_1158 = vector.extract %slice3A_1157[0] : i32 from vector<1xi32>
    %dma_start3A_1159 = arith.constant 95 : i32
    %dma_start3A_1160 = arith.constant 0 : i32
    %dma_start3A_1161 = tpu.memref_slice %arg9[%dma_start3A_1159, %dma_start3A_1160] : memref<128x64xf32, #tpu.memory_space<vmem>> -> memref<1x64xf32, #tpu.memory_space<vmem>>
    %dma_start3A_1162 = arith.constant 0 : i32
    %dma_start3A_1163 = tpu.memref_slice %arg2[%squeeze3A_1158, %dma_start3A_1162] : memref<1000000x64xf32, #tpu.memory_space<hbm>> -> memref<1x64xf32, #tpu.memory_space<hbm>>
    %dma_start3A_1164 = arith.constant 95 : i32
    %dma_start3A_1165 = arith.constant 0 : i32
    %dma_start3A_1166 = tpu.memref_slice %arg9[%dma_start3A_1164, %dma_start3A_1165] : memref<128x64xf32, #tpu.memory_space<vmem>> -> memref<1x64xf32, #tpu.memory_space<vmem>>
    %dma_start3A_1167 = arith.constant 0 : i32
    %dma_start3A_1168 = tpu.memref_slice %arg2[%squeeze3A_1158, %dma_start3A_1167] : memref<1000000x64xf32, #tpu.memory_space<hbm>> -> memref<1x64xf32, #tpu.memory_space<hbm>>
    tpu.enqueue_dma source(%dma_start3A_1168 : memref<1x64xf32, #tpu.memory_space<hbm>>) target(%dma_start3A_1166 : memref<1x64xf32, #tpu.memory_space<vmem>>) target_semaphore(%arg11 : memref<!tpu.dma_semaphore, #tpu.memory_space<semaphore_mem>>)
    %get3A_1169 = arith.constant 96 : index
    %get3A_1170 = tpu.vector_load %arg7[%get3A_1169] {strides = array<i32>} : memref<128xi32, #tpu.memory_space<vmem>>, vector<16xi32>,
    %get3A_1171 = vector.shape_cast %get3A_1170 : vector<16xi32> to vector<16xi32>
    %slice3A_1172 = vector.extract_strided_slice %get3A_1171 {offsets = [0], sizes = [1], strides = [1]} : vector<16xi32> to vector<1xi32>
    %squeeze3A_1173 = vector.extract %slice3A_1172[0] : i32 from vector<1xi32>
    %dma_start3A_1174 = arith.constant 96 : i32
    %dma_start3A_1175 = arith.constant 0 : i32
    %dma_start3A_1176 = tpu.memref_slice %arg9[%dma_start3A_1174, %dma_start3A_1175] : memref<128x64xf32, #tpu.memory_space<vmem>> -> memref<1x64xf32, #tpu.memory_space<vmem>>
    %dma_start3A_1177 = arith.constant 0 : i32
    %dma_start3A_1178 = tpu.memref_slice %arg2[%squeeze3A_1173, %dma_start3A_1177] : memref<1000000x64xf32, #tpu.memory_space<hbm>> -> memref<1x64xf32, #tpu.memory_space<hbm>>
    %dma_start3A_1179 = arith.constant 96 : i32
    %dma_start3A_1180 = arith.constant 0 : i32
    %dma_start3A_1181 = tpu.memref_slice %arg9[%dma_start3A_1179, %dma_start3A_1180] : memref<128x64xf32, #tpu.memory_space<vmem>> -> memref<1x64xf32, #tpu.memory_space<vmem>>
    %dma_start3A_1182 = arith.constant 0 : i32
    %dma_start3A_1183 = tpu.memref_slice %arg2[%squeeze3A_1173, %dma_start3A_1182] : memref<1000000x64xf32, #tpu.memory_space<hbm>> -> memref<1x64xf32, #tpu.memory_space<hbm>>
    tpu.enqueue_dma source(%dma_start3A_1183 : memref<1x64xf32, #tpu.memory_space<hbm>>) target(%dma_start3A_1181 : memref<1x64xf32, #tpu.memory_space<vmem>>) target_semaphore(%arg11 : memref<!tpu.dma_semaphore, #tpu.memory_space<semaphore_mem>>)
    %slice3A_1184 = vector.extract_strided_slice %get3A_1171 {offsets = [1], sizes = [1], strides = [1]} : vector<16xi32> to vector<1xi32>
    %squeeze3A_1185 = vector.extract %slice3A_1184[0] : i32 from vector<1xi32>
    %dma_start3A_1186 = arith.constant 97 : i32
    %dma_start3A_1187 = arith.constant 0 : i32
    %dma_start3A_1188 = tpu.memref_slice %arg9[%dma_start3A_1186, %dma_start3A_1187] : memref<128x64xf32, #tpu.memory_space<vmem>> -> memref<1x64xf32, #tpu.memory_space<vmem>>
    %dma_start3A_1189 = arith.constant 0 : i32
    %dma_start3A_1190 = tpu.memref_slice %arg2[%squeeze3A_1185, %dma_start3A_1189] : memref<1000000x64xf32, #tpu.memory_space<hbm>> -> memref<1x64xf32, #tpu.memory_space<hbm>>
    %dma_start3A_1191 = arith.constant 97 : i32
    %dma_start3A_1192 = arith.constant 0 : i32
    %dma_start3A_1193 = tpu.memref_slice %arg9[%dma_start3A_1191, %dma_start3A_1192] : memref<128x64xf32, #tpu.memory_space<vmem>> -> memref<1x64xf32, #tpu.memory_space<vmem>>
    %dma_start3A_1194 = arith.constant 0 : i32
    %dma_start3A_1195 = tpu.memref_slice %arg2[%squeeze3A_1185, %dma_start3A_1194] : memref<1000000x64xf32, #tpu.memory_space<hbm>> -> memref<1x64xf32, #tpu.memory_space<hbm>>
    tpu.enqueue_dma source(%dma_start3A_1195 : memref<1x64xf32, #tpu.memory_space<hbm>>) target(%dma_start3A_1193 : memref<1x64xf32, #tpu.memory_space<vmem>>) target_semaphore(%arg11 : memref<!tpu.dma_semaphore, #tpu.memory_space<semaphore_mem>>)
    %slice3A_1196 = vector.extract_strided_slice %get3A_1171 {offsets = [2], sizes = [1], strides = [1]} : vector<16xi32> to vector<1xi32>
    %squeeze3A_1197 = vector.extract %slice3A_1196[0] : i32 from vector<1xi32>
    %dma_start3A_1198 = arith.constant 98 : i32
    %dma_start3A_1199 = arith.constant 0 : i32
    %dma_start3A_1200 = tpu.memref_slice %arg9[%dma_start3A_1198, %dma_start3A_1199] : memref<128x64xf32, #tpu.memory_space<vmem>> -> memref<1x64xf32, #tpu.memory_space<vmem>>
    %dma_start3A_1201 = arith.constant 0 : i32
    %dma_start3A_1202 = tpu.memref_slice %arg2[%squeeze3A_1197, %dma_start3A_1201] : memref<1000000x64xf32, #tpu.memory_space<hbm>> -> memref<1x64xf32, #tpu.memory_space<hbm>>
    %dma_start3A_1203 = arith.constant 98 : i32
    %dma_start3A_1204 = arith.constant 0 : i32
    %dma_start3A_1205 = tpu.memref_slice %arg9[%dma_start3A_1203, %dma_start3A_1204] : memref<128x64xf32, #tpu.memory_space<vmem>> -> memref<1x64xf32, #tpu.memory_space<vmem>>
    %dma_start3A_1206 = arith.constant 0 : i32
    %dma_start3A_1207 = tpu.memref_slice %arg2[%squeeze3A_1197, %dma_start3A_1206] : memref<1000000x64xf32, #tpu.memory_space<hbm>> -> memref<1x64xf32, #tpu.memory_space<hbm>>
    tpu.enqueue_dma source(%dma_start3A_1207 : memref<1x64xf32, #tpu.memory_space<hbm>>) target(%dma_start3A_1205 : memref<1x64xf32, #tpu.memory_space<vmem>>) target_semaphore(%arg11 : memref<!tpu.dma_semaphore, #tpu.memory_space<semaphore_mem>>)
    %slice3A_1208 = vector.extract_strided_slice %get3A_1171 {offsets = [3], sizes = [1], strides = [1]} : vector<16xi32> to vector<1xi32>
    %squeeze3A_1209 = vector.extract %slice3A_1208[0] : i32 from vector<1xi32>
    %dma_start3A_1210 = arith.constant 99 : i32
    %dma_start3A_1211 = arith.constant 0 : i32
    %dma_start3A_1212 = tpu.memref_slice %arg9[%dma_start3A_1210, %dma_start3A_1211] : memref<128x64xf32, #tpu.memory_space<vmem>> -> memref<1x64xf32, #tpu.memory_space<vmem>>
    %dma_start3A_1213 = arith.constant 0 : i32
    %dma_start3A_1214 = tpu.memref_slice %arg2[%squeeze3A_1209, %dma_start3A_1213] : memref<1000000x64xf32, #tpu.memory_space<hbm>> -> memref<1x64xf32, #tpu.memory_space<hbm>>
    %dma_start3A_1215 = arith.constant 99 : i32
    %dma_start3A_1216 = arith.constant 0 : i32
    %dma_start3A_1217 = tpu.memref_slice %arg9[%dma_start3A_1215, %dma_start3A_1216] : memref<128x64xf32, #tpu.memory_space<vmem>> -> memref<1x64xf32, #tpu.memory_space<vmem>>
    %dma_start3A_1218 = arith.constant 0 : i32
    %dma_start3A_1219 = tpu.memref_slice %arg2[%squeeze3A_1209, %dma_start3A_1218] : memref<1000000x64xf32, #tpu.memory_space<hbm>> -> memref<1x64xf32, #tpu.memory_space<hbm>>
    tpu.enqueue_dma source(%dma_start3A_1219 : memref<1x64xf32, #tpu.memory_space<hbm>>) target(%dma_start3A_1217 : memref<1x64xf32, #tpu.memory_space<vmem>>) target_semaphore(%arg11 : memref<!tpu.dma_semaphore, #tpu.memory_space<semaphore_mem>>)
    %slice3A_1220 = vector.extract_strided_slice %get3A_1171 {offsets = [4], sizes = [1], strides = [1]} : vector<16xi32> to vector<1xi32>
    %squeeze3A_1221 = vector.extract %slice3A_1220[0] : i32 from vector<1xi32>
    %dma_start3A_1222 = arith.constant 100 : i32
    %dma_start3A_1223 = arith.constant 0 : i32
    %dma_start3A_1224 = tpu.memref_slice %arg9[%dma_start3A_1222, %dma_start3A_1223] : memref<128x64xf32, #tpu.memory_space<vmem>> -> memref<1x64xf32, #tpu.memory_space<vmem>>
    %dma_start3A_1225 = arith.constant 0 : i32
    %dma_start3A_1226 = tpu.memref_slice %arg2[%squeeze3A_1221, %dma_start3A_1225] : memref<1000000x64xf32, #tpu.memory_space<hbm>> -> memref<1x64xf32, #tpu.memory_space<hbm>>
    %dma_start3A_1227 = arith.constant 100 : i32
    %dma_start3A_1228 = arith.constant 0 : i32
    %dma_start3A_1229 = tpu.memref_slice %arg9[%dma_start3A_1227, %dma_start3A_1228] : memref<128x64xf32, #tpu.memory_space<vmem>> -> memref<1x64xf32, #tpu.memory_space<vmem>>
    %dma_start3A_1230 = arith.constant 0 : i32
    %dma_start3A_1231 = tpu.memref_slice %arg2[%squeeze3A_1221, %dma_start3A_1230] : memref<1000000x64xf32, #tpu.memory_space<hbm>> -> memref<1x64xf32, #tpu.memory_space<hbm>>
    tpu.enqueue_dma source(%dma_start3A_1231 : memref<1x64xf32, #tpu.memory_space<hbm>>) target(%dma_start3A_1229 : memref<1x64xf32, #tpu.memory_space<vmem>>) target_semaphore(%arg11 : memref<!tpu.dma_semaphore, #tpu.memory_space<semaphore_mem>>)
    %slice3A_1232 = vector.extract_strided_slice %get3A_1171 {offsets = [5], sizes = [1], strides = [1]} : vector<16xi32> to vector<1xi32>
    %squeeze3A_1233 = vector.extract %slice3A_1232[0] : i32 from vector<1xi32>
    %dma_start3A_1234 = arith.constant 101 : i32
    %dma_start3A_1235 = arith.constant 0 : i32
    %dma_start3A_1236 = tpu.memref_slice %arg9[%dma_start3A_1234, %dma_start3A_1235] : memref<128x64xf32, #tpu.memory_space<vmem>> -> memref<1x64xf32, #tpu.memory_space<vmem>>
    %dma_start3A_1237 = arith.constant 0 : i32
    %dma_start3A_1238 = tpu.memref_slice %arg2[%squeeze3A_1233, %dma_start3A_1237] : memref<1000000x64xf32, #tpu.memory_space<hbm>> -> memref<1x64xf32, #tpu.memory_space<hbm>>
    %dma_start3A_1239 = arith.constant 101 : i32
    %dma_start3A_1240 = arith.constant 0 : i32
    %dma_start3A_1241 = tpu.memref_slice %arg9[%dma_start3A_1239, %dma_start3A_1240] : memref<128x64xf32, #tpu.memory_space<vmem>> -> memref<1x64xf32, #tpu.memory_space<vmem>>
    %dma_start3A_1242 = arith.constant 0 : i32
    %dma_start3A_1243 = tpu.memref_slice %arg2[%squeeze3A_1233, %dma_start3A_1242] : memref<1000000x64xf32, #tpu.memory_space<hbm>> -> memref<1x64xf32, #tpu.memory_space<hbm>>
    tpu.enqueue_dma source(%dma_start3A_1243 : memref<1x64xf32, #tpu.memory_space<hbm>>) target(%dma_start3A_1241 : memref<1x64xf32, #tpu.memory_space<vmem>>) target_semaphore(%arg11 : memref<!tpu.dma_semaphore, #tpu.memory_space<semaphore_mem>>)
    %slice3A_1244 = vector.extract_strided_slice %get3A_1171 {offsets = [6], sizes = [1], strides = [1]} : vector<16xi32> to vector<1xi32>
    %squeeze3A_1245 = vector.extract %slice3A_1244[0] : i32 from vector<1xi32>
    %dma_start3A_1246 = arith.constant 102 : i32
    %dma_start3A_1247 = arith.constant 0 : i32
    %dma_start3A_1248 = tpu.memref_slice %arg9[%dma_start3A_1246, %dma_start3A_1247] : memref<128x64xf32, #tpu.memory_space<vmem>> -> memref<1x64xf32, #tpu.memory_space<vmem>>
    %dma_start3A_1249 = arith.constant 0 : i32
    %dma_start3A_1250 = tpu.memref_slice %arg2[%squeeze3A_1245, %dma_start3A_1249] : memref<1000000x64xf32, #tpu.memory_space<hbm>> -> memref<1x64xf32, #tpu.memory_space<hbm>>
    %dma_start3A_1251 = arith.constant 102 : i32
    %dma_start3A_1252 = arith.constant 0 : i32
    %dma_start3A_1253 = tpu.memref_slice %arg9[%dma_start3A_1251, %dma_start3A_1252] : memref<128x64xf32, #tpu.memory_space<vmem>> -> memref<1x64xf32, #tpu.memory_space<vmem>>
    %dma_start3A_1254 = arith.constant 0 : i32
    %dma_start3A_1255 = tpu.memref_slice %arg2[%squeeze3A_1245, %dma_start3A_1254] : memref<1000000x64xf32, #tpu.memory_space<hbm>> -> memref<1x64xf32, #tpu.memory_space<hbm>>
    tpu.enqueue_dma source(%dma_start3A_1255 : memref<1x64xf32, #tpu.memory_space<hbm>>) target(%dma_start3A_1253 : memref<1x64xf32, #tpu.memory_space<vmem>>) target_semaphore(%arg11 : memref<!tpu.dma_semaphore, #tpu.memory_space<semaphore_mem>>)
    %slice3A_1256 = vector.extract_strided_slice %get3A_1171 {offsets = [7], sizes = [1], strides = [1]} : vector<16xi32> to vector<1xi32>
    %squeeze3A_1257 = vector.extract %slice3A_1256[0] : i32 from vector<1xi32>
    %dma_start3A_1258 = arith.constant 103 : i32
    %dma_start3A_1259 = arith.constant 0 : i32
    %dma_start3A_1260 = tpu.memref_slice %arg9[%dma_start3A_1258, %dma_start3A_1259] : memref<128x64xf32, #tpu.memory_space<vmem>> -> memref<1x64xf32, #tpu.memory_space<vmem>>
    %dma_start3A_1261 = arith.constant 0 : i32
    %dma_start3A_1262 = tpu.memref_slice %arg2[%squeeze3A_1257, %dma_start3A_1261] : memref<1000000x64xf32, #tpu.memory_space<hbm>> -> memref<1x64xf32, #tpu.memory_space<hbm>>
    %dma_start3A_1263 = arith.constant 103 : i32
    %dma_start3A_1264 = arith.constant 0 : i32
    %dma_start3A_1265 = tpu.memref_slice %arg9[%dma_start3A_1263, %dma_start3A_1264] : memref<128x64xf32, #tpu.memory_space<vmem>> -> memref<1x64xf32, #tpu.memory_space<vmem>>
    %dma_start3A_1266 = arith.constant 0 : i32
    %dma_start3A_1267 = tpu.memref_slice %arg2[%squeeze3A_1257, %dma_start3A_1266] : memref<1000000x64xf32, #tpu.memory_space<hbm>> -> memref<1x64xf32, #tpu.memory_space<hbm>>
    tpu.enqueue_dma source(%dma_start3A_1267 : memref<1x64xf32, #tpu.memory_space<hbm>>) target(%dma_start3A_1265 : memref<1x64xf32, #tpu.memory_space<vmem>>) target_semaphore(%arg11 : memref<!tpu.dma_semaphore, #tpu.memory_space<semaphore_mem>>)
    %slice3A_1268 = vector.extract_strided_slice %get3A_1171 {offsets = [8], sizes = [1], strides = [1]} : vector<16xi32> to vector<1xi32>
    %squeeze3A_1269 = vector.extract %slice3A_1268[0] : i32 from vector<1xi32>
    %dma_start3A_1270 = arith.constant 104 : i32
    %dma_start3A_1271 = arith.constant 0 : i32
    %dma_start3A_1272 = tpu.memref_slice %arg9[%dma_start3A_1270, %dma_start3A_1271] : memref<128x64xf32, #tpu.memory_space<vmem>> -> memref<1x64xf32, #tpu.memory_space<vmem>>
    %dma_start3A_1273 = arith.constant 0 : i32
    %dma_start3A_1274 = tpu.memref_slice %arg2[%squeeze3A_1269, %dma_start3A_1273] : memref<1000000x64xf32, #tpu.memory_space<hbm>> -> memref<1x64xf32, #tpu.memory_space<hbm>>
    %dma_start3A_1275 = arith.constant 104 : i32
    %dma_start3A_1276 = arith.constant 0 : i32
    %dma_start3A_1277 = tpu.memref_slice %arg9[%dma_start3A_1275, %dma_start3A_1276] : memref<128x64xf32, #tpu.memory_space<vmem>> -> memref<1x64xf32, #tpu.memory_space<vmem>>
    %dma_start3A_1278 = arith.constant 0 : i32
    %dma_start3A_1279 = tpu.memref_slice %arg2[%squeeze3A_1269, %dma_start3A_1278] : memref<1000000x64xf32, #tpu.memory_space<hbm>> -> memref<1x64xf32, #tpu.memory_space<hbm>>
    tpu.enqueue_dma source(%dma_start3A_1279 : memref<1x64xf32, #tpu.memory_space<hbm>>) target(%dma_start3A_1277 : memref<1x64xf32, #tpu.memory_space<vmem>>) target_semaphore(%arg11 : memref<!tpu.dma_semaphore, #tpu.memory_space<semaphore_mem>>)
    %slice3A_1280 = vector.extract_strided_slice %get3A_1171 {offsets = [9], sizes = [1], strides = [1]} : vector<16xi32> to vector<1xi32>
    %squeeze3A_1281 = vector.extract %slice3A_1280[0] : i32 from vector<1xi32>
    %dma_start3A_1282 = arith.constant 105 : i32
    %dma_start3A_1283 = arith.constant 0 : i32
    %dma_start3A_1284 = tpu.memref_slice %arg9[%dma_start3A_1282, %dma_start3A_1283] : memref<128x64xf32, #tpu.memory_space<vmem>> -> memref<1x64xf32, #tpu.memory_space<vmem>>
    %dma_start3A_1285 = arith.constant 0 : i32
    %dma_start3A_1286 = tpu.memref_slice %arg2[%squeeze3A_1281, %dma_start3A_1285] : memref<1000000x64xf32, #tpu.memory_space<hbm>> -> memref<1x64xf32, #tpu.memory_space<hbm>>
    %dma_start3A_1287 = arith.constant 105 : i32
    %dma_start3A_1288 = arith.constant 0 : i32
    %dma_start3A_1289 = tpu.memref_slice %arg9[%dma_start3A_1287, %dma_start3A_1288] : memref<128x64xf32, #tpu.memory_space<vmem>> -> memref<1x64xf32, #tpu.memory_space<vmem>>
    %dma_start3A_1290 = arith.constant 0 : i32
    %dma_start3A_1291 = tpu.memref_slice %arg2[%squeeze3A_1281, %dma_start3A_1290] : memref<1000000x64xf32, #tpu.memory_space<hbm>> -> memref<1x64xf32, #tpu.memory_space<hbm>>
    tpu.enqueue_dma source(%dma_start3A_1291 : memref<1x64xf32, #tpu.memory_space<hbm>>) target(%dma_start3A_1289 : memref<1x64xf32, #tpu.memory_space<vmem>>) target_semaphore(%arg11 : memref<!tpu.dma_semaphore, #tpu.memory_space<semaphore_mem>>)
    %slice3A_1292 = vector.extract_strided_slice %get3A_1171 {offsets = [10], sizes = [1], strides = [1]} : vector<16xi32> to vector<1xi32>
    %squeeze3A_1293 = vector.extract %slice3A_1292[0] : i32 from vector<1xi32>
    %dma_start3A_1294 = arith.constant 106 : i32
    %dma_start3A_1295 = arith.constant 0 : i32
    %dma_start3A_1296 = tpu.memref_slice %arg9[%dma_start3A_1294, %dma_start3A_1295] : memref<128x64xf32, #tpu.memory_space<vmem>> -> memref<1x64xf32, #tpu.memory_space<vmem>>
    %dma_start3A_1297 = arith.constant 0 : i32
    %dma_start3A_1298 = tpu.memref_slice %arg2[%squeeze3A_1293, %dma_start3A_1297] : memref<1000000x64xf32, #tpu.memory_space<hbm>> -> memref<1x64xf32, #tpu.memory_space<hbm>>
    %dma_start3A_1299 = arith.constant 106 : i32
    %dma_start3A_1300 = arith.constant 0 : i32
    %dma_start3A_1301 = tpu.memref_slice %arg9[%dma_start3A_1299, %dma_start3A_1300] : memref<128x64xf32, #tpu.memory_space<vmem>> -> memref<1x64xf32, #tpu.memory_space<vmem>>
    %dma_start3A_1302 = arith.constant 0 : i32
    %dma_start3A_1303 = tpu.memref_slice %arg2[%squeeze3A_1293, %dma_start3A_1302] : memref<1000000x64xf32, #tpu.memory_space<hbm>> -> memref<1x64xf32, #tpu.memory_space<hbm>>
    tpu.enqueue_dma source(%dma_start3A_1303 : memref<1x64xf32, #tpu.memory_space<hbm>>) target(%dma_start3A_1301 : memref<1x64xf32, #tpu.memory_space<vmem>>) target_semaphore(%arg11 : memref<!tpu.dma_semaphore, #tpu.memory_space<semaphore_mem>>)
    %slice3A_1304 = vector.extract_strided_slice %get3A_1171 {offsets = [11], sizes = [1], strides = [1]} : vector<16xi32> to vector<1xi32>
    %squeeze3A_1305 = vector.extract %slice3A_1304[0] : i32 from vector<1xi32>
    %dma_start3A_1306 = arith.constant 107 : i32
    %dma_start3A_1307 = arith.constant 0 : i32
    %dma_start3A_1308 = tpu.memref_slice %arg9[%dma_start3A_1306, %dma_start3A_1307] : memref<128x64xf32, #tpu.memory_space<vmem>> -> memref<1x64xf32, #tpu.memory_space<vmem>>
    %dma_start3A_1309 = arith.constant 0 : i32
    %dma_start3A_1310 = tpu.memref_slice %arg2[%squeeze3A_1305, %dma_start3A_1309] : memref<1000000x64xf32, #tpu.memory_space<hbm>> -> memref<1x64xf32, #tpu.memory_space<hbm>>
    %dma_start3A_1311 = arith.constant 107 : i32
    %dma_start3A_1312 = arith.constant 0 : i32
    %dma_start3A_1313 = tpu.memref_slice %arg9[%dma_start3A_1311, %dma_start3A_1312] : memref<128x64xf32, #tpu.memory_space<vmem>> -> memref<1x64xf32, #tpu.memory_space<vmem>>
    %dma_start3A_1314 = arith.constant 0 : i32
    %dma_start3A_1315 = tpu.memref_slice %arg2[%squeeze3A_1305, %dma_start3A_1314] : memref<1000000x64xf32, #tpu.memory_space<hbm>> -> memref<1x64xf32, #tpu.memory_space<hbm>>
    tpu.enqueue_dma source(%dma_start3A_1315 : memref<1x64xf32, #tpu.memory_space<hbm>>) target(%dma_start3A_1313 : memref<1x64xf32, #tpu.memory_space<vmem>>) target_semaphore(%arg11 : memref<!tpu.dma_semaphore, #tpu.memory_space<semaphore_mem>>)
    %slice3A_1316 = vector.extract_strided_slice %get3A_1171 {offsets = [12], sizes = [1], strides = [1]} : vector<16xi32> to vector<1xi32>
    %squeeze3A_1317 = vector.extract %slice3A_1316[0] : i32 from vector<1xi32>
    %dma_start3A_1318 = arith.constant 108 : i32
    %dma_start3A_1319 = arith.constant 0 : i32
    %dma_start3A_1320 = tpu.memref_slice %arg9[%dma_start3A_1318, %dma_start3A_1319] : memref<128x64xf32, #tpu.memory_space<vmem>> -> memref<1x64xf32, #tpu.memory_space<vmem>>
    %dma_start3A_1321 = arith.constant 0 : i32
    %dma_start3A_1322 = tpu.memref_slice %arg2[%squeeze3A_1317, %dma_start3A_1321] : memref<1000000x64xf32, #tpu.memory_space<hbm>> -> memref<1x64xf32, #tpu.memory_space<hbm>>
    %dma_start3A_1323 = arith.constant 108 : i32
    %dma_start3A_1324 = arith.constant 0 : i32
    %dma_start3A_1325 = tpu.memref_slice %arg9[%dma_start3A_1323, %dma_start3A_1324] : memref<128x64xf32, #tpu.memory_space<vmem>> -> memref<1x64xf32, #tpu.memory_space<vmem>>
    %dma_start3A_1326 = arith.constant 0 : i32
    %dma_start3A_1327 = tpu.memref_slice %arg2[%squeeze3A_1317, %dma_start3A_1326] : memref<1000000x64xf32, #tpu.memory_space<hbm>> -> memref<1x64xf32, #tpu.memory_space<hbm>>
    tpu.enqueue_dma source(%dma_start3A_1327 : memref<1x64xf32, #tpu.memory_space<hbm>>) target(%dma_start3A_1325 : memref<1x64xf32, #tpu.memory_space<vmem>>) target_semaphore(%arg11 : memref<!tpu.dma_semaphore, #tpu.memory_space<semaphore_mem>>)
    %slice3A_1328 = vector.extract_strided_slice %get3A_1171 {offsets = [13], sizes = [1], strides = [1]} : vector<16xi32> to vector<1xi32>
    %squeeze3A_1329 = vector.extract %slice3A_1328[0] : i32 from vector<1xi32>
    %dma_start3A_1330 = arith.constant 109 : i32
    %dma_start3A_1331 = arith.constant 0 : i32
    %dma_start3A_1332 = tpu.memref_slice %arg9[%dma_start3A_1330, %dma_start3A_1331] : memref<128x64xf32, #tpu.memory_space<vmem>> -> memref<1x64xf32, #tpu.memory_space<vmem>>
    %dma_start3A_1333 = arith.constant 0 : i32
    %dma_start3A_1334 = tpu.memref_slice %arg2[%squeeze3A_1329, %dma_start3A_1333] : memref<1000000x64xf32, #tpu.memory_space<hbm>> -> memref<1x64xf32, #tpu.memory_space<hbm>>
    %dma_start3A_1335 = arith.constant 109 : i32
    %dma_start3A_1336 = arith.constant 0 : i32
    %dma_start3A_1337 = tpu.memref_slice %arg9[%dma_start3A_1335, %dma_start3A_1336] : memref<128x64xf32, #tpu.memory_space<vmem>> -> memref<1x64xf32, #tpu.memory_space<vmem>>
    %dma_start3A_1338 = arith.constant 0 : i32
    %dma_start3A_1339 = tpu.memref_slice %arg2[%squeeze3A_1329, %dma_start3A_1338] : memref<1000000x64xf32, #tpu.memory_space<hbm>> -> memref<1x64xf32, #tpu.memory_space<hbm>>
    tpu.enqueue_dma source(%dma_start3A_1339 : memref<1x64xf32, #tpu.memory_space<hbm>>) target(%dma_start3A_1337 : memref<1x64xf32, #tpu.memory_space<vmem>>) target_semaphore(%arg11 : memref<!tpu.dma_semaphore, #tpu.memory_space<semaphore_mem>>)
    %slice3A_1340 = vector.extract_strided_slice %get3A_1171 {offsets = [14], sizes = [1], strides = [1]} : vector<16xi32> to vector<1xi32>
    %squeeze3A_1341 = vector.extract %slice3A_1340[0] : i32 from vector<1xi32>
    %dma_start3A_1342 = arith.constant 110 : i32
    %dma_start3A_1343 = arith.constant 0 : i32
    %dma_start3A_1344 = tpu.memref_slice %arg9[%dma_start3A_1342, %dma_start3A_1343] : memref<128x64xf32, #tpu.memory_space<vmem>> -> memref<1x64xf32, #tpu.memory_space<vmem>>
    %dma_start3A_1345 = arith.constant 0 : i32
    %dma_start3A_1346 = tpu.memref_slice %arg2[%squeeze3A_1341, %dma_start3A_1345] : memref<1000000x64xf32, #tpu.memory_space<hbm>> -> memref<1x64xf32, #tpu.memory_space<hbm>>
    %dma_start3A_1347 = arith.constant 110 : i32
    %dma_start3A_1348 = arith.constant 0 : i32
    %dma_start3A_1349 = tpu.memref_slice %arg9[%dma_start3A_1347, %dma_start3A_1348] : memref<128x64xf32, #tpu.memory_space<vmem>> -> memref<1x64xf32, #tpu.memory_space<vmem>>
    %dma_start3A_1350 = arith.constant 0 : i32
    %dma_start3A_1351 = tpu.memref_slice %arg2[%squeeze3A_1341, %dma_start3A_1350] : memref<1000000x64xf32, #tpu.memory_space<hbm>> -> memref<1x64xf32, #tpu.memory_space<hbm>>
    tpu.enqueue_dma source(%dma_start3A_1351 : memref<1x64xf32, #tpu.memory_space<hbm>>) target(%dma_start3A_1349 : memref<1x64xf32, #tpu.memory_space<vmem>>) target_semaphore(%arg11 : memref<!tpu.dma_semaphore, #tpu.memory_space<semaphore_mem>>)
    %slice3A_1352 = vector.extract_strided_slice %get3A_1171 {offsets = [15], sizes = [1], strides = [1]} : vector<16xi32> to vector<1xi32>
    %squeeze3A_1353 = vector.extract %slice3A_1352[0] : i32 from vector<1xi32>
    %dma_start3A_1354 = arith.constant 111 : i32
    %dma_start3A_1355 = arith.constant 0 : i32
    %dma_start3A_1356 = tpu.memref_slice %arg9[%dma_start3A_1354, %dma_start3A_1355] : memref<128x64xf32, #tpu.memory_space<vmem>> -> memref<1x64xf32, #tpu.memory_space<vmem>>
    %dma_start3A_1357 = arith.constant 0 : i32
    %dma_start3A_1358 = tpu.memref_slice %arg2[%squeeze3A_1353, %dma_start3A_1357] : memref<1000000x64xf32, #tpu.memory_space<hbm>> -> memref<1x64xf32, #tpu.memory_space<hbm>>
    %dma_start3A_1359 = arith.constant 111 : i32
    %dma_start3A_1360 = arith.constant 0 : i32
    %dma_start3A_1361 = tpu.memref_slice %arg9[%dma_start3A_1359, %dma_start3A_1360] : memref<128x64xf32, #tpu.memory_space<vmem>> -> memref<1x64xf32, #tpu.memory_space<vmem>>
    %dma_start3A_1362 = arith.constant 0 : i32
    %dma_start3A_1363 = tpu.memref_slice %arg2[%squeeze3A_1353, %dma_start3A_1362] : memref<1000000x64xf32, #tpu.memory_space<hbm>> -> memref<1x64xf32, #tpu.memory_space<hbm>>
    tpu.enqueue_dma source(%dma_start3A_1363 : memref<1x64xf32, #tpu.memory_space<hbm>>) target(%dma_start3A_1361 : memref<1x64xf32, #tpu.memory_space<vmem>>) target_semaphore(%arg11 : memref<!tpu.dma_semaphore, #tpu.memory_space<semaphore_mem>>)
    %get3A_1364 = arith.constant 112 : index
    %get3A_1365 = tpu.vector_load %arg7[%get3A_1364] {strides = array<i32>} : memref<128xi32, #tpu.memory_space<vmem>>, vector<16xi32>,
    %get3A_1366 = vector.shape_cast %get3A_1365 : vector<16xi32> to vector<16xi32>
    %slice3A_1367 = vector.extract_strided_slice %get3A_1366 {offsets = [0], sizes = [1], strides = [1]} : vector<16xi32> to vector<1xi32>
    %squeeze3A_1368 = vector.extract %slice3A_1367[0] : i32 from vector<1xi32>
    %dma_start3A_1369 = arith.constant 112 : i32
    %dma_start3A_1370 = arith.constant 0 : i32
    %dma_start3A_1371 = tpu.memref_slice %arg9[%dma_start3A_1369, %dma_start3A_1370] : memref<128x64xf32, #tpu.memory_space<vmem>> -> memref<1x64xf32, #tpu.memory_space<vmem>>
    %dma_start3A_1372 = arith.constant 0 : i32
    %dma_start3A_1373 = tpu.memref_slice %arg2[%squeeze3A_1368, %dma_start3A_1372] : memref<1000000x64xf32, #tpu.memory_space<hbm>> -> memref<1x64xf32, #tpu.memory_space<hbm>>
    %dma_start3A_1374 = arith.constant 112 : i32
    %dma_start3A_1375 = arith.constant 0 : i32
    %dma_start3A_1376 = tpu.memref_slice %arg9[%dma_start3A_1374, %dma_start3A_1375] : memref<128x64xf32, #tpu.memory_space<vmem>> -> memref<1x64xf32, #tpu.memory_space<vmem>>
    %dma_start3A_1377 = arith.constant 0 : i32
    %dma_start3A_1378 = tpu.memref_slice %arg2[%squeeze3A_1368, %dma_start3A_1377] : memref<1000000x64xf32, #tpu.memory_space<hbm>> -> memref<1x64xf32, #tpu.memory_space<hbm>>
    tpu.enqueue_dma source(%dma_start3A_1378 : memref<1x64xf32, #tpu.memory_space<hbm>>) target(%dma_start3A_1376 : memref<1x64xf32, #tpu.memory_space<vmem>>) target_semaphore(%arg11 : memref<!tpu.dma_semaphore, #tpu.memory_space<semaphore_mem>>)
    %slice3A_1379 = vector.extract_strided_slice %get3A_1366 {offsets = [1], sizes = [1], strides = [1]} : vector<16xi32> to vector<1xi32>
    %squeeze3A_1380 = vector.extract %slice3A_1379[0] : i32 from vector<1xi32>
    %dma_start3A_1381 = arith.constant 113 : i32
    %dma_start3A_1382 = arith.constant 0 : i32
    %dma_start3A_1383 = tpu.memref_slice %arg9[%dma_start3A_1381, %dma_start3A_1382] : memref<128x64xf32, #tpu.memory_space<vmem>> -> memref<1x64xf32, #tpu.memory_space<vmem>>
    %dma_start3A_1384 = arith.constant 0 : i32
    %dma_start3A_1385 = tpu.memref_slice %arg2[%squeeze3A_1380, %dma_start3A_1384] : memref<1000000x64xf32, #tpu.memory_space<hbm>> -> memref<1x64xf32, #tpu.memory_space<hbm>>
    %dma_start3A_1386 = arith.constant 113 : i32
    %dma_start3A_1387 = arith.constant 0 : i32
    %dma_start3A_1388 = tpu.memref_slice %arg9[%dma_start3A_1386, %dma_start3A_1387] : memref<128x64xf32, #tpu.memory_space<vmem>> -> memref<1x64xf32, #tpu.memory_space<vmem>>
    %dma_start3A_1389 = arith.constant 0 : i32
    %dma_start3A_1390 = tpu.memref_slice %arg2[%squeeze3A_1380, %dma_start3A_1389] : memref<1000000x64xf32, #tpu.memory_space<hbm>> -> memref<1x64xf32, #tpu.memory_space<hbm>>
    tpu.enqueue_dma source(%dma_start3A_1390 : memref<1x64xf32, #tpu.memory_space<hbm>>) target(%dma_start3A_1388 : memref<1x64xf32, #tpu.memory_space<vmem>>) target_semaphore(%arg11 : memref<!tpu.dma_semaphore, #tpu.memory_space<semaphore_mem>>)
    %slice3A_1391 = vector.extract_strided_slice %get3A_1366 {offsets = [2], sizes = [1], strides = [1]} : vector<16xi32> to vector<1xi32>
    %squeeze3A_1392 = vector.extract %slice3A_1391[0] : i32 from vector<1xi32>
    %dma_start3A_1393 = arith.constant 114 : i32
    %dma_start3A_1394 = arith.constant 0 : i32
    %dma_start3A_1395 = tpu.memref_slice %arg9[%dma_start3A_1393, %dma_start3A_1394] : memref<128x64xf32, #tpu.memory_space<vmem>> -> memref<1x64xf32, #tpu.memory_space<vmem>>
    %dma_start3A_1396 = arith.constant 0 : i32
    %dma_start3A_1397 = tpu.memref_slice %arg2[%squeeze3A_1392, %dma_start3A_1396] : memref<1000000x64xf32, #tpu.memory_space<hbm>> -> memref<1x64xf32, #tpu.memory_space<hbm>>
    %dma_start3A_1398 = arith.constant 114 : i32
    %dma_start3A_1399 = arith.constant 0 : i32
    %dma_start3A_1400 = tpu.memref_slice %arg9[%dma_start3A_1398, %dma_start3A_1399] : memref<128x64xf32, #tpu.memory_space<vmem>> -> memref<1x64xf32, #tpu.memory_space<vmem>>
    %dma_start3A_1401 = arith.constant 0 : i32
    %dma_start3A_1402 = tpu.memref_slice %arg2[%squeeze3A_1392, %dma_start3A_1401] : memref<1000000x64xf32, #tpu.memory_space<hbm>> -> memref<1x64xf32, #tpu.memory_space<hbm>>
    tpu.enqueue_dma source(%dma_start3A_1402 : memref<1x64xf32, #tpu.memory_space<hbm>>) target(%dma_start3A_1400 : memref<1x64xf32, #tpu.memory_space<vmem>>) target_semaphore(%arg11 : memref<!tpu.dma_semaphore, #tpu.memory_space<semaphore_mem>>)
    %slice3A_1403 = vector.extract_strided_slice %get3A_1366 {offsets = [3], sizes = [1], strides = [1]} : vector<16xi32> to vector<1xi32>
    %squeeze3A_1404 = vector.extract %slice3A_1403[0] : i32 from vector<1xi32>
    %dma_start3A_1405 = arith.constant 115 : i32
    %dma_start3A_1406 = arith.constant 0 : i32
    %dma_start3A_1407 = tpu.memref_slice %arg9[%dma_start3A_1405, %dma_start3A_1406] : memref<128x64xf32, #tpu.memory_space<vmem>> -> memref<1x64xf32, #tpu.memory_space<vmem>>
    %dma_start3A_1408 = arith.constant 0 : i32
    %dma_start3A_1409 = tpu.memref_slice %arg2[%squeeze3A_1404, %dma_start3A_1408] : memref<1000000x64xf32, #tpu.memory_space<hbm>> -> memref<1x64xf32, #tpu.memory_space<hbm>>
    %dma_start3A_1410 = arith.constant 115 : i32
    %dma_start3A_1411 = arith.constant 0 : i32
    %dma_start3A_1412 = tpu.memref_slice %arg9[%dma_start3A_1410, %dma_start3A_1411] : memref<128x64xf32, #tpu.memory_space<vmem>> -> memref<1x64xf32, #tpu.memory_space<vmem>>
    %dma_start3A_1413 = arith.constant 0 : i32
    %dma_start3A_1414 = tpu.memref_slice %arg2[%squeeze3A_1404, %dma_start3A_1413] : memref<1000000x64xf32, #tpu.memory_space<hbm>> -> memref<1x64xf32, #tpu.memory_space<hbm>>
    tpu.enqueue_dma source(%dma_start3A_1414 : memref<1x64xf32, #tpu.memory_space<hbm>>) target(%dma_start3A_1412 : memref<1x64xf32, #tpu.memory_space<vmem>>) target_semaphore(%arg11 : memref<!tpu.dma_semaphore, #tpu.memory_space<semaphore_mem>>)
    %slice3A_1415 = vector.extract_strided_slice %get3A_1366 {offsets = [4], sizes = [1], strides = [1]} : vector<16xi32> to vector<1xi32>
    %squeeze3A_1416 = vector.extract %slice3A_1415[0] : i32 from vector<1xi32>
    %dma_start3A_1417 = arith.constant 116 : i32
    %dma_start3A_1418 = arith.constant 0 : i32
    %dma_start3A_1419 = tpu.memref_slice %arg9[%dma_start3A_1417, %dma_start3A_1418] : memref<128x64xf32, #tpu.memory_space<vmem>> -> memref<1x64xf32, #tpu.memory_space<vmem>>
    %dma_start3A_1420 = arith.constant 0 : i32
    %dma_start3A_1421 = tpu.memref_slice %arg2[%squeeze3A_1416, %dma_start3A_1420] : memref<1000000x64xf32, #tpu.memory_space<hbm>> -> memref<1x64xf32, #tpu.memory_space<hbm>>
    %dma_start3A_1422 = arith.constant 116 : i32
    %dma_start3A_1423 = arith.constant 0 : i32
    %dma_start3A_1424 = tpu.memref_slice %arg9[%dma_start3A_1422, %dma_start3A_1423] : memref<128x64xf32, #tpu.memory_space<vmem>> -> memref<1x64xf32, #tpu.memory_space<vmem>>
    %dma_start3A_1425 = arith.constant 0 : i32
    %dma_start3A_1426 = tpu.memref_slice %arg2[%squeeze3A_1416, %dma_start3A_1425] : memref<1000000x64xf32, #tpu.memory_space<hbm>> -> memref<1x64xf32, #tpu.memory_space<hbm>>
    tpu.enqueue_dma source(%dma_start3A_1426 : memref<1x64xf32, #tpu.memory_space<hbm>>) target(%dma_start3A_1424 : memref<1x64xf32, #tpu.memory_space<vmem>>) target_semaphore(%arg11 : memref<!tpu.dma_semaphore, #tpu.memory_space<semaphore_mem>>)
    %slice3A_1427 = vector.extract_strided_slice %get3A_1366 {offsets = [5], sizes = [1], strides = [1]} : vector<16xi32> to vector<1xi32>
    %squeeze3A_1428 = vector.extract %slice3A_1427[0] : i32 from vector<1xi32>
    %dma_start3A_1429 = arith.constant 117 : i32
    %dma_start3A_1430 = arith.constant 0 : i32
    %dma_start3A_1431 = tpu.memref_slice %arg9[%dma_start3A_1429, %dma_start3A_1430] : memref<128x64xf32, #tpu.memory_space<vmem>> -> memref<1x64xf32, #tpu.memory_space<vmem>>
    %dma_start3A_1432 = arith.constant 0 : i32
    %dma_start3A_1433 = tpu.memref_slice %arg2[%squeeze3A_1428, %dma_start3A_1432] : memref<1000000x64xf32, #tpu.memory_space<hbm>> -> memref<1x64xf32, #tpu.memory_space<hbm>>
    %dma_start3A_1434 = arith.constant 117 : i32
    %dma_start3A_1435 = arith.constant 0 : i32
    %dma_start3A_1436 = tpu.memref_slice %arg9[%dma_start3A_1434, %dma_start3A_1435] : memref<128x64xf32, #tpu.memory_space<vmem>> -> memref<1x64xf32, #tpu.memory_space<vmem>>
    %dma_start3A_1437 = arith.constant 0 : i32
    %dma_start3A_1438 = tpu.memref_slice %arg2[%squeeze3A_1428, %dma_start3A_1437] : memref<1000000x64xf32, #tpu.memory_space<hbm>> -> memref<1x64xf32, #tpu.memory_space<hbm>>
    tpu.enqueue_dma source(%dma_start3A_1438 : memref<1x64xf32, #tpu.memory_space<hbm>>) target(%dma_start3A_1436 : memref<1x64xf32, #tpu.memory_space<vmem>>) target_semaphore(%arg11 : memref<!tpu.dma_semaphore, #tpu.memory_space<semaphore_mem>>)
    %slice3A_1439 = vector.extract_strided_slice %get3A_1366 {offsets = [6], sizes = [1], strides = [1]} : vector<16xi32> to vector<1xi32>
    %squeeze3A_1440 = vector.extract %slice3A_1439[0] : i32 from vector<1xi32>
    %dma_start3A_1441 = arith.constant 118 : i32
    %dma_start3A_1442 = arith.constant 0 : i32
    %dma_start3A_1443 = tpu.memref_slice %arg9[%dma_start3A_1441, %dma_start3A_1442] : memref<128x64xf32, #tpu.memory_space<vmem>> -> memref<1x64xf32, #tpu.memory_space<vmem>>
    %dma_start3A_1444 = arith.constant 0 : i32
    %dma_start3A_1445 = tpu.memref_slice %arg2[%squeeze3A_1440, %dma_start3A_1444] : memref<1000000x64xf32, #tpu.memory_space<hbm>> -> memref<1x64xf32, #tpu.memory_space<hbm>>
    %dma_start3A_1446 = arith.constant 118 : i32
    %dma_start3A_1447 = arith.constant 0 : i32
    %dma_start3A_1448 = tpu.memref_slice %arg9[%dma_start3A_1446, %dma_start3A_1447] : memref<128x64xf32, #tpu.memory_space<vmem>> -> memref<1x64xf32, #tpu.memory_space<vmem>>
    %dma_start3A_1449 = arith.constant 0 : i32
    %dma_start3A_1450 = tpu.memref_slice %arg2[%squeeze3A_1440, %dma_start3A_1449] : memref<1000000x64xf32, #tpu.memory_space<hbm>> -> memref<1x64xf32, #tpu.memory_space<hbm>>
    tpu.enqueue_dma source(%dma_start3A_1450 : memref<1x64xf32, #tpu.memory_space<hbm>>) target(%dma_start3A_1448 : memref<1x64xf32, #tpu.memory_space<vmem>>) target_semaphore(%arg11 : memref<!tpu.dma_semaphore, #tpu.memory_space<semaphore_mem>>)
    %slice3A_1451 = vector.extract_strided_slice %get3A_1366 {offsets = [7], sizes = [1], strides = [1]} : vector<16xi32> to vector<1xi32>
    %squeeze3A_1452 = vector.extract %slice3A_1451[0] : i32 from vector<1xi32>
    %dma_start3A_1453 = arith.constant 119 : i32
    %dma_start3A_1454 = arith.constant 0 : i32
    %dma_start3A_1455 = tpu.memref_slice %arg9[%dma_start3A_1453, %dma_start3A_1454] : memref<128x64xf32, #tpu.memory_space<vmem>> -> memref<1x64xf32, #tpu.memory_space<vmem>>
    %dma_start3A_1456 = arith.constant 0 : i32
    %dma_start3A_1457 = tpu.memref_slice %arg2[%squeeze3A_1452, %dma_start3A_1456] : memref<1000000x64xf32, #tpu.memory_space<hbm>> -> memref<1x64xf32, #tpu.memory_space<hbm>>
    %dma_start3A_1458 = arith.constant 119 : i32
    %dma_start3A_1459 = arith.constant 0 : i32
    %dma_start3A_1460 = tpu.memref_slice %arg9[%dma_start3A_1458, %dma_start3A_1459] : memref<128x64xf32, #tpu.memory_space<vmem>> -> memref<1x64xf32, #tpu.memory_space<vmem>>
    %dma_start3A_1461 = arith.constant 0 : i32
    %dma_start3A_1462 = tpu.memref_slice %arg2[%squeeze3A_1452, %dma_start3A_1461] : memref<1000000x64xf32, #tpu.memory_space<hbm>> -> memref<1x64xf32, #tpu.memory_space<hbm>>
    tpu.enqueue_dma source(%dma_start3A_1462 : memref<1x64xf32, #tpu.memory_space<hbm>>) target(%dma_start3A_1460 : memref<1x64xf32, #tpu.memory_space<vmem>>) target_semaphore(%arg11 : memref<!tpu.dma_semaphore, #tpu.memory_space<semaphore_mem>>)
    %slice3A_1463 = vector.extract_strided_slice %get3A_1366 {offsets = [8], sizes = [1], strides = [1]} : vector<16xi32> to vector<1xi32>
    %squeeze3A_1464 = vector.extract %slice3A_1463[0] : i32 from vector<1xi32>
    %dma_start3A_1465 = arith.constant 120 : i32
    %dma_start3A_1466 = arith.constant 0 : i32
    %dma_start3A_1467 = tpu.memref_slice %arg9[%dma_start3A_1465, %dma_start3A_1466] : memref<128x64xf32, #tpu.memory_space<vmem>> -> memref<1x64xf32, #tpu.memory_space<vmem>>
    %dma_start3A_1468 = arith.constant 0 : i32
    %dma_start3A_1469 = tpu.memref_slice %arg2[%squeeze3A_1464, %dma_start3A_1468] : memref<1000000x64xf32, #tpu.memory_space<hbm>> -> memref<1x64xf32, #tpu.memory_space<hbm>>
    %dma_start3A_1470 = arith.constant 120 : i32
    %dma_start3A_1471 = arith.constant 0 : i32
    %dma_start3A_1472 = tpu.memref_slice %arg9[%dma_start3A_1470, %dma_start3A_1471] : memref<128x64xf32, #tpu.memory_space<vmem>> -> memref<1x64xf32, #tpu.memory_space<vmem>>
    %dma_start3A_1473 = arith.constant 0 : i32
    %dma_start3A_1474 = tpu.memref_slice %arg2[%squeeze3A_1464, %dma_start3A_1473] : memref<1000000x64xf32, #tpu.memory_space<hbm>> -> memref<1x64xf32, #tpu.memory_space<hbm>>
    tpu.enqueue_dma source(%dma_start3A_1474 : memref<1x64xf32, #tpu.memory_space<hbm>>) target(%dma_start3A_1472 : memref<1x64xf32, #tpu.memory_space<vmem>>) target_semaphore(%arg11 : memref<!tpu.dma_semaphore, #tpu.memory_space<semaphore_mem>>)
    %slice3A_1475 = vector.extract_strided_slice %get3A_1366 {offsets = [9], sizes = [1], strides = [1]} : vector<16xi32> to vector<1xi32>
    %squeeze3A_1476 = vector.extract %slice3A_1475[0] : i32 from vector<1xi32>
    %dma_start3A_1477 = arith.constant 121 : i32
    %dma_start3A_1478 = arith.constant 0 : i32
    %dma_start3A_1479 = tpu.memref_slice %arg9[%dma_start3A_1477, %dma_start3A_1478] : memref<128x64xf32, #tpu.memory_space<vmem>> -> memref<1x64xf32, #tpu.memory_space<vmem>>
    %dma_start3A_1480 = arith.constant 0 : i32
    %dma_start3A_1481 = tpu.memref_slice %arg2[%squeeze3A_1476, %dma_start3A_1480] : memref<1000000x64xf32, #tpu.memory_space<hbm>> -> memref<1x64xf32, #tpu.memory_space<hbm>>
    %dma_start3A_1482 = arith.constant 121 : i32
    %dma_start3A_1483 = arith.constant 0 : i32
    %dma_start3A_1484 = tpu.memref_slice %arg9[%dma_start3A_1482, %dma_start3A_1483] : memref<128x64xf32, #tpu.memory_space<vmem>> -> memref<1x64xf32, #tpu.memory_space<vmem>>
    %dma_start3A_1485 = arith.constant 0 : i32
    %dma_start3A_1486 = tpu.memref_slice %arg2[%squeeze3A_1476, %dma_start3A_1485] : memref<1000000x64xf32, #tpu.memory_space<hbm>> -> memref<1x64xf32, #tpu.memory_space<hbm>>
    tpu.enqueue_dma source(%dma_start3A_1486 : memref<1x64xf32, #tpu.memory_space<hbm>>) target(%dma_start3A_1484 : memref<1x64xf32, #tpu.memory_space<vmem>>) target_semaphore(%arg11 : memref<!tpu.dma_semaphore, #tpu.memory_space<semaphore_mem>>)
    %slice3A_1487 = vector.extract_strided_slice %get3A_1366 {offsets = [10], sizes = [1], strides = [1]} : vector<16xi32> to vector<1xi32>
    %squeeze3A_1488 = vector.extract %slice3A_1487[0] : i32 from vector<1xi32>
    %dma_start3A_1489 = arith.constant 122 : i32
    %dma_start3A_1490 = arith.constant 0 : i32
    %dma_start3A_1491 = tpu.memref_slice %arg9[%dma_start3A_1489, %dma_start3A_1490] : memref<128x64xf32, #tpu.memory_space<vmem>> -> memref<1x64xf32, #tpu.memory_space<vmem>>
    %dma_start3A_1492 = arith.constant 0 : i32
    %dma_start3A_1493 = tpu.memref_slice %arg2[%squeeze3A_1488, %dma_start3A_1492] : memref<1000000x64xf32, #tpu.memory_space<hbm>> -> memref<1x64xf32, #tpu.memory_space<hbm>>
    %dma_start3A_1494 = arith.constant 122 : i32
    %dma_start3A_1495 = arith.constant 0 : i32
    %dma_start3A_1496 = tpu.memref_slice %arg9[%dma_start3A_1494, %dma_start3A_1495] : memref<128x64xf32, #tpu.memory_space<vmem>> -> memref<1x64xf32, #tpu.memory_space<vmem>>
    %dma_start3A_1497 = arith.constant 0 : i32
    %dma_start3A_1498 = tpu.memref_slice %arg2[%squeeze3A_1488, %dma_start3A_1497] : memref<1000000x64xf32, #tpu.memory_space<hbm>> -> memref<1x64xf32, #tpu.memory_space<hbm>>
    tpu.enqueue_dma source(%dma_start3A_1498 : memref<1x64xf32, #tpu.memory_space<hbm>>) target(%dma_start3A_1496 : memref<1x64xf32, #tpu.memory_space<vmem>>) target_semaphore(%arg11 : memref<!tpu.dma_semaphore, #tpu.memory_space<semaphore_mem>>)
    %slice3A_1499 = vector.extract_strided_slice %get3A_1366 {offsets = [11], sizes = [1], strides = [1]} : vector<16xi32> to vector<1xi32>
    %squeeze3A_1500 = vector.extract %slice3A_1499[0] : i32 from vector<1xi32>
    %dma_start3A_1501 = arith.constant 123 : i32
    %dma_start3A_1502 = arith.constant 0 : i32
    %dma_start3A_1503 = tpu.memref_slice %arg9[%dma_start3A_1501, %dma_start3A_1502] : memref<128x64xf32, #tpu.memory_space<vmem>> -> memref<1x64xf32, #tpu.memory_space<vmem>>
    %dma_start3A_1504 = arith.constant 0 : i32
    %dma_start3A_1505 = tpu.memref_slice %arg2[%squeeze3A_1500, %dma_start3A_1504] : memref<1000000x64xf32, #tpu.memory_space<hbm>> -> memref<1x64xf32, #tpu.memory_space<hbm>>
    %dma_start3A_1506 = arith.constant 123 : i32
    %dma_start3A_1507 = arith.constant 0 : i32
    %dma_start3A_1508 = tpu.memref_slice %arg9[%dma_start3A_1506, %dma_start3A_1507] : memref<128x64xf32, #tpu.memory_space<vmem>> -> memref<1x64xf32, #tpu.memory_space<vmem>>
    %dma_start3A_1509 = arith.constant 0 : i32
    %dma_start3A_1510 = tpu.memref_slice %arg2[%squeeze3A_1500, %dma_start3A_1509] : memref<1000000x64xf32, #tpu.memory_space<hbm>> -> memref<1x64xf32, #tpu.memory_space<hbm>>
    tpu.enqueue_dma source(%dma_start3A_1510 : memref<1x64xf32, #tpu.memory_space<hbm>>) target(%dma_start3A_1508 : memref<1x64xf32, #tpu.memory_space<vmem>>) target_semaphore(%arg11 : memref<!tpu.dma_semaphore, #tpu.memory_space<semaphore_mem>>)
    %slice3A_1511 = vector.extract_strided_slice %get3A_1366 {offsets = [12], sizes = [1], strides = [1]} : vector<16xi32> to vector<1xi32>
    %squeeze3A_1512 = vector.extract %slice3A_1511[0] : i32 from vector<1xi32>
    %dma_start3A_1513 = arith.constant 124 : i32
    %dma_start3A_1514 = arith.constant 0 : i32
    %dma_start3A_1515 = tpu.memref_slice %arg9[%dma_start3A_1513, %dma_start3A_1514] : memref<128x64xf32, #tpu.memory_space<vmem>> -> memref<1x64xf32, #tpu.memory_space<vmem>>
    %dma_start3A_1516 = arith.constant 0 : i32
    %dma_start3A_1517 = tpu.memref_slice %arg2[%squeeze3A_1512, %dma_start3A_1516] : memref<1000000x64xf32, #tpu.memory_space<hbm>> -> memref<1x64xf32, #tpu.memory_space<hbm>>
    %dma_start3A_1518 = arith.constant 124 : i32
    %dma_start3A_1519 = arith.constant 0 : i32
    %dma_start3A_1520 = tpu.memref_slice %arg9[%dma_start3A_1518, %dma_start3A_1519] : memref<128x64xf32, #tpu.memory_space<vmem>> -> memref<1x64xf32, #tpu.memory_space<vmem>>
    %dma_start3A_1521 = arith.constant 0 : i32
    %dma_start3A_1522 = tpu.memref_slice %arg2[%squeeze3A_1512, %dma_start3A_1521] : memref<1000000x64xf32, #tpu.memory_space<hbm>> -> memref<1x64xf32, #tpu.memory_space<hbm>>
    tpu.enqueue_dma source(%dma_start3A_1522 : memref<1x64xf32, #tpu.memory_space<hbm>>) target(%dma_start3A_1520 : memref<1x64xf32, #tpu.memory_space<vmem>>) target_semaphore(%arg11 : memref<!tpu.dma_semaphore, #tpu.memory_space<semaphore_mem>>)
    %slice3A_1523 = vector.extract_strided_slice %get3A_1366 {offsets = [13], sizes = [1], strides = [1]} : vector<16xi32> to vector<1xi32>
    %squeeze3A_1524 = vector.extract %slice3A_1523[0] : i32 from vector<1xi32>
    %dma_start3A_1525 = arith.constant 125 : i32
    %dma_start3A_1526 = arith.constant 0 : i32
    %dma_start3A_1527 = tpu.memref_slice %arg9[%dma_start3A_1525, %dma_start3A_1526] : memref<128x64xf32, #tpu.memory_space<vmem>> -> memref<1x64xf32, #tpu.memory_space<vmem>>
    %dma_start3A_1528 = arith.constant 0 : i32
    %dma_start3A_1529 = tpu.memref_slice %arg2[%squeeze3A_1524, %dma_start3A_1528] : memref<1000000x64xf32, #tpu.memory_space<hbm>> -> memref<1x64xf32, #tpu.memory_space<hbm>>
    %dma_start3A_1530 = arith.constant 125 : i32
    %dma_start3A_1531 = arith.constant 0 : i32
    %dma_start3A_1532 = tpu.memref_slice %arg9[%dma_start3A_1530, %dma_start3A_1531] : memref<128x64xf32, #tpu.memory_space<vmem>> -> memref<1x64xf32, #tpu.memory_space<vmem>>
    %dma_start3A_1533 = arith.constant 0 : i32
    %dma_start3A_1534 = tpu.memref_slice %arg2[%squeeze3A_1524, %dma_start3A_1533] : memref<1000000x64xf32, #tpu.memory_space<hbm>> -> memref<1x64xf32, #tpu.memory_space<hbm>>
    tpu.enqueue_dma source(%dma_start3A_1534 : memref<1x64xf32, #tpu.memory_space<hbm>>) target(%dma_start3A_1532 : memref<1x64xf32, #tpu.memory_space<vmem>>) target_semaphore(%arg11 : memref<!tpu.dma_semaphore, #tpu.memory_space<semaphore_mem>>)
    %slice3A_1535 = vector.extract_strided_slice %get3A_1366 {offsets = [14], sizes = [1], strides = [1]} : vector<16xi32> to vector<1xi32>
    %squeeze3A_1536 = vector.extract %slice3A_1535[0] : i32 from vector<1xi32>
    %dma_start3A_1537 = arith.constant 126 : i32
    %dma_start3A_1538 = arith.constant 0 : i32
    %dma_start3A_1539 = tpu.memref_slice %arg9[%dma_start3A_1537, %dma_start3A_1538] : memref<128x64xf32, #tpu.memory_space<vmem>> -> memref<1x64xf32, #tpu.memory_space<vmem>>
    %dma_start3A_1540 = arith.constant 0 : i32
    %dma_start3A_1541 = tpu.memref_slice %arg2[%squeeze3A_1536, %dma_start3A_1540] : memref<1000000x64xf32, #tpu.memory_space<hbm>> -> memref<1x64xf32, #tpu.memory_space<hbm>>
    %dma_start3A_1542 = arith.constant 126 : i32
    %dma_start3A_1543 = arith.constant 0 : i32
    %dma_start3A_1544 = tpu.memref_slice %arg9[%dma_start3A_1542, %dma_start3A_1543] : memref<128x64xf32, #tpu.memory_space<vmem>> -> memref<1x64xf32, #tpu.memory_space<vmem>>
    %dma_start3A_1545 = arith.constant 0 : i32
    %dma_start3A_1546 = tpu.memref_slice %arg2[%squeeze3A_1536, %dma_start3A_1545] : memref<1000000x64xf32, #tpu.memory_space<hbm>> -> memref<1x64xf32, #tpu.memory_space<hbm>>
    tpu.enqueue_dma source(%dma_start3A_1546 : memref<1x64xf32, #tpu.memory_space<hbm>>) target(%dma_start3A_1544 : memref<1x64xf32, #tpu.memory_space<vmem>>) target_semaphore(%arg11 : memref<!tpu.dma_semaphore, #tpu.memory_space<semaphore_mem>>)
    %slice3A_1547 = vector.extract_strided_slice %get3A_1366 {offsets = [15], sizes = [1], strides = [1]} : vector<16xi32> to vector<1xi32>
    %squeeze3A_1548 = vector.extract %slice3A_1547[0] : i32 from vector<1xi32>
    %dma_start3A_1549 = arith.constant 127 : i32
    %dma_start3A_1550 = arith.constant 0 : i32
    %dma_start3A_1551 = tpu.memref_slice %arg9[%dma_start3A_1549, %dma_start3A_1550] : memref<128x64xf32, #tpu.memory_space<vmem>> -> memref<1x64xf32, #tpu.memory_space<vmem>>
    %dma_start3A_1552 = arith.constant 0 : i32
    %dma_start3A_1553 = tpu.memref_slice %arg2[%squeeze3A_1548, %dma_start3A_1552] : memref<1000000x64xf32, #tpu.memory_space<hbm>> -> memref<1x64xf32, #tpu.memory_space<hbm>>
    %dma_start3A_1554 = arith.constant 127 : i32
    %dma_start3A_1555 = arith.constant 0 : i32
    %dma_start3A_1556 = tpu.memref_slice %arg9[%dma_start3A_1554, %dma_start3A_1555] : memref<128x64xf32, #tpu.memory_space<vmem>> -> memref<1x64xf32, #tpu.memory_space<vmem>>
    %dma_start3A_1557 = arith.constant 0 : i32
    %dma_start3A_1558 = tpu.memref_slice %arg2[%squeeze3A_1548, %dma_start3A_1557] : memref<1000000x64xf32, #tpu.memory_space<hbm>> -> memref<1x64xf32, #tpu.memory_space<hbm>>
    tpu.enqueue_dma source(%dma_start3A_1558 : memref<1x64xf32, #tpu.memory_space<hbm>>) target(%dma_start3A_1556 : memref<1x64xf32, #tpu.memory_space<vmem>>) target_semaphore(%arg11 : memref<!tpu.dma_semaphore, #tpu.memory_space<semaphore_mem>>)
    %get3A_1559 = arith.constant 0 : index
    %get3A_1560 = tpu.vector_load %arg8[%get3A_1559] {strides = array<i32>} : memref<128xi32, #tpu.memory_space<vmem>>, vector<16xi32>,
    %get3A_1561 = vector.shape_cast %get3A_1560 : vector<16xi32> to vector<16xi32>
    %slice3A_1562 = vector.extract_strided_slice %get3A_1561 {offsets = [0], sizes = [1], strides = [1]} : vector<16xi32> to vector<1xi32>
    %squeeze3A_1563 = vector.extract %slice3A_1562[0] : i32 from vector<1xi32>
    %dma_start3A_1564 = arith.constant 0 : i32
    %dma_start3A_1565 = arith.constant 0 : i32
    %dma_start3A_1566 = tpu.memref_slice %arg10[%dma_start3A_1564, %dma_start3A_1565] : memref<128x64xf32, #tpu.memory_space<vmem>> -> memref<1x64xf32, #tpu.memory_space<vmem>>
    %dma_start3A_1567 = arith.constant 0 : i32
    %dma_start3A_1568 = tpu.memref_slice %arg2[%squeeze3A_1563, %dma_start3A_1567] : memref<1000000x64xf32, #tpu.memory_space<hbm>> -> memref<1x64xf32, #tpu.memory_space<hbm>>
    %dma_start3A_1569 = arith.constant 0 : i32
    %dma_start3A_1570 = arith.constant 0 : i32
    %dma_start3A_1571 = tpu.memref_slice %arg10[%dma_start3A_1569, %dma_start3A_1570] : memref<128x64xf32, #tpu.memory_space<vmem>> -> memref<1x64xf32, #tpu.memory_space<vmem>>
    %dma_start3A_1572 = arith.constant 0 : i32
    %dma_start3A_1573 = tpu.memref_slice %arg2[%squeeze3A_1563, %dma_start3A_1572] : memref<1000000x64xf32, #tpu.memory_space<hbm>> -> memref<1x64xf32, #tpu.memory_space<hbm>>
    tpu.enqueue_dma source(%dma_start3A_1573 : memref<1x64xf32, #tpu.memory_space<hbm>>) target(%dma_start3A_1571 : memref<1x64xf32, #tpu.memory_space<vmem>>) target_semaphore(%arg11 : memref<!tpu.dma_semaphore, #tpu.memory_space<semaphore_mem>>)
    %slice3A_1574 = vector.extract_strided_slice %get3A_1561 {offsets = [1], sizes = [1], strides = [1]} : vector<16xi32> to vector<1xi32>
    %squeeze3A_1575 = vector.extract %slice3A_1574[0] : i32 from vector<1xi32>
    %dma_start3A_1576 = arith.constant 1 : i32
    %dma_start3A_1577 = arith.constant 0 : i32
    %dma_start3A_1578 = tpu.memref_slice %arg10[%dma_start3A_1576, %dma_start3A_1577] : memref<128x64xf32, #tpu.memory_space<vmem>> -> memref<1x64xf32, #tpu.memory_space<vmem>>
    %dma_start3A_1579 = arith.constant 0 : i32
    %dma_start3A_1580 = tpu.memref_slice %arg2[%squeeze3A_1575, %dma_start3A_1579] : memref<1000000x64xf32, #tpu.memory_space<hbm>> -> memref<1x64xf32, #tpu.memory_space<hbm>>
    %dma_start3A_1581 = arith.constant 1 : i32
    %dma_start3A_1582 = arith.constant 0 : i32
    %dma_start3A_1583 = tpu.memref_slice %arg10[%dma_start3A_1581, %dma_start3A_1582] : memref<128x64xf32, #tpu.memory_space<vmem>> -> memref<1x64xf32, #tpu.memory_space<vmem>>
    %dma_start3A_1584 = arith.constant 0 : i32
    %dma_start3A_1585 = tpu.memref_slice %arg2[%squeeze3A_1575, %dma_start3A_1584] : memref<1000000x64xf32, #tpu.memory_space<hbm>> -> memref<1x64xf32, #tpu.memory_space<hbm>>
    tpu.enqueue_dma source(%dma_start3A_1585 : memref<1x64xf32, #tpu.memory_space<hbm>>) target(%dma_start3A_1583 : memref<1x64xf32, #tpu.memory_space<vmem>>) target_semaphore(%arg11 : memref<!tpu.dma_semaphore, #tpu.memory_space<semaphore_mem>>)
    %slice3A_1586 = vector.extract_strided_slice %get3A_1561 {offsets = [2], sizes = [1], strides = [1]} : vector<16xi32> to vector<1xi32>
    %squeeze3A_1587 = vector.extract %slice3A_1586[0] : i32 from vector<1xi32>
    %dma_start3A_1588 = arith.constant 2 : i32
    %dma_start3A_1589 = arith.constant 0 : i32
    %dma_start3A_1590 = tpu.memref_slice %arg10[%dma_start3A_1588, %dma_start3A_1589] : memref<128x64xf32, #tpu.memory_space<vmem>> -> memref<1x64xf32, #tpu.memory_space<vmem>>
    %dma_start3A_1591 = arith.constant 0 : i32
    %dma_start3A_1592 = tpu.memref_slice %arg2[%squeeze3A_1587, %dma_start3A_1591] : memref<1000000x64xf32, #tpu.memory_space<hbm>> -> memref<1x64xf32, #tpu.memory_space<hbm>>
    %dma_start3A_1593 = arith.constant 2 : i32
    %dma_start3A_1594 = arith.constant 0 : i32
    %dma_start3A_1595 = tpu.memref_slice %arg10[%dma_start3A_1593, %dma_start3A_1594] : memref<128x64xf32, #tpu.memory_space<vmem>> -> memref<1x64xf32, #tpu.memory_space<vmem>>
    %dma_start3A_1596 = arith.constant 0 : i32
    %dma_start3A_1597 = tpu.memref_slice %arg2[%squeeze3A_1587, %dma_start3A_1596] : memref<1000000x64xf32, #tpu.memory_space<hbm>> -> memref<1x64xf32, #tpu.memory_space<hbm>>
    tpu.enqueue_dma source(%dma_start3A_1597 : memref<1x64xf32, #tpu.memory_space<hbm>>) target(%dma_start3A_1595 : memref<1x64xf32, #tpu.memory_space<vmem>>) target_semaphore(%arg11 : memref<!tpu.dma_semaphore, #tpu.memory_space<semaphore_mem>>)
    %slice3A_1598 = vector.extract_strided_slice %get3A_1561 {offsets = [3], sizes = [1], strides = [1]} : vector<16xi32> to vector<1xi32>
    %squeeze3A_1599 = vector.extract %slice3A_1598[0] : i32 from vector<1xi32>
    %dma_start3A_1600 = arith.constant 3 : i32
    %dma_start3A_1601 = arith.constant 0 : i32
    %dma_start3A_1602 = tpu.memref_slice %arg10[%dma_start3A_1600, %dma_start3A_1601] : memref<128x64xf32, #tpu.memory_space<vmem>> -> memref<1x64xf32, #tpu.memory_space<vmem>>
    %dma_start3A_1603 = arith.constant 0 : i32
    %dma_start3A_1604 = tpu.memref_slice %arg2[%squeeze3A_1599, %dma_start3A_1603] : memref<1000000x64xf32, #tpu.memory_space<hbm>> -> memref<1x64xf32, #tpu.memory_space<hbm>>
    %dma_start3A_1605 = arith.constant 3 : i32
    %dma_start3A_1606 = arith.constant 0 : i32
    %dma_start3A_1607 = tpu.memref_slice %arg10[%dma_start3A_1605, %dma_start3A_1606] : memref<128x64xf32, #tpu.memory_space<vmem>> -> memref<1x64xf32, #tpu.memory_space<vmem>>
    %dma_start3A_1608 = arith.constant 0 : i32
    %dma_start3A_1609 = tpu.memref_slice %arg2[%squeeze3A_1599, %dma_start3A_1608] : memref<1000000x64xf32, #tpu.memory_space<hbm>> -> memref<1x64xf32, #tpu.memory_space<hbm>>
    tpu.enqueue_dma source(%dma_start3A_1609 : memref<1x64xf32, #tpu.memory_space<hbm>>) target(%dma_start3A_1607 : memref<1x64xf32, #tpu.memory_space<vmem>>) target_semaphore(%arg11 : memref<!tpu.dma_semaphore, #tpu.memory_space<semaphore_mem>>)
    %slice3A_1610 = vector.extract_strided_slice %get3A_1561 {offsets = [4], sizes = [1], strides = [1]} : vector<16xi32> to vector<1xi32>
    %squeeze3A_1611 = vector.extract %slice3A_1610[0] : i32 from vector<1xi32>
    %dma_start3A_1612 = arith.constant 4 : i32
    %dma_start3A_1613 = arith.constant 0 : i32
    %dma_start3A_1614 = tpu.memref_slice %arg10[%dma_start3A_1612, %dma_start3A_1613] : memref<128x64xf32, #tpu.memory_space<vmem>> -> memref<1x64xf32, #tpu.memory_space<vmem>>
    %dma_start3A_1615 = arith.constant 0 : i32
    %dma_start3A_1616 = tpu.memref_slice %arg2[%squeeze3A_1611, %dma_start3A_1615] : memref<1000000x64xf32, #tpu.memory_space<hbm>> -> memref<1x64xf32, #tpu.memory_space<hbm>>
    %dma_start3A_1617 = arith.constant 4 : i32
    %dma_start3A_1618 = arith.constant 0 : i32
    %dma_start3A_1619 = tpu.memref_slice %arg10[%dma_start3A_1617, %dma_start3A_1618] : memref<128x64xf32, #tpu.memory_space<vmem>> -> memref<1x64xf32, #tpu.memory_space<vmem>>
    %dma_start3A_1620 = arith.constant 0 : i32
    %dma_start3A_1621 = tpu.memref_slice %arg2[%squeeze3A_1611, %dma_start3A_1620] : memref<1000000x64xf32, #tpu.memory_space<hbm>> -> memref<1x64xf32, #tpu.memory_space<hbm>>
    tpu.enqueue_dma source(%dma_start3A_1621 : memref<1x64xf32, #tpu.memory_space<hbm>>) target(%dma_start3A_1619 : memref<1x64xf32, #tpu.memory_space<vmem>>) target_semaphore(%arg11 : memref<!tpu.dma_semaphore, #tpu.memory_space<semaphore_mem>>)
    %slice3A_1622 = vector.extract_strided_slice %get3A_1561 {offsets = [5], sizes = [1], strides = [1]} : vector<16xi32> to vector<1xi32>
    %squeeze3A_1623 = vector.extract %slice3A_1622[0] : i32 from vector<1xi32>
    %dma_start3A_1624 = arith.constant 5 : i32
    %dma_start3A_1625 = arith.constant 0 : i32
    %dma_start3A_1626 = tpu.memref_slice %arg10[%dma_start3A_1624, %dma_start3A_1625] : memref<128x64xf32, #tpu.memory_space<vmem>> -> memref<1x64xf32, #tpu.memory_space<vmem>>
    %dma_start3A_1627 = arith.constant 0 : i32
    %dma_start3A_1628 = tpu.memref_slice %arg2[%squeeze3A_1623, %dma_start3A_1627] : memref<1000000x64xf32, #tpu.memory_space<hbm>> -> memref<1x64xf32, #tpu.memory_space<hbm>>
    %dma_start3A_1629 = arith.constant 5 : i32
    %dma_start3A_1630 = arith.constant 0 : i32
    %dma_start3A_1631 = tpu.memref_slice %arg10[%dma_start3A_1629, %dma_start3A_1630] : memref<128x64xf32, #tpu.memory_space<vmem>> -> memref<1x64xf32, #tpu.memory_space<vmem>>
    %dma_start3A_1632 = arith.constant 0 : i32
    %dma_start3A_1633 = tpu.memref_slice %arg2[%squeeze3A_1623, %dma_start3A_1632] : memref<1000000x64xf32, #tpu.memory_space<hbm>> -> memref<1x64xf32, #tpu.memory_space<hbm>>
    tpu.enqueue_dma source(%dma_start3A_1633 : memref<1x64xf32, #tpu.memory_space<hbm>>) target(%dma_start3A_1631 : memref<1x64xf32, #tpu.memory_space<vmem>>) target_semaphore(%arg11 : memref<!tpu.dma_semaphore, #tpu.memory_space<semaphore_mem>>)
    %slice3A_1634 = vector.extract_strided_slice %get3A_1561 {offsets = [6], sizes = [1], strides = [1]} : vector<16xi32> to vector<1xi32>
    %squeeze3A_1635 = vector.extract %slice3A_1634[0] : i32 from vector<1xi32>
    %dma_start3A_1636 = arith.constant 6 : i32
    %dma_start3A_1637 = arith.constant 0 : i32
    %dma_start3A_1638 = tpu.memref_slice %arg10[%dma_start3A_1636, %dma_start3A_1637] : memref<128x64xf32, #tpu.memory_space<vmem>> -> memref<1x64xf32, #tpu.memory_space<vmem>>
    %dma_start3A_1639 = arith.constant 0 : i32
    %dma_start3A_1640 = tpu.memref_slice %arg2[%squeeze3A_1635, %dma_start3A_1639] : memref<1000000x64xf32, #tpu.memory_space<hbm>> -> memref<1x64xf32, #tpu.memory_space<hbm>>
    %dma_start3A_1641 = arith.constant 6 : i32
    %dma_start3A_1642 = arith.constant 0 : i32
    %dma_start3A_1643 = tpu.memref_slice %arg10[%dma_start3A_1641, %dma_start3A_1642] : memref<128x64xf32, #tpu.memory_space<vmem>> -> memref<1x64xf32, #tpu.memory_space<vmem>>
    %dma_start3A_1644 = arith.constant 0 : i32
    %dma_start3A_1645 = tpu.memref_slice %arg2[%squeeze3A_1635, %dma_start3A_1644] : memref<1000000x64xf32, #tpu.memory_space<hbm>> -> memref<1x64xf32, #tpu.memory_space<hbm>>
    tpu.enqueue_dma source(%dma_start3A_1645 : memref<1x64xf32, #tpu.memory_space<hbm>>) target(%dma_start3A_1643 : memref<1x64xf32, #tpu.memory_space<vmem>>) target_semaphore(%arg11 : memref<!tpu.dma_semaphore, #tpu.memory_space<semaphore_mem>>)
    %slice3A_1646 = vector.extract_strided_slice %get3A_1561 {offsets = [7], sizes = [1], strides = [1]} : vector<16xi32> to vector<1xi32>
    %squeeze3A_1647 = vector.extract %slice3A_1646[0] : i32 from vector<1xi32>
    %dma_start3A_1648 = arith.constant 7 : i32
    %dma_start3A_1649 = arith.constant 0 : i32
    %dma_start3A_1650 = tpu.memref_slice %arg10[%dma_start3A_1648, %dma_start3A_1649] : memref<128x64xf32, #tpu.memory_space<vmem>> -> memref<1x64xf32, #tpu.memory_space<vmem>>
    %dma_start3A_1651 = arith.constant 0 : i32
    %dma_start3A_1652 = tpu.memref_slice %arg2[%squeeze3A_1647, %dma_start3A_1651] : memref<1000000x64xf32, #tpu.memory_space<hbm>> -> memref<1x64xf32, #tpu.memory_space<hbm>>
    %dma_start3A_1653 = arith.constant 7 : i32
    %dma_start3A_1654 = arith.constant 0 : i32
    %dma_start3A_1655 = tpu.memref_slice %arg10[%dma_start3A_1653, %dma_start3A_1654] : memref<128x64xf32, #tpu.memory_space<vmem>> -> memref<1x64xf32, #tpu.memory_space<vmem>>
    %dma_start3A_1656 = arith.constant 0 : i32
    %dma_start3A_1657 = tpu.memref_slice %arg2[%squeeze3A_1647, %dma_start3A_1656] : memref<1000000x64xf32, #tpu.memory_space<hbm>> -> memref<1x64xf32, #tpu.memory_space<hbm>>
    tpu.enqueue_dma source(%dma_start3A_1657 : memref<1x64xf32, #tpu.memory_space<hbm>>) target(%dma_start3A_1655 : memref<1x64xf32, #tpu.memory_space<vmem>>) target_semaphore(%arg11 : memref<!tpu.dma_semaphore, #tpu.memory_space<semaphore_mem>>)
    %slice3A_1658 = vector.extract_strided_slice %get3A_1561 {offsets = [8], sizes = [1], strides = [1]} : vector<16xi32> to vector<1xi32>
    %squeeze3A_1659 = vector.extract %slice3A_1658[0] : i32 from vector<1xi32>
    %dma_start3A_1660 = arith.constant 8 : i32
    %dma_start3A_1661 = arith.constant 0 : i32
    %dma_start3A_1662 = tpu.memref_slice %arg10[%dma_start3A_1660, %dma_start3A_1661] : memref<128x64xf32, #tpu.memory_space<vmem>> -> memref<1x64xf32, #tpu.memory_space<vmem>>
    %dma_start3A_1663 = arith.constant 0 : i32
    %dma_start3A_1664 = tpu.memref_slice %arg2[%squeeze3A_1659, %dma_start3A_1663] : memref<1000000x64xf32, #tpu.memory_space<hbm>> -> memref<1x64xf32, #tpu.memory_space<hbm>>
    %dma_start3A_1665 = arith.constant 8 : i32
    %dma_start3A_1666 = arith.constant 0 : i32
    %dma_start3A_1667 = tpu.memref_slice %arg10[%dma_start3A_1665, %dma_start3A_1666] : memref<128x64xf32, #tpu.memory_space<vmem>> -> memref<1x64xf32, #tpu.memory_space<vmem>>
    %dma_start3A_1668 = arith.constant 0 : i32
    %dma_start3A_1669 = tpu.memref_slice %arg2[%squeeze3A_1659, %dma_start3A_1668] : memref<1000000x64xf32, #tpu.memory_space<hbm>> -> memref<1x64xf32, #tpu.memory_space<hbm>>
    tpu.enqueue_dma source(%dma_start3A_1669 : memref<1x64xf32, #tpu.memory_space<hbm>>) target(%dma_start3A_1667 : memref<1x64xf32, #tpu.memory_space<vmem>>) target_semaphore(%arg11 : memref<!tpu.dma_semaphore, #tpu.memory_space<semaphore_mem>>)
    %slice3A_1670 = vector.extract_strided_slice %get3A_1561 {offsets = [9], sizes = [1], strides = [1]} : vector<16xi32> to vector<1xi32>
    %squeeze3A_1671 = vector.extract %slice3A_1670[0] : i32 from vector<1xi32>
    %dma_start3A_1672 = arith.constant 9 : i32
    %dma_start3A_1673 = arith.constant 0 : i32
    %dma_start3A_1674 = tpu.memref_slice %arg10[%dma_start3A_1672, %dma_start3A_1673] : memref<128x64xf32, #tpu.memory_space<vmem>> -> memref<1x64xf32, #tpu.memory_space<vmem>>
    %dma_start3A_1675 = arith.constant 0 : i32
    %dma_start3A_1676 = tpu.memref_slice %arg2[%squeeze3A_1671, %dma_start3A_1675] : memref<1000000x64xf32, #tpu.memory_space<hbm>> -> memref<1x64xf32, #tpu.memory_space<hbm>>
    %dma_start3A_1677 = arith.constant 9 : i32
    %dma_start3A_1678 = arith.constant 0 : i32
    %dma_start3A_1679 = tpu.memref_slice %arg10[%dma_start3A_1677, %dma_start3A_1678] : memref<128x64xf32, #tpu.memory_space<vmem>> -> memref<1x64xf32, #tpu.memory_space<vmem>>
    %dma_start3A_1680 = arith.constant 0 : i32
    %dma_start3A_1681 = tpu.memref_slice %arg2[%squeeze3A_1671, %dma_start3A_1680] : memref<1000000x64xf32, #tpu.memory_space<hbm>> -> memref<1x64xf32, #tpu.memory_space<hbm>>
    tpu.enqueue_dma source(%dma_start3A_1681 : memref<1x64xf32, #tpu.memory_space<hbm>>) target(%dma_start3A_1679 : memref<1x64xf32, #tpu.memory_space<vmem>>) target_semaphore(%arg11 : memref<!tpu.dma_semaphore, #tpu.memory_space<semaphore_mem>>)
    %slice3A_1682 = vector.extract_strided_slice %get3A_1561 {offsets = [10], sizes = [1], strides = [1]} : vector<16xi32> to vector<1xi32>
    %squeeze3A_1683 = vector.extract %slice3A_1682[0] : i32 from vector<1xi32>
    %dma_start3A_1684 = arith.constant 10 : i32
    %dma_start3A_1685 = arith.constant 0 : i32
    %dma_start3A_1686 = tpu.memref_slice %arg10[%dma_start3A_1684, %dma_start3A_1685] : memref<128x64xf32, #tpu.memory_space<vmem>> -> memref<1x64xf32, #tpu.memory_space<vmem>>
    %dma_start3A_1687 = arith.constant 0 : i32
    %dma_start3A_1688 = tpu.memref_slice %arg2[%squeeze3A_1683, %dma_start3A_1687] : memref<1000000x64xf32, #tpu.memory_space<hbm>> -> memref<1x64xf32, #tpu.memory_space<hbm>>
    %dma_start3A_1689 = arith.constant 10 : i32
    %dma_start3A_1690 = arith.constant 0 : i32
    %dma_start3A_1691 = tpu.memref_slice %arg10[%dma_start3A_1689, %dma_start3A_1690] : memref<128x64xf32, #tpu.memory_space<vmem>> -> memref<1x64xf32, #tpu.memory_space<vmem>>
    %dma_start3A_1692 = arith.constant 0 : i32
    %dma_start3A_1693 = tpu.memref_slice %arg2[%squeeze3A_1683, %dma_start3A_1692] : memref<1000000x64xf32, #tpu.memory_space<hbm>> -> memref<1x64xf32, #tpu.memory_space<hbm>>
    tpu.enqueue_dma source(%dma_start3A_1693 : memref<1x64xf32, #tpu.memory_space<hbm>>) target(%dma_start3A_1691 : memref<1x64xf32, #tpu.memory_space<vmem>>) target_semaphore(%arg11 : memref<!tpu.dma_semaphore, #tpu.memory_space<semaphore_mem>>)
    %slice3A_1694 = vector.extract_strided_slice %get3A_1561 {offsets = [11], sizes = [1], strides = [1]} : vector<16xi32> to vector<1xi32>
    %squeeze3A_1695 = vector.extract %slice3A_1694[0] : i32 from vector<1xi32>
    %dma_start3A_1696 = arith.constant 11 : i32
    %dma_start3A_1697 = arith.constant 0 : i32
    %dma_start3A_1698 = tpu.memref_slice %arg10[%dma_start3A_1696, %dma_start3A_1697] : memref<128x64xf32, #tpu.memory_space<vmem>> -> memref<1x64xf32, #tpu.memory_space<vmem>>
    %dma_start3A_1699 = arith.constant 0 : i32
    %dma_start3A_1700 = tpu.memref_slice %arg2[%squeeze3A_1695, %dma_start3A_1699] : memref<1000000x64xf32, #tpu.memory_space<hbm>> -> memref<1x64xf32, #tpu.memory_space<hbm>>
    %dma_start3A_1701 = arith.constant 11 : i32
    %dma_start3A_1702 = arith.constant 0 : i32
    %dma_start3A_1703 = tpu.memref_slice %arg10[%dma_start3A_1701, %dma_start3A_1702] : memref<128x64xf32, #tpu.memory_space<vmem>> -> memref<1x64xf32, #tpu.memory_space<vmem>>
    %dma_start3A_1704 = arith.constant 0 : i32
    %dma_start3A_1705 = tpu.memref_slice %arg2[%squeeze3A_1695, %dma_start3A_1704] : memref<1000000x64xf32, #tpu.memory_space<hbm>> -> memref<1x64xf32, #tpu.memory_space<hbm>>
    tpu.enqueue_dma source(%dma_start3A_1705 : memref<1x64xf32, #tpu.memory_space<hbm>>) target(%dma_start3A_1703 : memref<1x64xf32, #tpu.memory_space<vmem>>) target_semaphore(%arg11 : memref<!tpu.dma_semaphore, #tpu.memory_space<semaphore_mem>>)
    %slice3A_1706 = vector.extract_strided_slice %get3A_1561 {offsets = [12], sizes = [1], strides = [1]} : vector<16xi32> to vector<1xi32>
    %squeeze3A_1707 = vector.extract %slice3A_1706[0] : i32 from vector<1xi32>
    %dma_start3A_1708 = arith.constant 12 : i32
    %dma_start3A_1709 = arith.constant 0 : i32
    %dma_start3A_1710 = tpu.memref_slice %arg10[%dma_start3A_1708, %dma_start3A_1709] : memref<128x64xf32, #tpu.memory_space<vmem>> -> memref<1x64xf32, #tpu.memory_space<vmem>>
    %dma_start3A_1711 = arith.constant 0 : i32
    %dma_start3A_1712 = tpu.memref_slice %arg2[%squeeze3A_1707, %dma_start3A_1711] : memref<1000000x64xf32, #tpu.memory_space<hbm>> -> memref<1x64xf32, #tpu.memory_space<hbm>>
    %dma_start3A_1713 = arith.constant 12 : i32
    %dma_start3A_1714 = arith.constant 0 : i32
    %dma_start3A_1715 = tpu.memref_slice %arg10[%dma_start3A_1713, %dma_start3A_1714] : memref<128x64xf32, #tpu.memory_space<vmem>> -> memref<1x64xf32, #tpu.memory_space<vmem>>
    %dma_start3A_1716 = arith.constant 0 : i32
    %dma_start3A_1717 = tpu.memref_slice %arg2[%squeeze3A_1707, %dma_start3A_1716] : memref<1000000x64xf32, #tpu.memory_space<hbm>> -> memref<1x64xf32, #tpu.memory_space<hbm>>
    tpu.enqueue_dma source(%dma_start3A_1717 : memref<1x64xf32, #tpu.memory_space<hbm>>) target(%dma_start3A_1715 : memref<1x64xf32, #tpu.memory_space<vmem>>) target_semaphore(%arg11 : memref<!tpu.dma_semaphore, #tpu.memory_space<semaphore_mem>>)
    %slice3A_1718 = vector.extract_strided_slice %get3A_1561 {offsets = [13], sizes = [1], strides = [1]} : vector<16xi32> to vector<1xi32>
    %squeeze3A_1719 = vector.extract %slice3A_1718[0] : i32 from vector<1xi32>
    %dma_start3A_1720 = arith.constant 13 : i32
    %dma_start3A_1721 = arith.constant 0 : i32
    %dma_start3A_1722 = tpu.memref_slice %arg10[%dma_start3A_1720, %dma_start3A_1721] : memref<128x64xf32, #tpu.memory_space<vmem>> -> memref<1x64xf32, #tpu.memory_space<vmem>>
    %dma_start3A_1723 = arith.constant 0 : i32
    %dma_start3A_1724 = tpu.memref_slice %arg2[%squeeze3A_1719, %dma_start3A_1723] : memref<1000000x64xf32, #tpu.memory_space<hbm>> -> memref<1x64xf32, #tpu.memory_space<hbm>>
    %dma_start3A_1725 = arith.constant 13 : i32
    %dma_start3A_1726 = arith.constant 0 : i32
    %dma_start3A_1727 = tpu.memref_slice %arg10[%dma_start3A_1725, %dma_start3A_1726] : memref<128x64xf32, #tpu.memory_space<vmem>> -> memref<1x64xf32, #tpu.memory_space<vmem>>
    %dma_start3A_1728 = arith.constant 0 : i32
    %dma_start3A_1729 = tpu.memref_slice %arg2[%squeeze3A_1719, %dma_start3A_1728] : memref<1000000x64xf32, #tpu.memory_space<hbm>> -> memref<1x64xf32, #tpu.memory_space<hbm>>
    tpu.enqueue_dma source(%dma_start3A_1729 : memref<1x64xf32, #tpu.memory_space<hbm>>) target(%dma_start3A_1727 : memref<1x64xf32, #tpu.memory_space<vmem>>) target_semaphore(%arg11 : memref<!tpu.dma_semaphore, #tpu.memory_space<semaphore_mem>>)
    %slice3A_1730 = vector.extract_strided_slice %get3A_1561 {offsets = [14], sizes = [1], strides = [1]} : vector<16xi32> to vector<1xi32>
    %squeeze3A_1731 = vector.extract %slice3A_1730[0] : i32 from vector<1xi32>
    %dma_start3A_1732 = arith.constant 14 : i32
    %dma_start3A_1733 = arith.constant 0 : i32
    %dma_start3A_1734 = tpu.memref_slice %arg10[%dma_start3A_1732, %dma_start3A_1733] : memref<128x64xf32, #tpu.memory_space<vmem>> -> memref<1x64xf32, #tpu.memory_space<vmem>>
    %dma_start3A_1735 = arith.constant 0 : i32
    %dma_start3A_1736 = tpu.memref_slice %arg2[%squeeze3A_1731, %dma_start3A_1735] : memref<1000000x64xf32, #tpu.memory_space<hbm>> -> memref<1x64xf32, #tpu.memory_space<hbm>>
    %dma_start3A_1737 = arith.constant 14 : i32
    %dma_start3A_1738 = arith.constant 0 : i32
    %dma_start3A_1739 = tpu.memref_slice %arg10[%dma_start3A_1737, %dma_start3A_1738] : memref<128x64xf32, #tpu.memory_space<vmem>> -> memref<1x64xf32, #tpu.memory_space<vmem>>
    %dma_start3A_1740 = arith.constant 0 : i32
    %dma_start3A_1741 = tpu.memref_slice %arg2[%squeeze3A_1731, %dma_start3A_1740] : memref<1000000x64xf32, #tpu.memory_space<hbm>> -> memref<1x64xf32, #tpu.memory_space<hbm>>
    tpu.enqueue_dma source(%dma_start3A_1741 : memref<1x64xf32, #tpu.memory_space<hbm>>) target(%dma_start3A_1739 : memref<1x64xf32, #tpu.memory_space<vmem>>) target_semaphore(%arg11 : memref<!tpu.dma_semaphore, #tpu.memory_space<semaphore_mem>>)
    %slice3A_1742 = vector.extract_strided_slice %get3A_1561 {offsets = [15], sizes = [1], strides = [1]} : vector<16xi32> to vector<1xi32>
    %squeeze3A_1743 = vector.extract %slice3A_1742[0] : i32 from vector<1xi32>
    %dma_start3A_1744 = arith.constant 15 : i32
    %dma_start3A_1745 = arith.constant 0 : i32
    %dma_start3A_1746 = tpu.memref_slice %arg10[%dma_start3A_1744, %dma_start3A_1745] : memref<128x64xf32, #tpu.memory_space<vmem>> -> memref<1x64xf32, #tpu.memory_space<vmem>>
    %dma_start3A_1747 = arith.constant 0 : i32
    %dma_start3A_1748 = tpu.memref_slice %arg2[%squeeze3A_1743, %dma_start3A_1747] : memref<1000000x64xf32, #tpu.memory_space<hbm>> -> memref<1x64xf32, #tpu.memory_space<hbm>>
    %dma_start3A_1749 = arith.constant 15 : i32
    %dma_start3A_1750 = arith.constant 0 : i32
    %dma_start3A_1751 = tpu.memref_slice %arg10[%dma_start3A_1749, %dma_start3A_1750] : memref<128x64xf32, #tpu.memory_space<vmem>> -> memref<1x64xf32, #tpu.memory_space<vmem>>
    %dma_start3A_1752 = arith.constant 0 : i32
    %dma_start3A_1753 = tpu.memref_slice %arg2[%squeeze3A_1743, %dma_start3A_1752] : memref<1000000x64xf32, #tpu.memory_space<hbm>> -> memref<1x64xf32, #tpu.memory_space<hbm>>
    tpu.enqueue_dma source(%dma_start3A_1753 : memref<1x64xf32, #tpu.memory_space<hbm>>) target(%dma_start3A_1751 : memref<1x64xf32, #tpu.memory_space<vmem>>) target_semaphore(%arg11 : memref<!tpu.dma_semaphore, #tpu.memory_space<semaphore_mem>>)
    %get3A_1754 = arith.constant 16 : index
    %get3A_1755 = tpu.vector_load %arg8[%get3A_1754] {strides = array<i32>} : memref<128xi32, #tpu.memory_space<vmem>>, vector<16xi32>,
    %get3A_1756 = vector.shape_cast %get3A_1755 : vector<16xi32> to vector<16xi32>
    %slice3A_1757 = vector.extract_strided_slice %get3A_1756 {offsets = [0], sizes = [1], strides = [1]} : vector<16xi32> to vector<1xi32>
    %squeeze3A_1758 = vector.extract %slice3A_1757[0] : i32 from vector<1xi32>
    %dma_start3A_1759 = arith.constant 16 : i32
    %dma_start3A_1760 = arith.constant 0 : i32
    %dma_start3A_1761 = tpu.memref_slice %arg10[%dma_start3A_1759, %dma_start3A_1760] : memref<128x64xf32, #tpu.memory_space<vmem>> -> memref<1x64xf32, #tpu.memory_space<vmem>>
    %dma_start3A_1762 = arith.constant 0 : i32
    %dma_start3A_1763 = tpu.memref_slice %arg2[%squeeze3A_1758, %dma_start3A_1762] : memref<1000000x64xf32, #tpu.memory_space<hbm>> -> memref<1x64xf32, #tpu.memory_space<hbm>>
    %dma_start3A_1764 = arith.constant 16 : i32
    %dma_start3A_1765 = arith.constant 0 : i32
    %dma_start3A_1766 = tpu.memref_slice %arg10[%dma_start3A_1764, %dma_start3A_1765] : memref<128x64xf32, #tpu.memory_space<vmem>> -> memref<1x64xf32, #tpu.memory_space<vmem>>
    %dma_start3A_1767 = arith.constant 0 : i32
    %dma_start3A_1768 = tpu.memref_slice %arg2[%squeeze3A_1758, %dma_start3A_1767] : memref<1000000x64xf32, #tpu.memory_space<hbm>> -> memref<1x64xf32, #tpu.memory_space<hbm>>
    tpu.enqueue_dma source(%dma_start3A_1768 : memref<1x64xf32, #tpu.memory_space<hbm>>) target(%dma_start3A_1766 : memref<1x64xf32, #tpu.memory_space<vmem>>) target_semaphore(%arg11 : memref<!tpu.dma_semaphore, #tpu.memory_space<semaphore_mem>>)
    %slice3A_1769 = vector.extract_strided_slice %get3A_1756 {offsets = [1], sizes = [1], strides = [1]} : vector<16xi32> to vector<1xi32>
    %squeeze3A_1770 = vector.extract %slice3A_1769[0] : i32 from vector<1xi32>
    %dma_start3A_1771 = arith.constant 17 : i32
    %dma_start3A_1772 = arith.constant 0 : i32
    %dma_start3A_1773 = tpu.memref_slice %arg10[%dma_start3A_1771, %dma_start3A_1772] : memref<128x64xf32, #tpu.memory_space<vmem>> -> memref<1x64xf32, #tpu.memory_space<vmem>>
    %dma_start3A_1774 = arith.constant 0 : i32
    %dma_start3A_1775 = tpu.memref_slice %arg2[%squeeze3A_1770, %dma_start3A_1774] : memref<1000000x64xf32, #tpu.memory_space<hbm>> -> memref<1x64xf32, #tpu.memory_space<hbm>>
    %dma_start3A_1776 = arith.constant 17 : i32
    %dma_start3A_1777 = arith.constant 0 : i32
    %dma_start3A_1778 = tpu.memref_slice %arg10[%dma_start3A_1776, %dma_start3A_1777] : memref<128x64xf32, #tpu.memory_space<vmem>> -> memref<1x64xf32, #tpu.memory_space<vmem>>
    %dma_start3A_1779 = arith.constant 0 : i32
    %dma_start3A_1780 = tpu.memref_slice %arg2[%squeeze3A_1770, %dma_start3A_1779] : memref<1000000x64xf32, #tpu.memory_space<hbm>> -> memref<1x64xf32, #tpu.memory_space<hbm>>
    tpu.enqueue_dma source(%dma_start3A_1780 : memref<1x64xf32, #tpu.memory_space<hbm>>) target(%dma_start3A_1778 : memref<1x64xf32, #tpu.memory_space<vmem>>) target_semaphore(%arg11 : memref<!tpu.dma_semaphore, #tpu.memory_space<semaphore_mem>>)
    %slice3A_1781 = vector.extract_strided_slice %get3A_1756 {offsets = [2], sizes = [1], strides = [1]} : vector<16xi32> to vector<1xi32>
    %squeeze3A_1782 = vector.extract %slice3A_1781[0] : i32 from vector<1xi32>
    %dma_start3A_1783 = arith.constant 18 : i32
    %dma_start3A_1784 = arith.constant 0 : i32
    %dma_start3A_1785 = tpu.memref_slice %arg10[%dma_start3A_1783, %dma_start3A_1784] : memref<128x64xf32, #tpu.memory_space<vmem>> -> memref<1x64xf32, #tpu.memory_space<vmem>>
    %dma_start3A_1786 = arith.constant 0 : i32
    %dma_start3A_1787 = tpu.memref_slice %arg2[%squeeze3A_1782, %dma_start3A_1786] : memref<1000000x64xf32, #tpu.memory_space<hbm>> -> memref<1x64xf32, #tpu.memory_space<hbm>>
    %dma_start3A_1788 = arith.constant 18 : i32
    %dma_start3A_1789 = arith.constant 0 : i32
    %dma_start3A_1790 = tpu.memref_slice %arg10[%dma_start3A_1788, %dma_start3A_1789] : memref<128x64xf32, #tpu.memory_space<vmem>> -> memref<1x64xf32, #tpu.memory_space<vmem>>
    %dma_start3A_1791 = arith.constant 0 : i32
    %dma_start3A_1792 = tpu.memref_slice %arg2[%squeeze3A_1782, %dma_start3A_1791] : memref<1000000x64xf32, #tpu.memory_space<hbm>> -> memref<1x64xf32, #tpu.memory_space<hbm>>
    tpu.enqueue_dma source(%dma_start3A_1792 : memref<1x64xf32, #tpu.memory_space<hbm>>) target(%dma_start3A_1790 : memref<1x64xf32, #tpu.memory_space<vmem>>) target_semaphore(%arg11 : memref<!tpu.dma_semaphore, #tpu.memory_space<semaphore_mem>>)
    %slice3A_1793 = vector.extract_strided_slice %get3A_1756 {offsets = [3], sizes = [1], strides = [1]} : vector<16xi32> to vector<1xi32>
    %squeeze3A_1794 = vector.extract %slice3A_1793[0] : i32 from vector<1xi32>
    %dma_start3A_1795 = arith.constant 19 : i32
    %dma_start3A_1796 = arith.constant 0 : i32
    %dma_start3A_1797 = tpu.memref_slice %arg10[%dma_start3A_1795, %dma_start3A_1796] : memref<128x64xf32, #tpu.memory_space<vmem>> -> memref<1x64xf32, #tpu.memory_space<vmem>>
    %dma_start3A_1798 = arith.constant 0 : i32
    %dma_start3A_1799 = tpu.memref_slice %arg2[%squeeze3A_1794, %dma_start3A_1798] : memref<1000000x64xf32, #tpu.memory_space<hbm>> -> memref<1x64xf32, #tpu.memory_space<hbm>>
    %dma_start3A_1800 = arith.constant 19 : i32
    %dma_start3A_1801 = arith.constant 0 : i32
    %dma_start3A_1802 = tpu.memref_slice %arg10[%dma_start3A_1800, %dma_start3A_1801] : memref<128x64xf32, #tpu.memory_space<vmem>> -> memref<1x64xf32, #tpu.memory_space<vmem>>
    %dma_start3A_1803 = arith.constant 0 : i32
    %dma_start3A_1804 = tpu.memref_slice %arg2[%squeeze3A_1794, %dma_start3A_1803] : memref<1000000x64xf32, #tpu.memory_space<hbm>> -> memref<1x64xf32, #tpu.memory_space<hbm>>
    tpu.enqueue_dma source(%dma_start3A_1804 : memref<1x64xf32, #tpu.memory_space<hbm>>) target(%dma_start3A_1802 : memref<1x64xf32, #tpu.memory_space<vmem>>) target_semaphore(%arg11 : memref<!tpu.dma_semaphore, #tpu.memory_space<semaphore_mem>>)
    %slice3A_1805 = vector.extract_strided_slice %get3A_1756 {offsets = [4], sizes = [1], strides = [1]} : vector<16xi32> to vector<1xi32>
    %squeeze3A_1806 = vector.extract %slice3A_1805[0] : i32 from vector<1xi32>
    %dma_start3A_1807 = arith.constant 20 : i32
    %dma_start3A_1808 = arith.constant 0 : i32
    %dma_start3A_1809 = tpu.memref_slice %arg10[%dma_start3A_1807, %dma_start3A_1808] : memref<128x64xf32, #tpu.memory_space<vmem>> -> memref<1x64xf32, #tpu.memory_space<vmem>>
    %dma_start3A_1810 = arith.constant 0 : i32
    %dma_start3A_1811 = tpu.memref_slice %arg2[%squeeze3A_1806, %dma_start3A_1810] : memref<1000000x64xf32, #tpu.memory_space<hbm>> -> memref<1x64xf32, #tpu.memory_space<hbm>>
    %dma_start3A_1812 = arith.constant 20 : i32
    %dma_start3A_1813 = arith.constant 0 : i32
    %dma_start3A_1814 = tpu.memref_slice %arg10[%dma_start3A_1812, %dma_start3A_1813] : memref<128x64xf32, #tpu.memory_space<vmem>> -> memref<1x64xf32, #tpu.memory_space<vmem>>
    %dma_start3A_1815 = arith.constant 0 : i32
    %dma_start3A_1816 = tpu.memref_slice %arg2[%squeeze3A_1806, %dma_start3A_1815] : memref<1000000x64xf32, #tpu.memory_space<hbm>> -> memref<1x64xf32, #tpu.memory_space<hbm>>
    tpu.enqueue_dma source(%dma_start3A_1816 : memref<1x64xf32, #tpu.memory_space<hbm>>) target(%dma_start3A_1814 : memref<1x64xf32, #tpu.memory_space<vmem>>) target_semaphore(%arg11 : memref<!tpu.dma_semaphore, #tpu.memory_space<semaphore_mem>>)
    %slice3A_1817 = vector.extract_strided_slice %get3A_1756 {offsets = [5], sizes = [1], strides = [1]} : vector<16xi32> to vector<1xi32>
    %squeeze3A_1818 = vector.extract %slice3A_1817[0] : i32 from vector<1xi32>
    %dma_start3A_1819 = arith.constant 21 : i32
    %dma_start3A_1820 = arith.constant 0 : i32
    %dma_start3A_1821 = tpu.memref_slice %arg10[%dma_start3A_1819, %dma_start3A_1820] : memref<128x64xf32, #tpu.memory_space<vmem>> -> memref<1x64xf32, #tpu.memory_space<vmem>>
    %dma_start3A_1822 = arith.constant 0 : i32
    %dma_start3A_1823 = tpu.memref_slice %arg2[%squeeze3A_1818, %dma_start3A_1822] : memref<1000000x64xf32, #tpu.memory_space<hbm>> -> memref<1x64xf32, #tpu.memory_space<hbm>>
    %dma_start3A_1824 = arith.constant 21 : i32
    %dma_start3A_1825 = arith.constant 0 : i32
    %dma_start3A_1826 = tpu.memref_slice %arg10[%dma_start3A_1824, %dma_start3A_1825] : memref<128x64xf32, #tpu.memory_space<vmem>> -> memref<1x64xf32, #tpu.memory_space<vmem>>
    %dma_start3A_1827 = arith.constant 0 : i32
    %dma_start3A_1828 = tpu.memref_slice %arg2[%squeeze3A_1818, %dma_start3A_1827] : memref<1000000x64xf32, #tpu.memory_space<hbm>> -> memref<1x64xf32, #tpu.memory_space<hbm>>
    tpu.enqueue_dma source(%dma_start3A_1828 : memref<1x64xf32, #tpu.memory_space<hbm>>) target(%dma_start3A_1826 : memref<1x64xf32, #tpu.memory_space<vmem>>) target_semaphore(%arg11 : memref<!tpu.dma_semaphore, #tpu.memory_space<semaphore_mem>>)
    %slice3A_1829 = vector.extract_strided_slice %get3A_1756 {offsets = [6], sizes = [1], strides = [1]} : vector<16xi32> to vector<1xi32>
    %squeeze3A_1830 = vector.extract %slice3A_1829[0] : i32 from vector<1xi32>
    %dma_start3A_1831 = arith.constant 22 : i32
    %dma_start3A_1832 = arith.constant 0 : i32
    %dma_start3A_1833 = tpu.memref_slice %arg10[%dma_start3A_1831, %dma_start3A_1832] : memref<128x64xf32, #tpu.memory_space<vmem>> -> memref<1x64xf32, #tpu.memory_space<vmem>>
    %dma_start3A_1834 = arith.constant 0 : i32
    %dma_start3A_1835 = tpu.memref_slice %arg2[%squeeze3A_1830, %dma_start3A_1834] : memref<1000000x64xf32, #tpu.memory_space<hbm>> -> memref<1x64xf32, #tpu.memory_space<hbm>>
    %dma_start3A_1836 = arith.constant 22 : i32
    %dma_start3A_1837 = arith.constant 0 : i32
    %dma_start3A_1838 = tpu.memref_slice %arg10[%dma_start3A_1836, %dma_start3A_1837] : memref<128x64xf32, #tpu.memory_space<vmem>> -> memref<1x64xf32, #tpu.memory_space<vmem>>
    %dma_start3A_1839 = arith.constant 0 : i32
    %dma_start3A_1840 = tpu.memref_slice %arg2[%squeeze3A_1830, %dma_start3A_1839] : memref<1000000x64xf32, #tpu.memory_space<hbm>> -> memref<1x64xf32, #tpu.memory_space<hbm>>
    tpu.enqueue_dma source(%dma_start3A_1840 : memref<1x64xf32, #tpu.memory_space<hbm>>) target(%dma_start3A_1838 : memref<1x64xf32, #tpu.memory_space<vmem>>) target_semaphore(%arg11 : memref<!tpu.dma_semaphore, #tpu.memory_space<semaphore_mem>>)
    %slice3A_1841 = vector.extract_strided_slice %get3A_1756 {offsets = [7], sizes = [1], strides = [1]} : vector<16xi32> to vector<1xi32>
    %squeeze3A_1842 = vector.extract %slice3A_1841[0] : i32 from vector<1xi32>
    %dma_start3A_1843 = arith.constant 23 : i32
    %dma_start3A_1844 = arith.constant 0 : i32
    %dma_start3A_1845 = tpu.memref_slice %arg10[%dma_start3A_1843, %dma_start3A_1844] : memref<128x64xf32, #tpu.memory_space<vmem>> -> memref<1x64xf32, #tpu.memory_space<vmem>>
    %dma_start3A_1846 = arith.constant 0 : i32
    %dma_start3A_1847 = tpu.memref_slice %arg2[%squeeze3A_1842, %dma_start3A_1846] : memref<1000000x64xf32, #tpu.memory_space<hbm>> -> memref<1x64xf32, #tpu.memory_space<hbm>>
    %dma_start3A_1848 = arith.constant 23 : i32
    %dma_start3A_1849 = arith.constant 0 : i32
    %dma_start3A_1850 = tpu.memref_slice %arg10[%dma_start3A_1848, %dma_start3A_1849] : memref<128x64xf32, #tpu.memory_space<vmem>> -> memref<1x64xf32, #tpu.memory_space<vmem>>
    %dma_start3A_1851 = arith.constant 0 : i32
    %dma_start3A_1852 = tpu.memref_slice %arg2[%squeeze3A_1842, %dma_start3A_1851] : memref<1000000x64xf32, #tpu.memory_space<hbm>> -> memref<1x64xf32, #tpu.memory_space<hbm>>
    tpu.enqueue_dma source(%dma_start3A_1852 : memref<1x64xf32, #tpu.memory_space<hbm>>) target(%dma_start3A_1850 : memref<1x64xf32, #tpu.memory_space<vmem>>) target_semaphore(%arg11 : memref<!tpu.dma_semaphore, #tpu.memory_space<semaphore_mem>>)
    %slice3A_1853 = vector.extract_strided_slice %get3A_1756 {offsets = [8], sizes = [1], strides = [1]} : vector<16xi32> to vector<1xi32>
    %squeeze3A_1854 = vector.extract %slice3A_1853[0] : i32 from vector<1xi32>
    %dma_start3A_1855 = arith.constant 24 : i32
    %dma_start3A_1856 = arith.constant 0 : i32
    %dma_start3A_1857 = tpu.memref_slice %arg10[%dma_start3A_1855, %dma_start3A_1856] : memref<128x64xf32, #tpu.memory_space<vmem>> -> memref<1x64xf32, #tpu.memory_space<vmem>>
    %dma_start3A_1858 = arith.constant 0 : i32
    %dma_start3A_1859 = tpu.memref_slice %arg2[%squeeze3A_1854, %dma_start3A_1858] : memref<1000000x64xf32, #tpu.memory_space<hbm>> -> memref<1x64xf32, #tpu.memory_space<hbm>>
    %dma_start3A_1860 = arith.constant 24 : i32
    %dma_start3A_1861 = arith.constant 0 : i32
    %dma_start3A_1862 = tpu.memref_slice %arg10[%dma_start3A_1860, %dma_start3A_1861] : memref<128x64xf32, #tpu.memory_space<vmem>> -> memref<1x64xf32, #tpu.memory_space<vmem>>
    %dma_start3A_1863 = arith.constant 0 : i32
    %dma_start3A_1864 = tpu.memref_slice %arg2[%squeeze3A_1854, %dma_start3A_1863] : memref<1000000x64xf32, #tpu.memory_space<hbm>> -> memref<1x64xf32, #tpu.memory_space<hbm>>
    tpu.enqueue_dma source(%dma_start3A_1864 : memref<1x64xf32, #tpu.memory_space<hbm>>) target(%dma_start3A_1862 : memref<1x64xf32, #tpu.memory_space<vmem>>) target_semaphore(%arg11 : memref<!tpu.dma_semaphore, #tpu.memory_space<semaphore_mem>>)
    %slice3A_1865 = vector.extract_strided_slice %get3A_1756 {offsets = [9], sizes = [1], strides = [1]} : vector<16xi32> to vector<1xi32>
    %squeeze3A_1866 = vector.extract %slice3A_1865[0] : i32 from vector<1xi32>
    %dma_start3A_1867 = arith.constant 25 : i32
    %dma_start3A_1868 = arith.constant 0 : i32
    %dma_start3A_1869 = tpu.memref_slice %arg10[%dma_start3A_1867, %dma_start3A_1868] : memref<128x64xf32, #tpu.memory_space<vmem>> -> memref<1x64xf32, #tpu.memory_space<vmem>>
    %dma_start3A_1870 = arith.constant 0 : i32
    %dma_start3A_1871 = tpu.memref_slice %arg2[%squeeze3A_1866, %dma_start3A_1870] : memref<1000000x64xf32, #tpu.memory_space<hbm>> -> memref<1x64xf32, #tpu.memory_space<hbm>>
    %dma_start3A_1872 = arith.constant 25 : i32
    %dma_start3A_1873 = arith.constant 0 : i32
    %dma_start3A_1874 = tpu.memref_slice %arg10[%dma_start3A_1872, %dma_start3A_1873] : memref<128x64xf32, #tpu.memory_space<vmem>> -> memref<1x64xf32, #tpu.memory_space<vmem>>
    %dma_start3A_1875 = arith.constant 0 : i32
    %dma_start3A_1876 = tpu.memref_slice %arg2[%squeeze3A_1866, %dma_start3A_1875] : memref<1000000x64xf32, #tpu.memory_space<hbm>> -> memref<1x64xf32, #tpu.memory_space<hbm>>
    tpu.enqueue_dma source(%dma_start3A_1876 : memref<1x64xf32, #tpu.memory_space<hbm>>) target(%dma_start3A_1874 : memref<1x64xf32, #tpu.memory_space<vmem>>) target_semaphore(%arg11 : memref<!tpu.dma_semaphore, #tpu.memory_space<semaphore_mem>>)
    %slice3A_1877 = vector.extract_strided_slice %get3A_1756 {offsets = [10], sizes = [1], strides = [1]} : vector<16xi32> to vector<1xi32>
    %squeeze3A_1878 = vector.extract %slice3A_1877[0] : i32 from vector<1xi32>
    %dma_start3A_1879 = arith.constant 26 : i32
    %dma_start3A_1880 = arith.constant 0 : i32
    %dma_start3A_1881 = tpu.memref_slice %arg10[%dma_start3A_1879, %dma_start3A_1880] : memref<128x64xf32, #tpu.memory_space<vmem>> -> memref<1x64xf32, #tpu.memory_space<vmem>>
    %dma_start3A_1882 = arith.constant 0 : i32
    %dma_start3A_1883 = tpu.memref_slice %arg2[%squeeze3A_1878, %dma_start3A_1882] : memref<1000000x64xf32, #tpu.memory_space<hbm>> -> memref<1x64xf32, #tpu.memory_space<hbm>>
    %dma_start3A_1884 = arith.constant 26 : i32
    %dma_start3A_1885 = arith.constant 0 : i32
    %dma_start3A_1886 = tpu.memref_slice %arg10[%dma_start3A_1884, %dma_start3A_1885] : memref<128x64xf32, #tpu.memory_space<vmem>> -> memref<1x64xf32, #tpu.memory_space<vmem>>
    %dma_start3A_1887 = arith.constant 0 : i32
    %dma_start3A_1888 = tpu.memref_slice %arg2[%squeeze3A_1878, %dma_start3A_1887] : memref<1000000x64xf32, #tpu.memory_space<hbm>> -> memref<1x64xf32, #tpu.memory_space<hbm>>
    tpu.enqueue_dma source(%dma_start3A_1888 : memref<1x64xf32, #tpu.memory_space<hbm>>) target(%dma_start3A_1886 : memref<1x64xf32, #tpu.memory_space<vmem>>) target_semaphore(%arg11 : memref<!tpu.dma_semaphore, #tpu.memory_space<semaphore_mem>>)
    %slice3A_1889 = vector.extract_strided_slice %get3A_1756 {offsets = [11], sizes = [1], strides = [1]} : vector<16xi32> to vector<1xi32>
    %squeeze3A_1890 = vector.extract %slice3A_1889[0] : i32 from vector<1xi32>
    %dma_start3A_1891 = arith.constant 27 : i32
    %dma_start3A_1892 = arith.constant 0 : i32
    %dma_start3A_1893 = tpu.memref_slice %arg10[%dma_start3A_1891, %dma_start3A_1892] : memref<128x64xf32, #tpu.memory_space<vmem>> -> memref<1x64xf32, #tpu.memory_space<vmem>>
    %dma_start3A_1894 = arith.constant 0 : i32
    %dma_start3A_1895 = tpu.memref_slice %arg2[%squeeze3A_1890, %dma_start3A_1894] : memref<1000000x64xf32, #tpu.memory_space<hbm>> -> memref<1x64xf32, #tpu.memory_space<hbm>>
    %dma_start3A_1896 = arith.constant 27 : i32
    %dma_start3A_1897 = arith.constant 0 : i32
    %dma_start3A_1898 = tpu.memref_slice %arg10[%dma_start3A_1896, %dma_start3A_1897] : memref<128x64xf32, #tpu.memory_space<vmem>> -> memref<1x64xf32, #tpu.memory_space<vmem>>
    %dma_start3A_1899 = arith.constant 0 : i32
    %dma_start3A_1900 = tpu.memref_slice %arg2[%squeeze3A_1890, %dma_start3A_1899] : memref<1000000x64xf32, #tpu.memory_space<hbm>> -> memref<1x64xf32, #tpu.memory_space<hbm>>
    tpu.enqueue_dma source(%dma_start3A_1900 : memref<1x64xf32, #tpu.memory_space<hbm>>) target(%dma_start3A_1898 : memref<1x64xf32, #tpu.memory_space<vmem>>) target_semaphore(%arg11 : memref<!tpu.dma_semaphore, #tpu.memory_space<semaphore_mem>>)
    %slice3A_1901 = vector.extract_strided_slice %get3A_1756 {offsets = [12], sizes = [1], strides = [1]} : vector<16xi32> to vector<1xi32>
    %squeeze3A_1902 = vector.extract %slice3A_1901[0] : i32 from vector<1xi32>
    %dma_start3A_1903 = arith.constant 28 : i32
    %dma_start3A_1904 = arith.constant 0 : i32
    %dma_start3A_1905 = tpu.memref_slice %arg10[%dma_start3A_1903, %dma_start3A_1904] : memref<128x64xf32, #tpu.memory_space<vmem>> -> memref<1x64xf32, #tpu.memory_space<vmem>>
    %dma_start3A_1906 = arith.constant 0 : i32
    %dma_start3A_1907 = tpu.memref_slice %arg2[%squeeze3A_1902, %dma_start3A_1906] : memref<1000000x64xf32, #tpu.memory_space<hbm>> -> memref<1x64xf32, #tpu.memory_space<hbm>>
    %dma_start3A_1908 = arith.constant 28 : i32
    %dma_start3A_1909 = arith.constant 0 : i32
    %dma_start3A_1910 = tpu.memref_slice %arg10[%dma_start3A_1908, %dma_start3A_1909] : memref<128x64xf32, #tpu.memory_space<vmem>> -> memref<1x64xf32, #tpu.memory_space<vmem>>
    %dma_start3A_1911 = arith.constant 0 : i32
    %dma_start3A_1912 = tpu.memref_slice %arg2[%squeeze3A_1902, %dma_start3A_1911] : memref<1000000x64xf32, #tpu.memory_space<hbm>> -> memref<1x64xf32, #tpu.memory_space<hbm>>
    tpu.enqueue_dma source(%dma_start3A_1912 : memref<1x64xf32, #tpu.memory_space<hbm>>) target(%dma_start3A_1910 : memref<1x64xf32, #tpu.memory_space<vmem>>) target_semaphore(%arg11 : memref<!tpu.dma_semaphore, #tpu.memory_space<semaphore_mem>>)
    %slice3A_1913 = vector.extract_strided_slice %get3A_1756 {offsets = [13], sizes = [1], strides = [1]} : vector<16xi32> to vector<1xi32>
    %squeeze3A_1914 = vector.extract %slice3A_1913[0] : i32 from vector<1xi32>
    %dma_start3A_1915 = arith.constant 29 : i32
    %dma_start3A_1916 = arith.constant 0 : i32
    %dma_start3A_1917 = tpu.memref_slice %arg10[%dma_start3A_1915, %dma_start3A_1916] : memref<128x64xf32, #tpu.memory_space<vmem>> -> memref<1x64xf32, #tpu.memory_space<vmem>>
    %dma_start3A_1918 = arith.constant 0 : i32
    %dma_start3A_1919 = tpu.memref_slice %arg2[%squeeze3A_1914, %dma_start3A_1918] : memref<1000000x64xf32, #tpu.memory_space<hbm>> -> memref<1x64xf32, #tpu.memory_space<hbm>>
    %dma_start3A_1920 = arith.constant 29 : i32
    %dma_start3A_1921 = arith.constant 0 : i32
    %dma_start3A_1922 = tpu.memref_slice %arg10[%dma_start3A_1920, %dma_start3A_1921] : memref<128x64xf32, #tpu.memory_space<vmem>> -> memref<1x64xf32, #tpu.memory_space<vmem>>
    %dma_start3A_1923 = arith.constant 0 : i32
    %dma_start3A_1924 = tpu.memref_slice %arg2[%squeeze3A_1914, %dma_start3A_1923] : memref<1000000x64xf32, #tpu.memory_space<hbm>> -> memref<1x64xf32, #tpu.memory_space<hbm>>
    tpu.enqueue_dma source(%dma_start3A_1924 : memref<1x64xf32, #tpu.memory_space<hbm>>) target(%dma_start3A_1922 : memref<1x64xf32, #tpu.memory_space<vmem>>) target_semaphore(%arg11 : memref<!tpu.dma_semaphore, #tpu.memory_space<semaphore_mem>>)
    %slice3A_1925 = vector.extract_strided_slice %get3A_1756 {offsets = [14], sizes = [1], strides = [1]} : vector<16xi32> to vector<1xi32>
    %squeeze3A_1926 = vector.extract %slice3A_1925[0] : i32 from vector<1xi32>
    %dma_start3A_1927 = arith.constant 30 : i32
    %dma_start3A_1928 = arith.constant 0 : i32
    %dma_start3A_1929 = tpu.memref_slice %arg10[%dma_start3A_1927, %dma_start3A_1928] : memref<128x64xf32, #tpu.memory_space<vmem>> -> memref<1x64xf32, #tpu.memory_space<vmem>>
    %dma_start3A_1930 = arith.constant 0 : i32
    %dma_start3A_1931 = tpu.memref_slice %arg2[%squeeze3A_1926, %dma_start3A_1930] : memref<1000000x64xf32, #tpu.memory_space<hbm>> -> memref<1x64xf32, #tpu.memory_space<hbm>>
    %dma_start3A_1932 = arith.constant 30 : i32
    %dma_start3A_1933 = arith.constant 0 : i32
    %dma_start3A_1934 = tpu.memref_slice %arg10[%dma_start3A_1932, %dma_start3A_1933] : memref<128x64xf32, #tpu.memory_space<vmem>> -> memref<1x64xf32, #tpu.memory_space<vmem>>
    %dma_start3A_1935 = arith.constant 0 : i32
    %dma_start3A_1936 = tpu.memref_slice %arg2[%squeeze3A_1926, %dma_start3A_1935] : memref<1000000x64xf32, #tpu.memory_space<hbm>> -> memref<1x64xf32, #tpu.memory_space<hbm>>
    tpu.enqueue_dma source(%dma_start3A_1936 : memref<1x64xf32, #tpu.memory_space<hbm>>) target(%dma_start3A_1934 : memref<1x64xf32, #tpu.memory_space<vmem>>) target_semaphore(%arg11 : memref<!tpu.dma_semaphore, #tpu.memory_space<semaphore_mem>>)
    %slice3A_1937 = vector.extract_strided_slice %get3A_1756 {offsets = [15], sizes = [1], strides = [1]} : vector<16xi32> to vector<1xi32>
    %squeeze3A_1938 = vector.extract %slice3A_1937[0] : i32 from vector<1xi32>
    %dma_start3A_1939 = arith.constant 31 : i32
    %dma_start3A_1940 = arith.constant 0 : i32
    %dma_start3A_1941 = tpu.memref_slice %arg10[%dma_start3A_1939, %dma_start3A_1940] : memref<128x64xf32, #tpu.memory_space<vmem>> -> memref<1x64xf32, #tpu.memory_space<vmem>>
    %dma_start3A_1942 = arith.constant 0 : i32
    %dma_start3A_1943 = tpu.memref_slice %arg2[%squeeze3A_1938, %dma_start3A_1942] : memref<1000000x64xf32, #tpu.memory_space<hbm>> -> memref<1x64xf32, #tpu.memory_space<hbm>>
    %dma_start3A_1944 = arith.constant 31 : i32
    %dma_start3A_1945 = arith.constant 0 : i32
    %dma_start3A_1946 = tpu.memref_slice %arg10[%dma_start3A_1944, %dma_start3A_1945] : memref<128x64xf32, #tpu.memory_space<vmem>> -> memref<1x64xf32, #tpu.memory_space<vmem>>
    %dma_start3A_1947 = arith.constant 0 : i32
    %dma_start3A_1948 = tpu.memref_slice %arg2[%squeeze3A_1938, %dma_start3A_1947] : memref<1000000x64xf32, #tpu.memory_space<hbm>> -> memref<1x64xf32, #tpu.memory_space<hbm>>
    tpu.enqueue_dma source(%dma_start3A_1948 : memref<1x64xf32, #tpu.memory_space<hbm>>) target(%dma_start3A_1946 : memref<1x64xf32, #tpu.memory_space<vmem>>) target_semaphore(%arg11 : memref<!tpu.dma_semaphore, #tpu.memory_space<semaphore_mem>>)
    %get3A_1949 = arith.constant 32 : index
    %get3A_1950 = tpu.vector_load %arg8[%get3A_1949] {strides = array<i32>} : memref<128xi32, #tpu.memory_space<vmem>>, vector<16xi32>,
    %get3A_1951 = vector.shape_cast %get3A_1950 : vector<16xi32> to vector<16xi32>
    %slice3A_1952 = vector.extract_strided_slice %get3A_1951 {offsets = [0], sizes = [1], strides = [1]} : vector<16xi32> to vector<1xi32>
    %squeeze3A_1953 = vector.extract %slice3A_1952[0] : i32 from vector<1xi32>
    %dma_start3A_1954 = arith.constant 32 : i32
    %dma_start3A_1955 = arith.constant 0 : i32
    %dma_start3A_1956 = tpu.memref_slice %arg10[%dma_start3A_1954, %dma_start3A_1955] : memref<128x64xf32, #tpu.memory_space<vmem>> -> memref<1x64xf32, #tpu.memory_space<vmem>>
    %dma_start3A_1957 = arith.constant 0 : i32
    %dma_start3A_1958 = tpu.memref_slice %arg2[%squeeze3A_1953, %dma_start3A_1957] : memref<1000000x64xf32, #tpu.memory_space<hbm>> -> memref<1x64xf32, #tpu.memory_space<hbm>>
    %dma_start3A_1959 = arith.constant 32 : i32
    %dma_start3A_1960 = arith.constant 0 : i32
    %dma_start3A_1961 = tpu.memref_slice %arg10[%dma_start3A_1959, %dma_start3A_1960] : memref<128x64xf32, #tpu.memory_space<vmem>> -> memref<1x64xf32, #tpu.memory_space<vmem>>
    %dma_start3A_1962 = arith.constant 0 : i32
    %dma_start3A_1963 = tpu.memref_slice %arg2[%squeeze3A_1953, %dma_start3A_1962] : memref<1000000x64xf32, #tpu.memory_space<hbm>> -> memref<1x64xf32, #tpu.memory_space<hbm>>
    tpu.enqueue_dma source(%dma_start3A_1963 : memref<1x64xf32, #tpu.memory_space<hbm>>) target(%dma_start3A_1961 : memref<1x64xf32, #tpu.memory_space<vmem>>) target_semaphore(%arg11 : memref<!tpu.dma_semaphore, #tpu.memory_space<semaphore_mem>>)
    %slice3A_1964 = vector.extract_strided_slice %get3A_1951 {offsets = [1], sizes = [1], strides = [1]} : vector<16xi32> to vector<1xi32>
    %squeeze3A_1965 = vector.extract %slice3A_1964[0] : i32 from vector<1xi32>
    %dma_start3A_1966 = arith.constant 33 : i32
    %dma_start3A_1967 = arith.constant 0 : i32
    %dma_start3A_1968 = tpu.memref_slice %arg10[%dma_start3A_1966, %dma_start3A_1967] : memref<128x64xf32, #tpu.memory_space<vmem>> -> memref<1x64xf32, #tpu.memory_space<vmem>>
    %dma_start3A_1969 = arith.constant 0 : i32
    %dma_start3A_1970 = tpu.memref_slice %arg2[%squeeze3A_1965, %dma_start3A_1969] : memref<1000000x64xf32, #tpu.memory_space<hbm>> -> memref<1x64xf32, #tpu.memory_space<hbm>>
    %dma_start3A_1971 = arith.constant 33 : i32
    %dma_start3A_1972 = arith.constant 0 : i32
    %dma_start3A_1973 = tpu.memref_slice %arg10[%dma_start3A_1971, %dma_start3A_1972] : memref<128x64xf32, #tpu.memory_space<vmem>> -> memref<1x64xf32, #tpu.memory_space<vmem>>
    %dma_start3A_1974 = arith.constant 0 : i32
    %dma_start3A_1975 = tpu.memref_slice %arg2[%squeeze3A_1965, %dma_start3A_1974] : memref<1000000x64xf32, #tpu.memory_space<hbm>> -> memref<1x64xf32, #tpu.memory_space<hbm>>
    tpu.enqueue_dma source(%dma_start3A_1975 : memref<1x64xf32, #tpu.memory_space<hbm>>) target(%dma_start3A_1973 : memref<1x64xf32, #tpu.memory_space<vmem>>) target_semaphore(%arg11 : memref<!tpu.dma_semaphore, #tpu.memory_space<semaphore_mem>>)
    %slice3A_1976 = vector.extract_strided_slice %get3A_1951 {offsets = [2], sizes = [1], strides = [1]} : vector<16xi32> to vector<1xi32>
    %squeeze3A_1977 = vector.extract %slice3A_1976[0] : i32 from vector<1xi32>
    %dma_start3A_1978 = arith.constant 34 : i32
    %dma_start3A_1979 = arith.constant 0 : i32
    %dma_start3A_1980 = tpu.memref_slice %arg10[%dma_start3A_1978, %dma_start3A_1979] : memref<128x64xf32, #tpu.memory_space<vmem>> -> memref<1x64xf32, #tpu.memory_space<vmem>>
    %dma_start3A_1981 = arith.constant 0 : i32
    %dma_start3A_1982 = tpu.memref_slice %arg2[%squeeze3A_1977, %dma_start3A_1981] : memref<1000000x64xf32, #tpu.memory_space<hbm>> -> memref<1x64xf32, #tpu.memory_space<hbm>>
    %dma_start3A_1983 = arith.constant 34 : i32
    %dma_start3A_1984 = arith.constant 0 : i32
    %dma_start3A_1985 = tpu.memref_slice %arg10[%dma_start3A_1983, %dma_start3A_1984] : memref<128x64xf32, #tpu.memory_space<vmem>> -> memref<1x64xf32, #tpu.memory_space<vmem>>
    %dma_start3A_1986 = arith.constant 0 : i32
    %dma_start3A_1987 = tpu.memref_slice %arg2[%squeeze3A_1977, %dma_start3A_1986] : memref<1000000x64xf32, #tpu.memory_space<hbm>> -> memref<1x64xf32, #tpu.memory_space<hbm>>
    tpu.enqueue_dma source(%dma_start3A_1987 : memref<1x64xf32, #tpu.memory_space<hbm>>) target(%dma_start3A_1985 : memref<1x64xf32, #tpu.memory_space<vmem>>) target_semaphore(%arg11 : memref<!tpu.dma_semaphore, #tpu.memory_space<semaphore_mem>>)
    %slice3A_1988 = vector.extract_strided_slice %get3A_1951 {offsets = [3], sizes = [1], strides = [1]} : vector<16xi32> to vector<1xi32>
    %squeeze3A_1989 = vector.extract %slice3A_1988[0] : i32 from vector<1xi32>
    %dma_start3A_1990 = arith.constant 35 : i32
    %dma_start3A_1991 = arith.constant 0 : i32
    %dma_start3A_1992 = tpu.memref_slice %arg10[%dma_start3A_1990, %dma_start3A_1991] : memref<128x64xf32, #tpu.memory_space<vmem>> -> memref<1x64xf32, #tpu.memory_space<vmem>>
    %dma_start3A_1993 = arith.constant 0 : i32
    %dma_start3A_1994 = tpu.memref_slice %arg2[%squeeze3A_1989, %dma_start3A_1993] : memref<1000000x64xf32, #tpu.memory_space<hbm>> -> memref<1x64xf32, #tpu.memory_space<hbm>>
    %dma_start3A_1995 = arith.constant 35 : i32
    %dma_start3A_1996 = arith.constant 0 : i32
    %dma_start3A_1997 = tpu.memref_slice %arg10[%dma_start3A_1995, %dma_start3A_1996] : memref<128x64xf32, #tpu.memory_space<vmem>> -> memref<1x64xf32, #tpu.memory_space<vmem>>
    %dma_start3A_1998 = arith.constant 0 : i32
    %dma_start3A_1999 = tpu.memref_slice %arg2[%squeeze3A_1989, %dma_start3A_1998] : memref<1000000x64xf32, #tpu.memory_space<hbm>> -> memref<1x64xf32, #tpu.memory_space<hbm>>
    tpu.enqueue_dma source(%dma_start3A_1999 : memref<1x64xf32, #tpu.memory_space<hbm>>) target(%dma_start3A_1997 : memref<1x64xf32, #tpu.memory_space<vmem>>) target_semaphore(%arg11 : memref<!tpu.dma_semaphore, #tpu.memory_space<semaphore_mem>>)
    %slice3A_2000 = vector.extract_strided_slice %get3A_1951 {offsets = [4], sizes = [1], strides = [1]} : vector<16xi32> to vector<1xi32>
    %squeeze3A_2001 = vector.extract %slice3A_2000[0] : i32 from vector<1xi32>
    %dma_start3A_2002 = arith.constant 36 : i32
    %dma_start3A_2003 = arith.constant 0 : i32
    %dma_start3A_2004 = tpu.memref_slice %arg10[%dma_start3A_2002, %dma_start3A_2003] : memref<128x64xf32, #tpu.memory_space<vmem>> -> memref<1x64xf32, #tpu.memory_space<vmem>>
    %dma_start3A_2005 = arith.constant 0 : i32
    %dma_start3A_2006 = tpu.memref_slice %arg2[%squeeze3A_2001, %dma_start3A_2005] : memref<1000000x64xf32, #tpu.memory_space<hbm>> -> memref<1x64xf32, #tpu.memory_space<hbm>>
    %dma_start3A_2007 = arith.constant 36 : i32
    %dma_start3A_2008 = arith.constant 0 : i32
    %dma_start3A_2009 = tpu.memref_slice %arg10[%dma_start3A_2007, %dma_start3A_2008] : memref<128x64xf32, #tpu.memory_space<vmem>> -> memref<1x64xf32, #tpu.memory_space<vmem>>
    %dma_start3A_2010 = arith.constant 0 : i32
    %dma_start3A_2011 = tpu.memref_slice %arg2[%squeeze3A_2001, %dma_start3A_2010] : memref<1000000x64xf32, #tpu.memory_space<hbm>> -> memref<1x64xf32, #tpu.memory_space<hbm>>
    tpu.enqueue_dma source(%dma_start3A_2011 : memref<1x64xf32, #tpu.memory_space<hbm>>) target(%dma_start3A_2009 : memref<1x64xf32, #tpu.memory_space<vmem>>) target_semaphore(%arg11 : memref<!tpu.dma_semaphore, #tpu.memory_space<semaphore_mem>>)
    %slice3A_2012 = vector.extract_strided_slice %get3A_1951 {offsets = [5], sizes = [1], strides = [1]} : vector<16xi32> to vector<1xi32>
    %squeeze3A_2013 = vector.extract %slice3A_2012[0] : i32 from vector<1xi32>
    %dma_start3A_2014 = arith.constant 37 : i32
    %dma_start3A_2015 = arith.constant 0 : i32
    %dma_start3A_2016 = tpu.memref_slice %arg10[%dma_start3A_2014, %dma_start3A_2015] : memref<128x64xf32, #tpu.memory_space<vmem>> -> memref<1x64xf32, #tpu.memory_space<vmem>>
    %dma_start3A_2017 = arith.constant 0 : i32
    %dma_start3A_2018 = tpu.memref_slice %arg2[%squeeze3A_2013, %dma_start3A_2017] : memref<1000000x64xf32, #tpu.memory_space<hbm>> -> memref<1x64xf32, #tpu.memory_space<hbm>>
    %dma_start3A_2019 = arith.constant 37 : i32
    %dma_start3A_2020 = arith.constant 0 : i32
    %dma_start3A_2021 = tpu.memref_slice %arg10[%dma_start3A_2019, %dma_start3A_2020] : memref<128x64xf32, #tpu.memory_space<vmem>> -> memref<1x64xf32, #tpu.memory_space<vmem>>
    %dma_start3A_2022 = arith.constant 0 : i32
    %dma_start3A_2023 = tpu.memref_slice %arg2[%squeeze3A_2013, %dma_start3A_2022] : memref<1000000x64xf32, #tpu.memory_space<hbm>> -> memref<1x64xf32, #tpu.memory_space<hbm>>
    tpu.enqueue_dma source(%dma_start3A_2023 : memref<1x64xf32, #tpu.memory_space<hbm>>) target(%dma_start3A_2021 : memref<1x64xf32, #tpu.memory_space<vmem>>) target_semaphore(%arg11 : memref<!tpu.dma_semaphore, #tpu.memory_space<semaphore_mem>>)
    %slice3A_2024 = vector.extract_strided_slice %get3A_1951 {offsets = [6], sizes = [1], strides = [1]} : vector<16xi32> to vector<1xi32>
    %squeeze3A_2025 = vector.extract %slice3A_2024[0] : i32 from vector<1xi32>
    %dma_start3A_2026 = arith.constant 38 : i32
    %dma_start3A_2027 = arith.constant 0 : i32
    %dma_start3A_2028 = tpu.memref_slice %arg10[%dma_start3A_2026, %dma_start3A_2027] : memref<128x64xf32, #tpu.memory_space<vmem>> -> memref<1x64xf32, #tpu.memory_space<vmem>>
    %dma_start3A_2029 = arith.constant 0 : i32
    %dma_start3A_2030 = tpu.memref_slice %arg2[%squeeze3A_2025, %dma_start3A_2029] : memref<1000000x64xf32, #tpu.memory_space<hbm>> -> memref<1x64xf32, #tpu.memory_space<hbm>>
    %dma_start3A_2031 = arith.constant 38 : i32
    %dma_start3A_2032 = arith.constant 0 : i32
    %dma_start3A_2033 = tpu.memref_slice %arg10[%dma_start3A_2031, %dma_start3A_2032] : memref<128x64xf32, #tpu.memory_space<vmem>> -> memref<1x64xf32, #tpu.memory_space<vmem>>
    %dma_start3A_2034 = arith.constant 0 : i32
    %dma_start3A_2035 = tpu.memref_slice %arg2[%squeeze3A_2025, %dma_start3A_2034] : memref<1000000x64xf32, #tpu.memory_space<hbm>> -> memref<1x64xf32, #tpu.memory_space<hbm>>
    tpu.enqueue_dma source(%dma_start3A_2035 : memref<1x64xf32, #tpu.memory_space<hbm>>) target(%dma_start3A_2033 : memref<1x64xf32, #tpu.memory_space<vmem>>) target_semaphore(%arg11 : memref<!tpu.dma_semaphore, #tpu.memory_space<semaphore_mem>>)
    %slice3A_2036 = vector.extract_strided_slice %get3A_1951 {offsets = [7], sizes = [1], strides = [1]} : vector<16xi32> to vector<1xi32>
    %squeeze3A_2037 = vector.extract %slice3A_2036[0] : i32 from vector<1xi32>
    %dma_start3A_2038 = arith.constant 39 : i32
    %dma_start3A_2039 = arith.constant 0 : i32
    %dma_start3A_2040 = tpu.memref_slice %arg10[%dma_start3A_2038, %dma_start3A_2039] : memref<128x64xf32, #tpu.memory_space<vmem>> -> memref<1x64xf32, #tpu.memory_space<vmem>>
    %dma_start3A_2041 = arith.constant 0 : i32
    %dma_start3A_2042 = tpu.memref_slice %arg2[%squeeze3A_2037, %dma_start3A_2041] : memref<1000000x64xf32, #tpu.memory_space<hbm>> -> memref<1x64xf32, #tpu.memory_space<hbm>>
    %dma_start3A_2043 = arith.constant 39 : i32
    %dma_start3A_2044 = arith.constant 0 : i32
    %dma_start3A_2045 = tpu.memref_slice %arg10[%dma_start3A_2043, %dma_start3A_2044] : memref<128x64xf32, #tpu.memory_space<vmem>> -> memref<1x64xf32, #tpu.memory_space<vmem>>
    %dma_start3A_2046 = arith.constant 0 : i32
    %dma_start3A_2047 = tpu.memref_slice %arg2[%squeeze3A_2037, %dma_start3A_2046] : memref<1000000x64xf32, #tpu.memory_space<hbm>> -> memref<1x64xf32, #tpu.memory_space<hbm>>
    tpu.enqueue_dma source(%dma_start3A_2047 : memref<1x64xf32, #tpu.memory_space<hbm>>) target(%dma_start3A_2045 : memref<1x64xf32, #tpu.memory_space<vmem>>) target_semaphore(%arg11 : memref<!tpu.dma_semaphore, #tpu.memory_space<semaphore_mem>>)
    %slice3A_2048 = vector.extract_strided_slice %get3A_1951 {offsets = [8], sizes = [1], strides = [1]} : vector<16xi32> to vector<1xi32>
    %squeeze3A_2049 = vector.extract %slice3A_2048[0] : i32 from vector<1xi32>
    %dma_start3A_2050 = arith.constant 40 : i32
    %dma_start3A_2051 = arith.constant 0 : i32
    %dma_start3A_2052 = tpu.memref_slice %arg10[%dma_start3A_2050, %dma_start3A_2051] : memref<128x64xf32, #tpu.memory_space<vmem>> -> memref<1x64xf32, #tpu.memory_space<vmem>>
    %dma_start3A_2053 = arith.constant 0 : i32
    %dma_start3A_2054 = tpu.memref_slice %arg2[%squeeze3A_2049, %dma_start3A_2053] : memref<1000000x64xf32, #tpu.memory_space<hbm>> -> memref<1x64xf32, #tpu.memory_space<hbm>>
    %dma_start3A_2055 = arith.constant 40 : i32
    %dma_start3A_2056 = arith.constant 0 : i32
    %dma_start3A_2057 = tpu.memref_slice %arg10[%dma_start3A_2055, %dma_start3A_2056] : memref<128x64xf32, #tpu.memory_space<vmem>> -> memref<1x64xf32, #tpu.memory_space<vmem>>
    %dma_start3A_2058 = arith.constant 0 : i32
    %dma_start3A_2059 = tpu.memref_slice %arg2[%squeeze3A_2049, %dma_start3A_2058] : memref<1000000x64xf32, #tpu.memory_space<hbm>> -> memref<1x64xf32, #tpu.memory_space<hbm>>
    tpu.enqueue_dma source(%dma_start3A_2059 : memref<1x64xf32, #tpu.memory_space<hbm>>) target(%dma_start3A_2057 : memref<1x64xf32, #tpu.memory_space<vmem>>) target_semaphore(%arg11 : memref<!tpu.dma_semaphore, #tpu.memory_space<semaphore_mem>>)
    %slice3A_2060 = vector.extract_strided_slice %get3A_1951 {offsets = [9], sizes = [1], strides = [1]} : vector<16xi32> to vector<1xi32>
    %squeeze3A_2061 = vector.extract %slice3A_2060[0] : i32 from vector<1xi32>
    %dma_start3A_2062 = arith.constant 41 : i32
    %dma_start3A_2063 = arith.constant 0 : i32
    %dma_start3A_2064 = tpu.memref_slice %arg10[%dma_start3A_2062, %dma_start3A_2063] : memref<128x64xf32, #tpu.memory_space<vmem>> -> memref<1x64xf32, #tpu.memory_space<vmem>>
    %dma_start3A_2065 = arith.constant 0 : i32
    %dma_start3A_2066 = tpu.memref_slice %arg2[%squeeze3A_2061, %dma_start3A_2065] : memref<1000000x64xf32, #tpu.memory_space<hbm>> -> memref<1x64xf32, #tpu.memory_space<hbm>>
    %dma_start3A_2067 = arith.constant 41 : i32
    %dma_start3A_2068 = arith.constant 0 : i32
    %dma_start3A_2069 = tpu.memref_slice %arg10[%dma_start3A_2067, %dma_start3A_2068] : memref<128x64xf32, #tpu.memory_space<vmem>> -> memref<1x64xf32, #tpu.memory_space<vmem>>
    %dma_start3A_2070 = arith.constant 0 : i32
    %dma_start3A_2071 = tpu.memref_slice %arg2[%squeeze3A_2061, %dma_start3A_2070] : memref<1000000x64xf32, #tpu.memory_space<hbm>> -> memref<1x64xf32, #tpu.memory_space<hbm>>
    tpu.enqueue_dma source(%dma_start3A_2071 : memref<1x64xf32, #tpu.memory_space<hbm>>) target(%dma_start3A_2069 : memref<1x64xf32, #tpu.memory_space<vmem>>) target_semaphore(%arg11 : memref<!tpu.dma_semaphore, #tpu.memory_space<semaphore_mem>>)
    %slice3A_2072 = vector.extract_strided_slice %get3A_1951 {offsets = [10], sizes = [1], strides = [1]} : vector<16xi32> to vector<1xi32>
    %squeeze3A_2073 = vector.extract %slice3A_2072[0] : i32 from vector<1xi32>
    %dma_start3A_2074 = arith.constant 42 : i32
    %dma_start3A_2075 = arith.constant 0 : i32
    %dma_start3A_2076 = tpu.memref_slice %arg10[%dma_start3A_2074, %dma_start3A_2075] : memref<128x64xf32, #tpu.memory_space<vmem>> -> memref<1x64xf32, #tpu.memory_space<vmem>>
    %dma_start3A_2077 = arith.constant 0 : i32
    %dma_start3A_2078 = tpu.memref_slice %arg2[%squeeze3A_2073, %dma_start3A_2077] : memref<1000000x64xf32, #tpu.memory_space<hbm>> -> memref<1x64xf32, #tpu.memory_space<hbm>>
    %dma_start3A_2079 = arith.constant 42 : i32
    %dma_start3A_2080 = arith.constant 0 : i32
    %dma_start3A_2081 = tpu.memref_slice %arg10[%dma_start3A_2079, %dma_start3A_2080] : memref<128x64xf32, #tpu.memory_space<vmem>> -> memref<1x64xf32, #tpu.memory_space<vmem>>
    %dma_start3A_2082 = arith.constant 0 : i32
    %dma_start3A_2083 = tpu.memref_slice %arg2[%squeeze3A_2073, %dma_start3A_2082] : memref<1000000x64xf32, #tpu.memory_space<hbm>> -> memref<1x64xf32, #tpu.memory_space<hbm>>
    tpu.enqueue_dma source(%dma_start3A_2083 : memref<1x64xf32, #tpu.memory_space<hbm>>) target(%dma_start3A_2081 : memref<1x64xf32, #tpu.memory_space<vmem>>) target_semaphore(%arg11 : memref<!tpu.dma_semaphore, #tpu.memory_space<semaphore_mem>>)
    %slice3A_2084 = vector.extract_strided_slice %get3A_1951 {offsets = [11], sizes = [1], strides = [1]} : vector<16xi32> to vector<1xi32>
    %squeeze3A_2085 = vector.extract %slice3A_2084[0] : i32 from vector<1xi32>
    %dma_start3A_2086 = arith.constant 43 : i32
    %dma_start3A_2087 = arith.constant 0 : i32
    %dma_start3A_2088 = tpu.memref_slice %arg10[%dma_start3A_2086, %dma_start3A_2087] : memref<128x64xf32, #tpu.memory_space<vmem>> -> memref<1x64xf32, #tpu.memory_space<vmem>>
    %dma_start3A_2089 = arith.constant 0 : i32
    %dma_start3A_2090 = tpu.memref_slice %arg2[%squeeze3A_2085, %dma_start3A_2089] : memref<1000000x64xf32, #tpu.memory_space<hbm>> -> memref<1x64xf32, #tpu.memory_space<hbm>>
    %dma_start3A_2091 = arith.constant 43 : i32
    %dma_start3A_2092 = arith.constant 0 : i32
    %dma_start3A_2093 = tpu.memref_slice %arg10[%dma_start3A_2091, %dma_start3A_2092] : memref<128x64xf32, #tpu.memory_space<vmem>> -> memref<1x64xf32, #tpu.memory_space<vmem>>
    %dma_start3A_2094 = arith.constant 0 : i32
    %dma_start3A_2095 = tpu.memref_slice %arg2[%squeeze3A_2085, %dma_start3A_2094] : memref<1000000x64xf32, #tpu.memory_space<hbm>> -> memref<1x64xf32, #tpu.memory_space<hbm>>
    tpu.enqueue_dma source(%dma_start3A_2095 : memref<1x64xf32, #tpu.memory_space<hbm>>) target(%dma_start3A_2093 : memref<1x64xf32, #tpu.memory_space<vmem>>) target_semaphore(%arg11 : memref<!tpu.dma_semaphore, #tpu.memory_space<semaphore_mem>>)
    %slice3A_2096 = vector.extract_strided_slice %get3A_1951 {offsets = [12], sizes = [1], strides = [1]} : vector<16xi32> to vector<1xi32>
    %squeeze3A_2097 = vector.extract %slice3A_2096[0] : i32 from vector<1xi32>
    %dma_start3A_2098 = arith.constant 44 : i32
    %dma_start3A_2099 = arith.constant 0 : i32
    %dma_start3A_2100 = tpu.memref_slice %arg10[%dma_start3A_2098, %dma_start3A_2099] : memref<128x64xf32, #tpu.memory_space<vmem>> -> memref<1x64xf32, #tpu.memory_space<vmem>>
    %dma_start3A_2101 = arith.constant 0 : i32
    %dma_start3A_2102 = tpu.memref_slice %arg2[%squeeze3A_2097, %dma_start3A_2101] : memref<1000000x64xf32, #tpu.memory_space<hbm>> -> memref<1x64xf32, #tpu.memory_space<hbm>>
    %dma_start3A_2103 = arith.constant 44 : i32
    %dma_start3A_2104 = arith.constant 0 : i32
    %dma_start3A_2105 = tpu.memref_slice %arg10[%dma_start3A_2103, %dma_start3A_2104] : memref<128x64xf32, #tpu.memory_space<vmem>> -> memref<1x64xf32, #tpu.memory_space<vmem>>
    %dma_start3A_2106 = arith.constant 0 : i32
    %dma_start3A_2107 = tpu.memref_slice %arg2[%squeeze3A_2097, %dma_start3A_2106] : memref<1000000x64xf32, #tpu.memory_space<hbm>> -> memref<1x64xf32, #tpu.memory_space<hbm>>
    tpu.enqueue_dma source(%dma_start3A_2107 : memref<1x64xf32, #tpu.memory_space<hbm>>) target(%dma_start3A_2105 : memref<1x64xf32, #tpu.memory_space<vmem>>) target_semaphore(%arg11 : memref<!tpu.dma_semaphore, #tpu.memory_space<semaphore_mem>>)
    %slice3A_2108 = vector.extract_strided_slice %get3A_1951 {offsets = [13], sizes = [1], strides = [1]} : vector<16xi32> to vector<1xi32>
    %squeeze3A_2109 = vector.extract %slice3A_2108[0] : i32 from vector<1xi32>
    %dma_start3A_2110 = arith.constant 45 : i32
    %dma_start3A_2111 = arith.constant 0 : i32
    %dma_start3A_2112 = tpu.memref_slice %arg10[%dma_start3A_2110, %dma_start3A_2111] : memref<128x64xf32, #tpu.memory_space<vmem>> -> memref<1x64xf32, #tpu.memory_space<vmem>>
    %dma_start3A_2113 = arith.constant 0 : i32
    %dma_start3A_2114 = tpu.memref_slice %arg2[%squeeze3A_2109, %dma_start3A_2113] : memref<1000000x64xf32, #tpu.memory_space<hbm>> -> memref<1x64xf32, #tpu.memory_space<hbm>>
    %dma_start3A_2115 = arith.constant 45 : i32
    %dma_start3A_2116 = arith.constant 0 : i32
    %dma_start3A_2117 = tpu.memref_slice %arg10[%dma_start3A_2115, %dma_start3A_2116] : memref<128x64xf32, #tpu.memory_space<vmem>> -> memref<1x64xf32, #tpu.memory_space<vmem>>
    %dma_start3A_2118 = arith.constant 0 : i32
    %dma_start3A_2119 = tpu.memref_slice %arg2[%squeeze3A_2109, %dma_start3A_2118] : memref<1000000x64xf32, #tpu.memory_space<hbm>> -> memref<1x64xf32, #tpu.memory_space<hbm>>
    tpu.enqueue_dma source(%dma_start3A_2119 : memref<1x64xf32, #tpu.memory_space<hbm>>) target(%dma_start3A_2117 : memref<1x64xf32, #tpu.memory_space<vmem>>) target_semaphore(%arg11 : memref<!tpu.dma_semaphore, #tpu.memory_space<semaphore_mem>>)
    %slice3A_2120 = vector.extract_strided_slice %get3A_1951 {offsets = [14], sizes = [1], strides = [1]} : vector<16xi32> to vector<1xi32>
    %squeeze3A_2121 = vector.extract %slice3A_2120[0] : i32 from vector<1xi32>
    %dma_start3A_2122 = arith.constant 46 : i32
    %dma_start3A_2123 = arith.constant 0 : i32
    %dma_start3A_2124 = tpu.memref_slice %arg10[%dma_start3A_2122, %dma_start3A_2123] : memref<128x64xf32, #tpu.memory_space<vmem>> -> memref<1x64xf32, #tpu.memory_space<vmem>>
    %dma_start3A_2125 = arith.constant 0 : i32
    %dma_start3A_2126 = tpu.memref_slice %arg2[%squeeze3A_2121, %dma_start3A_2125] : memref<1000000x64xf32, #tpu.memory_space<hbm>> -> memref<1x64xf32, #tpu.memory_space<hbm>>
    %dma_start3A_2127 = arith.constant 46 : i32
    %dma_start3A_2128 = arith.constant 0 : i32
    %dma_start3A_2129 = tpu.memref_slice %arg10[%dma_start3A_2127, %dma_start3A_2128] : memref<128x64xf32, #tpu.memory_space<vmem>> -> memref<1x64xf32, #tpu.memory_space<vmem>>
    %dma_start3A_2130 = arith.constant 0 : i32
    %dma_start3A_2131 = tpu.memref_slice %arg2[%squeeze3A_2121, %dma_start3A_2130] : memref<1000000x64xf32, #tpu.memory_space<hbm>> -> memref<1x64xf32, #tpu.memory_space<hbm>>
    tpu.enqueue_dma source(%dma_start3A_2131 : memref<1x64xf32, #tpu.memory_space<hbm>>) target(%dma_start3A_2129 : memref<1x64xf32, #tpu.memory_space<vmem>>) target_semaphore(%arg11 : memref<!tpu.dma_semaphore, #tpu.memory_space<semaphore_mem>>)
    %slice3A_2132 = vector.extract_strided_slice %get3A_1951 {offsets = [15], sizes = [1], strides = [1]} : vector<16xi32> to vector<1xi32>
    %squeeze3A_2133 = vector.extract %slice3A_2132[0] : i32 from vector<1xi32>
    %dma_start3A_2134 = arith.constant 47 : i32
    %dma_start3A_2135 = arith.constant 0 : i32
    %dma_start3A_2136 = tpu.memref_slice %arg10[%dma_start3A_2134, %dma_start3A_2135] : memref<128x64xf32, #tpu.memory_space<vmem>> -> memref<1x64xf32, #tpu.memory_space<vmem>>
    %dma_start3A_2137 = arith.constant 0 : i32
    %dma_start3A_2138 = tpu.memref_slice %arg2[%squeeze3A_2133, %dma_start3A_2137] : memref<1000000x64xf32, #tpu.memory_space<hbm>> -> memref<1x64xf32, #tpu.memory_space<hbm>>
    %dma_start3A_2139 = arith.constant 47 : i32
    %dma_start3A_2140 = arith.constant 0 : i32
    %dma_start3A_2141 = tpu.memref_slice %arg10[%dma_start3A_2139, %dma_start3A_2140] : memref<128x64xf32, #tpu.memory_space<vmem>> -> memref<1x64xf32, #tpu.memory_space<vmem>>
    %dma_start3A_2142 = arith.constant 0 : i32
    %dma_start3A_2143 = tpu.memref_slice %arg2[%squeeze3A_2133, %dma_start3A_2142] : memref<1000000x64xf32, #tpu.memory_space<hbm>> -> memref<1x64xf32, #tpu.memory_space<hbm>>
    tpu.enqueue_dma source(%dma_start3A_2143 : memref<1x64xf32, #tpu.memory_space<hbm>>) target(%dma_start3A_2141 : memref<1x64xf32, #tpu.memory_space<vmem>>) target_semaphore(%arg11 : memref<!tpu.dma_semaphore, #tpu.memory_space<semaphore_mem>>)
    %get3A_2144 = arith.constant 48 : index
    %get3A_2145 = tpu.vector_load %arg8[%get3A_2144] {strides = array<i32>} : memref<128xi32, #tpu.memory_space<vmem>>, vector<16xi32>,
    %get3A_2146 = vector.shape_cast %get3A_2145 : vector<16xi32> to vector<16xi32>
    %slice3A_2147 = vector.extract_strided_slice %get3A_2146 {offsets = [0], sizes = [1], strides = [1]} : vector<16xi32> to vector<1xi32>
    %squeeze3A_2148 = vector.extract %slice3A_2147[0] : i32 from vector<1xi32>
    %dma_start3A_2149 = arith.constant 48 : i32
    %dma_start3A_2150 = arith.constant 0 : i32
    %dma_start3A_2151 = tpu.memref_slice %arg10[%dma_start3A_2149, %dma_start3A_2150] : memref<128x64xf32, #tpu.memory_space<vmem>> -> memref<1x64xf32, #tpu.memory_space<vmem>>
    %dma_start3A_2152 = arith.constant 0 : i32
    %dma_start3A_2153 = tpu.memref_slice %arg2[%squeeze3A_2148, %dma_start3A_2152] : memref<1000000x64xf32, #tpu.memory_space<hbm>> -> memref<1x64xf32, #tpu.memory_space<hbm>>
    %dma_start3A_2154 = arith.constant 48 : i32
    %dma_start3A_2155 = arith.constant 0 : i32
    %dma_start3A_2156 = tpu.memref_slice %arg10[%dma_start3A_2154, %dma_start3A_2155] : memref<128x64xf32, #tpu.memory_space<vmem>> -> memref<1x64xf32, #tpu.memory_space<vmem>>
    %dma_start3A_2157 = arith.constant 0 : i32
    %dma_start3A_2158 = tpu.memref_slice %arg2[%squeeze3A_2148, %dma_start3A_2157] : memref<1000000x64xf32, #tpu.memory_space<hbm>> -> memref<1x64xf32, #tpu.memory_space<hbm>>
    tpu.enqueue_dma source(%dma_start3A_2158 : memref<1x64xf32, #tpu.memory_space<hbm>>) target(%dma_start3A_2156 : memref<1x64xf32, #tpu.memory_space<vmem>>) target_semaphore(%arg11 : memref<!tpu.dma_semaphore, #tpu.memory_space<semaphore_mem>>)
    %slice3A_2159 = vector.extract_strided_slice %get3A_2146 {offsets = [1], sizes = [1], strides = [1]} : vector<16xi32> to vector<1xi32>
    %squeeze3A_2160 = vector.extract %slice3A_2159[0] : i32 from vector<1xi32>
    %dma_start3A_2161 = arith.constant 49 : i32
    %dma_start3A_2162 = arith.constant 0 : i32
    %dma_start3A_2163 = tpu.memref_slice %arg10[%dma_start3A_2161, %dma_start3A_2162] : memref<128x64xf32, #tpu.memory_space<vmem>> -> memref<1x64xf32, #tpu.memory_space<vmem>>
    %dma_start3A_2164 = arith.constant 0 : i32
    %dma_start3A_2165 = tpu.memref_slice %arg2[%squeeze3A_2160, %dma_start3A_2164] : memref<1000000x64xf32, #tpu.memory_space<hbm>> -> memref<1x64xf32, #tpu.memory_space<hbm>>
    %dma_start3A_2166 = arith.constant 49 : i32
    %dma_start3A_2167 = arith.constant 0 : i32
    %dma_start3A_2168 = tpu.memref_slice %arg10[%dma_start3A_2166, %dma_start3A_2167] : memref<128x64xf32, #tpu.memory_space<vmem>> -> memref<1x64xf32, #tpu.memory_space<vmem>>
    %dma_start3A_2169 = arith.constant 0 : i32
    %dma_start3A_2170 = tpu.memref_slice %arg2[%squeeze3A_2160, %dma_start3A_2169] : memref<1000000x64xf32, #tpu.memory_space<hbm>> -> memref<1x64xf32, #tpu.memory_space<hbm>>
    tpu.enqueue_dma source(%dma_start3A_2170 : memref<1x64xf32, #tpu.memory_space<hbm>>) target(%dma_start3A_2168 : memref<1x64xf32, #tpu.memory_space<vmem>>) target_semaphore(%arg11 : memref<!tpu.dma_semaphore, #tpu.memory_space<semaphore_mem>>)
    %slice3A_2171 = vector.extract_strided_slice %get3A_2146 {offsets = [2], sizes = [1], strides = [1]} : vector<16xi32> to vector<1xi32>
    %squeeze3A_2172 = vector.extract %slice3A_2171[0] : i32 from vector<1xi32>
    %dma_start3A_2173 = arith.constant 50 : i32
    %dma_start3A_2174 = arith.constant 0 : i32
    %dma_start3A_2175 = tpu.memref_slice %arg10[%dma_start3A_2173, %dma_start3A_2174] : memref<128x64xf32, #tpu.memory_space<vmem>> -> memref<1x64xf32, #tpu.memory_space<vmem>>
    %dma_start3A_2176 = arith.constant 0 : i32
    %dma_start3A_2177 = tpu.memref_slice %arg2[%squeeze3A_2172, %dma_start3A_2176] : memref<1000000x64xf32, #tpu.memory_space<hbm>> -> memref<1x64xf32, #tpu.memory_space<hbm>>
    %dma_start3A_2178 = arith.constant 50 : i32
    %dma_start3A_2179 = arith.constant 0 : i32
    %dma_start3A_2180 = tpu.memref_slice %arg10[%dma_start3A_2178, %dma_start3A_2179] : memref<128x64xf32, #tpu.memory_space<vmem>> -> memref<1x64xf32, #tpu.memory_space<vmem>>
    %dma_start3A_2181 = arith.constant 0 : i32
    %dma_start3A_2182 = tpu.memref_slice %arg2[%squeeze3A_2172, %dma_start3A_2181] : memref<1000000x64xf32, #tpu.memory_space<hbm>> -> memref<1x64xf32, #tpu.memory_space<hbm>>
    tpu.enqueue_dma source(%dma_start3A_2182 : memref<1x64xf32, #tpu.memory_space<hbm>>) target(%dma_start3A_2180 : memref<1x64xf32, #tpu.memory_space<vmem>>) target_semaphore(%arg11 : memref<!tpu.dma_semaphore, #tpu.memory_space<semaphore_mem>>)
    %slice3A_2183 = vector.extract_strided_slice %get3A_2146 {offsets = [3], sizes = [1], strides = [1]} : vector<16xi32> to vector<1xi32>
    %squeeze3A_2184 = vector.extract %slice3A_2183[0] : i32 from vector<1xi32>
    %dma_start3A_2185 = arith.constant 51 : i32
    %dma_start3A_2186 = arith.constant 0 : i32
    %dma_start3A_2187 = tpu.memref_slice %arg10[%dma_start3A_2185, %dma_start3A_2186] : memref<128x64xf32, #tpu.memory_space<vmem>> -> memref<1x64xf32, #tpu.memory_space<vmem>>
    %dma_start3A_2188 = arith.constant 0 : i32
    %dma_start3A_2189 = tpu.memref_slice %arg2[%squeeze3A_2184, %dma_start3A_2188] : memref<1000000x64xf32, #tpu.memory_space<hbm>> -> memref<1x64xf32, #tpu.memory_space<hbm>>
    %dma_start3A_2190 = arith.constant 51 : i32
    %dma_start3A_2191 = arith.constant 0 : i32
    %dma_start3A_2192 = tpu.memref_slice %arg10[%dma_start3A_2190, %dma_start3A_2191] : memref<128x64xf32, #tpu.memory_space<vmem>> -> memref<1x64xf32, #tpu.memory_space<vmem>>
    %dma_start3A_2193 = arith.constant 0 : i32
    %dma_start3A_2194 = tpu.memref_slice %arg2[%squeeze3A_2184, %dma_start3A_2193] : memref<1000000x64xf32, #tpu.memory_space<hbm>> -> memref<1x64xf32, #tpu.memory_space<hbm>>
    tpu.enqueue_dma source(%dma_start3A_2194 : memref<1x64xf32, #tpu.memory_space<hbm>>) target(%dma_start3A_2192 : memref<1x64xf32, #tpu.memory_space<vmem>>) target_semaphore(%arg11 : memref<!tpu.dma_semaphore, #tpu.memory_space<semaphore_mem>>)
    %slice3A_2195 = vector.extract_strided_slice %get3A_2146 {offsets = [4], sizes = [1], strides = [1]} : vector<16xi32> to vector<1xi32>
    %squeeze3A_2196 = vector.extract %slice3A_2195[0] : i32 from vector<1xi32>
    %dma_start3A_2197 = arith.constant 52 : i32
    %dma_start3A_2198 = arith.constant 0 : i32
    %dma_start3A_2199 = tpu.memref_slice %arg10[%dma_start3A_2197, %dma_start3A_2198] : memref<128x64xf32, #tpu.memory_space<vmem>> -> memref<1x64xf32, #tpu.memory_space<vmem>>
    %dma_start3A_2200 = arith.constant 0 : i32
    %dma_start3A_2201 = tpu.memref_slice %arg2[%squeeze3A_2196, %dma_start3A_2200] : memref<1000000x64xf32, #tpu.memory_space<hbm>> -> memref<1x64xf32, #tpu.memory_space<hbm>>
    %dma_start3A_2202 = arith.constant 52 : i32
    %dma_start3A_2203 = arith.constant 0 : i32
    %dma_start3A_2204 = tpu.memref_slice %arg10[%dma_start3A_2202, %dma_start3A_2203] : memref<128x64xf32, #tpu.memory_space<vmem>> -> memref<1x64xf32, #tpu.memory_space<vmem>>
    %dma_start3A_2205 = arith.constant 0 : i32
    %dma_start3A_2206 = tpu.memref_slice %arg2[%squeeze3A_2196, %dma_start3A_2205] : memref<1000000x64xf32, #tpu.memory_space<hbm>> -> memref<1x64xf32, #tpu.memory_space<hbm>>
    tpu.enqueue_dma source(%dma_start3A_2206 : memref<1x64xf32, #tpu.memory_space<hbm>>) target(%dma_start3A_2204 : memref<1x64xf32, #tpu.memory_space<vmem>>) target_semaphore(%arg11 : memref<!tpu.dma_semaphore, #tpu.memory_space<semaphore_mem>>)
    %slice3A_2207 = vector.extract_strided_slice %get3A_2146 {offsets = [5], sizes = [1], strides = [1]} : vector<16xi32> to vector<1xi32>
    %squeeze3A_2208 = vector.extract %slice3A_2207[0] : i32 from vector<1xi32>
    %dma_start3A_2209 = arith.constant 53 : i32
    %dma_start3A_2210 = arith.constant 0 : i32
    %dma_start3A_2211 = tpu.memref_slice %arg10[%dma_start3A_2209, %dma_start3A_2210] : memref<128x64xf32, #tpu.memory_space<vmem>> -> memref<1x64xf32, #tpu.memory_space<vmem>>
    %dma_start3A_2212 = arith.constant 0 : i32
    %dma_start3A_2213 = tpu.memref_slice %arg2[%squeeze3A_2208, %dma_start3A_2212] : memref<1000000x64xf32, #tpu.memory_space<hbm>> -> memref<1x64xf32, #tpu.memory_space<hbm>>
    %dma_start3A_2214 = arith.constant 53 : i32
    %dma_start3A_2215 = arith.constant 0 : i32
    %dma_start3A_2216 = tpu.memref_slice %arg10[%dma_start3A_2214, %dma_start3A_2215] : memref<128x64xf32, #tpu.memory_space<vmem>> -> memref<1x64xf32, #tpu.memory_space<vmem>>
    %dma_start3A_2217 = arith.constant 0 : i32
    %dma_start3A_2218 = tpu.memref_slice %arg2[%squeeze3A_2208, %dma_start3A_2217] : memref<1000000x64xf32, #tpu.memory_space<hbm>> -> memref<1x64xf32, #tpu.memory_space<hbm>>
    tpu.enqueue_dma source(%dma_start3A_2218 : memref<1x64xf32, #tpu.memory_space<hbm>>) target(%dma_start3A_2216 : memref<1x64xf32, #tpu.memory_space<vmem>>) target_semaphore(%arg11 : memref<!tpu.dma_semaphore, #tpu.memory_space<semaphore_mem>>)
    %slice3A_2219 = vector.extract_strided_slice %get3A_2146 {offsets = [6], sizes = [1], strides = [1]} : vector<16xi32> to vector<1xi32>
    %squeeze3A_2220 = vector.extract %slice3A_2219[0] : i32 from vector<1xi32>
    %dma_start3A_2221 = arith.constant 54 : i32
    %dma_start3A_2222 = arith.constant 0 : i32
    %dma_start3A_2223 = tpu.memref_slice %arg10[%dma_start3A_2221, %dma_start3A_2222] : memref<128x64xf32, #tpu.memory_space<vmem>> -> memref<1x64xf32, #tpu.memory_space<vmem>>
    %dma_start3A_2224 = arith.constant 0 : i32
    %dma_start3A_2225 = tpu.memref_slice %arg2[%squeeze3A_2220, %dma_start3A_2224] : memref<1000000x64xf32, #tpu.memory_space<hbm>> -> memref<1x64xf32, #tpu.memory_space<hbm>>
    %dma_start3A_2226 = arith.constant 54 : i32
    %dma_start3A_2227 = arith.constant 0 : i32
    %dma_start3A_2228 = tpu.memref_slice %arg10[%dma_start3A_2226, %dma_start3A_2227] : memref<128x64xf32, #tpu.memory_space<vmem>> -> memref<1x64xf32, #tpu.memory_space<vmem>>
    %dma_start3A_2229 = arith.constant 0 : i32
    %dma_start3A_2230 = tpu.memref_slice %arg2[%squeeze3A_2220, %dma_start3A_2229] : memref<1000000x64xf32, #tpu.memory_space<hbm>> -> memref<1x64xf32, #tpu.memory_space<hbm>>
    tpu.enqueue_dma source(%dma_start3A_2230 : memref<1x64xf32, #tpu.memory_space<hbm>>) target(%dma_start3A_2228 : memref<1x64xf32, #tpu.memory_space<vmem>>) target_semaphore(%arg11 : memref<!tpu.dma_semaphore, #tpu.memory_space<semaphore_mem>>)
    %slice3A_2231 = vector.extract_strided_slice %get3A_2146 {offsets = [7], sizes = [1], strides = [1]} : vector<16xi32> to vector<1xi32>
    %squeeze3A_2232 = vector.extract %slice3A_2231[0] : i32 from vector<1xi32>
    %dma_start3A_2233 = arith.constant 55 : i32
    %dma_start3A_2234 = arith.constant 0 : i32
    %dma_start3A_2235 = tpu.memref_slice %arg10[%dma_start3A_2233, %dma_start3A_2234] : memref<128x64xf32, #tpu.memory_space<vmem>> -> memref<1x64xf32, #tpu.memory_space<vmem>>
    %dma_start3A_2236 = arith.constant 0 : i32
    %dma_start3A_2237 = tpu.memref_slice %arg2[%squeeze3A_2232, %dma_start3A_2236] : memref<1000000x64xf32, #tpu.memory_space<hbm>> -> memref<1x64xf32, #tpu.memory_space<hbm>>
    %dma_start3A_2238 = arith.constant 55 : i32
    %dma_start3A_2239 = arith.constant 0 : i32
    %dma_start3A_2240 = tpu.memref_slice %arg10[%dma_start3A_2238, %dma_start3A_2239] : memref<128x64xf32, #tpu.memory_space<vmem>> -> memref<1x64xf32, #tpu.memory_space<vmem>>
    %dma_start3A_2241 = arith.constant 0 : i32
    %dma_start3A_2242 = tpu.memref_slice %arg2[%squeeze3A_2232, %dma_start3A_2241] : memref<1000000x64xf32, #tpu.memory_space<hbm>> -> memref<1x64xf32, #tpu.memory_space<hbm>>
    tpu.enqueue_dma source(%dma_start3A_2242 : memref<1x64xf32, #tpu.memory_space<hbm>>) target(%dma_start3A_2240 : memref<1x64xf32, #tpu.memory_space<vmem>>) target_semaphore(%arg11 : memref<!tpu.dma_semaphore, #tpu.memory_space<semaphore_mem>>)
    %slice3A_2243 = vector.extract_strided_slice %get3A_2146 {offsets = [8], sizes = [1], strides = [1]} : vector<16xi32> to vector<1xi32>
    %squeeze3A_2244 = vector.extract %slice3A_2243[0] : i32 from vector<1xi32>
    %dma_start3A_2245 = arith.constant 56 : i32
    %dma_start3A_2246 = arith.constant 0 : i32
    %dma_start3A_2247 = tpu.memref_slice %arg10[%dma_start3A_2245, %dma_start3A_2246] : memref<128x64xf32, #tpu.memory_space<vmem>> -> memref<1x64xf32, #tpu.memory_space<vmem>>
    %dma_start3A_2248 = arith.constant 0 : i32
    %dma_start3A_2249 = tpu.memref_slice %arg2[%squeeze3A_2244, %dma_start3A_2248] : memref<1000000x64xf32, #tpu.memory_space<hbm>> -> memref<1x64xf32, #tpu.memory_space<hbm>>
    %dma_start3A_2250 = arith.constant 56 : i32
    %dma_start3A_2251 = arith.constant 0 : i32
    %dma_start3A_2252 = tpu.memref_slice %arg10[%dma_start3A_2250, %dma_start3A_2251] : memref<128x64xf32, #tpu.memory_space<vmem>> -> memref<1x64xf32, #tpu.memory_space<vmem>>
    %dma_start3A_2253 = arith.constant 0 : i32
    %dma_start3A_2254 = tpu.memref_slice %arg2[%squeeze3A_2244, %dma_start3A_2253] : memref<1000000x64xf32, #tpu.memory_space<hbm>> -> memref<1x64xf32, #tpu.memory_space<hbm>>
    tpu.enqueue_dma source(%dma_start3A_2254 : memref<1x64xf32, #tpu.memory_space<hbm>>) target(%dma_start3A_2252 : memref<1x64xf32, #tpu.memory_space<vmem>>) target_semaphore(%arg11 : memref<!tpu.dma_semaphore, #tpu.memory_space<semaphore_mem>>)
    %slice3A_2255 = vector.extract_strided_slice %get3A_2146 {offsets = [9], sizes = [1], strides = [1]} : vector<16xi32> to vector<1xi32>
    %squeeze3A_2256 = vector.extract %slice3A_2255[0] : i32 from vector<1xi32>
    %dma_start3A_2257 = arith.constant 57 : i32
    %dma_start3A_2258 = arith.constant 0 : i32
    %dma_start3A_2259 = tpu.memref_slice %arg10[%dma_start3A_2257, %dma_start3A_2258] : memref<128x64xf32, #tpu.memory_space<vmem>> -> memref<1x64xf32, #tpu.memory_space<vmem>>
    %dma_start3A_2260 = arith.constant 0 : i32
    %dma_start3A_2261 = tpu.memref_slice %arg2[%squeeze3A_2256, %dma_start3A_2260] : memref<1000000x64xf32, #tpu.memory_space<hbm>> -> memref<1x64xf32, #tpu.memory_space<hbm>>
    %dma_start3A_2262 = arith.constant 57 : i32
    %dma_start3A_2263 = arith.constant 0 : i32
    %dma_start3A_2264 = tpu.memref_slice %arg10[%dma_start3A_2262, %dma_start3A_2263] : memref<128x64xf32, #tpu.memory_space<vmem>> -> memref<1x64xf32, #tpu.memory_space<vmem>>
    %dma_start3A_2265 = arith.constant 0 : i32
    %dma_start3A_2266 = tpu.memref_slice %arg2[%squeeze3A_2256, %dma_start3A_2265] : memref<1000000x64xf32, #tpu.memory_space<hbm>> -> memref<1x64xf32, #tpu.memory_space<hbm>>
    tpu.enqueue_dma source(%dma_start3A_2266 : memref<1x64xf32, #tpu.memory_space<hbm>>) target(%dma_start3A_2264 : memref<1x64xf32, #tpu.memory_space<vmem>>) target_semaphore(%arg11 : memref<!tpu.dma_semaphore, #tpu.memory_space<semaphore_mem>>)
    %slice3A_2267 = vector.extract_strided_slice %get3A_2146 {offsets = [10], sizes = [1], strides = [1]} : vector<16xi32> to vector<1xi32>
    %squeeze3A_2268 = vector.extract %slice3A_2267[0] : i32 from vector<1xi32>
    %dma_start3A_2269 = arith.constant 58 : i32
    %dma_start3A_2270 = arith.constant 0 : i32
    %dma_start3A_2271 = tpu.memref_slice %arg10[%dma_start3A_2269, %dma_start3A_2270] : memref<128x64xf32, #tpu.memory_space<vmem>> -> memref<1x64xf32, #tpu.memory_space<vmem>>
    %dma_start3A_2272 = arith.constant 0 : i32
    %dma_start3A_2273 = tpu.memref_slice %arg2[%squeeze3A_2268, %dma_start3A_2272] : memref<1000000x64xf32, #tpu.memory_space<hbm>> -> memref<1x64xf32, #tpu.memory_space<hbm>>
    %dma_start3A_2274 = arith.constant 58 : i32
    %dma_start3A_2275 = arith.constant 0 : i32
    %dma_start3A_2276 = tpu.memref_slice %arg10[%dma_start3A_2274, %dma_start3A_2275] : memref<128x64xf32, #tpu.memory_space<vmem>> -> memref<1x64xf32, #tpu.memory_space<vmem>>
    %dma_start3A_2277 = arith.constant 0 : i32
    %dma_start3A_2278 = tpu.memref_slice %arg2[%squeeze3A_2268, %dma_start3A_2277] : memref<1000000x64xf32, #tpu.memory_space<hbm>> -> memref<1x64xf32, #tpu.memory_space<hbm>>
    tpu.enqueue_dma source(%dma_start3A_2278 : memref<1x64xf32, #tpu.memory_space<hbm>>) target(%dma_start3A_2276 : memref<1x64xf32, #tpu.memory_space<vmem>>) target_semaphore(%arg11 : memref<!tpu.dma_semaphore, #tpu.memory_space<semaphore_mem>>)
    %slice3A_2279 = vector.extract_strided_slice %get3A_2146 {offsets = [11], sizes = [1], strides = [1]} : vector<16xi32> to vector<1xi32>
    %squeeze3A_2280 = vector.extract %slice3A_2279[0] : i32 from vector<1xi32>
    %dma_start3A_2281 = arith.constant 59 : i32
    %dma_start3A_2282 = arith.constant 0 : i32
    %dma_start3A_2283 = tpu.memref_slice %arg10[%dma_start3A_2281, %dma_start3A_2282] : memref<128x64xf32, #tpu.memory_space<vmem>> -> memref<1x64xf32, #tpu.memory_space<vmem>>
    %dma_start3A_2284 = arith.constant 0 : i32
    %dma_start3A_2285 = tpu.memref_slice %arg2[%squeeze3A_2280, %dma_start3A_2284] : memref<1000000x64xf32, #tpu.memory_space<hbm>> -> memref<1x64xf32, #tpu.memory_space<hbm>>
    %dma_start3A_2286 = arith.constant 59 : i32
    %dma_start3A_2287 = arith.constant 0 : i32
    %dma_start3A_2288 = tpu.memref_slice %arg10[%dma_start3A_2286, %dma_start3A_2287] : memref<128x64xf32, #tpu.memory_space<vmem>> -> memref<1x64xf32, #tpu.memory_space<vmem>>
    %dma_start3A_2289 = arith.constant 0 : i32
    %dma_start3A_2290 = tpu.memref_slice %arg2[%squeeze3A_2280, %dma_start3A_2289] : memref<1000000x64xf32, #tpu.memory_space<hbm>> -> memref<1x64xf32, #tpu.memory_space<hbm>>
    tpu.enqueue_dma source(%dma_start3A_2290 : memref<1x64xf32, #tpu.memory_space<hbm>>) target(%dma_start3A_2288 : memref<1x64xf32, #tpu.memory_space<vmem>>) target_semaphore(%arg11 : memref<!tpu.dma_semaphore, #tpu.memory_space<semaphore_mem>>)
    %slice3A_2291 = vector.extract_strided_slice %get3A_2146 {offsets = [12], sizes = [1], strides = [1]} : vector<16xi32> to vector<1xi32>
    %squeeze3A_2292 = vector.extract %slice3A_2291[0] : i32 from vector<1xi32>
    %dma_start3A_2293 = arith.constant 60 : i32
    %dma_start3A_2294 = arith.constant 0 : i32
    %dma_start3A_2295 = tpu.memref_slice %arg10[%dma_start3A_2293, %dma_start3A_2294] : memref<128x64xf32, #tpu.memory_space<vmem>> -> memref<1x64xf32, #tpu.memory_space<vmem>>
    %dma_start3A_2296 = arith.constant 0 : i32
    %dma_start3A_2297 = tpu.memref_slice %arg2[%squeeze3A_2292, %dma_start3A_2296] : memref<1000000x64xf32, #tpu.memory_space<hbm>> -> memref<1x64xf32, #tpu.memory_space<hbm>>
    %dma_start3A_2298 = arith.constant 60 : i32
    %dma_start3A_2299 = arith.constant 0 : i32
    %dma_start3A_2300 = tpu.memref_slice %arg10[%dma_start3A_2298, %dma_start3A_2299] : memref<128x64xf32, #tpu.memory_space<vmem>> -> memref<1x64xf32, #tpu.memory_space<vmem>>
    %dma_start3A_2301 = arith.constant 0 : i32
    %dma_start3A_2302 = tpu.memref_slice %arg2[%squeeze3A_2292, %dma_start3A_2301] : memref<1000000x64xf32, #tpu.memory_space<hbm>> -> memref<1x64xf32, #tpu.memory_space<hbm>>
    tpu.enqueue_dma source(%dma_start3A_2302 : memref<1x64xf32, #tpu.memory_space<hbm>>) target(%dma_start3A_2300 : memref<1x64xf32, #tpu.memory_space<vmem>>) target_semaphore(%arg11 : memref<!tpu.dma_semaphore, #tpu.memory_space<semaphore_mem>>)
    %slice3A_2303 = vector.extract_strided_slice %get3A_2146 {offsets = [13], sizes = [1], strides = [1]} : vector<16xi32> to vector<1xi32>
    %squeeze3A_2304 = vector.extract %slice3A_2303[0] : i32 from vector<1xi32>
    %dma_start3A_2305 = arith.constant 61 : i32
    %dma_start3A_2306 = arith.constant 0 : i32
    %dma_start3A_2307 = tpu.memref_slice %arg10[%dma_start3A_2305, %dma_start3A_2306] : memref<128x64xf32, #tpu.memory_space<vmem>> -> memref<1x64xf32, #tpu.memory_space<vmem>>
    %dma_start3A_2308 = arith.constant 0 : i32
    %dma_start3A_2309 = tpu.memref_slice %arg2[%squeeze3A_2304, %dma_start3A_2308] : memref<1000000x64xf32, #tpu.memory_space<hbm>> -> memref<1x64xf32, #tpu.memory_space<hbm>>
    %dma_start3A_2310 = arith.constant 61 : i32
    %dma_start3A_2311 = arith.constant 0 : i32
    %dma_start3A_2312 = tpu.memref_slice %arg10[%dma_start3A_2310, %dma_start3A_2311] : memref<128x64xf32, #tpu.memory_space<vmem>> -> memref<1x64xf32, #tpu.memory_space<vmem>>
    %dma_start3A_2313 = arith.constant 0 : i32
    %dma_start3A_2314 = tpu.memref_slice %arg2[%squeeze3A_2304, %dma_start3A_2313] : memref<1000000x64xf32, #tpu.memory_space<hbm>> -> memref<1x64xf32, #tpu.memory_space<hbm>>
    tpu.enqueue_dma source(%dma_start3A_2314 : memref<1x64xf32, #tpu.memory_space<hbm>>) target(%dma_start3A_2312 : memref<1x64xf32, #tpu.memory_space<vmem>>) target_semaphore(%arg11 : memref<!tpu.dma_semaphore, #tpu.memory_space<semaphore_mem>>)
    %slice3A_2315 = vector.extract_strided_slice %get3A_2146 {offsets = [14], sizes = [1], strides = [1]} : vector<16xi32> to vector<1xi32>
    %squeeze3A_2316 = vector.extract %slice3A_2315[0] : i32 from vector<1xi32>
    %dma_start3A_2317 = arith.constant 62 : i32
    %dma_start3A_2318 = arith.constant 0 : i32
    %dma_start3A_2319 = tpu.memref_slice %arg10[%dma_start3A_2317, %dma_start3A_2318] : memref<128x64xf32, #tpu.memory_space<vmem>> -> memref<1x64xf32, #tpu.memory_space<vmem>>
    %dma_start3A_2320 = arith.constant 0 : i32
    %dma_start3A_2321 = tpu.memref_slice %arg2[%squeeze3A_2316, %dma_start3A_2320] : memref<1000000x64xf32, #tpu.memory_space<hbm>> -> memref<1x64xf32, #tpu.memory_space<hbm>>
    %dma_start3A_2322 = arith.constant 62 : i32
    %dma_start3A_2323 = arith.constant 0 : i32
    %dma_start3A_2324 = tpu.memref_slice %arg10[%dma_start3A_2322, %dma_start3A_2323] : memref<128x64xf32, #tpu.memory_space<vmem>> -> memref<1x64xf32, #tpu.memory_space<vmem>>
    %dma_start3A_2325 = arith.constant 0 : i32
    %dma_start3A_2326 = tpu.memref_slice %arg2[%squeeze3A_2316, %dma_start3A_2325] : memref<1000000x64xf32, #tpu.memory_space<hbm>> -> memref<1x64xf32, #tpu.memory_space<hbm>>
    tpu.enqueue_dma source(%dma_start3A_2326 : memref<1x64xf32, #tpu.memory_space<hbm>>) target(%dma_start3A_2324 : memref<1x64xf32, #tpu.memory_space<vmem>>) target_semaphore(%arg11 : memref<!tpu.dma_semaphore, #tpu.memory_space<semaphore_mem>>)
    %slice3A_2327 = vector.extract_strided_slice %get3A_2146 {offsets = [15], sizes = [1], strides = [1]} : vector<16xi32> to vector<1xi32>
    %squeeze3A_2328 = vector.extract %slice3A_2327[0] : i32 from vector<1xi32>
    %dma_start3A_2329 = arith.constant 63 : i32
    %dma_start3A_2330 = arith.constant 0 : i32
    %dma_start3A_2331 = tpu.memref_slice %arg10[%dma_start3A_2329, %dma_start3A_2330] : memref<128x64xf32, #tpu.memory_space<vmem>> -> memref<1x64xf32, #tpu.memory_space<vmem>>
    %dma_start3A_2332 = arith.constant 0 : i32
    %dma_start3A_2333 = tpu.memref_slice %arg2[%squeeze3A_2328, %dma_start3A_2332] : memref<1000000x64xf32, #tpu.memory_space<hbm>> -> memref<1x64xf32, #tpu.memory_space<hbm>>
    %dma_start3A_2334 = arith.constant 63 : i32
    %dma_start3A_2335 = arith.constant 0 : i32
    %dma_start3A_2336 = tpu.memref_slice %arg10[%dma_start3A_2334, %dma_start3A_2335] : memref<128x64xf32, #tpu.memory_space<vmem>> -> memref<1x64xf32, #tpu.memory_space<vmem>>
    %dma_start3A_2337 = arith.constant 0 : i32
    %dma_start3A_2338 = tpu.memref_slice %arg2[%squeeze3A_2328, %dma_start3A_2337] : memref<1000000x64xf32, #tpu.memory_space<hbm>> -> memref<1x64xf32, #tpu.memory_space<hbm>>
    tpu.enqueue_dma source(%dma_start3A_2338 : memref<1x64xf32, #tpu.memory_space<hbm>>) target(%dma_start3A_2336 : memref<1x64xf32, #tpu.memory_space<vmem>>) target_semaphore(%arg11 : memref<!tpu.dma_semaphore, #tpu.memory_space<semaphore_mem>>)
    %get3A_2339 = arith.constant 64 : index
    %get3A_2340 = tpu.vector_load %arg8[%get3A_2339] {strides = array<i32>} : memref<128xi32, #tpu.memory_space<vmem>>, vector<16xi32>,
    %get3A_2341 = vector.shape_cast %get3A_2340 : vector<16xi32> to vector<16xi32>
    %slice3A_2342 = vector.extract_strided_slice %get3A_2341 {offsets = [0], sizes = [1], strides = [1]} : vector<16xi32> to vector<1xi32>
    %squeeze3A_2343 = vector.extract %slice3A_2342[0] : i32 from vector<1xi32>
    %dma_start3A_2344 = arith.constant 64 : i32
    %dma_start3A_2345 = arith.constant 0 : i32
    %dma_start3A_2346 = tpu.memref_slice %arg10[%dma_start3A_2344, %dma_start3A_2345] : memref<128x64xf32, #tpu.memory_space<vmem>> -> memref<1x64xf32, #tpu.memory_space<vmem>>
    %dma_start3A_2347 = arith.constant 0 : i32
    %dma_start3A_2348 = tpu.memref_slice %arg2[%squeeze3A_2343, %dma_start3A_2347] : memref<1000000x64xf32, #tpu.memory_space<hbm>> -> memref<1x64xf32, #tpu.memory_space<hbm>>
    %dma_start3A_2349 = arith.constant 64 : i32
    %dma_start3A_2350 = arith.constant 0 : i32
    %dma_start3A_2351 = tpu.memref_slice %arg10[%dma_start3A_2349, %dma_start3A_2350] : memref<128x64xf32, #tpu.memory_space<vmem>> -> memref<1x64xf32, #tpu.memory_space<vmem>>
    %dma_start3A_2352 = arith.constant 0 : i32
    %dma_start3A_2353 = tpu.memref_slice %arg2[%squeeze3A_2343, %dma_start3A_2352] : memref<1000000x64xf32, #tpu.memory_space<hbm>> -> memref<1x64xf32, #tpu.memory_space<hbm>>
    tpu.enqueue_dma source(%dma_start3A_2353 : memref<1x64xf32, #tpu.memory_space<hbm>>) target(%dma_start3A_2351 : memref<1x64xf32, #tpu.memory_space<vmem>>) target_semaphore(%arg11 : memref<!tpu.dma_semaphore, #tpu.memory_space<semaphore_mem>>)
    %slice3A_2354 = vector.extract_strided_slice %get3A_2341 {offsets = [1], sizes = [1], strides = [1]} : vector<16xi32> to vector<1xi32>
    %squeeze3A_2355 = vector.extract %slice3A_2354[0] : i32 from vector<1xi32>
    %dma_start3A_2356 = arith.constant 65 : i32
    %dma_start3A_2357 = arith.constant 0 : i32
    %dma_start3A_2358 = tpu.memref_slice %arg10[%dma_start3A_2356, %dma_start3A_2357] : memref<128x64xf32, #tpu.memory_space<vmem>> -> memref<1x64xf32, #tpu.memory_space<vmem>>
    %dma_start3A_2359 = arith.constant 0 : i32
    %dma_start3A_2360 = tpu.memref_slice %arg2[%squeeze3A_2355, %dma_start3A_2359] : memref<1000000x64xf32, #tpu.memory_space<hbm>> -> memref<1x64xf32, #tpu.memory_space<hbm>>
    %dma_start3A_2361 = arith.constant 65 : i32
    %dma_start3A_2362 = arith.constant 0 : i32
    %dma_start3A_2363 = tpu.memref_slice %arg10[%dma_start3A_2361, %dma_start3A_2362] : memref<128x64xf32, #tpu.memory_space<vmem>> -> memref<1x64xf32, #tpu.memory_space<vmem>>
    %dma_start3A_2364 = arith.constant 0 : i32
    %dma_start3A_2365 = tpu.memref_slice %arg2[%squeeze3A_2355, %dma_start3A_2364] : memref<1000000x64xf32, #tpu.memory_space<hbm>> -> memref<1x64xf32, #tpu.memory_space<hbm>>
    tpu.enqueue_dma source(%dma_start3A_2365 : memref<1x64xf32, #tpu.memory_space<hbm>>) target(%dma_start3A_2363 : memref<1x64xf32, #tpu.memory_space<vmem>>) target_semaphore(%arg11 : memref<!tpu.dma_semaphore, #tpu.memory_space<semaphore_mem>>)
    %slice3A_2366 = vector.extract_strided_slice %get3A_2341 {offsets = [2], sizes = [1], strides = [1]} : vector<16xi32> to vector<1xi32>
    %squeeze3A_2367 = vector.extract %slice3A_2366[0] : i32 from vector<1xi32>
    %dma_start3A_2368 = arith.constant 66 : i32
    %dma_start3A_2369 = arith.constant 0 : i32
    %dma_start3A_2370 = tpu.memref_slice %arg10[%dma_start3A_2368, %dma_start3A_2369] : memref<128x64xf32, #tpu.memory_space<vmem>> -> memref<1x64xf32, #tpu.memory_space<vmem>>
    %dma_start3A_2371 = arith.constant 0 : i32
    %dma_start3A_2372 = tpu.memref_slice %arg2[%squeeze3A_2367, %dma_start3A_2371] : memref<1000000x64xf32, #tpu.memory_space<hbm>> -> memref<1x64xf32, #tpu.memory_space<hbm>>
    %dma_start3A_2373 = arith.constant 66 : i32
    %dma_start3A_2374 = arith.constant 0 : i32
    %dma_start3A_2375 = tpu.memref_slice %arg10[%dma_start3A_2373, %dma_start3A_2374] : memref<128x64xf32, #tpu.memory_space<vmem>> -> memref<1x64xf32, #tpu.memory_space<vmem>>
    %dma_start3A_2376 = arith.constant 0 : i32
    %dma_start3A_2377 = tpu.memref_slice %arg2[%squeeze3A_2367, %dma_start3A_2376] : memref<1000000x64xf32, #tpu.memory_space<hbm>> -> memref<1x64xf32, #tpu.memory_space<hbm>>
    tpu.enqueue_dma source(%dma_start3A_2377 : memref<1x64xf32, #tpu.memory_space<hbm>>) target(%dma_start3A_2375 : memref<1x64xf32, #tpu.memory_space<vmem>>) target_semaphore(%arg11 : memref<!tpu.dma_semaphore, #tpu.memory_space<semaphore_mem>>)
    %slice3A_2378 = vector.extract_strided_slice %get3A_2341 {offsets = [3], sizes = [1], strides = [1]} : vector<16xi32> to vector<1xi32>
    %squeeze3A_2379 = vector.extract %slice3A_2378[0] : i32 from vector<1xi32>
    %dma_start3A_2380 = arith.constant 67 : i32
    %dma_start3A_2381 = arith.constant 0 : i32
    %dma_start3A_2382 = tpu.memref_slice %arg10[%dma_start3A_2380, %dma_start3A_2381] : memref<128x64xf32, #tpu.memory_space<vmem>> -> memref<1x64xf32, #tpu.memory_space<vmem>>
    %dma_start3A_2383 = arith.constant 0 : i32
    %dma_start3A_2384 = tpu.memref_slice %arg2[%squeeze3A_2379, %dma_start3A_2383] : memref<1000000x64xf32, #tpu.memory_space<hbm>> -> memref<1x64xf32, #tpu.memory_space<hbm>>
    %dma_start3A_2385 = arith.constant 67 : i32
    %dma_start3A_2386 = arith.constant 0 : i32
    %dma_start3A_2387 = tpu.memref_slice %arg10[%dma_start3A_2385, %dma_start3A_2386] : memref<128x64xf32, #tpu.memory_space<vmem>> -> memref<1x64xf32, #tpu.memory_space<vmem>>
    %dma_start3A_2388 = arith.constant 0 : i32
    %dma_start3A_2389 = tpu.memref_slice %arg2[%squeeze3A_2379, %dma_start3A_2388] : memref<1000000x64xf32, #tpu.memory_space<hbm>> -> memref<1x64xf32, #tpu.memory_space<hbm>>
    tpu.enqueue_dma source(%dma_start3A_2389 : memref<1x64xf32, #tpu.memory_space<hbm>>) target(%dma_start3A_2387 : memref<1x64xf32, #tpu.memory_space<vmem>>) target_semaphore(%arg11 : memref<!tpu.dma_semaphore, #tpu.memory_space<semaphore_mem>>)
    %slice3A_2390 = vector.extract_strided_slice %get3A_2341 {offsets = [4], sizes = [1], strides = [1]} : vector<16xi32> to vector<1xi32>
    %squeeze3A_2391 = vector.extract %slice3A_2390[0] : i32 from vector<1xi32>
    %dma_start3A_2392 = arith.constant 68 : i32
    %dma_start3A_2393 = arith.constant 0 : i32
    %dma_start3A_2394 = tpu.memref_slice %arg10[%dma_start3A_2392, %dma_start3A_2393] : memref<128x64xf32, #tpu.memory_space<vmem>> -> memref<1x64xf32, #tpu.memory_space<vmem>>
    %dma_start3A_2395 = arith.constant 0 : i32
    %dma_start3A_2396 = tpu.memref_slice %arg2[%squeeze3A_2391, %dma_start3A_2395] : memref<1000000x64xf32, #tpu.memory_space<hbm>> -> memref<1x64xf32, #tpu.memory_space<hbm>>
    %dma_start3A_2397 = arith.constant 68 : i32
    %dma_start3A_2398 = arith.constant 0 : i32
    %dma_start3A_2399 = tpu.memref_slice %arg10[%dma_start3A_2397, %dma_start3A_2398] : memref<128x64xf32, #tpu.memory_space<vmem>> -> memref<1x64xf32, #tpu.memory_space<vmem>>
    %dma_start3A_2400 = arith.constant 0 : i32
    %dma_start3A_2401 = tpu.memref_slice %arg2[%squeeze3A_2391, %dma_start3A_2400] : memref<1000000x64xf32, #tpu.memory_space<hbm>> -> memref<1x64xf32, #tpu.memory_space<hbm>>
    tpu.enqueue_dma source(%dma_start3A_2401 : memref<1x64xf32, #tpu.memory_space<hbm>>) target(%dma_start3A_2399 : memref<1x64xf32, #tpu.memory_space<vmem>>) target_semaphore(%arg11 : memref<!tpu.dma_semaphore, #tpu.memory_space<semaphore_mem>>)
    %slice3A_2402 = vector.extract_strided_slice %get3A_2341 {offsets = [5], sizes = [1], strides = [1]} : vector<16xi32> to vector<1xi32>
    %squeeze3A_2403 = vector.extract %slice3A_2402[0] : i32 from vector<1xi32>
    %dma_start3A_2404 = arith.constant 69 : i32
    %dma_start3A_2405 = arith.constant 0 : i32
    %dma_start3A_2406 = tpu.memref_slice %arg10[%dma_start3A_2404, %dma_start3A_2405] : memref<128x64xf32, #tpu.memory_space<vmem>> -> memref<1x64xf32, #tpu.memory_space<vmem>>
    %dma_start3A_2407 = arith.constant 0 : i32
    %dma_start3A_2408 = tpu.memref_slice %arg2[%squeeze3A_2403, %dma_start3A_2407] : memref<1000000x64xf32, #tpu.memory_space<hbm>> -> memref<1x64xf32, #tpu.memory_space<hbm>>
    %dma_start3A_2409 = arith.constant 69 : i32
    %dma_start3A_2410 = arith.constant 0 : i32
    %dma_start3A_2411 = tpu.memref_slice %arg10[%dma_start3A_2409, %dma_start3A_2410] : memref<128x64xf32, #tpu.memory_space<vmem>> -> memref<1x64xf32, #tpu.memory_space<vmem>>
    %dma_start3A_2412 = arith.constant 0 : i32
    %dma_start3A_2413 = tpu.memref_slice %arg2[%squeeze3A_2403, %dma_start3A_2412] : memref<1000000x64xf32, #tpu.memory_space<hbm>> -> memref<1x64xf32, #tpu.memory_space<hbm>>
    tpu.enqueue_dma source(%dma_start3A_2413 : memref<1x64xf32, #tpu.memory_space<hbm>>) target(%dma_start3A_2411 : memref<1x64xf32, #tpu.memory_space<vmem>>) target_semaphore(%arg11 : memref<!tpu.dma_semaphore, #tpu.memory_space<semaphore_mem>>)
    %slice3A_2414 = vector.extract_strided_slice %get3A_2341 {offsets = [6], sizes = [1], strides = [1]} : vector<16xi32> to vector<1xi32>
    %squeeze3A_2415 = vector.extract %slice3A_2414[0] : i32 from vector<1xi32>
    %dma_start3A_2416 = arith.constant 70 : i32
    %dma_start3A_2417 = arith.constant 0 : i32
    %dma_start3A_2418 = tpu.memref_slice %arg10[%dma_start3A_2416, %dma_start3A_2417] : memref<128x64xf32, #tpu.memory_space<vmem>> -> memref<1x64xf32, #tpu.memory_space<vmem>>
    %dma_start3A_2419 = arith.constant 0 : i32
    %dma_start3A_2420 = tpu.memref_slice %arg2[%squeeze3A_2415, %dma_start3A_2419] : memref<1000000x64xf32, #tpu.memory_space<hbm>> -> memref<1x64xf32, #tpu.memory_space<hbm>>
    %dma_start3A_2421 = arith.constant 70 : i32
    %dma_start3A_2422 = arith.constant 0 : i32
    %dma_start3A_2423 = tpu.memref_slice %arg10[%dma_start3A_2421, %dma_start3A_2422] : memref<128x64xf32, #tpu.memory_space<vmem>> -> memref<1x64xf32, #tpu.memory_space<vmem>>
    %dma_start3A_2424 = arith.constant 0 : i32
    %dma_start3A_2425 = tpu.memref_slice %arg2[%squeeze3A_2415, %dma_start3A_2424] : memref<1000000x64xf32, #tpu.memory_space<hbm>> -> memref<1x64xf32, #tpu.memory_space<hbm>>
    tpu.enqueue_dma source(%dma_start3A_2425 : memref<1x64xf32, #tpu.memory_space<hbm>>) target(%dma_start3A_2423 : memref<1x64xf32, #tpu.memory_space<vmem>>) target_semaphore(%arg11 : memref<!tpu.dma_semaphore, #tpu.memory_space<semaphore_mem>>)
    %slice3A_2426 = vector.extract_strided_slice %get3A_2341 {offsets = [7], sizes = [1], strides = [1]} : vector<16xi32> to vector<1xi32>
    %squeeze3A_2427 = vector.extract %slice3A_2426[0] : i32 from vector<1xi32>
    %dma_start3A_2428 = arith.constant 71 : i32
    %dma_start3A_2429 = arith.constant 0 : i32
    %dma_start3A_2430 = tpu.memref_slice %arg10[%dma_start3A_2428, %dma_start3A_2429] : memref<128x64xf32, #tpu.memory_space<vmem>> -> memref<1x64xf32, #tpu.memory_space<vmem>>
    %dma_start3A_2431 = arith.constant 0 : i32
    %dma_start3A_2432 = tpu.memref_slice %arg2[%squeeze3A_2427, %dma_start3A_2431] : memref<1000000x64xf32, #tpu.memory_space<hbm>> -> memref<1x64xf32, #tpu.memory_space<hbm>>
    %dma_start3A_2433 = arith.constant 71 : i32
    %dma_start3A_2434 = arith.constant 0 : i32
    %dma_start3A_2435 = tpu.memref_slice %arg10[%dma_start3A_2433, %dma_start3A_2434] : memref<128x64xf32, #tpu.memory_space<vmem>> -> memref<1x64xf32, #tpu.memory_space<vmem>>
    %dma_start3A_2436 = arith.constant 0 : i32
    %dma_start3A_2437 = tpu.memref_slice %arg2[%squeeze3A_2427, %dma_start3A_2436] : memref<1000000x64xf32, #tpu.memory_space<hbm>> -> memref<1x64xf32, #tpu.memory_space<hbm>>
    tpu.enqueue_dma source(%dma_start3A_2437 : memref<1x64xf32, #tpu.memory_space<hbm>>) target(%dma_start3A_2435 : memref<1x64xf32, #tpu.memory_space<vmem>>) target_semaphore(%arg11 : memref<!tpu.dma_semaphore, #tpu.memory_space<semaphore_mem>>)
    %slice3A_2438 = vector.extract_strided_slice %get3A_2341 {offsets = [8], sizes = [1], strides = [1]} : vector<16xi32> to vector<1xi32>
    %squeeze3A_2439 = vector.extract %slice3A_2438[0] : i32 from vector<1xi32>
    %dma_start3A_2440 = arith.constant 72 : i32
    %dma_start3A_2441 = arith.constant 0 : i32
    %dma_start3A_2442 = tpu.memref_slice %arg10[%dma_start3A_2440, %dma_start3A_2441] : memref<128x64xf32, #tpu.memory_space<vmem>> -> memref<1x64xf32, #tpu.memory_space<vmem>>
    %dma_start3A_2443 = arith.constant 0 : i32
    %dma_start3A_2444 = tpu.memref_slice %arg2[%squeeze3A_2439, %dma_start3A_2443] : memref<1000000x64xf32, #tpu.memory_space<hbm>> -> memref<1x64xf32, #tpu.memory_space<hbm>>
    %dma_start3A_2445 = arith.constant 72 : i32
    %dma_start3A_2446 = arith.constant 0 : i32
    %dma_start3A_2447 = tpu.memref_slice %arg10[%dma_start3A_2445, %dma_start3A_2446] : memref<128x64xf32, #tpu.memory_space<vmem>> -> memref<1x64xf32, #tpu.memory_space<vmem>>
    %dma_start3A_2448 = arith.constant 0 : i32
    %dma_start3A_2449 = tpu.memref_slice %arg2[%squeeze3A_2439, %dma_start3A_2448] : memref<1000000x64xf32, #tpu.memory_space<hbm>> -> memref<1x64xf32, #tpu.memory_space<hbm>>
    tpu.enqueue_dma source(%dma_start3A_2449 : memref<1x64xf32, #tpu.memory_space<hbm>>) target(%dma_start3A_2447 : memref<1x64xf32, #tpu.memory_space<vmem>>) target_semaphore(%arg11 : memref<!tpu.dma_semaphore, #tpu.memory_space<semaphore_mem>>)
    %slice3A_2450 = vector.extract_strided_slice %get3A_2341 {offsets = [9], sizes = [1], strides = [1]} : vector<16xi32> to vector<1xi32>
    %squeeze3A_2451 = vector.extract %slice3A_2450[0] : i32 from vector<1xi32>
    %dma_start3A_2452 = arith.constant 73 : i32
    %dma_start3A_2453 = arith.constant 0 : i32
    %dma_start3A_2454 = tpu.memref_slice %arg10[%dma_start3A_2452, %dma_start3A_2453] : memref<128x64xf32, #tpu.memory_space<vmem>> -> memref<1x64xf32, #tpu.memory_space<vmem>>
    %dma_start3A_2455 = arith.constant 0 : i32
    %dma_start3A_2456 = tpu.memref_slice %arg2[%squeeze3A_2451, %dma_start3A_2455] : memref<1000000x64xf32, #tpu.memory_space<hbm>> -> memref<1x64xf32, #tpu.memory_space<hbm>>
    %dma_start3A_2457 = arith.constant 73 : i32
    %dma_start3A_2458 = arith.constant 0 : i32
    %dma_start3A_2459 = tpu.memref_slice %arg10[%dma_start3A_2457, %dma_start3A_2458] : memref<128x64xf32, #tpu.memory_space<vmem>> -> memref<1x64xf32, #tpu.memory_space<vmem>>
    %dma_start3A_2460 = arith.constant 0 : i32
    %dma_start3A_2461 = tpu.memref_slice %arg2[%squeeze3A_2451, %dma_start3A_2460] : memref<1000000x64xf32, #tpu.memory_space<hbm>> -> memref<1x64xf32, #tpu.memory_space<hbm>>
    tpu.enqueue_dma source(%dma_start3A_2461 : memref<1x64xf32, #tpu.memory_space<hbm>>) target(%dma_start3A_2459 : memref<1x64xf32, #tpu.memory_space<vmem>>) target_semaphore(%arg11 : memref<!tpu.dma_semaphore, #tpu.memory_space<semaphore_mem>>)
    %slice3A_2462 = vector.extract_strided_slice %get3A_2341 {offsets = [10], sizes = [1], strides = [1]} : vector<16xi32> to vector<1xi32>
    %squeeze3A_2463 = vector.extract %slice3A_2462[0] : i32 from vector<1xi32>
    %dma_start3A_2464 = arith.constant 74 : i32
    %dma_start3A_2465 = arith.constant 0 : i32
    %dma_start3A_2466 = tpu.memref_slice %arg10[%dma_start3A_2464, %dma_start3A_2465] : memref<128x64xf32, #tpu.memory_space<vmem>> -> memref<1x64xf32, #tpu.memory_space<vmem>>
    %dma_start3A_2467 = arith.constant 0 : i32
    %dma_start3A_2468 = tpu.memref_slice %arg2[%squeeze3A_2463, %dma_start3A_2467] : memref<1000000x64xf32, #tpu.memory_space<hbm>> -> memref<1x64xf32, #tpu.memory_space<hbm>>
    %dma_start3A_2469 = arith.constant 74 : i32
    %dma_start3A_2470 = arith.constant 0 : i32
    %dma_start3A_2471 = tpu.memref_slice %arg10[%dma_start3A_2469, %dma_start3A_2470] : memref<128x64xf32, #tpu.memory_space<vmem>> -> memref<1x64xf32, #tpu.memory_space<vmem>>
    %dma_start3A_2472 = arith.constant 0 : i32
    %dma_start3A_2473 = tpu.memref_slice %arg2[%squeeze3A_2463, %dma_start3A_2472] : memref<1000000x64xf32, #tpu.memory_space<hbm>> -> memref<1x64xf32, #tpu.memory_space<hbm>>
    tpu.enqueue_dma source(%dma_start3A_2473 : memref<1x64xf32, #tpu.memory_space<hbm>>) target(%dma_start3A_2471 : memref<1x64xf32, #tpu.memory_space<vmem>>) target_semaphore(%arg11 : memref<!tpu.dma_semaphore, #tpu.memory_space<semaphore_mem>>)
    %slice3A_2474 = vector.extract_strided_slice %get3A_2341 {offsets = [11], sizes = [1], strides = [1]} : vector<16xi32> to vector<1xi32>
    %squeeze3A_2475 = vector.extract %slice3A_2474[0] : i32 from vector<1xi32>
    %dma_start3A_2476 = arith.constant 75 : i32
    %dma_start3A_2477 = arith.constant 0 : i32
    %dma_start3A_2478 = tpu.memref_slice %arg10[%dma_start3A_2476, %dma_start3A_2477] : memref<128x64xf32, #tpu.memory_space<vmem>> -> memref<1x64xf32, #tpu.memory_space<vmem>>
    %dma_start3A_2479 = arith.constant 0 : i32
    %dma_start3A_2480 = tpu.memref_slice %arg2[%squeeze3A_2475, %dma_start3A_2479] : memref<1000000x64xf32, #tpu.memory_space<hbm>> -> memref<1x64xf32, #tpu.memory_space<hbm>>
    %dma_start3A_2481 = arith.constant 75 : i32
    %dma_start3A_2482 = arith.constant 0 : i32
    %dma_start3A_2483 = tpu.memref_slice %arg10[%dma_start3A_2481, %dma_start3A_2482] : memref<128x64xf32, #tpu.memory_space<vmem>> -> memref<1x64xf32, #tpu.memory_space<vmem>>
    %dma_start3A_2484 = arith.constant 0 : i32
    %dma_start3A_2485 = tpu.memref_slice %arg2[%squeeze3A_2475, %dma_start3A_2484] : memref<1000000x64xf32, #tpu.memory_space<hbm>> -> memref<1x64xf32, #tpu.memory_space<hbm>>
    tpu.enqueue_dma source(%dma_start3A_2485 : memref<1x64xf32, #tpu.memory_space<hbm>>) target(%dma_start3A_2483 : memref<1x64xf32, #tpu.memory_space<vmem>>) target_semaphore(%arg11 : memref<!tpu.dma_semaphore, #tpu.memory_space<semaphore_mem>>)
    %slice3A_2486 = vector.extract_strided_slice %get3A_2341 {offsets = [12], sizes = [1], strides = [1]} : vector<16xi32> to vector<1xi32>
    %squeeze3A_2487 = vector.extract %slice3A_2486[0] : i32 from vector<1xi32>
    %dma_start3A_2488 = arith.constant 76 : i32
    %dma_start3A_2489 = arith.constant 0 : i32
    %dma_start3A_2490 = tpu.memref_slice %arg10[%dma_start3A_2488, %dma_start3A_2489] : memref<128x64xf32, #tpu.memory_space<vmem>> -> memref<1x64xf32, #tpu.memory_space<vmem>>
    %dma_start3A_2491 = arith.constant 0 : i32
    %dma_start3A_2492 = tpu.memref_slice %arg2[%squeeze3A_2487, %dma_start3A_2491] : memref<1000000x64xf32, #tpu.memory_space<hbm>> -> memref<1x64xf32, #tpu.memory_space<hbm>>
    %dma_start3A_2493 = arith.constant 76 : i32
    %dma_start3A_2494 = arith.constant 0 : i32
    %dma_start3A_2495 = tpu.memref_slice %arg10[%dma_start3A_2493, %dma_start3A_2494] : memref<128x64xf32, #tpu.memory_space<vmem>> -> memref<1x64xf32, #tpu.memory_space<vmem>>
    %dma_start3A_2496 = arith.constant 0 : i32
    %dma_start3A_2497 = tpu.memref_slice %arg2[%squeeze3A_2487, %dma_start3A_2496] : memref<1000000x64xf32, #tpu.memory_space<hbm>> -> memref<1x64xf32, #tpu.memory_space<hbm>>
    tpu.enqueue_dma source(%dma_start3A_2497 : memref<1x64xf32, #tpu.memory_space<hbm>>) target(%dma_start3A_2495 : memref<1x64xf32, #tpu.memory_space<vmem>>) target_semaphore(%arg11 : memref<!tpu.dma_semaphore, #tpu.memory_space<semaphore_mem>>)
    %slice3A_2498 = vector.extract_strided_slice %get3A_2341 {offsets = [13], sizes = [1], strides = [1]} : vector<16xi32> to vector<1xi32>
    %squeeze3A_2499 = vector.extract %slice3A_2498[0] : i32 from vector<1xi32>
    %dma_start3A_2500 = arith.constant 77 : i32
    %dma_start3A_2501 = arith.constant 0 : i32
    %dma_start3A_2502 = tpu.memref_slice %arg10[%dma_start3A_2500, %dma_start3A_2501] : memref<128x64xf32, #tpu.memory_space<vmem>> -> memref<1x64xf32, #tpu.memory_space<vmem>>
    %dma_start3A_2503 = arith.constant 0 : i32
    %dma_start3A_2504 = tpu.memref_slice %arg2[%squeeze3A_2499, %dma_start3A_2503] : memref<1000000x64xf32, #tpu.memory_space<hbm>> -> memref<1x64xf32, #tpu.memory_space<hbm>>
    %dma_start3A_2505 = arith.constant 77 : i32
    %dma_start3A_2506 = arith.constant 0 : i32
    %dma_start3A_2507 = tpu.memref_slice %arg10[%dma_start3A_2505, %dma_start3A_2506] : memref<128x64xf32, #tpu.memory_space<vmem>> -> memref<1x64xf32, #tpu.memory_space<vmem>>
    %dma_start3A_2508 = arith.constant 0 : i32
    %dma_start3A_2509 = tpu.memref_slice %arg2[%squeeze3A_2499, %dma_start3A_2508] : memref<1000000x64xf32, #tpu.memory_space<hbm>> -> memref<1x64xf32, #tpu.memory_space<hbm>>
    tpu.enqueue_dma source(%dma_start3A_2509 : memref<1x64xf32, #tpu.memory_space<hbm>>) target(%dma_start3A_2507 : memref<1x64xf32, #tpu.memory_space<vmem>>) target_semaphore(%arg11 : memref<!tpu.dma_semaphore, #tpu.memory_space<semaphore_mem>>)
    %slice3A_2510 = vector.extract_strided_slice %get3A_2341 {offsets = [14], sizes = [1], strides = [1]} : vector<16xi32> to vector<1xi32>
    %squeeze3A_2511 = vector.extract %slice3A_2510[0] : i32 from vector<1xi32>
    %dma_start3A_2512 = arith.constant 78 : i32
    %dma_start3A_2513 = arith.constant 0 : i32
    %dma_start3A_2514 = tpu.memref_slice %arg10[%dma_start3A_2512, %dma_start3A_2513] : memref<128x64xf32, #tpu.memory_space<vmem>> -> memref<1x64xf32, #tpu.memory_space<vmem>>
    %dma_start3A_2515 = arith.constant 0 : i32
    %dma_start3A_2516 = tpu.memref_slice %arg2[%squeeze3A_2511, %dma_start3A_2515] : memref<1000000x64xf32, #tpu.memory_space<hbm>> -> memref<1x64xf32, #tpu.memory_space<hbm>>
    %dma_start3A_2517 = arith.constant 78 : i32
    %dma_start3A_2518 = arith.constant 0 : i32
    %dma_start3A_2519 = tpu.memref_slice %arg10[%dma_start3A_2517, %dma_start3A_2518] : memref<128x64xf32, #tpu.memory_space<vmem>> -> memref<1x64xf32, #tpu.memory_space<vmem>>
    %dma_start3A_2520 = arith.constant 0 : i32
    %dma_start3A_2521 = tpu.memref_slice %arg2[%squeeze3A_2511, %dma_start3A_2520] : memref<1000000x64xf32, #tpu.memory_space<hbm>> -> memref<1x64xf32, #tpu.memory_space<hbm>>
    tpu.enqueue_dma source(%dma_start3A_2521 : memref<1x64xf32, #tpu.memory_space<hbm>>) target(%dma_start3A_2519 : memref<1x64xf32, #tpu.memory_space<vmem>>) target_semaphore(%arg11 : memref<!tpu.dma_semaphore, #tpu.memory_space<semaphore_mem>>)
    %slice3A_2522 = vector.extract_strided_slice %get3A_2341 {offsets = [15], sizes = [1], strides = [1]} : vector<16xi32> to vector<1xi32>
    %squeeze3A_2523 = vector.extract %slice3A_2522[0] : i32 from vector<1xi32>
    %dma_start3A_2524 = arith.constant 79 : i32
    %dma_start3A_2525 = arith.constant 0 : i32
    %dma_start3A_2526 = tpu.memref_slice %arg10[%dma_start3A_2524, %dma_start3A_2525] : memref<128x64xf32, #tpu.memory_space<vmem>> -> memref<1x64xf32, #tpu.memory_space<vmem>>
    %dma_start3A_2527 = arith.constant 0 : i32
    %dma_start3A_2528 = tpu.memref_slice %arg2[%squeeze3A_2523, %dma_start3A_2527] : memref<1000000x64xf32, #tpu.memory_space<hbm>> -> memref<1x64xf32, #tpu.memory_space<hbm>>
    %dma_start3A_2529 = arith.constant 79 : i32
    %dma_start3A_2530 = arith.constant 0 : i32
    %dma_start3A_2531 = tpu.memref_slice %arg10[%dma_start3A_2529, %dma_start3A_2530] : memref<128x64xf32, #tpu.memory_space<vmem>> -> memref<1x64xf32, #tpu.memory_space<vmem>>
    %dma_start3A_2532 = arith.constant 0 : i32
    %dma_start3A_2533 = tpu.memref_slice %arg2[%squeeze3A_2523, %dma_start3A_2532] : memref<1000000x64xf32, #tpu.memory_space<hbm>> -> memref<1x64xf32, #tpu.memory_space<hbm>>
    tpu.enqueue_dma source(%dma_start3A_2533 : memref<1x64xf32, #tpu.memory_space<hbm>>) target(%dma_start3A_2531 : memref<1x64xf32, #tpu.memory_space<vmem>>) target_semaphore(%arg11 : memref<!tpu.dma_semaphore, #tpu.memory_space<semaphore_mem>>)
    %get3A_2534 = arith.constant 80 : index
    %get3A_2535 = tpu.vector_load %arg8[%get3A_2534] {strides = array<i32>} : memref<128xi32, #tpu.memory_space<vmem>>, vector<16xi32>,
    %get3A_2536 = vector.shape_cast %get3A_2535 : vector<16xi32> to vector<16xi32>
    %slice3A_2537 = vector.extract_strided_slice %get3A_2536 {offsets = [0], sizes = [1], strides = [1]} : vector<16xi32> to vector<1xi32>
    %squeeze3A_2538 = vector.extract %slice3A_2537[0] : i32 from vector<1xi32>
    %dma_start3A_2539 = arith.constant 80 : i32
    %dma_start3A_2540 = arith.constant 0 : i32
    %dma_start3A_2541 = tpu.memref_slice %arg10[%dma_start3A_2539, %dma_start3A_2540] : memref<128x64xf32, #tpu.memory_space<vmem>> -> memref<1x64xf32, #tpu.memory_space<vmem>>
    %dma_start3A_2542 = arith.constant 0 : i32
    %dma_start3A_2543 = tpu.memref_slice %arg2[%squeeze3A_2538, %dma_start3A_2542] : memref<1000000x64xf32, #tpu.memory_space<hbm>> -> memref<1x64xf32, #tpu.memory_space<hbm>>
    %dma_start3A_2544 = arith.constant 80 : i32
    %dma_start3A_2545 = arith.constant 0 : i32
    %dma_start3A_2546 = tpu.memref_slice %arg10[%dma_start3A_2544, %dma_start3A_2545] : memref<128x64xf32, #tpu.memory_space<vmem>> -> memref<1x64xf32, #tpu.memory_space<vmem>>
    %dma_start3A_2547 = arith.constant 0 : i32
    %dma_start3A_2548 = tpu.memref_slice %arg2[%squeeze3A_2538, %dma_start3A_2547] : memref<1000000x64xf32, #tpu.memory_space<hbm>> -> memref<1x64xf32, #tpu.memory_space<hbm>>
    tpu.enqueue_dma source(%dma_start3A_2548 : memref<1x64xf32, #tpu.memory_space<hbm>>) target(%dma_start3A_2546 : memref<1x64xf32, #tpu.memory_space<vmem>>) target_semaphore(%arg11 : memref<!tpu.dma_semaphore, #tpu.memory_space<semaphore_mem>>)
    %slice3A_2549 = vector.extract_strided_slice %get3A_2536 {offsets = [1], sizes = [1], strides = [1]} : vector<16xi32> to vector<1xi32>
    %squeeze3A_2550 = vector.extract %slice3A_2549[0] : i32 from vector<1xi32>
    %dma_start3A_2551 = arith.constant 81 : i32
    %dma_start3A_2552 = arith.constant 0 : i32
    %dma_start3A_2553 = tpu.memref_slice %arg10[%dma_start3A_2551, %dma_start3A_2552] : memref<128x64xf32, #tpu.memory_space<vmem>> -> memref<1x64xf32, #tpu.memory_space<vmem>>
    %dma_start3A_2554 = arith.constant 0 : i32
    %dma_start3A_2555 = tpu.memref_slice %arg2[%squeeze3A_2550, %dma_start3A_2554] : memref<1000000x64xf32, #tpu.memory_space<hbm>> -> memref<1x64xf32, #tpu.memory_space<hbm>>
    %dma_start3A_2556 = arith.constant 81 : i32
    %dma_start3A_2557 = arith.constant 0 : i32
    %dma_start3A_2558 = tpu.memref_slice %arg10[%dma_start3A_2556, %dma_start3A_2557] : memref<128x64xf32, #tpu.memory_space<vmem>> -> memref<1x64xf32, #tpu.memory_space<vmem>>
    %dma_start3A_2559 = arith.constant 0 : i32
    %dma_start3A_2560 = tpu.memref_slice %arg2[%squeeze3A_2550, %dma_start3A_2559] : memref<1000000x64xf32, #tpu.memory_space<hbm>> -> memref<1x64xf32, #tpu.memory_space<hbm>>
    tpu.enqueue_dma source(%dma_start3A_2560 : memref<1x64xf32, #tpu.memory_space<hbm>>) target(%dma_start3A_2558 : memref<1x64xf32, #tpu.memory_space<vmem>>) target_semaphore(%arg11 : memref<!tpu.dma_semaphore, #tpu.memory_space<semaphore_mem>>)
    %slice3A_2561 = vector.extract_strided_slice %get3A_2536 {offsets = [2], sizes = [1], strides = [1]} : vector<16xi32> to vector<1xi32>
    %squeeze3A_2562 = vector.extract %slice3A_2561[0] : i32 from vector<1xi32>
    %dma_start3A_2563 = arith.constant 82 : i32
    %dma_start3A_2564 = arith.constant 0 : i32
    %dma_start3A_2565 = tpu.memref_slice %arg10[%dma_start3A_2563, %dma_start3A_2564] : memref<128x64xf32, #tpu.memory_space<vmem>> -> memref<1x64xf32, #tpu.memory_space<vmem>>
    %dma_start3A_2566 = arith.constant 0 : i32
    %dma_start3A_2567 = tpu.memref_slice %arg2[%squeeze3A_2562, %dma_start3A_2566] : memref<1000000x64xf32, #tpu.memory_space<hbm>> -> memref<1x64xf32, #tpu.memory_space<hbm>>
    %dma_start3A_2568 = arith.constant 82 : i32
    %dma_start3A_2569 = arith.constant 0 : i32
    %dma_start3A_2570 = tpu.memref_slice %arg10[%dma_start3A_2568, %dma_start3A_2569] : memref<128x64xf32, #tpu.memory_space<vmem>> -> memref<1x64xf32, #tpu.memory_space<vmem>>
    %dma_start3A_2571 = arith.constant 0 : i32
    %dma_start3A_2572 = tpu.memref_slice %arg2[%squeeze3A_2562, %dma_start3A_2571] : memref<1000000x64xf32, #tpu.memory_space<hbm>> -> memref<1x64xf32, #tpu.memory_space<hbm>>
    tpu.enqueue_dma source(%dma_start3A_2572 : memref<1x64xf32, #tpu.memory_space<hbm>>) target(%dma_start3A_2570 : memref<1x64xf32, #tpu.memory_space<vmem>>) target_semaphore(%arg11 : memref<!tpu.dma_semaphore, #tpu.memory_space<semaphore_mem>>)
    %slice3A_2573 = vector.extract_strided_slice %get3A_2536 {offsets = [3], sizes = [1], strides = [1]} : vector<16xi32> to vector<1xi32>
    %squeeze3A_2574 = vector.extract %slice3A_2573[0] : i32 from vector<1xi32>
    %dma_start3A_2575 = arith.constant 83 : i32
    %dma_start3A_2576 = arith.constant 0 : i32
    %dma_start3A_2577 = tpu.memref_slice %arg10[%dma_start3A_2575, %dma_start3A_2576] : memref<128x64xf32, #tpu.memory_space<vmem>> -> memref<1x64xf32, #tpu.memory_space<vmem>>
    %dma_start3A_2578 = arith.constant 0 : i32
    %dma_start3A_2579 = tpu.memref_slice %arg2[%squeeze3A_2574, %dma_start3A_2578] : memref<1000000x64xf32, #tpu.memory_space<hbm>> -> memref<1x64xf32, #tpu.memory_space<hbm>>
    %dma_start3A_2580 = arith.constant 83 : i32
    %dma_start3A_2581 = arith.constant 0 : i32
    %dma_start3A_2582 = tpu.memref_slice %arg10[%dma_start3A_2580, %dma_start3A_2581] : memref<128x64xf32, #tpu.memory_space<vmem>> -> memref<1x64xf32, #tpu.memory_space<vmem>>
    %dma_start3A_2583 = arith.constant 0 : i32
    %dma_start3A_2584 = tpu.memref_slice %arg2[%squeeze3A_2574, %dma_start3A_2583] : memref<1000000x64xf32, #tpu.memory_space<hbm>> -> memref<1x64xf32, #tpu.memory_space<hbm>>
    tpu.enqueue_dma source(%dma_start3A_2584 : memref<1x64xf32, #tpu.memory_space<hbm>>) target(%dma_start3A_2582 : memref<1x64xf32, #tpu.memory_space<vmem>>) target_semaphore(%arg11 : memref<!tpu.dma_semaphore, #tpu.memory_space<semaphore_mem>>)
    %slice3A_2585 = vector.extract_strided_slice %get3A_2536 {offsets = [4], sizes = [1], strides = [1]} : vector<16xi32> to vector<1xi32>
    %squeeze3A_2586 = vector.extract %slice3A_2585[0] : i32 from vector<1xi32>
    %dma_start3A_2587 = arith.constant 84 : i32
    %dma_start3A_2588 = arith.constant 0 : i32
    %dma_start3A_2589 = tpu.memref_slice %arg10[%dma_start3A_2587, %dma_start3A_2588] : memref<128x64xf32, #tpu.memory_space<vmem>> -> memref<1x64xf32, #tpu.memory_space<vmem>>
    %dma_start3A_2590 = arith.constant 0 : i32
    %dma_start3A_2591 = tpu.memref_slice %arg2[%squeeze3A_2586, %dma_start3A_2590] : memref<1000000x64xf32, #tpu.memory_space<hbm>> -> memref<1x64xf32, #tpu.memory_space<hbm>>
    %dma_start3A_2592 = arith.constant 84 : i32
    %dma_start3A_2593 = arith.constant 0 : i32
    %dma_start3A_2594 = tpu.memref_slice %arg10[%dma_start3A_2592, %dma_start3A_2593] : memref<128x64xf32, #tpu.memory_space<vmem>> -> memref<1x64xf32, #tpu.memory_space<vmem>>
    %dma_start3A_2595 = arith.constant 0 : i32
    %dma_start3A_2596 = tpu.memref_slice %arg2[%squeeze3A_2586, %dma_start3A_2595] : memref<1000000x64xf32, #tpu.memory_space<hbm>> -> memref<1x64xf32, #tpu.memory_space<hbm>>
    tpu.enqueue_dma source(%dma_start3A_2596 : memref<1x64xf32, #tpu.memory_space<hbm>>) target(%dma_start3A_2594 : memref<1x64xf32, #tpu.memory_space<vmem>>) target_semaphore(%arg11 : memref<!tpu.dma_semaphore, #tpu.memory_space<semaphore_mem>>)
    %slice3A_2597 = vector.extract_strided_slice %get3A_2536 {offsets = [5], sizes = [1], strides = [1]} : vector<16xi32> to vector<1xi32>
    %squeeze3A_2598 = vector.extract %slice3A_2597[0] : i32 from vector<1xi32>
    %dma_start3A_2599 = arith.constant 85 : i32
    %dma_start3A_2600 = arith.constant 0 : i32
    %dma_start3A_2601 = tpu.memref_slice %arg10[%dma_start3A_2599, %dma_start3A_2600] : memref<128x64xf32, #tpu.memory_space<vmem>> -> memref<1x64xf32, #tpu.memory_space<vmem>>
    %dma_start3A_2602 = arith.constant 0 : i32
    %dma_start3A_2603 = tpu.memref_slice %arg2[%squeeze3A_2598, %dma_start3A_2602] : memref<1000000x64xf32, #tpu.memory_space<hbm>> -> memref<1x64xf32, #tpu.memory_space<hbm>>
    %dma_start3A_2604 = arith.constant 85 : i32
    %dma_start3A_2605 = arith.constant 0 : i32
    %dma_start3A_2606 = tpu.memref_slice %arg10[%dma_start3A_2604, %dma_start3A_2605] : memref<128x64xf32, #tpu.memory_space<vmem>> -> memref<1x64xf32, #tpu.memory_space<vmem>>
    %dma_start3A_2607 = arith.constant 0 : i32
    %dma_start3A_2608 = tpu.memref_slice %arg2[%squeeze3A_2598, %dma_start3A_2607] : memref<1000000x64xf32, #tpu.memory_space<hbm>> -> memref<1x64xf32, #tpu.memory_space<hbm>>
    tpu.enqueue_dma source(%dma_start3A_2608 : memref<1x64xf32, #tpu.memory_space<hbm>>) target(%dma_start3A_2606 : memref<1x64xf32, #tpu.memory_space<vmem>>) target_semaphore(%arg11 : memref<!tpu.dma_semaphore, #tpu.memory_space<semaphore_mem>>)
    %slice3A_2609 = vector.extract_strided_slice %get3A_2536 {offsets = [6], sizes = [1], strides = [1]} : vector<16xi32> to vector<1xi32>
    %squeeze3A_2610 = vector.extract %slice3A_2609[0] : i32 from vector<1xi32>
    %dma_start3A_2611 = arith.constant 86 : i32
    %dma_start3A_2612 = arith.constant 0 : i32
    %dma_start3A_2613 = tpu.memref_slice %arg10[%dma_start3A_2611, %dma_start3A_2612] : memref<128x64xf32, #tpu.memory_space<vmem>> -> memref<1x64xf32, #tpu.memory_space<vmem>>
    %dma_start3A_2614 = arith.constant 0 : i32
    %dma_start3A_2615 = tpu.memref_slice %arg2[%squeeze3A_2610, %dma_start3A_2614] : memref<1000000x64xf32, #tpu.memory_space<hbm>> -> memref<1x64xf32, #tpu.memory_space<hbm>>
    %dma_start3A_2616 = arith.constant 86 : i32
    %dma_start3A_2617 = arith.constant 0 : i32
    %dma_start3A_2618 = tpu.memref_slice %arg10[%dma_start3A_2616, %dma_start3A_2617] : memref<128x64xf32, #tpu.memory_space<vmem>> -> memref<1x64xf32, #tpu.memory_space<vmem>>
    %dma_start3A_2619 = arith.constant 0 : i32
    %dma_start3A_2620 = tpu.memref_slice %arg2[%squeeze3A_2610, %dma_start3A_2619] : memref<1000000x64xf32, #tpu.memory_space<hbm>> -> memref<1x64xf32, #tpu.memory_space<hbm>>
    tpu.enqueue_dma source(%dma_start3A_2620 : memref<1x64xf32, #tpu.memory_space<hbm>>) target(%dma_start3A_2618 : memref<1x64xf32, #tpu.memory_space<vmem>>) target_semaphore(%arg11 : memref<!tpu.dma_semaphore, #tpu.memory_space<semaphore_mem>>)
    %slice3A_2621 = vector.extract_strided_slice %get3A_2536 {offsets = [7], sizes = [1], strides = [1]} : vector<16xi32> to vector<1xi32>
    %squeeze3A_2622 = vector.extract %slice3A_2621[0] : i32 from vector<1xi32>
    %dma_start3A_2623 = arith.constant 87 : i32
    %dma_start3A_2624 = arith.constant 0 : i32
    %dma_start3A_2625 = tpu.memref_slice %arg10[%dma_start3A_2623, %dma_start3A_2624] : memref<128x64xf32, #tpu.memory_space<vmem>> -> memref<1x64xf32, #tpu.memory_space<vmem>>
    %dma_start3A_2626 = arith.constant 0 : i32
    %dma_start3A_2627 = tpu.memref_slice %arg2[%squeeze3A_2622, %dma_start3A_2626] : memref<1000000x64xf32, #tpu.memory_space<hbm>> -> memref<1x64xf32, #tpu.memory_space<hbm>>
    %dma_start3A_2628 = arith.constant 87 : i32
    %dma_start3A_2629 = arith.constant 0 : i32
    %dma_start3A_2630 = tpu.memref_slice %arg10[%dma_start3A_2628, %dma_start3A_2629] : memref<128x64xf32, #tpu.memory_space<vmem>> -> memref<1x64xf32, #tpu.memory_space<vmem>>
    %dma_start3A_2631 = arith.constant 0 : i32
    %dma_start3A_2632 = tpu.memref_slice %arg2[%squeeze3A_2622, %dma_start3A_2631] : memref<1000000x64xf32, #tpu.memory_space<hbm>> -> memref<1x64xf32, #tpu.memory_space<hbm>>
    tpu.enqueue_dma source(%dma_start3A_2632 : memref<1x64xf32, #tpu.memory_space<hbm>>) target(%dma_start3A_2630 : memref<1x64xf32, #tpu.memory_space<vmem>>) target_semaphore(%arg11 : memref<!tpu.dma_semaphore, #tpu.memory_space<semaphore_mem>>)
    %slice3A_2633 = vector.extract_strided_slice %get3A_2536 {offsets = [8], sizes = [1], strides = [1]} : vector<16xi32> to vector<1xi32>
    %squeeze3A_2634 = vector.extract %slice3A_2633[0] : i32 from vector<1xi32>
    %dma_start3A_2635 = arith.constant 88 : i32
    %dma_start3A_2636 = arith.constant 0 : i32
    %dma_start3A_2637 = tpu.memref_slice %arg10[%dma_start3A_2635, %dma_start3A_2636] : memref<128x64xf32, #tpu.memory_space<vmem>> -> memref<1x64xf32, #tpu.memory_space<vmem>>
    %dma_start3A_2638 = arith.constant 0 : i32
    %dma_start3A_2639 = tpu.memref_slice %arg2[%squeeze3A_2634, %dma_start3A_2638] : memref<1000000x64xf32, #tpu.memory_space<hbm>> -> memref<1x64xf32, #tpu.memory_space<hbm>>
    %dma_start3A_2640 = arith.constant 88 : i32
    %dma_start3A_2641 = arith.constant 0 : i32
    %dma_start3A_2642 = tpu.memref_slice %arg10[%dma_start3A_2640, %dma_start3A_2641] : memref<128x64xf32, #tpu.memory_space<vmem>> -> memref<1x64xf32, #tpu.memory_space<vmem>>
    %dma_start3A_2643 = arith.constant 0 : i32
    %dma_start3A_2644 = tpu.memref_slice %arg2[%squeeze3A_2634, %dma_start3A_2643] : memref<1000000x64xf32, #tpu.memory_space<hbm>> -> memref<1x64xf32, #tpu.memory_space<hbm>>
    tpu.enqueue_dma source(%dma_start3A_2644 : memref<1x64xf32, #tpu.memory_space<hbm>>) target(%dma_start3A_2642 : memref<1x64xf32, #tpu.memory_space<vmem>>) target_semaphore(%arg11 : memref<!tpu.dma_semaphore, #tpu.memory_space<semaphore_mem>>)
    %slice3A_2645 = vector.extract_strided_slice %get3A_2536 {offsets = [9], sizes = [1], strides = [1]} : vector<16xi32> to vector<1xi32>
    %squeeze3A_2646 = vector.extract %slice3A_2645[0] : i32 from vector<1xi32>
    %dma_start3A_2647 = arith.constant 89 : i32
    %dma_start3A_2648 = arith.constant 0 : i32
    %dma_start3A_2649 = tpu.memref_slice %arg10[%dma_start3A_2647, %dma_start3A_2648] : memref<128x64xf32, #tpu.memory_space<vmem>> -> memref<1x64xf32, #tpu.memory_space<vmem>>
    %dma_start3A_2650 = arith.constant 0 : i32
    %dma_start3A_2651 = tpu.memref_slice %arg2[%squeeze3A_2646, %dma_start3A_2650] : memref<1000000x64xf32, #tpu.memory_space<hbm>> -> memref<1x64xf32, #tpu.memory_space<hbm>>
    %dma_start3A_2652 = arith.constant 89 : i32
    %dma_start3A_2653 = arith.constant 0 : i32
    %dma_start3A_2654 = tpu.memref_slice %arg10[%dma_start3A_2652, %dma_start3A_2653] : memref<128x64xf32, #tpu.memory_space<vmem>> -> memref<1x64xf32, #tpu.memory_space<vmem>>
    %dma_start3A_2655 = arith.constant 0 : i32
    %dma_start3A_2656 = tpu.memref_slice %arg2[%squeeze3A_2646, %dma_start3A_2655] : memref<1000000x64xf32, #tpu.memory_space<hbm>> -> memref<1x64xf32, #tpu.memory_space<hbm>>
    tpu.enqueue_dma source(%dma_start3A_2656 : memref<1x64xf32, #tpu.memory_space<hbm>>) target(%dma_start3A_2654 : memref<1x64xf32, #tpu.memory_space<vmem>>) target_semaphore(%arg11 : memref<!tpu.dma_semaphore, #tpu.memory_space<semaphore_mem>>)
    %slice3A_2657 = vector.extract_strided_slice %get3A_2536 {offsets = [10], sizes = [1], strides = [1]} : vector<16xi32> to vector<1xi32>
    %squeeze3A_2658 = vector.extract %slice3A_2657[0] : i32 from vector<1xi32>
    %dma_start3A_2659 = arith.constant 90 : i32
    %dma_start3A_2660 = arith.constant 0 : i32
    %dma_start3A_2661 = tpu.memref_slice %arg10[%dma_start3A_2659, %dma_start3A_2660] : memref<128x64xf32, #tpu.memory_space<vmem>> -> memref<1x64xf32, #tpu.memory_space<vmem>>
    %dma_start3A_2662 = arith.constant 0 : i32
    %dma_start3A_2663 = tpu.memref_slice %arg2[%squeeze3A_2658, %dma_start3A_2662] : memref<1000000x64xf32, #tpu.memory_space<hbm>> -> memref<1x64xf32, #tpu.memory_space<hbm>>
    %dma_start3A_2664 = arith.constant 90 : i32
    %dma_start3A_2665 = arith.constant 0 : i32
    %dma_start3A_2666 = tpu.memref_slice %arg10[%dma_start3A_2664, %dma_start3A_2665] : memref<128x64xf32, #tpu.memory_space<vmem>> -> memref<1x64xf32, #tpu.memory_space<vmem>>
    %dma_start3A_2667 = arith.constant 0 : i32
    %dma_start3A_2668 = tpu.memref_slice %arg2[%squeeze3A_2658, %dma_start3A_2667] : memref<1000000x64xf32, #tpu.memory_space<hbm>> -> memref<1x64xf32, #tpu.memory_space<hbm>>
    tpu.enqueue_dma source(%dma_start3A_2668 : memref<1x64xf32, #tpu.memory_space<hbm>>) target(%dma_start3A_2666 : memref<1x64xf32, #tpu.memory_space<vmem>>) target_semaphore(%arg11 : memref<!tpu.dma_semaphore, #tpu.memory_space<semaphore_mem>>)
    %slice3A_2669 = vector.extract_strided_slice %get3A_2536 {offsets = [11], sizes = [1], strides = [1]} : vector<16xi32> to vector<1xi32>
    %squeeze3A_2670 = vector.extract %slice3A_2669[0] : i32 from vector<1xi32>
    %dma_start3A_2671 = arith.constant 91 : i32
    %dma_start3A_2672 = arith.constant 0 : i32
    %dma_start3A_2673 = tpu.memref_slice %arg10[%dma_start3A_2671, %dma_start3A_2672] : memref<128x64xf32, #tpu.memory_space<vmem>> -> memref<1x64xf32, #tpu.memory_space<vmem>>
    %dma_start3A_2674 = arith.constant 0 : i32
    %dma_start3A_2675 = tpu.memref_slice %arg2[%squeeze3A_2670, %dma_start3A_2674] : memref<1000000x64xf32, #tpu.memory_space<hbm>> -> memref<1x64xf32, #tpu.memory_space<hbm>>
    %dma_start3A_2676 = arith.constant 91 : i32
    %dma_start3A_2677 = arith.constant 0 : i32
    %dma_start3A_2678 = tpu.memref_slice %arg10[%dma_start3A_2676, %dma_start3A_2677] : memref<128x64xf32, #tpu.memory_space<vmem>> -> memref<1x64xf32, #tpu.memory_space<vmem>>
    %dma_start3A_2679 = arith.constant 0 : i32
    %dma_start3A_2680 = tpu.memref_slice %arg2[%squeeze3A_2670, %dma_start3A_2679] : memref<1000000x64xf32, #tpu.memory_space<hbm>> -> memref<1x64xf32, #tpu.memory_space<hbm>>
    tpu.enqueue_dma source(%dma_start3A_2680 : memref<1x64xf32, #tpu.memory_space<hbm>>) target(%dma_start3A_2678 : memref<1x64xf32, #tpu.memory_space<vmem>>) target_semaphore(%arg11 : memref<!tpu.dma_semaphore, #tpu.memory_space<semaphore_mem>>)
    %slice3A_2681 = vector.extract_strided_slice %get3A_2536 {offsets = [12], sizes = [1], strides = [1]} : vector<16xi32> to vector<1xi32>
    %squeeze3A_2682 = vector.extract %slice3A_2681[0] : i32 from vector<1xi32>
    %dma_start3A_2683 = arith.constant 92 : i32
    %dma_start3A_2684 = arith.constant 0 : i32
    %dma_start3A_2685 = tpu.memref_slice %arg10[%dma_start3A_2683, %dma_start3A_2684] : memref<128x64xf32, #tpu.memory_space<vmem>> -> memref<1x64xf32, #tpu.memory_space<vmem>>
    %dma_start3A_2686 = arith.constant 0 : i32
    %dma_start3A_2687 = tpu.memref_slice %arg2[%squeeze3A_2682, %dma_start3A_2686] : memref<1000000x64xf32, #tpu.memory_space<hbm>> -> memref<1x64xf32, #tpu.memory_space<hbm>>
    %dma_start3A_2688 = arith.constant 92 : i32
    %dma_start3A_2689 = arith.constant 0 : i32
    %dma_start3A_2690 = tpu.memref_slice %arg10[%dma_start3A_2688, %dma_start3A_2689] : memref<128x64xf32, #tpu.memory_space<vmem>> -> memref<1x64xf32, #tpu.memory_space<vmem>>
    %dma_start3A_2691 = arith.constant 0 : i32
    %dma_start3A_2692 = tpu.memref_slice %arg2[%squeeze3A_2682, %dma_start3A_2691] : memref<1000000x64xf32, #tpu.memory_space<hbm>> -> memref<1x64xf32, #tpu.memory_space<hbm>>
    tpu.enqueue_dma source(%dma_start3A_2692 : memref<1x64xf32, #tpu.memory_space<hbm>>) target(%dma_start3A_2690 : memref<1x64xf32, #tpu.memory_space<vmem>>) target_semaphore(%arg11 : memref<!tpu.dma_semaphore, #tpu.memory_space<semaphore_mem>>)
    %slice3A_2693 = vector.extract_strided_slice %get3A_2536 {offsets = [13], sizes = [1], strides = [1]} : vector<16xi32> to vector<1xi32>
    %squeeze3A_2694 = vector.extract %slice3A_2693[0] : i32 from vector<1xi32>
    %dma_start3A_2695 = arith.constant 93 : i32
    %dma_start3A_2696 = arith.constant 0 : i32
    %dma_start3A_2697 = tpu.memref_slice %arg10[%dma_start3A_2695, %dma_start3A_2696] : memref<128x64xf32, #tpu.memory_space<vmem>> -> memref<1x64xf32, #tpu.memory_space<vmem>>
    %dma_start3A_2698 = arith.constant 0 : i32
    %dma_start3A_2699 = tpu.memref_slice %arg2[%squeeze3A_2694, %dma_start3A_2698] : memref<1000000x64xf32, #tpu.memory_space<hbm>> -> memref<1x64xf32, #tpu.memory_space<hbm>>
    %dma_start3A_2700 = arith.constant 93 : i32
    %dma_start3A_2701 = arith.constant 0 : i32
    %dma_start3A_2702 = tpu.memref_slice %arg10[%dma_start3A_2700, %dma_start3A_2701] : memref<128x64xf32, #tpu.memory_space<vmem>> -> memref<1x64xf32, #tpu.memory_space<vmem>>
    %dma_start3A_2703 = arith.constant 0 : i32
    %dma_start3A_2704 = tpu.memref_slice %arg2[%squeeze3A_2694, %dma_start3A_2703] : memref<1000000x64xf32, #tpu.memory_space<hbm>> -> memref<1x64xf32, #tpu.memory_space<hbm>>
    tpu.enqueue_dma source(%dma_start3A_2704 : memref<1x64xf32, #tpu.memory_space<hbm>>) target(%dma_start3A_2702 : memref<1x64xf32, #tpu.memory_space<vmem>>) target_semaphore(%arg11 : memref<!tpu.dma_semaphore, #tpu.memory_space<semaphore_mem>>)
    %slice3A_2705 = vector.extract_strided_slice %get3A_2536 {offsets = [14], sizes = [1], strides = [1]} : vector<16xi32> to vector<1xi32>
    %squeeze3A_2706 = vector.extract %slice3A_2705[0] : i32 from vector<1xi32>
    %dma_start3A_2707 = arith.constant 94 : i32
    %dma_start3A_2708 = arith.constant 0 : i32
    %dma_start3A_2709 = tpu.memref_slice %arg10[%dma_start3A_2707, %dma_start3A_2708] : memref<128x64xf32, #tpu.memory_space<vmem>> -> memref<1x64xf32, #tpu.memory_space<vmem>>
    %dma_start3A_2710 = arith.constant 0 : i32
    %dma_start3A_2711 = tpu.memref_slice %arg2[%squeeze3A_2706, %dma_start3A_2710] : memref<1000000x64xf32, #tpu.memory_space<hbm>> -> memref<1x64xf32, #tpu.memory_space<hbm>>
    %dma_start3A_2712 = arith.constant 94 : i32
    %dma_start3A_2713 = arith.constant 0 : i32
    %dma_start3A_2714 = tpu.memref_slice %arg10[%dma_start3A_2712, %dma_start3A_2713] : memref<128x64xf32, #tpu.memory_space<vmem>> -> memref<1x64xf32, #tpu.memory_space<vmem>>
    %dma_start3A_2715 = arith.constant 0 : i32
    %dma_start3A_2716 = tpu.memref_slice %arg2[%squeeze3A_2706, %dma_start3A_2715] : memref<1000000x64xf32, #tpu.memory_space<hbm>> -> memref<1x64xf32, #tpu.memory_space<hbm>>
    tpu.enqueue_dma source(%dma_start3A_2716 : memref<1x64xf32, #tpu.memory_space<hbm>>) target(%dma_start3A_2714 : memref<1x64xf32, #tpu.memory_space<vmem>>) target_semaphore(%arg11 : memref<!tpu.dma_semaphore, #tpu.memory_space<semaphore_mem>>)
    %slice3A_2717 = vector.extract_strided_slice %get3A_2536 {offsets = [15], sizes = [1], strides = [1]} : vector<16xi32> to vector<1xi32>
    %squeeze3A_2718 = vector.extract %slice3A_2717[0] : i32 from vector<1xi32>
    %dma_start3A_2719 = arith.constant 95 : i32
    %dma_start3A_2720 = arith.constant 0 : i32
    %dma_start3A_2721 = tpu.memref_slice %arg10[%dma_start3A_2719, %dma_start3A_2720] : memref<128x64xf32, #tpu.memory_space<vmem>> -> memref<1x64xf32, #tpu.memory_space<vmem>>
    %dma_start3A_2722 = arith.constant 0 : i32
    %dma_start3A_2723 = tpu.memref_slice %arg2[%squeeze3A_2718, %dma_start3A_2722] : memref<1000000x64xf32, #tpu.memory_space<hbm>> -> memref<1x64xf32, #tpu.memory_space<hbm>>
    %dma_start3A_2724 = arith.constant 95 : i32
    %dma_start3A_2725 = arith.constant 0 : i32
    %dma_start3A_2726 = tpu.memref_slice %arg10[%dma_start3A_2724, %dma_start3A_2725] : memref<128x64xf32, #tpu.memory_space<vmem>> -> memref<1x64xf32, #tpu.memory_space<vmem>>
    %dma_start3A_2727 = arith.constant 0 : i32
    %dma_start3A_2728 = tpu.memref_slice %arg2[%squeeze3A_2718, %dma_start3A_2727] : memref<1000000x64xf32, #tpu.memory_space<hbm>> -> memref<1x64xf32, #tpu.memory_space<hbm>>
    tpu.enqueue_dma source(%dma_start3A_2728 : memref<1x64xf32, #tpu.memory_space<hbm>>) target(%dma_start3A_2726 : memref<1x64xf32, #tpu.memory_space<vmem>>) target_semaphore(%arg11 : memref<!tpu.dma_semaphore, #tpu.memory_space<semaphore_mem>>)
    %get3A_2729 = arith.constant 96 : index
    %get3A_2730 = tpu.vector_load %arg8[%get3A_2729] {strides = array<i32>} : memref<128xi32, #tpu.memory_space<vmem>>, vector<16xi32>,
    %get3A_2731 = vector.shape_cast %get3A_2730 : vector<16xi32> to vector<16xi32>
    %slice3A_2732 = vector.extract_strided_slice %get3A_2731 {offsets = [0], sizes = [1], strides = [1]} : vector<16xi32> to vector<1xi32>
    %squeeze3A_2733 = vector.extract %slice3A_2732[0] : i32 from vector<1xi32>
    %dma_start3A_2734 = arith.constant 96 : i32
    %dma_start3A_2735 = arith.constant 0 : i32
    %dma_start3A_2736 = tpu.memref_slice %arg10[%dma_start3A_2734, %dma_start3A_2735] : memref<128x64xf32, #tpu.memory_space<vmem>> -> memref<1x64xf32, #tpu.memory_space<vmem>>
    %dma_start3A_2737 = arith.constant 0 : i32
    %dma_start3A_2738 = tpu.memref_slice %arg2[%squeeze3A_2733, %dma_start3A_2737] : memref<1000000x64xf32, #tpu.memory_space<hbm>> -> memref<1x64xf32, #tpu.memory_space<hbm>>
    %dma_start3A_2739 = arith.constant 96 : i32
    %dma_start3A_2740 = arith.constant 0 : i32
    %dma_start3A_2741 = tpu.memref_slice %arg10[%dma_start3A_2739, %dma_start3A_2740] : memref<128x64xf32, #tpu.memory_space<vmem>> -> memref<1x64xf32, #tpu.memory_space<vmem>>
    %dma_start3A_2742 = arith.constant 0 : i32
    %dma_start3A_2743 = tpu.memref_slice %arg2[%squeeze3A_2733, %dma_start3A_2742] : memref<1000000x64xf32, #tpu.memory_space<hbm>> -> memref<1x64xf32, #tpu.memory_space<hbm>>
    tpu.enqueue_dma source(%dma_start3A_2743 : memref<1x64xf32, #tpu.memory_space<hbm>>) target(%dma_start3A_2741 : memref<1x64xf32, #tpu.memory_space<vmem>>) target_semaphore(%arg11 : memref<!tpu.dma_semaphore, #tpu.memory_space<semaphore_mem>>)
    %slice3A_2744 = vector.extract_strided_slice %get3A_2731 {offsets = [1], sizes = [1], strides = [1]} : vector<16xi32> to vector<1xi32>
    %squeeze3A_2745 = vector.extract %slice3A_2744[0] : i32 from vector<1xi32>
    %dma_start3A_2746 = arith.constant 97 : i32
    %dma_start3A_2747 = arith.constant 0 : i32
    %dma_start3A_2748 = tpu.memref_slice %arg10[%dma_start3A_2746, %dma_start3A_2747] : memref<128x64xf32, #tpu.memory_space<vmem>> -> memref<1x64xf32, #tpu.memory_space<vmem>>
    %dma_start3A_2749 = arith.constant 0 : i32
    %dma_start3A_2750 = tpu.memref_slice %arg2[%squeeze3A_2745, %dma_start3A_2749] : memref<1000000x64xf32, #tpu.memory_space<hbm>> -> memref<1x64xf32, #tpu.memory_space<hbm>>
    %dma_start3A_2751 = arith.constant 97 : i32
    %dma_start3A_2752 = arith.constant 0 : i32
    %dma_start3A_2753 = tpu.memref_slice %arg10[%dma_start3A_2751, %dma_start3A_2752] : memref<128x64xf32, #tpu.memory_space<vmem>> -> memref<1x64xf32, #tpu.memory_space<vmem>>
    %dma_start3A_2754 = arith.constant 0 : i32
    %dma_start3A_2755 = tpu.memref_slice %arg2[%squeeze3A_2745, %dma_start3A_2754] : memref<1000000x64xf32, #tpu.memory_space<hbm>> -> memref<1x64xf32, #tpu.memory_space<hbm>>
    tpu.enqueue_dma source(%dma_start3A_2755 : memref<1x64xf32, #tpu.memory_space<hbm>>) target(%dma_start3A_2753 : memref<1x64xf32, #tpu.memory_space<vmem>>) target_semaphore(%arg11 : memref<!tpu.dma_semaphore, #tpu.memory_space<semaphore_mem>>)
    %slice3A_2756 = vector.extract_strided_slice %get3A_2731 {offsets = [2], sizes = [1], strides = [1]} : vector<16xi32> to vector<1xi32>
    %squeeze3A_2757 = vector.extract %slice3A_2756[0] : i32 from vector<1xi32>
    %dma_start3A_2758 = arith.constant 98 : i32
    %dma_start3A_2759 = arith.constant 0 : i32
    %dma_start3A_2760 = tpu.memref_slice %arg10[%dma_start3A_2758, %dma_start3A_2759] : memref<128x64xf32, #tpu.memory_space<vmem>> -> memref<1x64xf32, #tpu.memory_space<vmem>>
    %dma_start3A_2761 = arith.constant 0 : i32
    %dma_start3A_2762 = tpu.memref_slice %arg2[%squeeze3A_2757, %dma_start3A_2761] : memref<1000000x64xf32, #tpu.memory_space<hbm>> -> memref<1x64xf32, #tpu.memory_space<hbm>>
    %dma_start3A_2763 = arith.constant 98 : i32
    %dma_start3A_2764 = arith.constant 0 : i32
    %dma_start3A_2765 = tpu.memref_slice %arg10[%dma_start3A_2763, %dma_start3A_2764] : memref<128x64xf32, #tpu.memory_space<vmem>> -> memref<1x64xf32, #tpu.memory_space<vmem>>
    %dma_start3A_2766 = arith.constant 0 : i32
    %dma_start3A_2767 = tpu.memref_slice %arg2[%squeeze3A_2757, %dma_start3A_2766] : memref<1000000x64xf32, #tpu.memory_space<hbm>> -> memref<1x64xf32, #tpu.memory_space<hbm>>
    tpu.enqueue_dma source(%dma_start3A_2767 : memref<1x64xf32, #tpu.memory_space<hbm>>) target(%dma_start3A_2765 : memref<1x64xf32, #tpu.memory_space<vmem>>) target_semaphore(%arg11 : memref<!tpu.dma_semaphore, #tpu.memory_space<semaphore_mem>>)
    %slice3A_2768 = vector.extract_strided_slice %get3A_2731 {offsets = [3], sizes = [1], strides = [1]} : vector<16xi32> to vector<1xi32>
    %squeeze3A_2769 = vector.extract %slice3A_2768[0] : i32 from vector<1xi32>
    %dma_start3A_2770 = arith.constant 99 : i32
    %dma_start3A_2771 = arith.constant 0 : i32
    %dma_start3A_2772 = tpu.memref_slice %arg10[%dma_start3A_2770, %dma_start3A_2771] : memref<128x64xf32, #tpu.memory_space<vmem>> -> memref<1x64xf32, #tpu.memory_space<vmem>>
    %dma_start3A_2773 = arith.constant 0 : i32
    %dma_start3A_2774 = tpu.memref_slice %arg2[%squeeze3A_2769, %dma_start3A_2773] : memref<1000000x64xf32, #tpu.memory_space<hbm>> -> memref<1x64xf32, #tpu.memory_space<hbm>>
    %dma_start3A_2775 = arith.constant 99 : i32
    %dma_start3A_2776 = arith.constant 0 : i32
    %dma_start3A_2777 = tpu.memref_slice %arg10[%dma_start3A_2775, %dma_start3A_2776] : memref<128x64xf32, #tpu.memory_space<vmem>> -> memref<1x64xf32, #tpu.memory_space<vmem>>
    %dma_start3A_2778 = arith.constant 0 : i32
    %dma_start3A_2779 = tpu.memref_slice %arg2[%squeeze3A_2769, %dma_start3A_2778] : memref<1000000x64xf32, #tpu.memory_space<hbm>> -> memref<1x64xf32, #tpu.memory_space<hbm>>
    tpu.enqueue_dma source(%dma_start3A_2779 : memref<1x64xf32, #tpu.memory_space<hbm>>) target(%dma_start3A_2777 : memref<1x64xf32, #tpu.memory_space<vmem>>) target_semaphore(%arg11 : memref<!tpu.dma_semaphore, #tpu.memory_space<semaphore_mem>>)
    %slice3A_2780 = vector.extract_strided_slice %get3A_2731 {offsets = [4], sizes = [1], strides = [1]} : vector<16xi32> to vector<1xi32>
    %squeeze3A_2781 = vector.extract %slice3A_2780[0] : i32 from vector<1xi32>
    %dma_start3A_2782 = arith.constant 100 : i32
    %dma_start3A_2783 = arith.constant 0 : i32
    %dma_start3A_2784 = tpu.memref_slice %arg10[%dma_start3A_2782, %dma_start3A_2783] : memref<128x64xf32, #tpu.memory_space<vmem>> -> memref<1x64xf32, #tpu.memory_space<vmem>>
    %dma_start3A_2785 = arith.constant 0 : i32
    %dma_start3A_2786 = tpu.memref_slice %arg2[%squeeze3A_2781, %dma_start3A_2785] : memref<1000000x64xf32, #tpu.memory_space<hbm>> -> memref<1x64xf32, #tpu.memory_space<hbm>>
    %dma_start3A_2787 = arith.constant 100 : i32
    %dma_start3A_2788 = arith.constant 0 : i32
    %dma_start3A_2789 = tpu.memref_slice %arg10[%dma_start3A_2787, %dma_start3A_2788] : memref<128x64xf32, #tpu.memory_space<vmem>> -> memref<1x64xf32, #tpu.memory_space<vmem>>
    %dma_start3A_2790 = arith.constant 0 : i32
    %dma_start3A_2791 = tpu.memref_slice %arg2[%squeeze3A_2781, %dma_start3A_2790] : memref<1000000x64xf32, #tpu.memory_space<hbm>> -> memref<1x64xf32, #tpu.memory_space<hbm>>
    tpu.enqueue_dma source(%dma_start3A_2791 : memref<1x64xf32, #tpu.memory_space<hbm>>) target(%dma_start3A_2789 : memref<1x64xf32, #tpu.memory_space<vmem>>) target_semaphore(%arg11 : memref<!tpu.dma_semaphore, #tpu.memory_space<semaphore_mem>>)
    %slice3A_2792 = vector.extract_strided_slice %get3A_2731 {offsets = [5], sizes = [1], strides = [1]} : vector<16xi32> to vector<1xi32>
    %squeeze3A_2793 = vector.extract %slice3A_2792[0] : i32 from vector<1xi32>
    %dma_start3A_2794 = arith.constant 101 : i32
    %dma_start3A_2795 = arith.constant 0 : i32
    %dma_start3A_2796 = tpu.memref_slice %arg10[%dma_start3A_2794, %dma_start3A_2795] : memref<128x64xf32, #tpu.memory_space<vmem>> -> memref<1x64xf32, #tpu.memory_space<vmem>>
    %dma_start3A_2797 = arith.constant 0 : i32
    %dma_start3A_2798 = tpu.memref_slice %arg2[%squeeze3A_2793, %dma_start3A_2797] : memref<1000000x64xf32, #tpu.memory_space<hbm>> -> memref<1x64xf32, #tpu.memory_space<hbm>>
    %dma_start3A_2799 = arith.constant 101 : i32
    %dma_start3A_2800 = arith.constant 0 : i32
    %dma_start3A_2801 = tpu.memref_slice %arg10[%dma_start3A_2799, %dma_start3A_2800] : memref<128x64xf32, #tpu.memory_space<vmem>> -> memref<1x64xf32, #tpu.memory_space<vmem>>
    %dma_start3A_2802 = arith.constant 0 : i32
    %dma_start3A_2803 = tpu.memref_slice %arg2[%squeeze3A_2793, %dma_start3A_2802] : memref<1000000x64xf32, #tpu.memory_space<hbm>> -> memref<1x64xf32, #tpu.memory_space<hbm>>
    tpu.enqueue_dma source(%dma_start3A_2803 : memref<1x64xf32, #tpu.memory_space<hbm>>) target(%dma_start3A_2801 : memref<1x64xf32, #tpu.memory_space<vmem>>) target_semaphore(%arg11 : memref<!tpu.dma_semaphore, #tpu.memory_space<semaphore_mem>>)
    %slice3A_2804 = vector.extract_strided_slice %get3A_2731 {offsets = [6], sizes = [1], strides = [1]} : vector<16xi32> to vector<1xi32>
    %squeeze3A_2805 = vector.extract %slice3A_2804[0] : i32 from vector<1xi32>
    %dma_start3A_2806 = arith.constant 102 : i32
    %dma_start3A_2807 = arith.constant 0 : i32
    %dma_start3A_2808 = tpu.memref_slice %arg10[%dma_start3A_2806, %dma_start3A_2807] : memref<128x64xf32, #tpu.memory_space<vmem>> -> memref<1x64xf32, #tpu.memory_space<vmem>>
    %dma_start3A_2809 = arith.constant 0 : i32
    %dma_start3A_2810 = tpu.memref_slice %arg2[%squeeze3A_2805, %dma_start3A_2809] : memref<1000000x64xf32, #tpu.memory_space<hbm>> -> memref<1x64xf32, #tpu.memory_space<hbm>>
    %dma_start3A_2811 = arith.constant 102 : i32
    %dma_start3A_2812 = arith.constant 0 : i32
    %dma_start3A_2813 = tpu.memref_slice %arg10[%dma_start3A_2811, %dma_start3A_2812] : memref<128x64xf32, #tpu.memory_space<vmem>> -> memref<1x64xf32, #tpu.memory_space<vmem>>
    %dma_start3A_2814 = arith.constant 0 : i32
    %dma_start3A_2815 = tpu.memref_slice %arg2[%squeeze3A_2805, %dma_start3A_2814] : memref<1000000x64xf32, #tpu.memory_space<hbm>> -> memref<1x64xf32, #tpu.memory_space<hbm>>
    tpu.enqueue_dma source(%dma_start3A_2815 : memref<1x64xf32, #tpu.memory_space<hbm>>) target(%dma_start3A_2813 : memref<1x64xf32, #tpu.memory_space<vmem>>) target_semaphore(%arg11 : memref<!tpu.dma_semaphore, #tpu.memory_space<semaphore_mem>>)
    %slice3A_2816 = vector.extract_strided_slice %get3A_2731 {offsets = [7], sizes = [1], strides = [1]} : vector<16xi32> to vector<1xi32>
    %squeeze3A_2817 = vector.extract %slice3A_2816[0] : i32 from vector<1xi32>
    %dma_start3A_2818 = arith.constant 103 : i32
    %dma_start3A_2819 = arith.constant 0 : i32
    %dma_start3A_2820 = tpu.memref_slice %arg10[%dma_start3A_2818, %dma_start3A_2819] : memref<128x64xf32, #tpu.memory_space<vmem>> -> memref<1x64xf32, #tpu.memory_space<vmem>>
    %dma_start3A_2821 = arith.constant 0 : i32
    %dma_start3A_2822 = tpu.memref_slice %arg2[%squeeze3A_2817, %dma_start3A_2821] : memref<1000000x64xf32, #tpu.memory_space<hbm>> -> memref<1x64xf32, #tpu.memory_space<hbm>>
    %dma_start3A_2823 = arith.constant 103 : i32
    %dma_start3A_2824 = arith.constant 0 : i32
    %dma_start3A_2825 = tpu.memref_slice %arg10[%dma_start3A_2823, %dma_start3A_2824] : memref<128x64xf32, #tpu.memory_space<vmem>> -> memref<1x64xf32, #tpu.memory_space<vmem>>
    %dma_start3A_2826 = arith.constant 0 : i32
    %dma_start3A_2827 = tpu.memref_slice %arg2[%squeeze3A_2817, %dma_start3A_2826] : memref<1000000x64xf32, #tpu.memory_space<hbm>> -> memref<1x64xf32, #tpu.memory_space<hbm>>
    tpu.enqueue_dma source(%dma_start3A_2827 : memref<1x64xf32, #tpu.memory_space<hbm>>) target(%dma_start3A_2825 : memref<1x64xf32, #tpu.memory_space<vmem>>) target_semaphore(%arg11 : memref<!tpu.dma_semaphore, #tpu.memory_space<semaphore_mem>>)
    %slice3A_2828 = vector.extract_strided_slice %get3A_2731 {offsets = [8], sizes = [1], strides = [1]} : vector<16xi32> to vector<1xi32>
    %squeeze3A_2829 = vector.extract %slice3A_2828[0] : i32 from vector<1xi32>
    %dma_start3A_2830 = arith.constant 104 : i32
    %dma_start3A_2831 = arith.constant 0 : i32
    %dma_start3A_2832 = tpu.memref_slice %arg10[%dma_start3A_2830, %dma_start3A_2831] : memref<128x64xf32, #tpu.memory_space<vmem>> -> memref<1x64xf32, #tpu.memory_space<vmem>>
    %dma_start3A_2833 = arith.constant 0 : i32
    %dma_start3A_2834 = tpu.memref_slice %arg2[%squeeze3A_2829, %dma_start3A_2833] : memref<1000000x64xf32, #tpu.memory_space<hbm>> -> memref<1x64xf32, #tpu.memory_space<hbm>>
    %dma_start3A_2835 = arith.constant 104 : i32
    %dma_start3A_2836 = arith.constant 0 : i32
    %dma_start3A_2837 = tpu.memref_slice %arg10[%dma_start3A_2835, %dma_start3A_2836] : memref<128x64xf32, #tpu.memory_space<vmem>> -> memref<1x64xf32, #tpu.memory_space<vmem>>
    %dma_start3A_2838 = arith.constant 0 : i32
    %dma_start3A_2839 = tpu.memref_slice %arg2[%squeeze3A_2829, %dma_start3A_2838] : memref<1000000x64xf32, #tpu.memory_space<hbm>> -> memref<1x64xf32, #tpu.memory_space<hbm>>
    tpu.enqueue_dma source(%dma_start3A_2839 : memref<1x64xf32, #tpu.memory_space<hbm>>) target(%dma_start3A_2837 : memref<1x64xf32, #tpu.memory_space<vmem>>) target_semaphore(%arg11 : memref<!tpu.dma_semaphore, #tpu.memory_space<semaphore_mem>>)
    %slice3A_2840 = vector.extract_strided_slice %get3A_2731 {offsets = [9], sizes = [1], strides = [1]} : vector<16xi32> to vector<1xi32>
    %squeeze3A_2841 = vector.extract %slice3A_2840[0] : i32 from vector<1xi32>
    %dma_start3A_2842 = arith.constant 105 : i32
    %dma_start3A_2843 = arith.constant 0 : i32
    %dma_start3A_2844 = tpu.memref_slice %arg10[%dma_start3A_2842, %dma_start3A_2843] : memref<128x64xf32, #tpu.memory_space<vmem>> -> memref<1x64xf32, #tpu.memory_space<vmem>>
    %dma_start3A_2845 = arith.constant 0 : i32
    %dma_start3A_2846 = tpu.memref_slice %arg2[%squeeze3A_2841, %dma_start3A_2845] : memref<1000000x64xf32, #tpu.memory_space<hbm>> -> memref<1x64xf32, #tpu.memory_space<hbm>>
    %dma_start3A_2847 = arith.constant 105 : i32
    %dma_start3A_2848 = arith.constant 0 : i32
    %dma_start3A_2849 = tpu.memref_slice %arg10[%dma_start3A_2847, %dma_start3A_2848] : memref<128x64xf32, #tpu.memory_space<vmem>> -> memref<1x64xf32, #tpu.memory_space<vmem>>
    %dma_start3A_2850 = arith.constant 0 : i32
    %dma_start3A_2851 = tpu.memref_slice %arg2[%squeeze3A_2841, %dma_start3A_2850] : memref<1000000x64xf32, #tpu.memory_space<hbm>> -> memref<1x64xf32, #tpu.memory_space<hbm>>
    tpu.enqueue_dma source(%dma_start3A_2851 : memref<1x64xf32, #tpu.memory_space<hbm>>) target(%dma_start3A_2849 : memref<1x64xf32, #tpu.memory_space<vmem>>) target_semaphore(%arg11 : memref<!tpu.dma_semaphore, #tpu.memory_space<semaphore_mem>>)
    %slice3A_2852 = vector.extract_strided_slice %get3A_2731 {offsets = [10], sizes = [1], strides = [1]} : vector<16xi32> to vector<1xi32>
    %squeeze3A_2853 = vector.extract %slice3A_2852[0] : i32 from vector<1xi32>
    %dma_start3A_2854 = arith.constant 106 : i32
    %dma_start3A_2855 = arith.constant 0 : i32
    %dma_start3A_2856 = tpu.memref_slice %arg10[%dma_start3A_2854, %dma_start3A_2855] : memref<128x64xf32, #tpu.memory_space<vmem>> -> memref<1x64xf32, #tpu.memory_space<vmem>>
    %dma_start3A_2857 = arith.constant 0 : i32
    %dma_start3A_2858 = tpu.memref_slice %arg2[%squeeze3A_2853, %dma_start3A_2857] : memref<1000000x64xf32, #tpu.memory_space<hbm>> -> memref<1x64xf32, #tpu.memory_space<hbm>>
    %dma_start3A_2859 = arith.constant 106 : i32
    %dma_start3A_2860 = arith.constant 0 : i32
    %dma_start3A_2861 = tpu.memref_slice %arg10[%dma_start3A_2859, %dma_start3A_2860] : memref<128x64xf32, #tpu.memory_space<vmem>> -> memref<1x64xf32, #tpu.memory_space<vmem>>
    %dma_start3A_2862 = arith.constant 0 : i32
    %dma_start3A_2863 = tpu.memref_slice %arg2[%squeeze3A_2853, %dma_start3A_2862] : memref<1000000x64xf32, #tpu.memory_space<hbm>> -> memref<1x64xf32, #tpu.memory_space<hbm>>
    tpu.enqueue_dma source(%dma_start3A_2863 : memref<1x64xf32, #tpu.memory_space<hbm>>) target(%dma_start3A_2861 : memref<1x64xf32, #tpu.memory_space<vmem>>) target_semaphore(%arg11 : memref<!tpu.dma_semaphore, #tpu.memory_space<semaphore_mem>>)
    %slice3A_2864 = vector.extract_strided_slice %get3A_2731 {offsets = [11], sizes = [1], strides = [1]} : vector<16xi32> to vector<1xi32>
    %squeeze3A_2865 = vector.extract %slice3A_2864[0] : i32 from vector<1xi32>
    %dma_start3A_2866 = arith.constant 107 : i32
    %dma_start3A_2867 = arith.constant 0 : i32
    %dma_start3A_2868 = tpu.memref_slice %arg10[%dma_start3A_2866, %dma_start3A_2867] : memref<128x64xf32, #tpu.memory_space<vmem>> -> memref<1x64xf32, #tpu.memory_space<vmem>>
    %dma_start3A_2869 = arith.constant 0 : i32
    %dma_start3A_2870 = tpu.memref_slice %arg2[%squeeze3A_2865, %dma_start3A_2869] : memref<1000000x64xf32, #tpu.memory_space<hbm>> -> memref<1x64xf32, #tpu.memory_space<hbm>>
    %dma_start3A_2871 = arith.constant 107 : i32
    %dma_start3A_2872 = arith.constant 0 : i32
    %dma_start3A_2873 = tpu.memref_slice %arg10[%dma_start3A_2871, %dma_start3A_2872] : memref<128x64xf32, #tpu.memory_space<vmem>> -> memref<1x64xf32, #tpu.memory_space<vmem>>
    %dma_start3A_2874 = arith.constant 0 : i32
    %dma_start3A_2875 = tpu.memref_slice %arg2[%squeeze3A_2865, %dma_start3A_2874] : memref<1000000x64xf32, #tpu.memory_space<hbm>> -> memref<1x64xf32, #tpu.memory_space<hbm>>
    tpu.enqueue_dma source(%dma_start3A_2875 : memref<1x64xf32, #tpu.memory_space<hbm>>) target(%dma_start3A_2873 : memref<1x64xf32, #tpu.memory_space<vmem>>) target_semaphore(%arg11 : memref<!tpu.dma_semaphore, #tpu.memory_space<semaphore_mem>>)
    %slice3A_2876 = vector.extract_strided_slice %get3A_2731 {offsets = [12], sizes = [1], strides = [1]} : vector<16xi32> to vector<1xi32>
    %squeeze3A_2877 = vector.extract %slice3A_2876[0] : i32 from vector<1xi32>
    %dma_start3A_2878 = arith.constant 108 : i32
    %dma_start3A_2879 = arith.constant 0 : i32
    %dma_start3A_2880 = tpu.memref_slice %arg10[%dma_start3A_2878, %dma_start3A_2879] : memref<128x64xf32, #tpu.memory_space<vmem>> -> memref<1x64xf32, #tpu.memory_space<vmem>>
    %dma_start3A_2881 = arith.constant 0 : i32
    %dma_start3A_2882 = tpu.memref_slice %arg2[%squeeze3A_2877, %dma_start3A_2881] : memref<1000000x64xf32, #tpu.memory_space<hbm>> -> memref<1x64xf32, #tpu.memory_space<hbm>>
    %dma_start3A_2883 = arith.constant 108 : i32
    %dma_start3A_2884 = arith.constant 0 : i32
    %dma_start3A_2885 = tpu.memref_slice %arg10[%dma_start3A_2883, %dma_start3A_2884] : memref<128x64xf32, #tpu.memory_space<vmem>> -> memref<1x64xf32, #tpu.memory_space<vmem>>
    %dma_start3A_2886 = arith.constant 0 : i32
    %dma_start3A_2887 = tpu.memref_slice %arg2[%squeeze3A_2877, %dma_start3A_2886] : memref<1000000x64xf32, #tpu.memory_space<hbm>> -> memref<1x64xf32, #tpu.memory_space<hbm>>
    tpu.enqueue_dma source(%dma_start3A_2887 : memref<1x64xf32, #tpu.memory_space<hbm>>) target(%dma_start3A_2885 : memref<1x64xf32, #tpu.memory_space<vmem>>) target_semaphore(%arg11 : memref<!tpu.dma_semaphore, #tpu.memory_space<semaphore_mem>>)
    %slice3A_2888 = vector.extract_strided_slice %get3A_2731 {offsets = [13], sizes = [1], strides = [1]} : vector<16xi32> to vector<1xi32>
    %squeeze3A_2889 = vector.extract %slice3A_2888[0] : i32 from vector<1xi32>
    %dma_start3A_2890 = arith.constant 109 : i32
    %dma_start3A_2891 = arith.constant 0 : i32
    %dma_start3A_2892 = tpu.memref_slice %arg10[%dma_start3A_2890, %dma_start3A_2891] : memref<128x64xf32, #tpu.memory_space<vmem>> -> memref<1x64xf32, #tpu.memory_space<vmem>>
    %dma_start3A_2893 = arith.constant 0 : i32
    %dma_start3A_2894 = tpu.memref_slice %arg2[%squeeze3A_2889, %dma_start3A_2893] : memref<1000000x64xf32, #tpu.memory_space<hbm>> -> memref<1x64xf32, #tpu.memory_space<hbm>>
    %dma_start3A_2895 = arith.constant 109 : i32
    %dma_start3A_2896 = arith.constant 0 : i32
    %dma_start3A_2897 = tpu.memref_slice %arg10[%dma_start3A_2895, %dma_start3A_2896] : memref<128x64xf32, #tpu.memory_space<vmem>> -> memref<1x64xf32, #tpu.memory_space<vmem>>
    %dma_start3A_2898 = arith.constant 0 : i32
    %dma_start3A_2899 = tpu.memref_slice %arg2[%squeeze3A_2889, %dma_start3A_2898] : memref<1000000x64xf32, #tpu.memory_space<hbm>> -> memref<1x64xf32, #tpu.memory_space<hbm>>
    tpu.enqueue_dma source(%dma_start3A_2899 : memref<1x64xf32, #tpu.memory_space<hbm>>) target(%dma_start3A_2897 : memref<1x64xf32, #tpu.memory_space<vmem>>) target_semaphore(%arg11 : memref<!tpu.dma_semaphore, #tpu.memory_space<semaphore_mem>>)
    %slice3A_2900 = vector.extract_strided_slice %get3A_2731 {offsets = [14], sizes = [1], strides = [1]} : vector<16xi32> to vector<1xi32>
    %squeeze3A_2901 = vector.extract %slice3A_2900[0] : i32 from vector<1xi32>
    %dma_start3A_2902 = arith.constant 110 : i32
    %dma_start3A_2903 = arith.constant 0 : i32
    %dma_start3A_2904 = tpu.memref_slice %arg10[%dma_start3A_2902, %dma_start3A_2903] : memref<128x64xf32, #tpu.memory_space<vmem>> -> memref<1x64xf32, #tpu.memory_space<vmem>>
    %dma_start3A_2905 = arith.constant 0 : i32
    %dma_start3A_2906 = tpu.memref_slice %arg2[%squeeze3A_2901, %dma_start3A_2905] : memref<1000000x64xf32, #tpu.memory_space<hbm>> -> memref<1x64xf32, #tpu.memory_space<hbm>>
    %dma_start3A_2907 = arith.constant 110 : i32
    %dma_start3A_2908 = arith.constant 0 : i32
    %dma_start3A_2909 = tpu.memref_slice %arg10[%dma_start3A_2907, %dma_start3A_2908] : memref<128x64xf32, #tpu.memory_space<vmem>> -> memref<1x64xf32, #tpu.memory_space<vmem>>
    %dma_start3A_2910 = arith.constant 0 : i32
    %dma_start3A_2911 = tpu.memref_slice %arg2[%squeeze3A_2901, %dma_start3A_2910] : memref<1000000x64xf32, #tpu.memory_space<hbm>> -> memref<1x64xf32, #tpu.memory_space<hbm>>
    tpu.enqueue_dma source(%dma_start3A_2911 : memref<1x64xf32, #tpu.memory_space<hbm>>) target(%dma_start3A_2909 : memref<1x64xf32, #tpu.memory_space<vmem>>) target_semaphore(%arg11 : memref<!tpu.dma_semaphore, #tpu.memory_space<semaphore_mem>>)
    %slice3A_2912 = vector.extract_strided_slice %get3A_2731 {offsets = [15], sizes = [1], strides = [1]} : vector<16xi32> to vector<1xi32>
    %squeeze3A_2913 = vector.extract %slice3A_2912[0] : i32 from vector<1xi32>
    %dma_start3A_2914 = arith.constant 111 : i32
    %dma_start3A_2915 = arith.constant 0 : i32
    %dma_start3A_2916 = tpu.memref_slice %arg10[%dma_start3A_2914, %dma_start3A_2915] : memref<128x64xf32, #tpu.memory_space<vmem>> -> memref<1x64xf32, #tpu.memory_space<vmem>>
    %dma_start3A_2917 = arith.constant 0 : i32
    %dma_start3A_2918 = tpu.memref_slice %arg2[%squeeze3A_2913, %dma_start3A_2917] : memref<1000000x64xf32, #tpu.memory_space<hbm>> -> memref<1x64xf32, #tpu.memory_space<hbm>>
    %dma_start3A_2919 = arith.constant 111 : i32
    %dma_start3A_2920 = arith.constant 0 : i32
    %dma_start3A_2921 = tpu.memref_slice %arg10[%dma_start3A_2919, %dma_start3A_2920] : memref<128x64xf32, #tpu.memory_space<vmem>> -> memref<1x64xf32, #tpu.memory_space<vmem>>
    %dma_start3A_2922 = arith.constant 0 : i32
    %dma_start3A_2923 = tpu.memref_slice %arg2[%squeeze3A_2913, %dma_start3A_2922] : memref<1000000x64xf32, #tpu.memory_space<hbm>> -> memref<1x64xf32, #tpu.memory_space<hbm>>
    tpu.enqueue_dma source(%dma_start3A_2923 : memref<1x64xf32, #tpu.memory_space<hbm>>) target(%dma_start3A_2921 : memref<1x64xf32, #tpu.memory_space<vmem>>) target_semaphore(%arg11 : memref<!tpu.dma_semaphore, #tpu.memory_space<semaphore_mem>>)
    %get3A_2924 = arith.constant 112 : index
    %get3A_2925 = tpu.vector_load %arg8[%get3A_2924] {strides = array<i32>} : memref<128xi32, #tpu.memory_space<vmem>>, vector<16xi32>,
    %get3A_2926 = vector.shape_cast %get3A_2925 : vector<16xi32> to vector<16xi32>
    %slice3A_2927 = vector.extract_strided_slice %get3A_2926 {offsets = [0], sizes = [1], strides = [1]} : vector<16xi32> to vector<1xi32>
    %squeeze3A_2928 = vector.extract %slice3A_2927[0] : i32 from vector<1xi32>
    %dma_start3A_2929 = arith.constant 112 : i32
    %dma_start3A_2930 = arith.constant 0 : i32
    %dma_start3A_2931 = tpu.memref_slice %arg10[%dma_start3A_2929, %dma_start3A_2930] : memref<128x64xf32, #tpu.memory_space<vmem>> -> memref<1x64xf32, #tpu.memory_space<vmem>>
    %dma_start3A_2932 = arith.constant 0 : i32
    %dma_start3A_2933 = tpu.memref_slice %arg2[%squeeze3A_2928, %dma_start3A_2932] : memref<1000000x64xf32, #tpu.memory_space<hbm>> -> memref<1x64xf32, #tpu.memory_space<hbm>>
    %dma_start3A_2934 = arith.constant 112 : i32
    %dma_start3A_2935 = arith.constant 0 : i32
    %dma_start3A_2936 = tpu.memref_slice %arg10[%dma_start3A_2934, %dma_start3A_2935] : memref<128x64xf32, #tpu.memory_space<vmem>> -> memref<1x64xf32, #tpu.memory_space<vmem>>
    %dma_start3A_2937 = arith.constant 0 : i32
    %dma_start3A_2938 = tpu.memref_slice %arg2[%squeeze3A_2928, %dma_start3A_2937] : memref<1000000x64xf32, #tpu.memory_space<hbm>> -> memref<1x64xf32, #tpu.memory_space<hbm>>
    tpu.enqueue_dma source(%dma_start3A_2938 : memref<1x64xf32, #tpu.memory_space<hbm>>) target(%dma_start3A_2936 : memref<1x64xf32, #tpu.memory_space<vmem>>) target_semaphore(%arg11 : memref<!tpu.dma_semaphore, #tpu.memory_space<semaphore_mem>>)
    %slice3A_2939 = vector.extract_strided_slice %get3A_2926 {offsets = [1], sizes = [1], strides = [1]} : vector<16xi32> to vector<1xi32>
    %squeeze3A_2940 = vector.extract %slice3A_2939[0] : i32 from vector<1xi32>
    %dma_start3A_2941 = arith.constant 113 : i32
    %dma_start3A_2942 = arith.constant 0 : i32
    %dma_start3A_2943 = tpu.memref_slice %arg10[%dma_start3A_2941, %dma_start3A_2942] : memref<128x64xf32, #tpu.memory_space<vmem>> -> memref<1x64xf32, #tpu.memory_space<vmem>>
    %dma_start3A_2944 = arith.constant 0 : i32
    %dma_start3A_2945 = tpu.memref_slice %arg2[%squeeze3A_2940, %dma_start3A_2944] : memref<1000000x64xf32, #tpu.memory_space<hbm>> -> memref<1x64xf32, #tpu.memory_space<hbm>>
    %dma_start3A_2946 = arith.constant 113 : i32
    %dma_start3A_2947 = arith.constant 0 : i32
    %dma_start3A_2948 = tpu.memref_slice %arg10[%dma_start3A_2946, %dma_start3A_2947] : memref<128x64xf32, #tpu.memory_space<vmem>> -> memref<1x64xf32, #tpu.memory_space<vmem>>
    %dma_start3A_2949 = arith.constant 0 : i32
    %dma_start3A_2950 = tpu.memref_slice %arg2[%squeeze3A_2940, %dma_start3A_2949] : memref<1000000x64xf32, #tpu.memory_space<hbm>> -> memref<1x64xf32, #tpu.memory_space<hbm>>
    tpu.enqueue_dma source(%dma_start3A_2950 : memref<1x64xf32, #tpu.memory_space<hbm>>) target(%dma_start3A_2948 : memref<1x64xf32, #tpu.memory_space<vmem>>) target_semaphore(%arg11 : memref<!tpu.dma_semaphore, #tpu.memory_space<semaphore_mem>>)
    %slice3A_2951 = vector.extract_strided_slice %get3A_2926 {offsets = [2], sizes = [1], strides = [1]} : vector<16xi32> to vector<1xi32>
    %squeeze3A_2952 = vector.extract %slice3A_2951[0] : i32 from vector<1xi32>
    %dma_start3A_2953 = arith.constant 114 : i32
    %dma_start3A_2954 = arith.constant 0 : i32
    %dma_start3A_2955 = tpu.memref_slice %arg10[%dma_start3A_2953, %dma_start3A_2954] : memref<128x64xf32, #tpu.memory_space<vmem>> -> memref<1x64xf32, #tpu.memory_space<vmem>>
    %dma_start3A_2956 = arith.constant 0 : i32
    %dma_start3A_2957 = tpu.memref_slice %arg2[%squeeze3A_2952, %dma_start3A_2956] : memref<1000000x64xf32, #tpu.memory_space<hbm>> -> memref<1x64xf32, #tpu.memory_space<hbm>>
    %dma_start3A_2958 = arith.constant 114 : i32
    %dma_start3A_2959 = arith.constant 0 : i32
    %dma_start3A_2960 = tpu.memref_slice %arg10[%dma_start3A_2958, %dma_start3A_2959] : memref<128x64xf32, #tpu.memory_space<vmem>> -> memref<1x64xf32, #tpu.memory_space<vmem>>
    %dma_start3A_2961 = arith.constant 0 : i32
    %dma_start3A_2962 = tpu.memref_slice %arg2[%squeeze3A_2952, %dma_start3A_2961] : memref<1000000x64xf32, #tpu.memory_space<hbm>> -> memref<1x64xf32, #tpu.memory_space<hbm>>
    tpu.enqueue_dma source(%dma_start3A_2962 : memref<1x64xf32, #tpu.memory_space<hbm>>) target(%dma_start3A_2960 : memref<1x64xf32, #tpu.memory_space<vmem>>) target_semaphore(%arg11 : memref<!tpu.dma_semaphore, #tpu.memory_space<semaphore_mem>>)
    %slice3A_2963 = vector.extract_strided_slice %get3A_2926 {offsets = [3], sizes = [1], strides = [1]} : vector<16xi32> to vector<1xi32>
    %squeeze3A_2964 = vector.extract %slice3A_2963[0] : i32 from vector<1xi32>
    %dma_start3A_2965 = arith.constant 115 : i32
    %dma_start3A_2966 = arith.constant 0 : i32
    %dma_start3A_2967 = tpu.memref_slice %arg10[%dma_start3A_2965, %dma_start3A_2966] : memref<128x64xf32, #tpu.memory_space<vmem>> -> memref<1x64xf32, #tpu.memory_space<vmem>>
    %dma_start3A_2968 = arith.constant 0 : i32
    %dma_start3A_2969 = tpu.memref_slice %arg2[%squeeze3A_2964, %dma_start3A_2968] : memref<1000000x64xf32, #tpu.memory_space<hbm>> -> memref<1x64xf32, #tpu.memory_space<hbm>>
    %dma_start3A_2970 = arith.constant 115 : i32
    %dma_start3A_2971 = arith.constant 0 : i32
    %dma_start3A_2972 = tpu.memref_slice %arg10[%dma_start3A_2970, %dma_start3A_2971] : memref<128x64xf32, #tpu.memory_space<vmem>> -> memref<1x64xf32, #tpu.memory_space<vmem>>
    %dma_start3A_2973 = arith.constant 0 : i32
    %dma_start3A_2974 = tpu.memref_slice %arg2[%squeeze3A_2964, %dma_start3A_2973] : memref<1000000x64xf32, #tpu.memory_space<hbm>> -> memref<1x64xf32, #tpu.memory_space<hbm>>
    tpu.enqueue_dma source(%dma_start3A_2974 : memref<1x64xf32, #tpu.memory_space<hbm>>) target(%dma_start3A_2972 : memref<1x64xf32, #tpu.memory_space<vmem>>) target_semaphore(%arg11 : memref<!tpu.dma_semaphore, #tpu.memory_space<semaphore_mem>>)
    %slice3A_2975 = vector.extract_strided_slice %get3A_2926 {offsets = [4], sizes = [1], strides = [1]} : vector<16xi32> to vector<1xi32>
    %squeeze3A_2976 = vector.extract %slice3A_2975[0] : i32 from vector<1xi32>
    %dma_start3A_2977 = arith.constant 116 : i32
    %dma_start3A_2978 = arith.constant 0 : i32
    %dma_start3A_2979 = tpu.memref_slice %arg10[%dma_start3A_2977, %dma_start3A_2978] : memref<128x64xf32, #tpu.memory_space<vmem>> -> memref<1x64xf32, #tpu.memory_space<vmem>>
    %dma_start3A_2980 = arith.constant 0 : i32
    %dma_start3A_2981 = tpu.memref_slice %arg2[%squeeze3A_2976, %dma_start3A_2980] : memref<1000000x64xf32, #tpu.memory_space<hbm>> -> memref<1x64xf32, #tpu.memory_space<hbm>>
    %dma_start3A_2982 = arith.constant 116 : i32
    %dma_start3A_2983 = arith.constant 0 : i32
    %dma_start3A_2984 = tpu.memref_slice %arg10[%dma_start3A_2982, %dma_start3A_2983] : memref<128x64xf32, #tpu.memory_space<vmem>> -> memref<1x64xf32, #tpu.memory_space<vmem>>
    %dma_start3A_2985 = arith.constant 0 : i32
    %dma_start3A_2986 = tpu.memref_slice %arg2[%squeeze3A_2976, %dma_start3A_2985] : memref<1000000x64xf32, #tpu.memory_space<hbm>> -> memref<1x64xf32, #tpu.memory_space<hbm>>
    tpu.enqueue_dma source(%dma_start3A_2986 : memref<1x64xf32, #tpu.memory_space<hbm>>) target(%dma_start3A_2984 : memref<1x64xf32, #tpu.memory_space<vmem>>) target_semaphore(%arg11 : memref<!tpu.dma_semaphore, #tpu.memory_space<semaphore_mem>>)
    %slice3A_2987 = vector.extract_strided_slice %get3A_2926 {offsets = [5], sizes = [1], strides = [1]} : vector<16xi32> to vector<1xi32>
    %squeeze3A_2988 = vector.extract %slice3A_2987[0] : i32 from vector<1xi32>
    %dma_start3A_2989 = arith.constant 117 : i32
    %dma_start3A_2990 = arith.constant 0 : i32
    %dma_start3A_2991 = tpu.memref_slice %arg10[%dma_start3A_2989, %dma_start3A_2990] : memref<128x64xf32, #tpu.memory_space<vmem>> -> memref<1x64xf32, #tpu.memory_space<vmem>>
    %dma_start3A_2992 = arith.constant 0 : i32
    %dma_start3A_2993 = tpu.memref_slice %arg2[%squeeze3A_2988, %dma_start3A_2992] : memref<1000000x64xf32, #tpu.memory_space<hbm>> -> memref<1x64xf32, #tpu.memory_space<hbm>>
    %dma_start3A_2994 = arith.constant 117 : i32
    %dma_start3A_2995 = arith.constant 0 : i32
    %dma_start3A_2996 = tpu.memref_slice %arg10[%dma_start3A_2994, %dma_start3A_2995] : memref<128x64xf32, #tpu.memory_space<vmem>> -> memref<1x64xf32, #tpu.memory_space<vmem>>
    %dma_start3A_2997 = arith.constant 0 : i32
    %dma_start3A_2998 = tpu.memref_slice %arg2[%squeeze3A_2988, %dma_start3A_2997] : memref<1000000x64xf32, #tpu.memory_space<hbm>> -> memref<1x64xf32, #tpu.memory_space<hbm>>
    tpu.enqueue_dma source(%dma_start3A_2998 : memref<1x64xf32, #tpu.memory_space<hbm>>) target(%dma_start3A_2996 : memref<1x64xf32, #tpu.memory_space<vmem>>) target_semaphore(%arg11 : memref<!tpu.dma_semaphore, #tpu.memory_space<semaphore_mem>>)
    %slice3A_2999 = vector.extract_strided_slice %get3A_2926 {offsets = [6], sizes = [1], strides = [1]} : vector<16xi32> to vector<1xi32>
    %squeeze3A_3000 = vector.extract %slice3A_2999[0] : i32 from vector<1xi32>
    %dma_start3A_3001 = arith.constant 118 : i32
    %dma_start3A_3002 = arith.constant 0 : i32
    %dma_start3A_3003 = tpu.memref_slice %arg10[%dma_start3A_3001, %dma_start3A_3002] : memref<128x64xf32, #tpu.memory_space<vmem>> -> memref<1x64xf32, #tpu.memory_space<vmem>>
    %dma_start3A_3004 = arith.constant 0 : i32
    %dma_start3A_3005 = tpu.memref_slice %arg2[%squeeze3A_3000, %dma_start3A_3004] : memref<1000000x64xf32, #tpu.memory_space<hbm>> -> memref<1x64xf32, #tpu.memory_space<hbm>>
    %dma_start3A_3006 = arith.constant 118 : i32
    %dma_start3A_3007 = arith.constant 0 : i32
    %dma_start3A_3008 = tpu.memref_slice %arg10[%dma_start3A_3006, %dma_start3A_3007] : memref<128x64xf32, #tpu.memory_space<vmem>> -> memref<1x64xf32, #tpu.memory_space<vmem>>
    %dma_start3A_3009 = arith.constant 0 : i32
    %dma_start3A_3010 = tpu.memref_slice %arg2[%squeeze3A_3000, %dma_start3A_3009] : memref<1000000x64xf32, #tpu.memory_space<hbm>> -> memref<1x64xf32, #tpu.memory_space<hbm>>
    tpu.enqueue_dma source(%dma_start3A_3010 : memref<1x64xf32, #tpu.memory_space<hbm>>) target(%dma_start3A_3008 : memref<1x64xf32, #tpu.memory_space<vmem>>) target_semaphore(%arg11 : memref<!tpu.dma_semaphore, #tpu.memory_space<semaphore_mem>>)
    %slice3A_3011 = vector.extract_strided_slice %get3A_2926 {offsets = [7], sizes = [1], strides = [1]} : vector<16xi32> to vector<1xi32>
    %squeeze3A_3012 = vector.extract %slice3A_3011[0] : i32 from vector<1xi32>
    %dma_start3A_3013 = arith.constant 119 : i32
    %dma_start3A_3014 = arith.constant 0 : i32
    %dma_start3A_3015 = tpu.memref_slice %arg10[%dma_start3A_3013, %dma_start3A_3014] : memref<128x64xf32, #tpu.memory_space<vmem>> -> memref<1x64xf32, #tpu.memory_space<vmem>>
    %dma_start3A_3016 = arith.constant 0 : i32
    %dma_start3A_3017 = tpu.memref_slice %arg2[%squeeze3A_3012, %dma_start3A_3016] : memref<1000000x64xf32, #tpu.memory_space<hbm>> -> memref<1x64xf32, #tpu.memory_space<hbm>>
    %dma_start3A_3018 = arith.constant 119 : i32
    %dma_start3A_3019 = arith.constant 0 : i32
    %dma_start3A_3020 = tpu.memref_slice %arg10[%dma_start3A_3018, %dma_start3A_3019] : memref<128x64xf32, #tpu.memory_space<vmem>> -> memref<1x64xf32, #tpu.memory_space<vmem>>
    %dma_start3A_3021 = arith.constant 0 : i32
    %dma_start3A_3022 = tpu.memref_slice %arg2[%squeeze3A_3012, %dma_start3A_3021] : memref<1000000x64xf32, #tpu.memory_space<hbm>> -> memref<1x64xf32, #tpu.memory_space<hbm>>
    tpu.enqueue_dma source(%dma_start3A_3022 : memref<1x64xf32, #tpu.memory_space<hbm>>) target(%dma_start3A_3020 : memref<1x64xf32, #tpu.memory_space<vmem>>) target_semaphore(%arg11 : memref<!tpu.dma_semaphore, #tpu.memory_space<semaphore_mem>>)
    %slice3A_3023 = vector.extract_strided_slice %get3A_2926 {offsets = [8], sizes = [1], strides = [1]} : vector<16xi32> to vector<1xi32>
    %squeeze3A_3024 = vector.extract %slice3A_3023[0] : i32 from vector<1xi32>
    %dma_start3A_3025 = arith.constant 120 : i32
    %dma_start3A_3026 = arith.constant 0 : i32
    %dma_start3A_3027 = tpu.memref_slice %arg10[%dma_start3A_3025, %dma_start3A_3026] : memref<128x64xf32, #tpu.memory_space<vmem>> -> memref<1x64xf32, #tpu.memory_space<vmem>>
    %dma_start3A_3028 = arith.constant 0 : i32
    %dma_start3A_3029 = tpu.memref_slice %arg2[%squeeze3A_3024, %dma_start3A_3028] : memref<1000000x64xf32, #tpu.memory_space<hbm>> -> memref<1x64xf32, #tpu.memory_space<hbm>>
    %dma_start3A_3030 = arith.constant 120 : i32
    %dma_start3A_3031 = arith.constant 0 : i32
    %dma_start3A_3032 = tpu.memref_slice %arg10[%dma_start3A_3030, %dma_start3A_3031] : memref<128x64xf32, #tpu.memory_space<vmem>> -> memref<1x64xf32, #tpu.memory_space<vmem>>
    %dma_start3A_3033 = arith.constant 0 : i32
    %dma_start3A_3034 = tpu.memref_slice %arg2[%squeeze3A_3024, %dma_start3A_3033] : memref<1000000x64xf32, #tpu.memory_space<hbm>> -> memref<1x64xf32, #tpu.memory_space<hbm>>
    tpu.enqueue_dma source(%dma_start3A_3034 : memref<1x64xf32, #tpu.memory_space<hbm>>) target(%dma_start3A_3032 : memref<1x64xf32, #tpu.memory_space<vmem>>) target_semaphore(%arg11 : memref<!tpu.dma_semaphore, #tpu.memory_space<semaphore_mem>>)
    %slice3A_3035 = vector.extract_strided_slice %get3A_2926 {offsets = [9], sizes = [1], strides = [1]} : vector<16xi32> to vector<1xi32>
    %squeeze3A_3036 = vector.extract %slice3A_3035[0] : i32 from vector<1xi32>
    %dma_start3A_3037 = arith.constant 121 : i32
    %dma_start3A_3038 = arith.constant 0 : i32
    %dma_start3A_3039 = tpu.memref_slice %arg10[%dma_start3A_3037, %dma_start3A_3038] : memref<128x64xf32, #tpu.memory_space<vmem>> -> memref<1x64xf32, #tpu.memory_space<vmem>>
    %dma_start3A_3040 = arith.constant 0 : i32
    %dma_start3A_3041 = tpu.memref_slice %arg2[%squeeze3A_3036, %dma_start3A_3040] : memref<1000000x64xf32, #tpu.memory_space<hbm>> -> memref<1x64xf32, #tpu.memory_space<hbm>>
    %dma_start3A_3042 = arith.constant 121 : i32
    %dma_start3A_3043 = arith.constant 0 : i32
    %dma_start3A_3044 = tpu.memref_slice %arg10[%dma_start3A_3042, %dma_start3A_3043] : memref<128x64xf32, #tpu.memory_space<vmem>> -> memref<1x64xf32, #tpu.memory_space<vmem>>
    %dma_start3A_3045 = arith.constant 0 : i32
    %dma_start3A_3046 = tpu.memref_slice %arg2[%squeeze3A_3036, %dma_start3A_3045] : memref<1000000x64xf32, #tpu.memory_space<hbm>> -> memref<1x64xf32, #tpu.memory_space<hbm>>
    tpu.enqueue_dma source(%dma_start3A_3046 : memref<1x64xf32, #tpu.memory_space<hbm>>) target(%dma_start3A_3044 : memref<1x64xf32, #tpu.memory_space<vmem>>) target_semaphore(%arg11 : memref<!tpu.dma_semaphore, #tpu.memory_space<semaphore_mem>>)
    %slice3A_3047 = vector.extract_strided_slice %get3A_2926 {offsets = [10], sizes = [1], strides = [1]} : vector<16xi32> to vector<1xi32>
    %squeeze3A_3048 = vector.extract %slice3A_3047[0] : i32 from vector<1xi32>
    %dma_start3A_3049 = arith.constant 122 : i32
    %dma_start3A_3050 = arith.constant 0 : i32
    %dma_start3A_3051 = tpu.memref_slice %arg10[%dma_start3A_3049, %dma_start3A_3050] : memref<128x64xf32, #tpu.memory_space<vmem>> -> memref<1x64xf32, #tpu.memory_space<vmem>>
    %dma_start3A_3052 = arith.constant 0 : i32
    %dma_start3A_3053 = tpu.memref_slice %arg2[%squeeze3A_3048, %dma_start3A_3052] : memref<1000000x64xf32, #tpu.memory_space<hbm>> -> memref<1x64xf32, #tpu.memory_space<hbm>>
    %dma_start3A_3054 = arith.constant 122 : i32
    %dma_start3A_3055 = arith.constant 0 : i32
    %dma_start3A_3056 = tpu.memref_slice %arg10[%dma_start3A_3054, %dma_start3A_3055] : memref<128x64xf32, #tpu.memory_space<vmem>> -> memref<1x64xf32, #tpu.memory_space<vmem>>
    %dma_start3A_3057 = arith.constant 0 : i32
    %dma_start3A_3058 = tpu.memref_slice %arg2[%squeeze3A_3048, %dma_start3A_3057] : memref<1000000x64xf32, #tpu.memory_space<hbm>> -> memref<1x64xf32, #tpu.memory_space<hbm>>
    tpu.enqueue_dma source(%dma_start3A_3058 : memref<1x64xf32, #tpu.memory_space<hbm>>) target(%dma_start3A_3056 : memref<1x64xf32, #tpu.memory_space<vmem>>) target_semaphore(%arg11 : memref<!tpu.dma_semaphore, #tpu.memory_space<semaphore_mem>>)
    %slice3A_3059 = vector.extract_strided_slice %get3A_2926 {offsets = [11], sizes = [1], strides = [1]} : vector<16xi32> to vector<1xi32>
    %squeeze3A_3060 = vector.extract %slice3A_3059[0] : i32 from vector<1xi32>
    %dma_start3A_3061 = arith.constant 123 : i32
    %dma_start3A_3062 = arith.constant 0 : i32
    %dma_start3A_3063 = tpu.memref_slice %arg10[%dma_start3A_3061, %dma_start3A_3062] : memref<128x64xf32, #tpu.memory_space<vmem>> -> memref<1x64xf32, #tpu.memory_space<vmem>>
    %dma_start3A_3064 = arith.constant 0 : i32
    %dma_start3A_3065 = tpu.memref_slice %arg2[%squeeze3A_3060, %dma_start3A_3064] : memref<1000000x64xf32, #tpu.memory_space<hbm>> -> memref<1x64xf32, #tpu.memory_space<hbm>>
    %dma_start3A_3066 = arith.constant 123 : i32
    %dma_start3A_3067 = arith.constant 0 : i32
    %dma_start3A_3068 = tpu.memref_slice %arg10[%dma_start3A_3066, %dma_start3A_3067] : memref<128x64xf32, #tpu.memory_space<vmem>> -> memref<1x64xf32, #tpu.memory_space<vmem>>
    %dma_start3A_3069 = arith.constant 0 : i32
    %dma_start3A_3070 = tpu.memref_slice %arg2[%squeeze3A_3060, %dma_start3A_3069] : memref<1000000x64xf32, #tpu.memory_space<hbm>> -> memref<1x64xf32, #tpu.memory_space<hbm>>
    tpu.enqueue_dma source(%dma_start3A_3070 : memref<1x64xf32, #tpu.memory_space<hbm>>) target(%dma_start3A_3068 : memref<1x64xf32, #tpu.memory_space<vmem>>) target_semaphore(%arg11 : memref<!tpu.dma_semaphore, #tpu.memory_space<semaphore_mem>>)
    %slice3A_3071 = vector.extract_strided_slice %get3A_2926 {offsets = [12], sizes = [1], strides = [1]} : vector<16xi32> to vector<1xi32>
    %squeeze3A_3072 = vector.extract %slice3A_3071[0] : i32 from vector<1xi32>
    %dma_start3A_3073 = arith.constant 124 : i32
    %dma_start3A_3074 = arith.constant 0 : i32
    %dma_start3A_3075 = tpu.memref_slice %arg10[%dma_start3A_3073, %dma_start3A_3074] : memref<128x64xf32, #tpu.memory_space<vmem>> -> memref<1x64xf32, #tpu.memory_space<vmem>>
    %dma_start3A_3076 = arith.constant 0 : i32
    %dma_start3A_3077 = tpu.memref_slice %arg2[%squeeze3A_3072, %dma_start3A_3076] : memref<1000000x64xf32, #tpu.memory_space<hbm>> -> memref<1x64xf32, #tpu.memory_space<hbm>>
    %dma_start3A_3078 = arith.constant 124 : i32
    %dma_start3A_3079 = arith.constant 0 : i32
    %dma_start3A_3080 = tpu.memref_slice %arg10[%dma_start3A_3078, %dma_start3A_3079] : memref<128x64xf32, #tpu.memory_space<vmem>> -> memref<1x64xf32, #tpu.memory_space<vmem>>
    %dma_start3A_3081 = arith.constant 0 : i32
    %dma_start3A_3082 = tpu.memref_slice %arg2[%squeeze3A_3072, %dma_start3A_3081] : memref<1000000x64xf32, #tpu.memory_space<hbm>> -> memref<1x64xf32, #tpu.memory_space<hbm>>
    tpu.enqueue_dma source(%dma_start3A_3082 : memref<1x64xf32, #tpu.memory_space<hbm>>) target(%dma_start3A_3080 : memref<1x64xf32, #tpu.memory_space<vmem>>) target_semaphore(%arg11 : memref<!tpu.dma_semaphore, #tpu.memory_space<semaphore_mem>>)
    %slice3A_3083 = vector.extract_strided_slice %get3A_2926 {offsets = [13], sizes = [1], strides = [1]} : vector<16xi32> to vector<1xi32>
    %squeeze3A_3084 = vector.extract %slice3A_3083[0] : i32 from vector<1xi32>
    %dma_start3A_3085 = arith.constant 125 : i32
    %dma_start3A_3086 = arith.constant 0 : i32
    %dma_start3A_3087 = tpu.memref_slice %arg10[%dma_start3A_3085, %dma_start3A_3086] : memref<128x64xf32, #tpu.memory_space<vmem>> -> memref<1x64xf32, #tpu.memory_space<vmem>>
    %dma_start3A_3088 = arith.constant 0 : i32
    %dma_start3A_3089 = tpu.memref_slice %arg2[%squeeze3A_3084, %dma_start3A_3088] : memref<1000000x64xf32, #tpu.memory_space<hbm>> -> memref<1x64xf32, #tpu.memory_space<hbm>>
    %dma_start3A_3090 = arith.constant 125 : i32
    %dma_start3A_3091 = arith.constant 0 : i32
    %dma_start3A_3092 = tpu.memref_slice %arg10[%dma_start3A_3090, %dma_start3A_3091] : memref<128x64xf32, #tpu.memory_space<vmem>> -> memref<1x64xf32, #tpu.memory_space<vmem>>
    %dma_start3A_3093 = arith.constant 0 : i32
    %dma_start3A_3094 = tpu.memref_slice %arg2[%squeeze3A_3084, %dma_start3A_3093] : memref<1000000x64xf32, #tpu.memory_space<hbm>> -> memref<1x64xf32, #tpu.memory_space<hbm>>
    tpu.enqueue_dma source(%dma_start3A_3094 : memref<1x64xf32, #tpu.memory_space<hbm>>) target(%dma_start3A_3092 : memref<1x64xf32, #tpu.memory_space<vmem>>) target_semaphore(%arg11 : memref<!tpu.dma_semaphore, #tpu.memory_space<semaphore_mem>>)
    %slice3A_3095 = vector.extract_strided_slice %get3A_2926 {offsets = [14], sizes = [1], strides = [1]} : vector<16xi32> to vector<1xi32>
    %squeeze3A_3096 = vector.extract %slice3A_3095[0] : i32 from vector<1xi32>
    %dma_start3A_3097 = arith.constant 126 : i32
    %dma_start3A_3098 = arith.constant 0 : i32
    %dma_start3A_3099 = tpu.memref_slice %arg10[%dma_start3A_3097, %dma_start3A_3098] : memref<128x64xf32, #tpu.memory_space<vmem>> -> memref<1x64xf32, #tpu.memory_space<vmem>>
    %dma_start3A_3100 = arith.constant 0 : i32
    %dma_start3A_3101 = tpu.memref_slice %arg2[%squeeze3A_3096, %dma_start3A_3100] : memref<1000000x64xf32, #tpu.memory_space<hbm>> -> memref<1x64xf32, #tpu.memory_space<hbm>>
    %dma_start3A_3102 = arith.constant 126 : i32
    %dma_start3A_3103 = arith.constant 0 : i32
    %dma_start3A_3104 = tpu.memref_slice %arg10[%dma_start3A_3102, %dma_start3A_3103] : memref<128x64xf32, #tpu.memory_space<vmem>> -> memref<1x64xf32, #tpu.memory_space<vmem>>
    %dma_start3A_3105 = arith.constant 0 : i32
    %dma_start3A_3106 = tpu.memref_slice %arg2[%squeeze3A_3096, %dma_start3A_3105] : memref<1000000x64xf32, #tpu.memory_space<hbm>> -> memref<1x64xf32, #tpu.memory_space<hbm>>
    tpu.enqueue_dma source(%dma_start3A_3106 : memref<1x64xf32, #tpu.memory_space<hbm>>) target(%dma_start3A_3104 : memref<1x64xf32, #tpu.memory_space<vmem>>) target_semaphore(%arg11 : memref<!tpu.dma_semaphore, #tpu.memory_space<semaphore_mem>>)
    %slice3A_3107 = vector.extract_strided_slice %get3A_2926 {offsets = [15], sizes = [1], strides = [1]} : vector<16xi32> to vector<1xi32>
    %squeeze3A_3108 = vector.extract %slice3A_3107[0] : i32 from vector<1xi32>
    %dma_start3A_3109 = arith.constant 127 : i32
    %dma_start3A_3110 = arith.constant 0 : i32
    %dma_start3A_3111 = tpu.memref_slice %arg10[%dma_start3A_3109, %dma_start3A_3110] : memref<128x64xf32, #tpu.memory_space<vmem>> -> memref<1x64xf32, #tpu.memory_space<vmem>>
    %dma_start3A_3112 = arith.constant 0 : i32
    %dma_start3A_3113 = tpu.memref_slice %arg2[%squeeze3A_3108, %dma_start3A_3112] : memref<1000000x64xf32, #tpu.memory_space<hbm>> -> memref<1x64xf32, #tpu.memory_space<hbm>>
    %dma_start3A_3114 = arith.constant 127 : i32
    %dma_start3A_3115 = arith.constant 0 : i32
    %dma_start3A_3116 = tpu.memref_slice %arg10[%dma_start3A_3114, %dma_start3A_3115] : memref<128x64xf32, #tpu.memory_space<vmem>> -> memref<1x64xf32, #tpu.memory_space<vmem>>
    %dma_start3A_3117 = arith.constant 0 : i32
    %dma_start3A_3118 = tpu.memref_slice %arg2[%squeeze3A_3108, %dma_start3A_3117] : memref<1000000x64xf32, #tpu.memory_space<hbm>> -> memref<1x64xf32, #tpu.memory_space<hbm>>
    tpu.enqueue_dma source(%dma_start3A_3118 : memref<1x64xf32, #tpu.memory_space<hbm>>) target(%dma_start3A_3116 : memref<1x64xf32, #tpu.memory_space<vmem>>) target_semaphore(%arg11 : memref<!tpu.dma_semaphore, #tpu.memory_space<semaphore_mem>>)
    %scan3A = arith.constant 0 : i32
    %scan3A_3119 = arith.constant 0 : i32
    %scan3A_3120 = arith.constant 256 : i32
    %scan3A_3121 = arith.addi %scan3A_3119, %scan3A_3120 : i32
    %scan3A_3122 = arith.constant 8 : i32
    scf.for %scan3A_3124 = %scan3A_3119 to %scan3A_3121 step %scan3A_3122  : i32 {
      %dma_wait3A = arith.constant 0 : i32
      %dma_wait3A_3125 = arith.constant 0 : i32
      %dma_wait3A_3126 = tpu.memref_slice %arg9[%dma_wait3A, %dma_wait3A_3125] : memref<128x64xf32, #tpu.memory_space<vmem>> -> memref<1x64xf32, #tpu.memory_space<vmem>>
      %dma_wait3A_3127 = arith.constant 0 : i32
      %dma_wait3A_3128 = arith.constant 0 : i32
      %dma_wait3A_3129 = tpu.memref_slice %arg2[%dma_wait3A_3127, %dma_wait3A_3128] : memref<1000000x64xf32, #tpu.memory_space<hbm>> -> memref<1x64xf32, #tpu.memory_space<hbm>>
      %dma_wait3A_3130 = arith.constant 0 : i32
      %dma_wait3A_3131 = arith.constant 0 : i32
      %dma_wait3A_3132 = tpu.memref_slice %arg9[%dma_wait3A_3130, %dma_wait3A_3131] : memref<128x64xf32, #tpu.memory_space<vmem>> -> memref<1x64xf32, #tpu.memory_space<vmem>>
      %dma_wait3A_3133 = arith.constant 0 : i32
      %dma_wait3A_3134 = arith.constant 0 : i32
      %dma_wait3A_3135 = tpu.memref_slice %arg2[%dma_wait3A_3133, %dma_wait3A_3134] : memref<1000000x64xf32, #tpu.memory_space<hbm>> -> memref<1x64xf32, #tpu.memory_space<hbm>>
      tpu.wait_dma2 semaphore(%arg11 : memref<!tpu.dma_semaphore, #tpu.memory_space<semaphore_mem>>) src(%dma_wait3A_3135 : memref<1x64xf32, #tpu.memory_space<hbm>>) dst(%dma_wait3A_3132 : memref<1x64xf32, #tpu.memory_space<vmem>>)
      %scan3A_3136 = arith.constant 1 : i32
      %scan3A_3137 = arith.addi %scan3A_3124, %scan3A_3136 : i32
      %dma_wait3A_3138 = arith.constant 0 : i32
      %dma_wait3A_3139 = arith.constant 0 : i32
      %dma_wait3A_3140 = tpu.memref_slice %arg9[%dma_wait3A_3138, %dma_wait3A_3139] : memref<128x64xf32, #tpu.memory_space<vmem>> -> memref<1x64xf32, #tpu.memory_space<vmem>>
      %dma_wait3A_3141 = arith.constant 0 : i32
      %dma_wait3A_3142 = arith.constant 0 : i32
      %dma_wait3A_3143 = tpu.memref_slice %arg2[%dma_wait3A_3141, %dma_wait3A_3142] : memref<1000000x64xf32, #tpu.memory_space<hbm>> -> memref<1x64xf32, #tpu.memory_space<hbm>>
      %dma_wait3A_3144 = arith.constant 0 : i32
      %dma_wait3A_3145 = arith.constant 0 : i32
      %dma_wait3A_3146 = tpu.memref_slice %arg9[%dma_wait3A_3144, %dma_wait3A_3145] : memref<128x64xf32, #tpu.memory_space<vmem>> -> memref<1x64xf32, #tpu.memory_space<vmem>>
      %dma_wait3A_3147 = arith.constant 0 : i32
      %dma_wait3A_3148 = arith.constant 0 : i32
      %dma_wait3A_3149 = tpu.memref_slice %arg2[%dma_wait3A_3147, %dma_wait3A_3148] : memref<1000000x64xf32, #tpu.memory_space<hbm>> -> memref<1x64xf32, #tpu.memory_space<hbm>>
      tpu.wait_dma2 semaphore(%arg11 : memref<!tpu.dma_semaphore, #tpu.memory_space<semaphore_mem>>) src(%dma_wait3A_3149 : memref<1x64xf32, #tpu.memory_space<hbm>>) dst(%dma_wait3A_3146 : memref<1x64xf32, #tpu.memory_space<vmem>>)
      %scan3A_3150 = arith.constant 2 : i32
      %scan3A_3151 = arith.addi %scan3A_3124, %scan3A_3150 : i32
      %dma_wait3A_3152 = arith.constant 0 : i32
      %dma_wait3A_3153 = arith.constant 0 : i32
      %dma_wait3A_3154 = tpu.memref_slice %arg9[%dma_wait3A_3152, %dma_wait3A_3153] : memref<128x64xf32, #tpu.memory_space<vmem>> -> memref<1x64xf32, #tpu.memory_space<vmem>>
      %dma_wait3A_3155 = arith.constant 0 : i32
      %dma_wait3A_3156 = arith.constant 0 : i32
      %dma_wait3A_3157 = tpu.memref_slice %arg2[%dma_wait3A_3155, %dma_wait3A_3156] : memref<1000000x64xf32, #tpu.memory_space<hbm>> -> memref<1x64xf32, #tpu.memory_space<hbm>>
      %dma_wait3A_3158 = arith.constant 0 : i32
      %dma_wait3A_3159 = arith.constant 0 : i32
      %dma_wait3A_3160 = tpu.memref_slice %arg9[%dma_wait3A_3158, %dma_wait3A_3159] : memref<128x64xf32, #tpu.memory_space<vmem>> -> memref<1x64xf32, #tpu.memory_space<vmem>>
      %dma_wait3A_3161 = arith.constant 0 : i32
      %dma_wait3A_3162 = arith.constant 0 : i32
      %dma_wait3A_3163 = tpu.memref_slice %arg2[%dma_wait3A_3161, %dma_wait3A_3162] : memref<1000000x64xf32, #tpu.memory_space<hbm>> -> memref<1x64xf32, #tpu.memory_space<hbm>>
      tpu.wait_dma2 semaphore(%arg11 : memref<!tpu.dma_semaphore, #tpu.memory_space<semaphore_mem>>) src(%dma_wait3A_3163 : memref<1x64xf32, #tpu.memory_space<hbm>>) dst(%dma_wait3A_3160 : memref<1x64xf32, #tpu.memory_space<vmem>>)
      %scan3A_3164 = arith.constant 3 : i32
      %scan3A_3165 = arith.addi %scan3A_3124, %scan3A_3164 : i32
      %dma_wait3A_3166 = arith.constant 0 : i32
      %dma_wait3A_3167 = arith.constant 0 : i32
      %dma_wait3A_3168 = tpu.memref_slice %arg9[%dma_wait3A_3166, %dma_wait3A_3167] : memref<128x64xf32, #tpu.memory_space<vmem>> -> memref<1x64xf32, #tpu.memory_space<vmem>>
      %dma_wait3A_3169 = arith.constant 0 : i32
      %dma_wait3A_3170 = arith.constant 0 : i32
      %dma_wait3A_3171 = tpu.memref_slice %arg2[%dma_wait3A_3169, %dma_wait3A_3170] : memref<1000000x64xf32, #tpu.memory_space<hbm>> -> memref<1x64xf32, #tpu.memory_space<hbm>>
      %dma_wait3A_3172 = arith.constant 0 : i32
      %dma_wait3A_3173 = arith.constant 0 : i32
      %dma_wait3A_3174 = tpu.memref_slice %arg9[%dma_wait3A_3172, %dma_wait3A_3173] : memref<128x64xf32, #tpu.memory_space<vmem>> -> memref<1x64xf32, #tpu.memory_space<vmem>>
      %dma_wait3A_3175 = arith.constant 0 : i32
      %dma_wait3A_3176 = arith.constant 0 : i32
      %dma_wait3A_3177 = tpu.memref_slice %arg2[%dma_wait3A_3175, %dma_wait3A_3176] : memref<1000000x64xf32, #tpu.memory_space<hbm>> -> memref<1x64xf32, #tpu.memory_space<hbm>>
      tpu.wait_dma2 semaphore(%arg11 : memref<!tpu.dma_semaphore, #tpu.memory_space<semaphore_mem>>) src(%dma_wait3A_3177 : memref<1x64xf32, #tpu.memory_space<hbm>>) dst(%dma_wait3A_3174 : memref<1x64xf32, #tpu.memory_space<vmem>>)
      %scan3A_3178 = arith.constant 4 : i32
      %scan3A_3179 = arith.addi %scan3A_3124, %scan3A_3178 : i32
      %dma_wait3A_3180 = arith.constant 0 : i32
      %dma_wait3A_3181 = arith.constant 0 : i32
      %dma_wait3A_3182 = tpu.memref_slice %arg9[%dma_wait3A_3180, %dma_wait3A_3181] : memref<128x64xf32, #tpu.memory_space<vmem>> -> memref<1x64xf32, #tpu.memory_space<vmem>>
      %dma_wait3A_3183 = arith.constant 0 : i32
      %dma_wait3A_3184 = arith.constant 0 : i32
      %dma_wait3A_3185 = tpu.memref_slice %arg2[%dma_wait3A_3183, %dma_wait3A_3184] : memref<1000000x64xf32, #tpu.memory_space<hbm>> -> memref<1x64xf32, #tpu.memory_space<hbm>>
      %dma_wait3A_3186 = arith.constant 0 : i32
      %dma_wait3A_3187 = arith.constant 0 : i32
      %dma_wait3A_3188 = tpu.memref_slice %arg9[%dma_wait3A_3186, %dma_wait3A_3187] : memref<128x64xf32, #tpu.memory_space<vmem>> -> memref<1x64xf32, #tpu.memory_space<vmem>>
      %dma_wait3A_3189 = arith.constant 0 : i32
      %dma_wait3A_3190 = arith.constant 0 : i32
      %dma_wait3A_3191 = tpu.memref_slice %arg2[%dma_wait3A_3189, %dma_wait3A_3190] : memref<1000000x64xf32, #tpu.memory_space<hbm>> -> memref<1x64xf32, #tpu.memory_space<hbm>>
      tpu.wait_dma2 semaphore(%arg11 : memref<!tpu.dma_semaphore, #tpu.memory_space<semaphore_mem>>) src(%dma_wait3A_3191 : memref<1x64xf32, #tpu.memory_space<hbm>>) dst(%dma_wait3A_3188 : memref<1x64xf32, #tpu.memory_space<vmem>>)
      %scan3A_3192 = arith.constant 5 : i32
      %scan3A_3193 = arith.addi %scan3A_3124, %scan3A_3192 : i32
      %dma_wait3A_3194 = arith.constant 0 : i32
      %dma_wait3A_3195 = arith.constant 0 : i32
      %dma_wait3A_3196 = tpu.memref_slice %arg9[%dma_wait3A_3194, %dma_wait3A_3195] : memref<128x64xf32, #tpu.memory_space<vmem>> -> memref<1x64xf32, #tpu.memory_space<vmem>>
      %dma_wait3A_3197 = arith.constant 0 : i32
      %dma_wait3A_3198 = arith.constant 0 : i32
      %dma_wait3A_3199 = tpu.memref_slice %arg2[%dma_wait3A_3197, %dma_wait3A_3198] : memref<1000000x64xf32, #tpu.memory_space<hbm>> -> memref<1x64xf32, #tpu.memory_space<hbm>>
      %dma_wait3A_3200 = arith.constant 0 : i32
      %dma_wait3A_3201 = arith.constant 0 : i32
      %dma_wait3A_3202 = tpu.memref_slice %arg9[%dma_wait3A_3200, %dma_wait3A_3201] : memref<128x64xf32, #tpu.memory_space<vmem>> -> memref<1x64xf32, #tpu.memory_space<vmem>>
      %dma_wait3A_3203 = arith.constant 0 : i32
      %dma_wait3A_3204 = arith.constant 0 : i32
      %dma_wait3A_3205 = tpu.memref_slice %arg2[%dma_wait3A_3203, %dma_wait3A_3204] : memref<1000000x64xf32, #tpu.memory_space<hbm>> -> memref<1x64xf32, #tpu.memory_space<hbm>>
      tpu.wait_dma2 semaphore(%arg11 : memref<!tpu.dma_semaphore, #tpu.memory_space<semaphore_mem>>) src(%dma_wait3A_3205 : memref<1x64xf32, #tpu.memory_space<hbm>>) dst(%dma_wait3A_3202 : memref<1x64xf32, #tpu.memory_space<vmem>>)
      %scan3A_3206 = arith.constant 6 : i32
      %scan3A_3207 = arith.addi %scan3A_3124, %scan3A_3206 : i32
      %dma_wait3A_3208 = arith.constant 0 : i32
      %dma_wait3A_3209 = arith.constant 0 : i32
      %dma_wait3A_3210 = tpu.memref_slice %arg9[%dma_wait3A_3208, %dma_wait3A_3209] : memref<128x64xf32, #tpu.memory_space<vmem>> -> memref<1x64xf32, #tpu.memory_space<vmem>>
      %dma_wait3A_3211 = arith.constant 0 : i32
      %dma_wait3A_3212 = arith.constant 0 : i32
      %dma_wait3A_3213 = tpu.memref_slice %arg2[%dma_wait3A_3211, %dma_wait3A_3212] : memref<1000000x64xf32, #tpu.memory_space<hbm>> -> memref<1x64xf32, #tpu.memory_space<hbm>>
      %dma_wait3A_3214 = arith.constant 0 : i32
      %dma_wait3A_3215 = arith.constant 0 : i32
      %dma_wait3A_3216 = tpu.memref_slice %arg9[%dma_wait3A_3214, %dma_wait3A_3215] : memref<128x64xf32, #tpu.memory_space<vmem>> -> memref<1x64xf32, #tpu.memory_space<vmem>>
      %dma_wait3A_3217 = arith.constant 0 : i32
      %dma_wait3A_3218 = arith.constant 0 : i32
      %dma_wait3A_3219 = tpu.memref_slice %arg2[%dma_wait3A_3217, %dma_wait3A_3218] : memref<1000000x64xf32, #tpu.memory_space<hbm>> -> memref<1x64xf32, #tpu.memory_space<hbm>>
      tpu.wait_dma2 semaphore(%arg11 : memref<!tpu.dma_semaphore, #tpu.memory_space<semaphore_mem>>) src(%dma_wait3A_3219 : memref<1x64xf32, #tpu.memory_space<hbm>>) dst(%dma_wait3A_3216 : memref<1x64xf32, #tpu.memory_space<vmem>>)
      %scan3A_3220 = arith.constant 7 : i32
      %scan3A_3221 = arith.addi %scan3A_3124, %scan3A_3220 : i32
      %dma_wait3A_3222 = arith.constant 0 : i32
      %dma_wait3A_3223 = arith.constant 0 : i32
      %dma_wait3A_3224 = tpu.memref_slice %arg9[%dma_wait3A_3222, %dma_wait3A_3223] : memref<128x64xf32, #tpu.memory_space<vmem>> -> memref<1x64xf32, #tpu.memory_space<vmem>>
      %dma_wait3A_3225 = arith.constant 0 : i32
      %dma_wait3A_3226 = arith.constant 0 : i32
      %dma_wait3A_3227 = tpu.memref_slice %arg2[%dma_wait3A_3225, %dma_wait3A_3226] : memref<1000000x64xf32, #tpu.memory_space<hbm>> -> memref<1x64xf32, #tpu.memory_space<hbm>>
      %dma_wait3A_3228 = arith.constant 0 : i32
      %dma_wait3A_3229 = arith.constant 0 : i32
      %dma_wait3A_3230 = tpu.memref_slice %arg9[%dma_wait3A_3228, %dma_wait3A_3229] : memref<128x64xf32, #tpu.memory_space<vmem>> -> memref<1x64xf32, #tpu.memory_space<vmem>>
      %dma_wait3A_3231 = arith.constant 0 : i32
      %dma_wait3A_3232 = arith.constant 0 : i32
      %dma_wait3A_3233 = tpu.memref_slice %arg2[%dma_wait3A_3231, %dma_wait3A_3232] : memref<1000000x64xf32, #tpu.memory_space<hbm>> -> memref<1x64xf32, #tpu.memory_space<hbm>>
      tpu.wait_dma2 semaphore(%arg11 : memref<!tpu.dma_semaphore, #tpu.memory_space<semaphore_mem>>) src(%dma_wait3A_3233 : memref<1x64xf32, #tpu.memory_space<hbm>>) dst(%dma_wait3A_3230 : memref<1x64xf32, #tpu.memory_space<vmem>>)
    }
    %scan3A_3123 = arith.constant 256 : i32
    "tpu.region"() ({
      %run_scoped3A = tpu.sem_alloc : memref<!tpu.dma_semaphore, #tpu.memory_space<semaphore_mem>>
      %dma_start3A_3124 = arith.constant 0 : i32
      %dma_start3A_3125 = tpu.memref_slice %arg5[%mul3A_2, %dma_start3A_3124] : memref<4096x64xf32, #tpu.memory_space<hbm>> -> memref<128x64xf32, #tpu.memory_space<hbm>>
      %dma_start3A_3126 = arith.constant 0 : i32
      %dma_start3A_3127 = tpu.memref_slice %arg5[%mul3A_2, %dma_start3A_3126] : memref<4096x64xf32, #tpu.memory_space<hbm>> -> memref<128x64xf32, #tpu.memory_space<hbm>>
      tpu.enqueue_dma source(%arg9 : memref<128x64xf32, #tpu.memory_space<vmem>>) target(%dma_start3A_3127 : memref<128x64xf32, #tpu.memory_space<hbm>>) target_semaphore(%run_scoped3A : memref<!tpu.dma_semaphore, #tpu.memory_space<semaphore_mem>>)
      %dma_wait3A = arith.constant 0 : i32
      %dma_wait3A_3128 = tpu.memref_slice %arg5[%mul3A_2, %dma_wait3A] : memref<4096x64xf32, #tpu.memory_space<hbm>> -> memref<128x64xf32, #tpu.memory_space<hbm>>
      %dma_wait3A_3129 = arith.constant 0 : i32
      %dma_wait3A_3130 = tpu.memref_slice %arg5[%mul3A_2, %dma_wait3A_3129] : memref<4096x64xf32, #tpu.memory_space<hbm>> -> memref<128x64xf32, #tpu.memory_space<hbm>>
      tpu.wait_dma2 semaphore(%run_scoped3A : memref<!tpu.dma_semaphore, #tpu.memory_space<semaphore_mem>>) src(%arg9 : memref<128x64xf32, #tpu.memory_space<vmem>>) dst(%dma_wait3A_3130 : memref<128x64xf32, #tpu.memory_space<hbm>>)
      tpu.yield
    }) : () -> ()
    "tpu.region"() ({
      %run_scoped3A = tpu.sem_alloc : memref<!tpu.dma_semaphore, #tpu.memory_space<semaphore_mem>>
      %dma_start3A_3124 = arith.constant 0 : i32
      %dma_start3A_3125 = tpu.memref_slice %arg6[%mul3A_2, %dma_start3A_3124] : memref<4096x64xf32, #tpu.memory_space<hbm>> -> memref<128x64xf32, #tpu.memory_space<hbm>>
      %dma_start3A_3126 = arith.constant 0 : i32
      %dma_start3A_3127 = tpu.memref_slice %arg6[%mul3A_2, %dma_start3A_3126] : memref<4096x64xf32, #tpu.memory_space<hbm>> -> memref<128x64xf32, #tpu.memory_space<hbm>>
      tpu.enqueue_dma source(%arg10 : memref<128x64xf32, #tpu.memory_space<vmem>>) target(%dma_start3A_3127 : memref<128x64xf32, #tpu.memory_space<hbm>>) target_semaphore(%run_scoped3A : memref<!tpu.dma_semaphore, #tpu.memory_space<semaphore_mem>>)
      %dma_wait3A = arith.constant 0 : i32
      %dma_wait3A_3128 = tpu.memref_slice %arg6[%mul3A_2, %dma_wait3A] : memref<4096x64xf32, #tpu.memory_space<hbm>> -> memref<128x64xf32, #tpu.memory_space<hbm>>
      %dma_wait3A_3129 = arith.constant 0 : i32
      %dma_wait3A_3130 = tpu.memref_slice %arg6[%mul3A_2, %dma_wait3A_3129] : memref<4096x64xf32, #tpu.memory_space<hbm>> -> memref<128x64xf32, #tpu.memory_space<hbm>>
      tpu.wait_dma2 semaphore(%run_scoped3A : memref<!tpu.dma_semaphore, #tpu.memory_space<semaphore_mem>>) src(%arg10 : memref<128x64xf32, #tpu.memory_space<vmem>>) dst(%dma_wait3A_3130 : memref<128x64xf32, #tpu.memory_space<hbm>>)
      tpu.yield
    }) : () -> ()
    return
  }
}

module attributes {stable_mosaic.version = 14 : i64} {
  func.func @_tc_body(%arg0: i32, %arg1: memref<8x128xf32, #tpu.memory_space<vmem>>, %arg2: memref<8x128xf32, #tpu.memory_space<vmem>>, %arg3: memref<1000x64xf32, #tpu.memory_space<vmem>>, %arg4: memref<512x64xf32, #tpu.memory_space<vmem>>, %arg5: memref<4096x64xf32, #tpu.memory_space<vmem>>, %arg6: memref<512x4096xf32, #tpu.memory_space<vmem>>, %arg7: memref<1x1xf32, #tpu.memory_space<smem>>) attributes {dimension_semantics = [#tpu.dimension_semantics<arbitrary>], iteration_bounds = array<i64: 8>, scalar_prefetch = 0 : i64, scratch_operands = 1 : i64, tpu.core_type = #tpu.core_type<tc>, window_params = [{pipeline_mode = #tpu.pipeline_mode<synchronous>, transform_indices = @transform_0, window_bounds = array<i64: 8, 128>}, {pipeline_mode = #tpu.pipeline_mode<synchronous>, transform_indices = @transform_1, window_bounds = array<i64: 8, 128>}, {pipeline_mode = #tpu.pipeline_mode<synchronous>, transform_indices = @transform_2, window_bounds = array<i64: 1000, 64>}, {transform_indices = @transform_3, window_bounds = array<i64: 512, 64>}, {pipeline_mode = #tpu.pipeline_mode<synchronous>, transform_indices = @transform_4, window_bounds = array<i64: 4096, 64>}, {transform_indices = @transform_5, window_bounds = array<i64: 512, 4096>}]} {
    %eq3A = arith.constant 0 : i32
    %eq3A_0 = arith.cmpi eq, %arg0, %eq3A : i32
    %convert_element_type3A = arith.extui %eq3A_0 : i1 to i32
    %cond3A = arith.constant 0 : i32
    %cond3A_1 = arith.cmpi ne, %convert_element_type3A, %cond3A : i32
    scf.if %cond3A_1 {
      %iota3A = tpu.iota {dimensions = array<i32: 0>} : vector<8x128xi32>
      %mul3A = arith.constant 128 : i32
      %mul3A_27 = vector.broadcast %mul3A : i32 to vector<8x128xi32>
      %mul3A_28 = arith.muli %iota3A, %mul3A_27 : vector<8x128xi32>
      %iota3A_29 = tpu.iota {dimensions = array<i32: 1>} : vector<8x128xi32>
      %add3A_30 = arith.addi %mul3A_28, %iota3A_29 : vector<8x128xi32>
      %get3A_31 = arith.constant 0 : index
      %get3A_32 = arith.constant 0 : index
      %get3A_33 = vector.load %arg1[%get3A_31, %get3A_32] : memref<8x128xf32, #tpu.memory_space<vmem>>, vector<8x128xf32>
      %ne3A = arith.constant 0.000000e+00 : f32
      %ne3A_34 = vector.broadcast %ne3A : f32 to vector<8x128xf32>
      %ne3A_35 = arith.cmpf one, %get3A_33, %ne3A_34 : vector<8x128xf32>
      %jit3A = arith.constant 1073741824 : i32
      %broadcast_in_dim3A = vector.broadcast %jit3A : i32 to vector<8x128xi32>
      %select_n3A = arith.select %ne3A_35, %add3A_30, %broadcast_in_dim3A : vector<8x128xi1>, vector<8x128xi32>
      %reduce_min3A = vector.shape_cast %select_n3A : vector<8x128xi32> to vector<1x8x128xi32>
      %reduce_min3A_36 = arith.constant dense<2147483647> : vector<1xi32>
      %reduce_min3A_37 = vector.multi_reduction <minsi>, %reduce_min3A, %reduce_min3A_36 [1, 2] : vector<1x8x128xi32> to vector<1xi32>
      %reduce_min3A_38 = vector.shape_cast %reduce_min3A_37 : vector<1xi32> to vector<1x1x1xi32>
      %reduce_min3A_39 = vector.extract %reduce_min3A_38[0, 0, 0] : i32 from vector<1x1x1xi32>
      %get3A_40 = arith.constant 0 : index
      %get3A_41 = arith.constant 0 : index
      %get3A_42 = vector.load %arg2[%get3A_40, %get3A_41] : memref<8x128xf32, #tpu.memory_space<vmem>>, vector<8x128xf32>
      %ne3A_43 = arith.constant 0.000000e+00 : f32
      %ne3A_44 = vector.broadcast %ne3A_43 : f32 to vector<8x128xf32>
      %ne3A_45 = arith.cmpf one, %get3A_42, %ne3A_44 : vector<8x128xf32>
      %jit3A_46 = arith.constant 1073741824 : i32
      %broadcast_in_dim3A_47 = vector.broadcast %jit3A_46 : i32 to vector<8x128xi32>
      %select_n3A_48 = arith.select %ne3A_45, %add3A_30, %broadcast_in_dim3A_47 : vector<8x128xi1>, vector<8x128xi32>
      %reduce_min3A_49 = vector.shape_cast %select_n3A_48 : vector<8x128xi32> to vector<1x8x128xi32>
      %reduce_min3A_50 = arith.constant dense<2147483647> : vector<1xi32>
      %reduce_min3A_51 = vector.multi_reduction <minsi>, %reduce_min3A_49, %reduce_min3A_50 [1, 2] : vector<1x8x128xi32> to vector<1xi32>
      %reduce_min3A_52 = vector.shape_cast %reduce_min3A_51 : vector<1xi32> to vector<1x1x1xi32>
      %reduce_min3A_53 = vector.extract %reduce_min3A_52[0, 0, 0] : i32 from vector<1x1x1xi32>
      %ge3A = arith.constant 1000 : i32
      %ge3A_54 = arith.cmpi sge, %reduce_min3A_39, %ge3A : i32
      %jit3A_55 = arith.constant 0 : i32
      %select_n3A_56 = arith.select %ge3A_54, %jit3A_55, %reduce_min3A_39 : i32
      %ge3A_57 = arith.constant 1000 : i32
      %ge3A_58 = arith.cmpi sge, %reduce_min3A_53, %ge3A_57 : i32
      %jit3A_59 = arith.constant 0 : i32
      %select_n3A_60 = arith.select %ge3A_58, %jit3A_59, %reduce_min3A_53 : i32
      %get3A_61 = arith.index_cast %select_n3A_56 : i32 to index
      %get3A_62 = arith.constant 0 : index
      %get3A_63 = vector.load %arg3[%get3A_61, %get3A_62] : memref<1000x64xf32, #tpu.memory_space<vmem>>, vector<1x64xf32>
      %get3A_64 = arith.index_cast %select_n3A_60 : i32 to index
      %get3A_65 = arith.constant 0 : index
      %get3A_66 = vector.load %arg3[%get3A_64, %get3A_65] : memref<1000x64xf32, #tpu.memory_space<vmem>>, vector<1x64xf32>
      %mul3A_67 = arith.mulf %get3A_63, %get3A_66 : vector<1x64xf32>
      %reduce_sum3A = vector.shape_cast %mul3A_67 : vector<1x64xf32> to vector<1x1x64xf32>
      %reduce_sum3A_68 = arith.constant dense<0.000000e+00> : vector<1xf32>
      %reduce_sum3A_69 = vector.multi_reduction <add>, %reduce_sum3A, %reduce_sum3A_68 [1, 2] : vector<1x1x64xf32> to vector<1xf32>
      %reduce_sum3A_70 = vector.shape_cast %reduce_sum3A_69 : vector<1xf32> to vector<1x1x1xf32>
      %reduce_sum3A_71 = vector.extract %reduce_sum3A_70[0, 0, 0] : f32 from vector<1x1x1xf32>
      %swap3A_72 = arith.constant 0 : index
      %swap3A_73 = arith.constant 0 : index
      %swap3A_74 = memref.load %arg7[%swap3A_72, %swap3A_73] : memref<1x1xf32, #tpu.memory_space<smem>>
      memref.store %reduce_sum3A_71, %arg7[%swap3A_72, %swap3A_73] : memref<1x1xf32, #tpu.memory_space<smem>>
    } else {
    }
    %get3A = arith.constant 0 : index
    %get3A_2 = arith.constant 0 : index
    %get3A_3 = vector.load %arg4[%get3A, %get3A_2] : memref<512x64xf32, #tpu.memory_space<vmem>>, vector<512x64xf32>
    %get3A_4 = arith.constant 0 : index
    %get3A_5 = arith.constant 0 : index
    %get3A_6 = vector.load %arg5[%get3A_4, %get3A_5] : memref<4096x64xf32, #tpu.memory_space<vmem>>, vector<4096x64xf32>
    %convert_element_type3A_7 = arith.truncf %get3A_3 : vector<512x64xf32> to vector<512x64xbf16>
    %convert_element_type3A_8 = arith.truncf %get3A_6 : vector<4096x64xf32> to vector<4096x64xbf16>
    %convert_element_type3A_9 = arith.extf %convert_element_type3A_7 : vector<512x64xbf16> to vector<512x64xf32>
    %sub3A = arith.subf %get3A_3, %convert_element_type3A_9 : vector<512x64xf32>
    %convert_element_type3A_10 = arith.truncf %sub3A : vector<512x64xf32> to vector<512x64xbf16>
    %convert_element_type3A_11 = arith.extf %convert_element_type3A_8 : vector<4096x64xbf16> to vector<4096x64xf32>
    %sub3A_12 = arith.subf %get3A_6, %convert_element_type3A_11 : vector<4096x64xf32>
    %convert_element_type3A_13 = arith.truncf %sub3A_12 : vector<4096x64xf32> to vector<4096x64xbf16>
    %dot_general3A = arith.constant dense<0.000000e+00> : vector<512x4096xf32>
    %dot_general3A_14 = tpu.matmul %convert_element_type3A_7, %convert_element_type3A_8, %dot_general3A {dimension_numbers = #tpu.dot_dimension_numbers<[1], [1], [0], [0], [0, 0, 1, 0], [], []>, transpose_lhs_hint = false} : vector<512x64xbf16>, vector<4096x64xbf16>, vector<512x4096xf32> -> vector<512x4096xf32>
    %dot_general3A_15 = arith.constant dense<0.000000e+00> : vector<512x4096xf32>
    %dot_general3A_16 = tpu.matmul %convert_element_type3A_7, %convert_element_type3A_13, %dot_general3A_15 {dimension_numbers = #tpu.dot_dimension_numbers<[1], [1], [0], [0], [0, 0, 1, 0], [], []>, transpose_lhs_hint = false} : vector<512x64xbf16>, vector<4096x64xbf16>, vector<512x4096xf32> -> vector<512x4096xf32>
    %add3A = arith.addf %dot_general3A_14, %dot_general3A_16 : vector<512x4096xf32>
    %dot_general3A_17 = arith.constant dense<0.000000e+00> : vector<512x4096xf32>
    %dot_general3A_18 = tpu.matmul %convert_element_type3A_10, %convert_element_type3A_8, %dot_general3A_17 {dimension_numbers = #tpu.dot_dimension_numbers<[1], [1], [0], [0], [0, 0, 1, 0], [], []>, transpose_lhs_hint = false} : vector<512x64xbf16>, vector<4096x64xbf16>, vector<512x4096xf32> -> vector<512x4096xf32>
    %add3A_19 = arith.addf %add3A, %dot_general3A_18 : vector<512x4096xf32>
    %get3A_20 = arith.constant 0 : index
    %get3A_21 = arith.constant 0 : index
    %get3A_22 = memref.load %arg7[%get3A_20, %get3A_21] : memref<1x1xf32, #tpu.memory_space<smem>>
    %add3A_23 = vector.broadcast %get3A_22 : f32 to vector<512x4096xf32>
    %add3A_24 = arith.addf %add3A_19, %add3A_23 : vector<512x4096xf32>
    %swap3A = arith.constant 0 : index
    %swap3A_25 = arith.constant 0 : index
    %swap3A_26 = vector.load %arg6[%swap3A, %swap3A_25] : memref<512x4096xf32, #tpu.memory_space<vmem>>, vector<512x4096xf32>
    tpu.vector_store %arg6[%swap3A, %swap3A_25], %add3A_24 {strides = array<i32>} : memref<512x4096xf32, #tpu.memory_space<vmem>>, vector<512x4096xf32>,
    return
  }
  func.func @transform_0(%arg0: i32) -> (i32, i32) {
    %c0_i32 = arith.constant 0 : i32
    %c0_i32_0 = arith.constant 0 : i32
    %c0_i32_1 = arith.constant 0 : i32
    return %c0_i32, %c0_i32_0 : i32, i32
  }
  func.func @transform_1(%arg0: i32) -> (i32, i32) {
    %c0_i32 = arith.constant 0 : i32
    %c0_i32_0 = arith.constant 0 : i32
    %c0_i32_1 = arith.constant 0 : i32
    return %c0_i32, %c0_i32_0 : i32, i32
  }
  func.func @transform_2(%arg0: i32) -> (i32, i32) {
    %c0_i32 = arith.constant 0 : i32
    %c0_i32_0 = arith.constant 0 : i32
    %c0_i32_1 = arith.constant 0 : i32
    return %c0_i32, %c0_i32_0 : i32, i32
  }
  func.func @transform_3(%arg0: i32) -> (i32, i32) {
    %c0_i32 = arith.constant 0 : i32
    %c0_i32_0 = arith.constant 0 : i32
    return %arg0, %c0_i32 : i32, i32
  }
  func.func @transform_4(%arg0: i32) -> (i32, i32) {
    %c0_i32 = arith.constant 0 : i32
    %c0_i32_0 = arith.constant 0 : i32
    %c0_i32_1 = arith.constant 0 : i32
    return %c0_i32, %c0_i32_0 : i32, i32
  }
  func.func @transform_5(%arg0: i32) -> (i32, i32) {
    %c0_i32 = arith.constant 0 : i32
    %c0_i32_0 = arith.constant 0 : i32
    return %arg0, %c0_i32 : i32, i32
  }
}

</mosaic_0001>

<sc_bundles>
// kernel: kernel.4.cloned.1.call-start
scs
__scs_entry_jumppad:
0x0: {  	(pc) =	sbr.rel $0x88, $3  }
0x1: {  	(tag) =	ssettag $0x0;
	lr =	simm.s32 $0x1  }
0x2: {  	[smem:$0x3F9B] =	sst lr;
	_ =	strace $0xD0000000  }
0x3: {  	_ = 	snop  }
0x4: {  	_ = 	snop  }
0x5: {  	_ = 	snop  }
0x6: {  	_ = 	snop  }
0x7: {  	_ = 	snop  }
__scs_overlays_trampoline_lowered:
0x8: {  	[smem:$0x3FAA] =	sst s0  }
0x9: {  	[smem:$0x3FAB] =	sst s1  }
0xa: {  	[smem:$0x3FAC] =	sst s2  }
0xb: {  	[smem:$0x3FAD] =	sst s3  }
0xc: {  	[smem:$0x3FAE] =	sst s4  }
0xd: {  	[smem:$0x3FAF] =	sst s5  }
0xe: {  	[smem:$0x3FB0] =	sst s6  }
0xf: {  	[smem:$0x3FB1] =	sst s7  }
0x10: {  	[smem:$0x3FB2] =	sst s8  }
0x11: {  	[smem:$0x3FB3] =	sst s9;
	s0 =	simm.s32 @!p0 $0x0  }
0x12: {  	s1 =	sld [smem:$0x3F99];
	s0 =	simm.s32 @p0 $0x1  }
0x13: {  	[smem:$0x3FB4] =	sst s0;
	s0 =	simm.s32 @!p1 $0x0  }
0x14: {  	s2 =	sld [smem:$0x3F98];
	s0 =	simm.s32 @p1 $0x1  }
0x15: {  	[smem:$0x3FB5] =	sst s0;
	s0 =	simm.s32 @!p2 $0x0  }
0x16: {  	s3 =	sld [smem:$0x3FDB];
	s0 =	simm.s32 @p2 $0x1  }
0x17: {  	s4 =	simm.s32 $0x1BF5;
	[smem:$0x3FB7] =	sst s0  }
0x18: {  	s0 =	sld [smem:$0x3F9A];
	_ =	swait.ge [sflag:s4], $0x0  }
0x19: {  	s7 =	sld [smem:$0x3F9B]  }
0x1a: {  	s8 =	sadd.s32 $0xFFFFE003, lr  }
0x1b: {  	s9 =	sadd.s32 $0xFFFFFEF7, lr;
	s5 =	simm.s32 $0xFFFFFFFF;
	p2 =	slt.u32 s8, $0xFFFFF086  }
0x1c: {  	p1 =	slt.u32 s9, $0xF7A;
	s5 =	simm.s32 @!p2 $0x0  }
0x1d: {  	s5 =	simm.s32 @p1 $0x1;
	p0 =	seq.s32 s7, s2  }
0x1e: {  	s7 =	smul.u32 @!p0 $0xF7A, s2;
	p2 =	seq.s32 @!p0 s5, $0x0  }
0x1f: {  	s9 =	smul.u32 $0xF7A, s1;
	s8 =	simm.s32 @!p0 $0x1BF5;
	p2 =	por !p2, p0  }
0x20: {  	[sflag:s8] =	ssyncset.s32 @!p0 $0xFFFFF086;
	s6 =	sadd.s32 @!p0 s3, s7;
	s7 =	simm.s32 @!p0 $0x108  }
0x21: {  	s3 =	sadd.s32 s3, s9;
	s6 =	sadd.s32 @!p0 $0x88, s6;
	s7 =	simm.s32 @p2 $0x1082  }
0x22: {  	[simem:s7], [sflag:s8] =	dma.local @!p0 [hbm:s6], $0xF7A  }
0x23: {  	s9 =	sor.u32 $0xD0000000, s2;
	s6 =	simm.s32 $0x108;
	_ =	swait.ge @!p0 [sflag:s8], $0x0  }
0x24: {  	s3 =	sadd.s32 $0x88, s3;
	s6 =	simm.s32 @!p1 $0x1082;
	[sflag:s4] =	ssyncset.s32 $0xFFFFF086  }
0x25: {  	[simem:s6], [sflag:s4] =	dma.local [hbm:s3], $0xF7A  }
0x26: {  	[smem:$0x3F9B] =	sst s1;
	(tag) =	ssettag s2;
	_ =	strace s9  }
0x27: {  	s1 =	sld [smem:$0x3FAB]  }
0x28: {  	s2 =	sld [smem:$0x3FAC]  }
0x29: {  	s4 =	sld [smem:$0x3FAE]  }
0x2a: {  	p0 =	seq.s32 s5, $0x0;
	s5 =	sld [smem:$0x3FAF]  }
0x2b: {  	s6 =	sld [smem:$0x3FB0]  }
0x2c: {  	s7 =	sld [smem:$0x3FB1]  }
0x2d: {  	s3 =	simm.s32 $0x108;
	s8 =	sld [smem:$0x3FB2]  }
0x2e: {  	s3 =	simm.s32 @!p0 $0x1082;
	s9 =	sld [smem:$0x3FB3]  }
0x2f: {  	lr =	sadd.s32 s0, s3;
	s0 =	sld [smem:$0x3FAA]  }
0x30: {  	s3 =	sld [smem:$0x3FAD]  }
0x31: {  	[smem:$0x3FB6] =	sst s10  }
0x32: {  	s10 =	sld [smem:$0x3FB4];
	_ =	sdelay $0x3  }
0x33: {  	p0 =	seq.s32 s10, $0x1;
	s10 =	sld [smem:$0x3FB6];
	_ =	sdelay $0x3  }
0x34: {  	[smem:$0x3FB6] =	sst s10  }
0x35: {  	s10 =	sld [smem:$0x3FB5];
	_ =	sdelay $0x3  }
0x36: {  	p1 =	seq.s32 s10, $0x1;
	s10 =	sld [smem:$0x3FB6];
	_ =	sdelay $0x3  }
0x37: {  	[smem:$0x3FB6] =	sst s10  }
0x38: {  	s10 =	sld [smem:$0x3FB7]  }
0x39: {  	_ = 	snop;
	(pc) =	sbr.ind lr, $3  }
0x3a: {  	_ = 	snop  }
0x3b: {  	_ = 	snop  }
0x3c: {  	p2 =	seq.s32 s10, $0x1;
	s10 =	sld [smem:$0x3FB6]  }
0x3d: {  	_ =	shalt  }
0x3e: {  	_ =	shalt  }
0x3f: {  	_ =	shalt  }
0x40: {  	_ =	shalt  }
0x41: {  	_ =	shalt  }
0x42: {  	_ =	shalt  }
0x43: {  	_ =	shalt  }
0x44: {  	_ =	shalt  }
0x45: {  	_ =	shalt  }
0x46: {  	_ =	shalt  }
0x47: {  	_ =	shalt  }
0x48: {  	_ =	shalt  }
0x49: {  	_ =	shalt  }
0x4a: {  	_ =	shalt  }
0x4b: {  	_ =	shalt  }
0x4c: {  	_ =	shalt  }
0x4d: {  	_ =	shalt  }
0x4e: {  	_ =	shalt  }
0x4f: {  	_ =	shalt  }
0x50: {  	_ =	shalt  }
0x51: {  	_ =	shalt  }
0x52: {  	_ =	shalt  }
0x53: {  	_ =	shalt  }
0x54: {  	_ =	shalt  }
0x55: {  	_ =	shalt  }
0x56: {  	_ =	shalt  }
0x57: {  	_ =	shalt  }
0x58: {  	_ =	shalt  }
0x59: {  	_ =	shalt  }
0x5a: {  	_ =	shalt  }
0x5b: {  	_ =	shalt  }
0x5c: {  	_ =	shalt  }
0x5d: {  	_ =	shalt  }
0x5e: {  	_ =	shalt  }
0x5f: {  	_ =	shalt  }
0x60: {  	_ =	shalt  }
0x61: {  	_ =	shalt  }
0x62: {  	_ =	shalt  }
0x63: {  	_ =	shalt  }
0x64: {  	_ =	shalt  }
0x65: {  	_ =	shalt  }
0x66: {  	_ =	shalt  }
0x67: {  	_ =	shalt  }
0x68: {  	_ =	shalt  }
0x69: {  	_ =	shalt  }
0x6a: {  	_ =	shalt  }
0x6b: {  	_ =	shalt  }
0x6c: {  	_ =	shalt  }
0x6d: {  	_ =	shalt  }
0x6e: {  	_ =	shalt  }
0x6f: {  	_ =	shalt  }
0x70: {  	_ =	shalt  }
0x71: {  	_ =	shalt  }
0x72: {  	_ =	shalt  }
0x73: {  	_ =	shalt  }
0x74: {  	_ =	shalt  }
0x75: {  	_ =	shalt  }
0x76: {  	_ =	shalt  }
0x77: {  	_ =	shalt  }
0x78: {  	_ =	shalt  }
0x79: {  	_ =	shalt  }
0x7a: {  	_ =	shalt  }
0x7b: {  	_ =	shalt  }
0x7c: {  	_ =	shalt  }
0x7d: {  	_ =	shalt  }
0x7e: {  	_ =	shalt  }
0x7f: {  	_ =	shalt  }
0x80: {  	_ =	shalt  }
0x81: {  	_ =	shalt  }
0x82: {  	_ =	shalt  }
0x83: {  	_ =	shalt  }
0x84: {  	_ =	shalt  }
0x85: {  	_ =	shalt  }
0x86: {  	_ =	shalt  }
0x87: {  	_ =	shalt  }
.Lfunc_end0:
.L_simem_size_0:
called_computation_lowered:
.L_overlay_start_0:
0x88: {  	s2 =	sld [smem:$0x3FD9]  }
0x89: {  	s3 =	sld [smem:$0x3FFE];
	_ =	sdelay $0x1  }
0x8a: {  	s1 =	srdreg.scid  }
0x8b: {  	s0 =	sand.u32 $0x1, s1  }
0x8c: {  	s17 =	sshll.u32 s0, $0xA;
	s2 =	sadd.s32 s3, s2  }
0x8d: {  	s2 =	sadd.s32 s2, s17  }
0x8e: {  	[smem:$0x3FC2] =	sst s2  }
0x8f: {  	_ = 	snop  }
0x90: {  	s2 =	sld [smem:$0x3FC9]  }
0x91: {  	s18 =	sld [smem:$0x3FC8]  }
0x92: {  	s4 =	sld [smem:$0x3FD0];
	(tm) =	ssettm $0x1  }
0x93: {  	s5 =	sld [smem:$0x3FFB];
	_ =	sdelay $0x3  }
0x94: {  	_ =	strace s5  }
0x95: {  	s5 =	sld [smem:$0x3FFC];
	_ =	sdelay $0x3  }
0x96: {  	_ =	strace s5  }
0x97: {  	s5 =	sld [smem:$0x3FFD];
	_ =	sdelay $0x3  }
0x98: {  	_ =	strace s5  }
0x99: {  	_ =	strace $0x8FFFFFFF  }
0x9a: {  	s19 =	sld [smem:$0x3FDB];
	_ =	sdelay $0x1  }
0x9b: {  	s6 =	simm.s32 $_scs_section_size  }
0x9c: {  	s7 =	simm.s32 $_size__tile_overlayer_lowered;
	s8 =	simm.s32 $_tile_overlayer_lowered  }
0x9d: {  	s22 =	simm.s32 $0x1BFF;
	s21 =	sshll.u32 s8, $0x1;
	s5 =	sadd.s32 s6, s19  }
0x9e: {  	s9 =	simm.s32 $0x0;
	s20 =	sshll.u32 s7, $0x1;
	s7 =	sadd.s32 s21, s5  }
0x9f: {  	[timem:s9], [sflag:s22] =	dma.local [hbm:s7], s20  }
0xa0: {  	_ =	swait.ge [sflag:s22], s20  }
0xa1: {  	s6 =	ssub.s32 $0x0, s20;
	[sflag:s22] =	ssyncset.done $0x0  }
0xa2: {  	[sflag:s22] =	ssyncadd.s32 s6;
	_ =	sdelay $0x1  }
0xa3: {  	s23 =	simm.s32 $0x1B8B  }
0xa4: {  	_ =	swait.ge [sflag:s23], $0x1  }
0xa5: {  	[sflag:s23] =	ssyncset.done $0x0  }
0xa6: {  	s25 =	simm.s32 $0x1B8E;
	s24 =	sld [smem:$0x3FFE];
	[sflag:s23] =	ssyncadd.s32 $0xFFFFFFFF  }
0xa7: {  	s26 =	simm.s32 $execute0_lowered;
	[smem:$0x3FD2] =	sst s25  }
0xa8: {  	s7 =	sshll.u32 s26, $0x1;
	_ =	strace $0x80000046;
	[dreg:$0x1] =	wrdreg $0xFFFFFFFF  }
0xa9: {  	s28 =	simm.s32 $_size_execute0_lowered;
	s5 =	sadd.s32 s5, s7;
	[dreg:$0x0] =	wrdreg $0x0  }
0xaa: {  	s7 =	sshll.u32 s28, $0x1;
	[dreg:$0x2] =	wrdreg s5  }
0xab: {  	[dreg:$0x3] =	wrdreg s7  }
0xac: {  	[dreg:$0x4] =	wrdreg $0xC0  }
0xad: {  	_ =	task [dreg:s9], $0x5FFFF  }
0xae: {  	[dreg:$0x1] =	wrdreg $0xFFFFFFFF  }
0xaf: {  	[dreg:$0x0] =	wrdreg $0x60  }
0xb0: {  	[dreg:$0x2] =	wrdreg s24  }
0xb1: {  	[dreg:$0x3] =	wrdreg s2  }
0xb2: {  	[dreg:$0x4] =	wrdreg s18  }
0xb3: {  	[dreg:$0x5] =	wrdreg s4  }
0xb4: {  	[dreg:$0x6] =	wrdreg $0x9  }
0xb5: {  	_ =	task.clear_ibuf [dreg:s9], $0x7FFFF;
	_ =	strace $0x90000046  }
0xb6: {  	s29 =	simm.s32 $0x9;
	_ =	strace $0x80000048  }
0xb7: {  	_ =	swait.ge [sflag:s29], $0x1  }
0xb8: {  	[sflag:s29] =	ssyncadd.s32 $0xFFFFFFFF  }
0xb9: {  	_ =	strace $0x90000048  }
0xba: {  	_ =	sfence  }
0xbb: {  	s30 =	sld [smem:$0x0];
	_ =	sdelay $0x2  }
0xbc: {  	s31 =	sshll.u32 s1, $0xD;
	s1 =	sshrl.u32 s1, $0x2  }
0xbd: {  	s3 =	sand.u32 $0x4000, s31;
	s1 =	sadd.s32 s1, s30  }
0xbe: {  	s0 =	sor.u32 s3, s0;
	s1 =	sshll.u32 s1, $0x11  }
0xbf: {  	s0 =	sor.u32 s1, s0  }
0xc0: {  	s0 =	sadd.s32 $0x8F2B, s0  }
0xc1: {  	[sflag:s0] =	ssyncadd.remote.s32 $0x1  }
0xc2: {  	_ =	sfence.sel $0xFFFF  }
0xc3: {  	[dreg:$0x0] =	wrdreg $0xFFFFFFFF;
	(pc) =	sbr.abs _section_cstart, $3  }
0xc4: {  	[dreg:$0x1] =	wrdreg $0xFFFFFFFF  }
0xc5: {  	_ =	task.clear_ibuf [dreg:s9], $0x2FFFF;
	_ =	strace $0x9FFFFFFF  }
0xc6: {  	(tm) =	ssettm $0x7FFFFFFF  }
0xc7: {  	_ =	shalt  }
tec
execute0_lowered:
.L_overlay_start_1:
0x0: {  	(tag) =	ssettag $0x1  }
0x1: {  	s0 =	rddreg [dreg:$0x0]  }
0x2: {  	s1 =	rddreg [dreg:$0x1]  }
0x3: {  	s5 =	rddreg [dreg:$0x2]  }
0x4: {  	s6 =	rddreg [dreg:$0x3];
	s2 =	simm.s32 $0x0  }
0x5: {  	s3 =	srdreg.scid;
	s7 =	stileid.u32;
	s11 =	simm.s32 $0x100  }
0x6: {  	s30 =	simm.s32 $0x4100;
	s13 =	simm.s32 $0x7880;
	s14 =	simm.s32 $0x7900  }
0x7: {  	s15 =	simm.s32 $0x7980;
	s16 =	simm.s32 $0x7A00;
	s17 =	simm.s32 $0x7A80  }
0x8: {  	s18 =	simm.s32 $0x7B00;
	s19 =	simm.s32 $0x7B80;
	s20 =	simm.s32 $0x7C00  }
0x9: {  	s21 =	simm.s32 $0x7C80;
	s22 =	simm.s32 $0x7D00;
	s23 =	simm.s32 $0x7D80  }
0xa: {  	s24 =	simm.s32 $0x7E00;
	s25 =	simm.s32 $0x7E80;
	s26 =	simm.s32 $0x7F00  }
0xb: {  	s28 =	simm.s32 $0x7F80;
	s29 =	simm.s32 $0x8000;
	s31 =	simm.s32 $0x8080  }
0xc: {  	[smem:$0x7FF] =	sst s2;
	s4 =	sand.u32 $0x1, s3;
	s7 =	sshll.u32 s7, $0x8  }
0xd: {  	s3 =	sadd.s32 $0x1400, s0;
	s8 =	sshll.u32 s4, $0x7;
	s4 =	ssub.s32 $0x2, s4  }
0xe: {  	_ =	strace $0x80000047;
	s7 =	sor.u32 s8, s7;
	s9 =	sshrl.u32 s4, $0x1  }
0xf: {  	s8 =	sshll.u32 s7, $0x4;
	s7 =	sshrl.u32 s7, $0x3;
	s9 =	ssub.s32 s4, s9  }
0x10: {  	s0 =	sadd.s32 s8, s0;
	s4 =	sadd.s32 s1, s7;
	s5 =	sadd.s32 s5, s7  }
0x11: {  	s6 =	sadd.s32 s6, s8;
	s8 =	smax.u32 s9, $0x1;
	s9 =	simm.s32 $0x2  }
0x12: {  	s1 =	simm.s32 $0x0;
	s7 =	sadd.s32 $0xF43800, s0;
	s0 =	simm.s32 $0x1  }
.LBB2_1:
0x13: {  	[tilespmem:s2], [sflag:$0x2] =	stream.linear.gather [hbm4b:s4+s2], $0x80, $0x38;
	[tilespmem:$0x8100] =	vst v63  }
0x14: {  	_ =	swait.ge [sflag:s9], $0x80  }
0x15: {  	[sflag:s9] =	ssyncset.done $0x0  }
0x16: {  	s10 =	simm.s32 $0x80;
	[sflag:s9] =	ssyncadd.s32 $0xFFFFFF80  }
0x17: {  	[tilespmem:s10], [sflag:$0x2] =	stream.linear.gather [hbm4b:s5+s2], $0x80, $0x38;
	[tilespmem:$0x8100] =	vst v63  }
0x18: {  	_ =	swait.ge [sflag:s9], $0x80  }
0x19: {  	[sflag:s9] =	ssyncset.done $0x0  }
0x1a: {  	[sflag:s9] =	ssyncadd.s32 $0xFFFFFF80  }
0x1b: {  	v0 =	vld [tilespmem:$0x0];
	_ =	sdelay $0x4  }
0x1c: {  	v0 =	vshll.u32 v0, $0x4  }
0x1d: {  	(v2sf) =	vpush v0, $0x0;
	_ =	sdelay $0x1  }
0x1e: {  	(v2sf) =	vpush v0, $0x1;
	_ =	sdelay $0x4  }
0x1f: {  	(v2sf) =	vpush v0, $0x2;
	_ =	sdelay $0x3  }
0x20: {  	(v2sf) =	vpush v0, $0x3;
	_ =	sdelay $0x3  }
0x21: {  	s12 =	spop (v2sf);
	(v2sf) =	vpush v0, $0x4  }
0x22: {  	s10 =	sand.u32 $0x1FFFFFF0, s12  }
0x23: {  	s12 =	spop (v2sf);
	s10 =	sadd.s32 s3, s10  }
0x24: {  	[tilespmem:s11], [sflag:$0x1] =	stream.linear.gather [hbm4b:s10+s2], $0x80, $0x38;
	[tilespmem:$0x8100] =	vst v63  }
0x25: {  	(v2sf) =	vpush v0, $0x5;
	s10 =	sand.u32 $0x1FFFFFF0, s12  }
0x26: {  	s12 =	simm.s32 $0x180;
	s10 =	sadd.s32 s3, s10  }
0x27: {  	[tilespmem:s12], [sflag:$0x1] =	stream.linear.gather [hbm4b:s10+s2], $0x80, $0x38;
	[tilespmem:$0x8100] =	vst v63  }
0x28: {  	s12 =	spop (v2sf)  }
0x29: {  	(v2sf) =	vpush v0, $0x6;
	s10 =	sand.u32 $0x1FFFFFF0, s12  }
0x2a: {  	s12 =	simm.s32 $0x200;
	s10 =	sadd.s32 s3, s10  }
0x2b: {  	[tilespmem:s12], [sflag:$0x1] =	stream.linear.gather [hbm4b:s10+s2], $0x80, $0x38;
	[tilespmem:$0x8100] =	vst v63  }
0x2c: {  	s12 =	spop (v2sf)  }
0x2d: {  	(v2sf) =	vpush v0, $0x7;
	s10 =	sand.u32 $0x1FFFFFF0, s12  }
0x2e: {  	s12 =	simm.s32 $0x280;
	s10 =	sadd.s32 s3, s10  }
0x2f: {  	[tilespmem:s12], [sflag:$0x1] =	stream.linear.gather [hbm4b:s10+s2], $0x80, $0x38;
	[tilespmem:$0x8100] =	vst v63  }
0x30: {  	s12 =	spop (v2sf)  }
0x31: {  	(v2sf) =	vpush v0, $0x8;
	s10 =	sand.u32 $0x1FFFFFF0, s12  }
0x32: {  	s12 =	simm.s32 $0x300;
	s10 =	sadd.s32 s3, s10  }
0x33: {  	[tilespmem:s12], [sflag:$0x1] =	stream.linear.gather [hbm4b:s10+s2], $0x80, $0x38;
	[tilespmem:$0x8100] =	vst v63  }
0x34: {  	s12 =	spop (v2sf)  }
0x35: {  	(v2sf) =	vpush v0, $0x9;
	s10 =	sand.u32 $0x1FFFFFF0, s12  }
0x36: {  	s12 =	simm.s32 $0x380;
	s10 =	sadd.s32 s3, s10  }
0x37: {  	[tilespmem:s12], [sflag:$0x1] =	stream.linear.gather [hbm4b:s10+s2], $0x80, $0x38;
	[tilespmem:$0x8100] =	vst v63  }
0x38: {  	s12 =	spop (v2sf)  }
0x39: {  	(v2sf) =	vpush v0, $0xA;
	s10 =	sand.u32 $0x1FFFFFF0, s12  }
0x3a: {  	s12 =	simm.s32 $0x400;
	s10 =	sadd.s32 s3, s10  }
0x3b: {  	[tilespmem:s12], [sflag:$0x1] =	stream.linear.gather [hbm4b:s10+s2], $0x80, $0x38;
	[tilespmem:$0x8100] =	vst v63  }
0x3c: {  	s12 =	spop (v2sf)  }
0x3d: {  	(v2sf) =	vpush v0, $0xB;
	s10 =	sand.u32 $0x1FFFFFF0, s12  }
0x3e: {  	s12 =	simm.s32 $0x480;
	s10 =	sadd.s32 s3, s10  }
0x3f: {  	[tilespmem:s12], [sflag:$0x1] =	stream.linear.gather [hbm4b:s10+s2], $0x80, $0x38;
	[tilespmem:$0x8100] =	vst v63  }
0x40: {  	s12 =	spop (v2sf)  }
0x41: {  	(v2sf) =	vpush v0, $0xC;
	s10 =	sand.u32 $0x1FFFFFF0, s12  }
0x42: {  	s12 =	simm.s32 $0x500;
	s10 =	sadd.s32 s3, s10  }
0x43: {  	[tilespmem:s12], [sflag:$0x1] =	stream.linear.gather [hbm4b:s10+s2], $0x80, $0x38;
	[tilespmem:$0x8100] =	vst v63  }
0x44: {  	s12 =	spop (v2sf)  }
0x45: {  	(v2sf) =	vpush v0, $0xD;
	s10 =	sand.u32 $0x1FFFFFF0, s12  }
0x46: {  	s12 =	simm.s32 $0x580;
	s10 =	sadd.s32 s3, s10  }
0x47: {  	[tilespmem:s12], [sflag:$0x1] =	stream.linear.gather [hbm4b:s10+s2], $0x80, $0x38;
	[tilespmem:$0x8100] =	vst v63  }
0x48: {  	s12 =	spop (v2sf)  }
0x49: {  	(v2sf) =	vpush v0, $0xE;
	s10 =	sand.u32 $0x1FFFFFF0, s12  }
0x4a: {  	s12 =	simm.s32 $0x600;
	s10 =	sadd.s32 s3, s10  }
0x4b: {  	[tilespmem:s12], [sflag:$0x1] =	stream.linear.gather [hbm4b:s10+s2], $0x80, $0x38;
	[tilespmem:$0x8100] =	vst v63  }
0x4c: {  	s12 =	spop (v2sf)  }
0x4d: {  	(v2sf) =	vpush v0, $0xF;
	s10 =	sand.u32 $0x1FFFFFF0, s12  }
0x4e: {  	s12 =	simm.s32 $0x680;
	s10 =	sadd.s32 s3, s10  }
0x4f: {  	[tilespmem:s12], [sflag:$0x1] =	stream.linear.gather [hbm4b:s10+s2], $0x80, $0x38;
	[tilespmem:$0x8100] =	vst v63  }
0x50: {  	s12 =	spop (v2sf)  }
0x51: {  	s10 =	sand.u32 $0x1FFFFFF0, s12  }
0x52: {  	s12 =	simm.s32 $0x700;
	s10 =	sadd.s32 s3, s10  }
0x53: {  	[tilespmem:s12], [sflag:$0x1] =	stream.linear.gather [hbm4b:s10+s2], $0x80, $0x38;
	[tilespmem:$0x8100] =	vst v63  }
0x54: {  	s12 =	spop (v2sf)  }
0x55: {  	s10 =	sand.u32 $0x1FFFFFF0, s12  }
0x56: {  	s12 =	simm.s32 $0x780;
	s10 =	sadd.s32 s3, s10  }
0x57: {  	[tilespmem:s12], [sflag:$0x1] =	stream.linear.gather [hbm4b:s10+s2], $0x80, $0x38;
	[tilespmem:$0x8100] =	vst v63  }
0x58: {  	s12 =	spop (v2sf)  }
0x59: {  	s10 =	sand.u32 $0x1FFFFFF0, s12  }
0x5a: {  	s12 =	simm.s32 $0x800;
	s10 =	sadd.s32 s3, s10  }
0x5b: {  	[tilespmem:s12], [sflag:$0x1] =	stream.linear.gather [hbm4b:s10+s2], $0x80, $0x38;
	[tilespmem:$0x8100] =	vst v63  }
0x5c: {  	s12 =	spop (v2sf)  }
0x5d: {  	s10 =	sand.u32 $0x1FFFFFF0, s12  }
0x5e: {  	s12 =	simm.s32 $0x880;
	s10 =	sadd.s32 s3, s10  }
0x5f: {  	[tilespmem:s12], [sflag:$0x1] =	stream.linear.gather [hbm4b:s10+s2], $0x80, $0x38;
	[tilespmem:$0x8100] =	vst v63  }
0x60: {  	v49 =	vld [tilespmem:$0x10];
	_ =	sdelay $0x4  }
0x61: {  	v0 =	vshll.u32 v49, $0x4  }
0x62: {  	(v2sf) =	vpush v0, $0x0;
	_ =	sdelay $0x3  }
0x63: {  	(v2sf) =	vpush v0, $0x1;
	_ =	sdelay $0x3  }
0x64: {  	(v2sf) =	vpush v0, $0x2;
	_ =	sdelay $0x3  }
0x65: {  	(v2sf) =	vpush v0, $0x3;
	_ =	sdelay $0x2  }
0x66: {  	s12 =	spop (v2sf)  }
0x67: {  	(v2sf) =	vpush v0, $0x4;
	s10 =	sand.u32 $0x1FFFFFF0, s12  }
0x68: {  	s12 =	simm.s32 $0x900;
	s10 =	sadd.s32 s3, s10  }
0x69: {  	[tilespmem:s12], [sflag:$0x1] =	stream.linear.gather [hbm4b:s10+s2], $0x80, $0x38;
	[tilespmem:$0x8100] =	vst v63  }
0x6a: {  	s12 =	spop (v2sf)  }
0x6b: {  	(v2sf) =	vpush v0, $0x5;
	s10 =	sand.u32 $0x1FFFFFF0, s12  }
0x6c: {  	s12 =	simm.s32 $0x980;
	s10 =	sadd.s32 s3, s10  }
0x6d: {  	[tilespmem:s12], [sflag:$0x1] =	stream.linear.gather [hbm4b:s10+s2], $0x80, $0x38;
	[tilespmem:$0x8100] =	vst v63  }
0x6e: {  	s12 =	spop (v2sf)  }
0x6f: {  	(v2sf) =	vpush v0, $0x6;
	s10 =	sand.u32 $0x1FFFFFF0, s12  }
0x70: {  	s12 =	simm.s32 $0xA00;
	s10 =	sadd.s32 s3, s10  }
0x71: {  	[tilespmem:s12], [sflag:$0x1] =	stream.linear.gather [hbm4b:s10+s2], $0x80, $0x38;
	[tilespmem:$0x8100] =	vst v63  }
0x72: {  	s12 =	spop (v2sf)  }
0x73: {  	(v2sf) =	vpush v0, $0x7;
	s10 =	sand.u32 $0x1FFFFFF0, s12  }
0x74: {  	s12 =	simm.s32 $0xA80;
	s10 =	sadd.s32 s3, s10  }
0x75: {  	[tilespmem:s12], [sflag:$0x1] =	stream.linear.gather [hbm4b:s10+s2], $0x80, $0x38;
	[tilespmem:$0x8100] =	vst v63  }
0x76: {  	s12 =	spop (v2sf)  }
0x77: {  	(v2sf) =	vpush v0, $0x8;
	s10 =	sand.u32 $0x1FFFFFF0, s12  }
0x78: {  	s12 =	simm.s32 $0xB00;
	s10 =	sadd.s32 s3, s10  }
0x79: {  	[tilespmem:s12], [sflag:$0x1] =	stream.linear.gather [hbm4b:s10+s2], $0x80, $0x38;
	[tilespmem:$0x8100] =	vst v63  }
0x7a: {  	s12 =	spop (v2sf)  }
0x7b: {  	(v2sf) =	vpush v0, $0x9;
	s10 =	sand.u32 $0x1FFFFFF0, s12  }
0x7c: {  	s12 =	simm.s32 $0xB80;
	s10 =	sadd.s32 s3, s10  }
0x7d: {  	[tilespmem:s12], [sflag:$0x1] =	stream.linear.gather [hbm4b:s10+s2], $0x80, $0x38;
	[tilespmem:$0x8100] =	vst v63  }
0x7e: {  	s12 =	spop (v2sf)  }
0x7f: {  	(v2sf) =	vpush v0, $0xA;
	s10 =	sand.u32 $0x1FFFFFF0, s12  }
0x80: {  	s12 =	simm.s32 $0xC00;
	s10 =	sadd.s32 s3, s10  }
0x81: {  	[tilespmem:s12], [sflag:$0x1] =	stream.linear.gather [hbm4b:s10+s2], $0x80, $0x38;
	[tilespmem:$0x8100] =	vst v63  }
0x82: {  	s12 =	spop (v2sf)  }
0x83: {  	(v2sf) =	vpush v0, $0xB;
	s10 =	sand.u32 $0x1FFFFFF0, s12  }
0x84: {  	s12 =	simm.s32 $0xC80;
	s10 =	sadd.s32 s3, s10  }
0x85: {  	[tilespmem:s12], [sflag:$0x1] =	stream.linear.gather [hbm4b:s10+s2], $0x80, $0x38;
	[tilespmem:$0x8100] =	vst v63  }
0x86: {  	s12 =	spop (v2sf)  }
0x87: {  	(v2sf) =	vpush v0, $0xC;
	s10 =	sand.u32 $0x1FFFFFF0, s12  }
0x88: {  	s12 =	simm.s32 $0xD00;
	s10 =	sadd.s32 s3, s10  }
0x89: {  	[tilespmem:s12], [sflag:$0x1] =	stream.linear.gather [hbm4b:s10+s2], $0x80, $0x38;
	[tilespmem:$0x8100] =	vst v63  }
0x8a: {  	s12 =	spop (v2sf)  }
0x8b: {  	(v2sf) =	vpush v0, $0xD;
	s10 =	sand.u32 $0x1FFFFFF0, s12  }
0x8c: {  	s12 =	simm.s32 $0xD80;
	s10 =	sadd.s32 s3, s10  }
0x8d: {  	[tilespmem:s12], [sflag:$0x1] =	stream.linear.gather [hbm4b:s10+s2], $0x80, $0x38;
	[tilespmem:$0x8100] =	vst v63  }
0x8e: {  	s12 =	spop (v2sf)  }
0x8f: {  	(v2sf) =	vpush v0, $0xE;
	s10 =	sand.u32 $0x1FFFFFF0, s12  }
0x90: {  	s12 =	simm.s32 $0xE00;
	s10 =	sadd.s32 s3, s10  }
0x91: {  	[tilespmem:s12], [sflag:$0x1] =	stream.linear.gather [hbm4b:s10+s2], $0x80, $0x38;
	[tilespmem:$0x8100] =	vst v63  }
0x92: {  	s12 =	spop (v2sf)  }
0x93: {  	(v2sf) =	vpush v0, $0xF;
	s10 =	sand.u32 $0x1FFFFFF0, s12  }
0x94: {  	s12 =	simm.s32 $0xE80;
	s10 =	sadd.s32 s3, s10  }
0x95: {  	[tilespmem:s12], [sflag:$0x1] =	stream.linear.gather [hbm4b:s10+s2], $0x80, $0x38;
	[tilespmem:$0x8100] =	vst v63  }
0x96: {  	s12 =	spop (v2sf)  }
0x97: {  	s10 =	sand.u32 $0x1FFFFFF0, s12  }
0x98: {  	s12 =	simm.s32 $0xF00;
	s10 =	sadd.s32 s3, s10  }
0x99: {  	[tilespmem:s12], [sflag:$0x1] =	stream.linear.gather [hbm4b:s10+s2], $0x80, $0x38;
	[tilespmem:$0x8100] =	vst v63  }
0x9a: {  	s12 =	spop (v2sf)  }
0x9b: {  	s10 =	sand.u32 $0x1FFFFFF0, s12  }
0x9c: {  	s12 =	simm.s32 $0xF80;
	s10 =	sadd.s32 s3, s10  }
0x9d: {  	[tilespmem:s12], [sflag:$0x1] =	stream.linear.gather [hbm4b:s10+s2], $0x80, $0x38;
	[tilespmem:$0x8100] =	vst v63  }
0x9e: {  	s12 =	spop (v2sf)  }
0x9f: {  	s10 =	sand.u32 $0x1FFFFFF0, s12  }
0xa0: {  	s12 =	simm.s32 $0x1000;
	s10 =	sadd.s32 s3, s10  }
0xa1: {  	[tilespmem:s12], [sflag:$0x1] =	stream.linear.gather [hbm4b:s10+s2], $0x80, $0x38;
	[tilespmem:$0x8100] =	vst v63  }
0xa2: {  	s12 =	spop (v2sf)  }
0xa3: {  	s10 =	sand.u32 $0x1FFFFFF0, s12  }
0xa4: {  	s12 =	simm.s32 $0x1080;
	s10 =	sadd.s32 s3, s10  }
0xa5: {  	[tilespmem:s12], [sflag:$0x1] =	stream.linear.gather [hbm4b:s10+s2], $0x80, $0x38;
	[tilespmem:$0x8100] =	vst v63  }
0xa6: {  	v50 =	vld [tilespmem:$0x20];
	_ =	sdelay $0x4  }
0xa7: {  	v0 =	vshll.u32 v50, $0x4  }
0xa8: {  	(v2sf) =	vpush v0, $0x0;
	_ =	sdelay $0x3  }
0xa9: {  	(v2sf) =	vpush v0, $0x1;
	_ =	sdelay $0x3  }
0xaa: {  	(v2sf) =	vpush v0, $0x2;
	_ =	sdelay $0x3  }
0xab: {  	(v2sf) =	vpush v0, $0x3;
	_ =	sdelay $0x2  }
0xac: {  	s12 =	spop (v2sf)  }
0xad: {  	(v2sf) =	vpush v0, $0x4;
	s10 =	sand.u32 $0x1FFFFFF0, s12  }
0xae: {  	s12 =	simm.s32 $0x1100;
	s10 =	sadd.s32 s3, s10  }
0xaf: {  	[tilespmem:s12], [sflag:$0x1] =	stream.linear.gather [hbm4b:s10+s2], $0x80, $0x38;
	[tilespmem:$0x8100] =	vst v63  }
0xb0: {  	s12 =	spop (v2sf)  }
0xb1: {  	(v2sf) =	vpush v0, $0x5;
	s10 =	sand.u32 $0x1FFFFFF0, s12  }
0xb2: {  	s12 =	simm.s32 $0x1180;
	s10 =	sadd.s32 s3, s10  }
0xb3: {  	[tilespmem:s12], [sflag:$0x1] =	stream.linear.gather [hbm4b:s10+s2], $0x80, $0x38;
	[tilespmem:$0x8100] =	vst v63  }
0xb4: {  	s12 =	spop (v2sf)  }
0xb5: {  	(v2sf) =	vpush v0, $0x6;
	s10 =	sand.u32 $0x1FFFFFF0, s12  }
0xb6: {  	s12 =	simm.s32 $0x1200;
	s10 =	sadd.s32 s3, s10  }
0xb7: {  	[tilespmem:s12], [sflag:$0x1] =	stream.linear.gather [hbm4b:s10+s2], $0x80, $0x38;
	[tilespmem:$0x8100] =	vst v63  }
0xb8: {  	s12 =	spop (v2sf)  }
0xb9: {  	(v2sf) =	vpush v0, $0x7;
	s10 =	sand.u32 $0x1FFFFFF0, s12  }
0xba: {  	s12 =	simm.s32 $0x1280;
	s10 =	sadd.s32 s3, s10  }
0xbb: {  	[tilespmem:s12], [sflag:$0x1] =	stream.linear.gather [hbm4b:s10+s2], $0x80, $0x38;
	[tilespmem:$0x8100] =	vst v63  }
0xbc: {  	s12 =	spop (v2sf)  }
0xbd: {  	(v2sf) =	vpush v0, $0x8;
	s10 =	sand.u32 $0x1FFFFFF0, s12  }
0xbe: {  	s12 =	simm.s32 $0x1300;
	s10 =	sadd.s32 s3, s10  }
0xbf: {  	[tilespmem:s12], [sflag:$0x1] =	stream.linear.gather [hbm4b:s10+s2], $0x80, $0x38;
	[tilespmem:$0x8100] =	vst v63  }
0xc0: {  	s12 =	spop (v2sf)  }
0xc1: {  	(v2sf) =	vpush v0, $0x9;
	s10 =	sand.u32 $0x1FFFFFF0, s12  }
0xc2: {  	s12 =	simm.s32 $0x1380;
	s10 =	sadd.s32 s3, s10  }
0xc3: {  	[tilespmem:s12], [sflag:$0x1] =	stream.linear.gather [hbm4b:s10+s2], $0x80, $0x38;
	[tilespmem:$0x8100] =	vst v63  }
0xc4: {  	s12 =	spop (v2sf)  }
0xc5: {  	(v2sf) =	vpush v0, $0xA;
	s10 =	sand.u32 $0x1FFFFFF0, s12  }
0xc6: {  	s12 =	simm.s32 $0x1400;
	s10 =	sadd.s32 s3, s10  }
0xc7: {  	[tilespmem:s12], [sflag:$0x1] =	stream.linear.gather [hbm4b:s10+s2], $0x80, $0x38;
	[tilespmem:$0x8100] =	vst v63  }
0xc8: {  	s12 =	spop (v2sf)  }
0xc9: {  	(v2sf) =	vpush v0, $0xB;
	s10 =	sand.u32 $0x1FFFFFF0, s12  }
0xca: {  	s12 =	simm.s32 $0x1480;
	s10 =	sadd.s32 s3, s10  }
0xcb: {  	[tilespmem:s12], [sflag:$0x1] =	stream.linear.gather [hbm4b:s10+s2], $0x80, $0x38;
	[tilespmem:$0x8100] =	vst v63  }
0xcc: {  	s12 =	spop (v2sf)  }
0xcd: {  	(v2sf) =	vpush v0, $0xC;
	s10 =	sand.u32 $0x1FFFFFF0, s12  }
0xce: {  	s12 =	simm.s32 $0x1500;
	s10 =	sadd.s32 s3, s10  }
0xcf: {  	[tilespmem:s12], [sflag:$0x1] =	stream.linear.gather [hbm4b:s10+s2], $0x80, $0x38;
	[tilespmem:$0x8100] =	vst v63  }
0xd0: {  	s12 =	spop (v2sf)  }
0xd1: {  	(v2sf) =	vpush v0, $0xD;
	s10 =	sand.u32 $0x1FFFFFF0, s12  }
0xd2: {  	s12 =	simm.s32 $0x1580;
	s10 =	sadd.s32 s3, s10  }
0xd3: {  	[tilespmem:s12], [sflag:$0x1] =	stream.linear.gather [hbm4b:s10+s2], $0x80, $0x38;
	[tilespmem:$0x8100] =	vst v63  }
0xd4: {  	s12 =	spop (v2sf)  }
0xd5: {  	(v2sf) =	vpush v0, $0xE;
	s10 =	sand.u32 $0x1FFFFFF0, s12  }
0xd6: {  	s12 =	simm.s32 $0x1600;
	s10 =	sadd.s32 s3, s10  }
0xd7: {  	[tilespmem:s12], [sflag:$0x1] =	stream.linear.gather [hbm4b:s10+s2], $0x80, $0x38;
	[tilespmem:$0x8100] =	vst v63  }
0xd8: {  	s12 =	spop (v2sf)  }
0xd9: {  	(v2sf) =	vpush v0, $0xF;
	s10 =	sand.u32 $0x1FFFFFF0, s12  }
0xda: {  	s12 =	simm.s32 $0x1680;
	s10 =	sadd.s32 s3, s10  }
0xdb: {  	[tilespmem:s12], [sflag:$0x1] =	stream.linear.gather [hbm4b:s10+s2], $0x80, $0x38;
	[tilespmem:$0x8100] =	vst v63  }
0xdc: {  	s12 =	spop (v2sf)  }
0xdd: {  	s10 =	sand.u32 $0x1FFFFFF0, s12  }
0xde: {  	s12 =	simm.s32 $0x1700;
	s10 =	sadd.s32 s3, s10  }
0xdf: {  	[tilespmem:s12], [sflag:$0x1] =	stream.linear.gather [hbm4b:s10+s2], $0x80, $0x38;
	[tilespmem:$0x8100] =	vst v63  }
0xe0: {  	s12 =	spop (v2sf)  }
0xe1: {  	s10 =	sand.u32 $0x1FFFFFF0, s12  }
0xe2: {  	s12 =	simm.s32 $0x1780;
	s10 =	sadd.s32 s3, s10  }
0xe3: {  	[tilespmem:s12], [sflag:$0x1] =	stream.linear.gather [hbm4b:s10+s2], $0x80, $0x38;
	[tilespmem:$0x8100] =	vst v63  }
0xe4: {  	s12 =	spop (v2sf)  }
0xe5: {  	s10 =	sand.u32 $0x1FFFFFF0, s12  }
0xe6: {  	s12 =	simm.s32 $0x1800;
	s10 =	sadd.s32 s3, s10  }
0xe7: {  	[tilespmem:s12], [sflag:$0x1] =	stream.linear.gather [hbm4b:s10+s2], $0x80, $0x38;
	[tilespmem:$0x8100] =	vst v63  }
0xe8: {  	s12 =	spop (v2sf)  }
0xe9: {  	s10 =	sand.u32 $0x1FFFFFF0, s12  }
0xea: {  	s12 =	simm.s32 $0x1880;
	s10 =	sadd.s32 s3, s10  }
0xeb: {  	[tilespmem:s12], [sflag:$0x1] =	stream.linear.gather [hbm4b:s10+s2], $0x80, $0x38;
	[tilespmem:$0x8100] =	vst v63  }
0xec: {  	v51 =	vld [tilespmem:$0x30];
	_ =	sdelay $0x4  }
0xed: {  	v0 =	vshll.u32 v51, $0x4  }
0xee: {  	(v2sf) =	vpush v0, $0x0;
	_ =	sdelay $0x3  }
0xef: {  	(v2sf) =	vpush v0, $0x1;
	_ =	sdelay $0x3  }
0xf0: {  	(v2sf) =	vpush v0, $0x2;
	_ =	sdelay $0x3  }
0xf1: {  	(v2sf) =	vpush v0, $0x3;
	_ =	sdelay $0x2  }
0xf2: {  	s12 =	spop (v2sf)  }
0xf3: {  	(v2sf) =	vpush v0, $0x4;
	s10 =	sand.u32 $0x1FFFFFF0, s12  }
0xf4: {  	s12 =	simm.s32 $0x1900;
	s10 =	sadd.s32 s3, s10  }
0xf5: {  	[tilespmem:s12], [sflag:$0x1] =	stream.linear.gather [hbm4b:s10+s2], $0x80, $0x38;
	[tilespmem:$0x8100] =	vst v63  }
0xf6: {  	s12 =	spop (v2sf)  }
0xf7: {  	(v2sf) =	vpush v0, $0x5;
	s10 =	sand.u32 $0x1FFFFFF0, s12  }
0xf8: {  	s12 =	simm.s32 $0x1980;
	s10 =	sadd.s32 s3, s10  }
0xf9: {  	[tilespmem:s12], [sflag:$0x1] =	stream.linear.gather [hbm4b:s10+s2], $0x80, $0x38;
	[tilespmem:$0x8100] =	vst v63  }
0xfa: {  	s12 =	spop (v2sf)  }
0xfb: {  	(v2sf) =	vpush v0, $0x6;
	s10 =	sand.u32 $0x1FFFFFF0, s12  }
0xfc: {  	s12 =	simm.s32 $0x1A00;
	s10 =	sadd.s32 s3, s10  }
0xfd: {  	[tilespmem:s12], [sflag:$0x1] =	stream.linear.gather [hbm4b:s10+s2], $0x80, $0x38;
	[tilespmem:$0x8100] =	vst v63  }
0xfe: {  	s12 =	spop (v2sf)  }
0xff: {  	(v2sf) =	vpush v0, $0x7;
	s10 =	sand.u32 $0x1FFFFFF0, s12  }
0x100: {  	s12 =	simm.s32 $0x1A80;
	s10 =	sadd.s32 s3, s10  }
0x101: {  	[tilespmem:s12], [sflag:$0x1] =	stream.linear.gather [hbm4b:s10+s2], $0x80, $0x38;
	[tilespmem:$0x8100] =	vst v63  }
0x102: {  	s12 =	spop (v2sf)  }
0x103: {  	(v2sf) =	vpush v0, $0x8;
	s10 =	sand.u32 $0x1FFFFFF0, s12  }
0x104: {  	s12 =	simm.s32 $0x1B00;
	s10 =	sadd.s32 s3, s10  }
0x105: {  	[tilespmem:s12], [sflag:$0x1] =	stream.linear.gather [hbm4b:s10+s2], $0x80, $0x38;
	[tilespmem:$0x8100] =	vst v63  }
0x106: {  	s12 =	spop (v2sf)  }
0x107: {  	(v2sf) =	vpush v0, $0x9;
	s10 =	sand.u32 $0x1FFFFFF0, s12  }
0x108: {  	s12 =	simm.s32 $0x1B80;
	s10 =	sadd.s32 s3, s10  }
0x109: {  	[tilespmem:s12], [sflag:$0x1] =	stream.linear.gather [hbm4b:s10+s2], $0x80, $0x38;
	[tilespmem:$0x8100] =	vst v63  }
0x10a: {  	s12 =	spop (v2sf)  }
0x10b: {  	(v2sf) =	vpush v0, $0xA;
	s10 =	sand.u32 $0x1FFFFFF0, s12  }
0x10c: {  	s12 =	simm.s32 $0x1C00;
	s10 =	sadd.s32 s3, s10  }
0x10d: {  	[tilespmem:s12], [sflag:$0x1] =	stream.linear.gather [hbm4b:s10+s2], $0x80, $0x38;
	[tilespmem:$0x8100] =	vst v63  }
0x10e: {  	s12 =	spop (v2sf)  }
0x10f: {  	(v2sf) =	vpush v0, $0xB;
	s10 =	sand.u32 $0x1FFFFFF0, s12  }
0x110: {  	s12 =	simm.s32 $0x1C80;
	s10 =	sadd.s32 s3, s10  }
0x111: {  	[tilespmem:s12], [sflag:$0x1] =	stream.linear.gather [hbm4b:s10+s2], $0x80, $0x38;
	[tilespmem:$0x8100] =	vst v63  }
0x112: {  	s12 =	spop (v2sf)  }
0x113: {  	(v2sf) =	vpush v0, $0xC;
	s10 =	sand.u32 $0x1FFFFFF0, s12  }
0x114: {  	s12 =	simm.s32 $0x1D00;
	s10 =	sadd.s32 s3, s10  }
0x115: {  	[tilespmem:s12], [sflag:$0x1] =	stream.linear.gather [hbm4b:s10+s2], $0x80, $0x38;
	[tilespmem:$0x8100] =	vst v63  }
0x116: {  	s12 =	spop (v2sf)  }
0x117: {  	(v2sf) =	vpush v0, $0xD;
	s10 =	sand.u32 $0x1FFFFFF0, s12  }
0x118: {  	s12 =	simm.s32 $0x1D80;
	s10 =	sadd.s32 s3, s10  }
0x119: {  	[tilespmem:s12], [sflag:$0x1] =	stream.linear.gather [hbm4b:s10+s2], $0x80, $0x38;
	[tilespmem:$0x8100] =	vst v63  }
0x11a: {  	s12 =	spop (v2sf)  }
0x11b: {  	(v2sf) =	vpush v0, $0xE;
	s10 =	sand.u32 $0x1FFFFFF0, s12  }
0x11c: {  	s12 =	simm.s32 $0x1E00;
	s10 =	sadd.s32 s3, s10  }
0x11d: {  	[tilespmem:s12], [sflag:$0x1] =	stream.linear.gather [hbm4b:s10+s2], $0x80, $0x38;
	[tilespmem:$0x8100] =	vst v63  }
0x11e: {  	s12 =	spop (v2sf)  }
0x11f: {  	(v2sf) =	vpush v0, $0xF;
	s10 =	sand.u32 $0x1FFFFFF0, s12  }
0x120: {  	s12 =	simm.s32 $0x1E80;
	s10 =	sadd.s32 s3, s10  }
0x121: {  	[tilespmem:s12], [sflag:$0x1] =	stream.linear.gather [hbm4b:s10+s2], $0x80, $0x38;
	[tilespmem:$0x8100] =	vst v63  }
0x122: {  	s12 =	spop (v2sf)  }
0x123: {  	s10 =	sand.u32 $0x1FFFFFF0, s12  }
0x124: {  	s12 =	simm.s32 $0x1F00;
	s10 =	sadd.s32 s3, s10  }
0x125: {  	[tilespmem:s12], [sflag:$0x1] =	stream.linear.gather [hbm4b:s10+s2], $0x80, $0x38;
	[tilespmem:$0x8100] =	vst v63  }
0x126: {  	s12 =	spop (v2sf)  }
0x127: {  	s10 =	sand.u32 $0x1FFFFFF0, s12  }
0x128: {  	s12 =	simm.s32 $0x1F80;
	s10 =	sadd.s32 s3, s10  }
0x129: {  	[tilespmem:s12], [sflag:$0x1] =	stream.linear.gather [hbm4b:s10+s2], $0x80, $0x38;
	[tilespmem:$0x8100] =	vst v63  }
0x12a: {  	s12 =	spop (v2sf)  }
0x12b: {  	s10 =	sand.u32 $0x1FFFFFF0, s12  }
0x12c: {  	s12 =	simm.s32 $0x2000;
	s10 =	sadd.s32 s3, s10  }
0x12d: {  	[tilespmem:s12], [sflag:$0x1] =	stream.linear.gather [hbm4b:s10+s2], $0x80, $0x38;
	[tilespmem:$0x8100] =	vst v63  }
0x12e: {  	s12 =	spop (v2sf)  }
0x12f: {  	s10 =	sand.u32 $0x1FFFFFF0, s12  }
0x130: {  	s12 =	simm.s32 $0x2080;
	s10 =	sadd.s32 s3, s10  }
0x131: {  	[tilespmem:s12], [sflag:$0x1] =	stream.linear.gather [hbm4b:s10+s2], $0x80, $0x38;
	[tilespmem:$0x8100] =	vst v63  }
0x132: {  	v52 =	vld [tilespmem:$0x40];
	_ =	sdelay $0x4  }
0x133: {  	v0 =	vshll.u32 v52, $0x4  }
0x134: {  	(v2sf) =	vpush v0, $0x0;
	_ =	sdelay $0x3  }
0x135: {  	(v2sf) =	vpush v0, $0x1;
	_ =	sdelay $0x3  }
0x136: {  	(v2sf) =	vpush v0, $0x2;
	_ =	sdelay $0x3  }
0x137: {  	(v2sf) =	vpush v0, $0x3;
	_ =	sdelay $0x2  }
0x138: {  	s12 =	spop (v2sf)  }
0x139: {  	(v2sf) =	vpush v0, $0x4;
	s10 =	sand.u32 $0x1FFFFFF0, s12  }
0x13a: {  	s12 =	simm.s32 $0x2100;
	s10 =	sadd.s32 s3, s10  }
0x13b: {  	[tilespmem:s12], [sflag:$0x1] =	stream.linear.gather [hbm4b:s10+s2], $0x80, $0x38;
	[tilespmem:$0x8100] =	vst v63  }
0x13c: {  	s12 =	spop (v2sf)  }
0x13d: {  	(v2sf) =	vpush v0, $0x5;
	s10 =	sand.u32 $0x1FFFFFF0, s12  }
0x13e: {  	s12 =	simm.s32 $0x2180;
	s10 =	sadd.s32 s3, s10  }
0x13f: {  	[tilespmem:s12], [sflag:$0x1] =	stream.linear.gather [hbm4b:s10+s2], $0x80, $0x38;
	[tilespmem:$0x8100] =	vst v63  }
0x140: {  	s12 =	spop (v2sf)  }
0x141: {  	(v2sf) =	vpush v0, $0x6;
	s10 =	sand.u32 $0x1FFFFFF0, s12  }
0x142: {  	s12 =	simm.s32 $0x2200;
	s10 =	sadd.s32 s3, s10  }
0x143: {  	[tilespmem:s12], [sflag:$0x1] =	stream.linear.gather [hbm4b:s10+s2], $0x80, $0x38;
	[tilespmem:$0x8100] =	vst v63  }
0x144: {  	s12 =	spop (v2sf)  }
0x145: {  	(v2sf) =	vpush v0, $0x7;
	s10 =	sand.u32 $0x1FFFFFF0, s12  }
0x146: {  	s12 =	simm.s32 $0x2280;
	s10 =	sadd.s32 s3, s10  }
0x147: {  	[tilespmem:s12], [sflag:$0x1] =	stream.linear.gather [hbm4b:s10+s2], $0x80, $0x38;
	[tilespmem:$0x8100] =	vst v63  }
0x148: {  	s12 =	spop (v2sf)  }
0x149: {  	(v2sf) =	vpush v0, $0x8;
	s10 =	sand.u32 $0x1FFFFFF0, s12  }
0x14a: {  	s12 =	simm.s32 $0x2300;
	s10 =	sadd.s32 s3, s10  }
0x14b: {  	[tilespmem:s12], [sflag:$0x1] =	stream.linear.gather [hbm4b:s10+s2], $0x80, $0x38;
	[tilespmem:$0x8100] =	vst v63  }
0x14c: {  	s12 =	spop (v2sf)  }
0x14d: {  	(v2sf) =	vpush v0, $0x9;
	s10 =	sand.u32 $0x1FFFFFF0, s12  }
0x14e: {  	s12 =	simm.s32 $0x2380;
	s10 =	sadd.s32 s3, s10  }
0x14f: {  	[tilespmem:s12], [sflag:$0x1] =	stream.linear.gather [hbm4b:s10+s2], $0x80, $0x38;
	[tilespmem:$0x8100] =	vst v63  }
0x150: {  	s12 =	spop (v2sf)  }
0x151: {  	(v2sf) =	vpush v0, $0xA;
	s10 =	sand.u32 $0x1FFFFFF0, s12  }
0x152: {  	s12 =	simm.s32 $0x2400;
	s10 =	sadd.s32 s3, s10  }
0x153: {  	[tilespmem:s12], [sflag:$0x1] =	stream.linear.gather [hbm4b:s10+s2], $0x80, $0x38;
	[tilespmem:$0x8100] =	vst v63  }
0x154: {  	s12 =	spop (v2sf)  }
0x155: {  	(v2sf) =	vpush v0, $0xB;
	s10 =	sand.u32 $0x1FFFFFF0, s12  }
0x156: {  	s12 =	simm.s32 $0x2480;
	s10 =	sadd.s32 s3, s10  }
0x157: {  	[tilespmem:s12], [sflag:$0x1] =	stream.linear.gather [hbm4b:s10+s2], $0x80, $0x38;
	[tilespmem:$0x8100] =	vst v63  }
0x158: {  	s12 =	spop (v2sf)  }
0x159: {  	(v2sf) =	vpush v0, $0xC;
	s10 =	sand.u32 $0x1FFFFFF0, s12  }
0x15a: {  	s12 =	simm.s32 $0x2500;
	s10 =	sadd.s32 s3, s10  }
0x15b: {  	[tilespmem:s12], [sflag:$0x1] =	stream.linear.gather [hbm4b:s10+s2], $0x80, $0x38;
	[tilespmem:$0x8100] =	vst v63  }
0x15c: {  	s12 =	spop (v2sf)  }
0x15d: {  	(v2sf) =	vpush v0, $0xD;
	s10 =	sand.u32 $0x1FFFFFF0, s12  }
0x15e: {  	s12 =	simm.s32 $0x2580;
	s10 =	sadd.s32 s3, s10  }
0x15f: {  	[tilespmem:s12], [sflag:$0x1] =	stream.linear.gather [hbm4b:s10+s2], $0x80, $0x38;
	[tilespmem:$0x8100] =	vst v63  }
0x160: {  	s12 =	spop (v2sf)  }
0x161: {  	(v2sf) =	vpush v0, $0xE;
	s10 =	sand.u32 $0x1FFFFFF0, s12  }
0x162: {  	s12 =	simm.s32 $0x2600;
	s10 =	sadd.s32 s3, s10  }
0x163: {  	[tilespmem:s12], [sflag:$0x1] =	stream.linear.gather [hbm4b:s10+s2], $0x80, $0x38;
	[tilespmem:$0x8100] =	vst v63  }
0x164: {  	s12 =	spop (v2sf)  }
0x165: {  	(v2sf) =	vpush v0, $0xF;
	s10 =	sand.u32 $0x1FFFFFF0, s12  }
0x166: {  	s12 =	simm.s32 $0x2680;
	s10 =	sadd.s32 s3, s10  }
0x167: {  	[tilespmem:s12], [sflag:$0x1] =	stream.linear.gather [hbm4b:s10+s2], $0x80, $0x38;
	[tilespmem:$0x8100] =	vst v63  }
0x168: {  	s12 =	spop (v2sf)  }
0x169: {  	s10 =	sand.u32 $0x1FFFFFF0, s12  }
0x16a: {  	s12 =	simm.s32 $0x2700;
	s10 =	sadd.s32 s3, s10  }
0x16b: {  	[tilespmem:s12], [sflag:$0x1] =	stream.linear.gather [hbm4b:s10+s2], $0x80, $0x38;
	[tilespmem:$0x8100] =	vst v63  }
0x16c: {  	s12 =	spop (v2sf)  }
0x16d: {  	s10 =	sand.u32 $0x1FFFFFF0, s12  }
0x16e: {  	s12 =	simm.s32 $0x2780;
	s10 =	sadd.s32 s3, s10  }
0x16f: {  	[tilespmem:s12], [sflag:$0x1] =	stream.linear.gather [hbm4b:s10+s2], $0x80, $0x38;
	[tilespmem:$0x8100] =	vst v63  }
0x170: {  	s12 =	spop (v2sf)  }
0x171: {  	s10 =	sand.u32 $0x1FFFFFF0, s12  }
0x172: {  	s12 =	simm.s32 $0x2800;
	s10 =	sadd.s32 s3, s10  }
0x173: {  	[tilespmem:s12], [sflag:$0x1] =	stream.linear.gather [hbm4b:s10+s2], $0x80, $0x38;
	[tilespmem:$0x8100] =	vst v63  }
0x174: {  	s12 =	spop (v2sf)  }
0x175: {  	s10 =	sand.u32 $0x1FFFFFF0, s12  }
0x176: {  	s12 =	simm.s32 $0x2880;
	s10 =	sadd.s32 s3, s10  }
0x177: {  	[tilespmem:s12], [sflag:$0x1] =	stream.linear.gather [hbm4b:s10+s2], $0x80, $0x38;
	[tilespmem:$0x8100] =	vst v63  }
0x178: {  	v53 =	vld [tilespmem:$0x50];
	_ =	sdelay $0x4  }
0x179: {  	v0 =	vshll.u32 v53, $0x4  }
0x17a: {  	(v2sf) =	vpush v0, $0x0;
	_ =	sdelay $0x3  }
0x17b: {  	(v2sf) =	vpush v0, $0x1;
	_ =	sdelay $0x3  }
0x17c: {  	(v2sf) =	vpush v0, $0x2;
	_ =	sdelay $0x3  }
0x17d: {  	(v2sf) =	vpush v0, $0x3;
	_ =	sdelay $0x2  }
0x17e: {  	s12 =	spop (v2sf)  }
0x17f: {  	(v2sf) =	vpush v0, $0x4;
	s10 =	sand.u32 $0x1FFFFFF0, s12  }
0x180: {  	s12 =	simm.s32 $0x2900;
	s10 =	sadd.s32 s3, s10  }
0x181: {  	[tilespmem:s12], [sflag:$0x1] =	stream.linear.gather [hbm4b:s10+s2], $0x80, $0x38;
	[tilespmem:$0x8100] =	vst v63  }
0x182: {  	s12 =	spop (v2sf)  }
0x183: {  	(v2sf) =	vpush v0, $0x5;
	s10 =	sand.u32 $0x1FFFFFF0, s12  }
0x184: {  	s12 =	simm.s32 $0x2980;
	s10 =	sadd.s32 s3, s10  }
0x185: {  	[tilespmem:s12], [sflag:$0x1] =	stream.linear.gather [hbm4b:s10+s2], $0x80, $0x38;
	[tilespmem:$0x8100] =	vst v63  }
0x186: {  	s12 =	spop (v2sf)  }
0x187: {  	(v2sf) =	vpush v0, $0x6;
	s10 =	sand.u32 $0x1FFFFFF0, s12  }
0x188: {  	s12 =	simm.s32 $0x2A00;
	s10 =	sadd.s32 s3, s10  }
0x189: {  	[tilespmem:s12], [sflag:$0x1] =	stream.linear.gather [hbm4b:s10+s2], $0x80, $0x38;
	[tilespmem:$0x8100] =	vst v63  }
0x18a: {  	s12 =	spop (v2sf)  }
0x18b: {  	(v2sf) =	vpush v0, $0x7;
	s10 =	sand.u32 $0x1FFFFFF0, s12  }
0x18c: {  	s12 =	simm.s32 $0x2A80;
	s10 =	sadd.s32 s3, s10  }
0x18d: {  	[tilespmem:s12], [sflag:$0x1] =	stream.linear.gather [hbm4b:s10+s2], $0x80, $0x38;
	[tilespmem:$0x8100] =	vst v63  }
0x18e: {  	s12 =	spop (v2sf)  }
0x18f: {  	(v2sf) =	vpush v0, $0x8;
	s10 =	sand.u32 $0x1FFFFFF0, s12  }
0x190: {  	s12 =	simm.s32 $0x2B00;
	s10 =	sadd.s32 s3, s10  }
0x191: {  	[tilespmem:s12], [sflag:$0x1] =	stream.linear.gather [hbm4b:s10+s2], $0x80, $0x38;
	[tilespmem:$0x8100] =	vst v63  }
0x192: {  	s12 =	spop (v2sf)  }
0x193: {  	(v2sf) =	vpush v0, $0x9;
	s10 =	sand.u32 $0x1FFFFFF0, s12  }
0x194: {  	s12 =	simm.s32 $0x2B80;
	s10 =	sadd.s32 s3, s10  }
0x195: {  	[tilespmem:s12], [sflag:$0x1] =	stream.linear.gather [hbm4b:s10+s2], $0x80, $0x38;
	[tilespmem:$0x8100] =	vst v63  }
0x196: {  	s12 =	spop (v2sf)  }
0x197: {  	(v2sf) =	vpush v0, $0xA;
	s10 =	sand.u32 $0x1FFFFFF0, s12  }
0x198: {  	s12 =	simm.s32 $0x2C00;
	s10 =	sadd.s32 s3, s10  }
0x199: {  	[tilespmem:s12], [sflag:$0x1] =	stream.linear.gather [hbm4b:s10+s2], $0x80, $0x38;
	[tilespmem:$0x8100] =	vst v63  }
0x19a: {  	s12 =	spop (v2sf)  }
0x19b: {  	(v2sf) =	vpush v0, $0xB;
	s10 =	sand.u32 $0x1FFFFFF0, s12  }
0x19c: {  	s12 =	simm.s32 $0x2C80;
	s10 =	sadd.s32 s3, s10  }
0x19d: {  	[tilespmem:s12], [sflag:$0x1] =	stream.linear.gather [hbm4b:s10+s2], $0x80, $0x38;
	[tilespmem:$0x8100] =	vst v63  }
0x19e: {  	s12 =	spop (v2sf)  }
0x19f: {  	(v2sf) =	vpush v0, $0xC;
	s10 =	sand.u32 $0x1FFFFFF0, s12  }
0x1a0: {  	s12 =	simm.s32 $0x2D00;
	s10 =	sadd.s32 s3, s10  }
0x1a1: {  	[tilespmem:s12], [sflag:$0x1] =	stream.linear.gather [hbm4b:s10+s2], $0x80, $0x38;
	[tilespmem:$0x8100] =	vst v63  }
0x1a2: {  	s12 =	spop (v2sf)  }
0x1a3: {  	(v2sf) =	vpush v0, $0xD;
	s10 =	sand.u32 $0x1FFFFFF0, s12  }
0x1a4: {  	s12 =	simm.s32 $0x2D80;
	s10 =	sadd.s32 s3, s10  }
0x1a5: {  	[tilespmem:s12], [sflag:$0x1] =	stream.linear.gather [hbm4b:s10+s2], $0x80, $0x38;
	[tilespmem:$0x8100] =	vst v63  }
0x1a6: {  	s12 =	spop (v2sf)  }
0x1a7: {  	(v2sf) =	vpush v0, $0xE;
	s10 =	sand.u32 $0x1FFFFFF0, s12  }
0x1a8: {  	s12 =	simm.s32 $0x2E00;
	s10 =	sadd.s32 s3, s10  }
0x1a9: {  	[tilespmem:s12], [sflag:$0x1] =	stream.linear.gather [hbm4b:s10+s2], $0x80, $0x38;
	[tilespmem:$0x8100] =	vst v63  }
0x1aa: {  	s12 =	spop (v2sf)  }
0x1ab: {  	(v2sf) =	vpush v0, $0xF;
	s10 =	sand.u32 $0x1FFFFFF0, s12  }
0x1ac: {  	s12 =	simm.s32 $0x2E80;
	s10 =	sadd.s32 s3, s10  }
0x1ad: {  	[tilespmem:s12], [sflag:$0x1] =	stream.linear.gather [hbm4b:s10+s2], $0x80, $0x38;
	[tilespmem:$0x8100] =	vst v63  }
0x1ae: {  	s12 =	spop (v2sf)  }
0x1af: {  	s10 =	sand.u32 $0x1FFFFFF0, s12  }
0x1b0: {  	s12 =	simm.s32 $0x2F00;
	s10 =	sadd.s32 s3, s10  }
0x1b1: {  	[tilespmem:s12], [sflag:$0x1] =	stream.linear.gather [hbm4b:s10+s2], $0x80, $0x38;
	[tilespmem:$0x8100] =	vst v63  }
0x1b2: {  	s12 =	spop (v2sf)  }
0x1b3: {  	s10 =	sand.u32 $0x1FFFFFF0, s12  }
0x1b4: {  	s12 =	simm.s32 $0x2F80;
	s10 =	sadd.s32 s3, s10  }
0x1b5: {  	[tilespmem:s12], [sflag:$0x1] =	stream.linear.gather [hbm4b:s10+s2], $0x80, $0x38;
	[tilespmem:$0x8100] =	vst v63  }
0x1b6: {  	s12 =	spop (v2sf)  }
0x1b7: {  	s10 =	sand.u32 $0x1FFFFFF0, s12  }
0x1b8: {  	s12 =	simm.s32 $0x3000;
	s10 =	sadd.s32 s3, s10  }
0x1b9: {  	[tilespmem:s12], [sflag:$0x1] =	stream.linear.gather [hbm4b:s10+s2], $0x80, $0x38;
	[tilespmem:$0x8100] =	vst v63  }
0x1ba: {  	s12 =	spop (v2sf)  }
0x1bb: {  	s10 =	sand.u32 $0x1FFFFFF0, s12  }
0x1bc: {  	s12 =	simm.s32 $0x3080;
	s10 =	sadd.s32 s3, s10  }
0x1bd: {  	[tilespmem:s12], [sflag:$0x1] =	stream.linear.gather [hbm4b:s10+s2], $0x80, $0x38;
	[tilespmem:$0x8100] =	vst v63  }
0x1be: {  	v54 =	vld [tilespmem:$0x60];
	_ =	sdelay $0x4  }
0x1bf: {  	v0 =	vshll.u32 v54, $0x4  }
0x1c0: {  	(v2sf) =	vpush v0, $0x0;
	_ =	sdelay $0x3  }
0x1c1: {  	(v2sf) =	vpush v0, $0x1;
	_ =	sdelay $0xa  }
0x1c2: {  	s12 =	spop (v2sf)  }
0x1c3: {  	s10 =	sand.u32 $0x1FFFFFF0, s12  }
0x1c4: {  	s12 =	simm.s32 $0x3100;
	s10 =	sadd.s32 s3, s10  }
0x1c5: {  	[tilespmem:s12], [sflag:$0x1] =	stream.linear.gather [hbm4b:s10+s2], $0x80, $0x38;
	[tilespmem:$0x8100] =	vst v63  }
0x1c6: {  	s10 =	spop (v2sf)  }
0x1c7: {  	(v2sf) =	vpush v0, $0x2;
	_ =	sdelay $0x3  }
0x1c8: {  	(v2sf) =	vpush v0, $0x3;
	_ =	sdelay $0x3  }
0x1c9: {  	(v2sf) =	vpush v0, $0x4;
	_ =	sdelay $0x3  }
0x1ca: {  	s10 =	sand.u32 $0x1FFFFFF0, s10;
	(v2sf) =	vpush v0, $0x5  }
0x1cb: {  	s12 =	simm.s32 $0x3180;
	s10 =	sadd.s32 s3, s10  }
0x1cc: {  	[tilespmem:s12], [sflag:$0x1] =	stream.linear.gather [hbm4b:s10+s2], $0x80, $0x38;
	[tilespmem:$0x8100] =	vst v63  }
0x1cd: {  	s12 =	spop (v2sf)  }
0x1ce: {  	(v2sf) =	vpush v0, $0x6;
	s10 =	sand.u32 $0x1FFFFFF0, s12  }
0x1cf: {  	s12 =	simm.s32 $0x3200;
	s10 =	sadd.s32 s3, s10  }
0x1d0: {  	[tilespmem:s12], [sflag:$0x1] =	stream.linear.gather [hbm4b:s10+s2], $0x80, $0x38;
	[tilespmem:$0x8100] =	vst v63  }
0x1d1: {  	s12 =	spop (v2sf)  }
0x1d2: {  	(v2sf) =	vpush v0, $0x7;
	s10 =	sand.u32 $0x1FFFFFF0, s12  }
0x1d3: {  	s12 =	simm.s32 $0x3280;
	s10 =	sadd.s32 s3, s10  }
0x1d4: {  	[tilespmem:s12], [sflag:$0x1] =	stream.linear.gather [hbm4b:s10+s2], $0x80, $0x38;
	[tilespmem:$0x8100] =	vst v63  }
0x1d5: {  	s12 =	spop (v2sf)  }
0x1d6: {  	(v2sf) =	vpush v0, $0x8;
	s10 =	sand.u32 $0x1FFFFFF0, s12  }
0x1d7: {  	s12 =	simm.s32 $0x3300;
	s10 =	sadd.s32 s3, s10  }
0x1d8: {  	[tilespmem:s12], [sflag:$0x1] =	stream.linear.gather [hbm4b:s10+s2], $0x80, $0x38;
	[tilespmem:$0x8100] =	vst v63  }
0x1d9: {  	s12 =	spop (v2sf)  }
0x1da: {  	(v2sf) =	vpush v0, $0x9;
	s10 =	sand.u32 $0x1FFFFFF0, s12  }
0x1db: {  	s12 =	simm.s32 $0x3380;
	s10 =	sadd.s32 s3, s10  }
0x1dc: {  	[tilespmem:s12], [sflag:$0x1] =	stream.linear.gather [hbm4b:s10+s2], $0x80, $0x38;
	[tilespmem:$0x8100] =	vst v63  }
0x1dd: {  	s12 =	spop (v2sf)  }
0x1de: {  	(v2sf) =	vpush v0, $0xA;
	s10 =	sand.u32 $0x1FFFFFF0, s12  }
0x1df: {  	s12 =	simm.s32 $0x3400;
	s10 =	sadd.s32 s3, s10  }
0x1e0: {  	[tilespmem:s12], [sflag:$0x1] =	stream.linear.gather [hbm4b:s10+s2], $0x80, $0x38;
	[tilespmem:$0x8100] =	vst v63  }
0x1e1: {  	s12 =	spop (v2sf)  }
0x1e2: {  	(v2sf) =	vpush v0, $0xB;
	s10 =	sand.u32 $0x1FFFFFF0, s12  }
0x1e3: {  	s12 =	simm.s32 $0x3480;
	s10 =	sadd.s32 s3, s10  }
0x1e4: {  	[tilespmem:s12], [sflag:$0x1] =	stream.linear.gather [hbm4b:s10+s2], $0x80, $0x38;
	[tilespmem:$0x8100] =	vst v63  }
0x1e5: {  	s12 =	spop (v2sf)  }
0x1e6: {  	(v2sf) =	vpush v0, $0xC;
	s10 =	sand.u32 $0x1FFFFFF0, s12  }
0x1e7: {  	s12 =	simm.s32 $0x3500;
	s10 =	sadd.s32 s3, s10  }
0x1e8: {  	[tilespmem:s12], [sflag:$0x1] =	stream.linear.gather [hbm4b:s10+s2], $0x80, $0x38;
	[tilespmem:$0x8100] =	vst v63  }
0x1e9: {  	s12 =	spop (v2sf)  }
0x1ea: {  	(v2sf) =	vpush v0, $0xD;
	s10 =	sand.u32 $0x1FFFFFF0, s12  }
0x1eb: {  	s12 =	simm.s32 $0x3580;
	s10 =	sadd.s32 s3, s10  }
0x1ec: {  	[tilespmem:s12], [sflag:$0x1] =	stream.linear.gather [hbm4b:s10+s2], $0x80, $0x38;
	[tilespmem:$0x8100] =	vst v63  }
0x1ed: {  	s12 =	spop (v2sf)  }
0x1ee: {  	(v2sf) =	vpush v0, $0xE;
	s10 =	sand.u32 $0x1FFFFFF0, s12  }
0x1ef: {  	s12 =	simm.s32 $0x3600;
	s10 =	sadd.s32 s3, s10  }
0x1f0: {  	[tilespmem:s12], [sflag:$0x1] =	stream.linear.gather [hbm4b:s10+s2], $0x80, $0x38;
	[tilespmem:$0x8100] =	vst v63  }
0x1f1: {  	s12 =	spop (v2sf)  }
0x1f2: {  	(v2sf) =	vpush v0, $0xF;
	s10 =	sand.u32 $0x1FFFFFF0, s12  }
0x1f3: {  	s12 =	simm.s32 $0x3680;
	s10 =	sadd.s32 s3, s10  }
0x1f4: {  	[tilespmem:s12], [sflag:$0x1] =	stream.linear.gather [hbm4b:s10+s2], $0x80, $0x38;
	[tilespmem:$0x8100] =	vst v63  }
0x1f5: {  	s12 =	spop (v2sf)  }
0x1f6: {  	s10 =	sand.u32 $0x1FFFFFF0, s12  }
0x1f7: {  	s12 =	simm.s32 $0x3700;
	s10 =	sadd.s32 s3, s10  }
0x1f8: {  	[tilespmem:s12], [sflag:$0x1] =	stream.linear.gather [hbm4b:s10+s2], $0x80, $0x38;
	[tilespmem:$0x8100] =	vst v63  }
0x1f9: {  	s12 =	spop (v2sf)  }
0x1fa: {  	s10 =	sand.u32 $0x1FFFFFF0, s12  }
0x1fb: {  	s12 =	simm.s32 $0x3780;
	s10 =	sadd.s32 s3, s10  }
0x1fc: {  	[tilespmem:s12], [sflag:$0x1] =	stream.linear.gather [hbm4b:s10+s2], $0x80, $0x38;
	[tilespmem:$0x8100] =	vst v63  }
0x1fd: {  	s12 =	spop (v2sf)  }
0x1fe: {  	s10 =	sand.u32 $0x1FFFFFF0, s12  }
0x1ff: {  	s12 =	simm.s32 $0x3800;
	s10 =	sadd.s32 s3, s10  }
0x200: {  	[tilespmem:s12], [sflag:$0x1] =	stream.linear.gather [hbm4b:s10+s2], $0x80, $0x38;
	[tilespmem:$0x8100] =	vst v63  }
0x201: {  	s12 =	spop (v2sf)  }
0x202: {  	s10 =	sand.u32 $0x1FFFFFF0, s12  }
0x203: {  	s12 =	simm.s32 $0x3880;
	s10 =	sadd.s32 s3, s10  }
0x204: {  	[tilespmem:s12], [sflag:$0x1] =	stream.linear.gather [hbm4b:s10+s2], $0x80, $0x38;
	[tilespmem:$0x8100] =	vst v63  }
0x205: {  	v55 =	vld [tilespmem:$0x70];
	_ =	sdelay $0x4  }
0x206: {  	v0 =	vshll.u32 v55, $0x4  }
0x207: {  	(v2sf) =	vpush v0, $0x0;
	_ =	sdelay $0x3  }
0x208: {  	(v2sf) =	vpush v0, $0x1;
	_ =	sdelay $0x3  }
0x209: {  	(v2sf) =	vpush v0, $0x2;
	_ =	sdelay $0x3  }
0x20a: {  	(v2sf) =	vpush v0, $0x3;
	_ =	sdelay $0x2  }
0x20b: {  	s12 =	spop (v2sf)  }
0x20c: {  	(v2sf) =	vpush v0, $0x4;
	s10 =	sand.u32 $0x1FFFFFF0, s12  }
0x20d: {  	s12 =	simm.s32 $0x3900;
	s10 =	sadd.s32 s3, s10  }
0x20e: {  	[tilespmem:s12], [sflag:$0x1] =	stream.linear.gather [hbm4b:s10+s2], $0x80, $0x38;
	[tilespmem:$0x8100] =	vst v63  }
0x20f: {  	s12 =	spop (v2sf)  }
0x210: {  	(v2sf) =	vpush v0, $0x5;
	s10 =	sand.u32 $0x1FFFFFF0, s12  }
0x211: {  	s12 =	simm.s32 $0x3980;
	s10 =	sadd.s32 s3, s10  }
0x212: {  	[tilespmem:s12], [sflag:$0x1] =	stream.linear.gather [hbm4b:s10+s2], $0x80, $0x38;
	[tilespmem:$0x8100] =	vst v63  }
0x213: {  	s12 =	spop (v2sf)  }
0x214: {  	(v2sf) =	vpush v0, $0x6;
	s10 =	sand.u32 $0x1FFFFFF0, s12  }
0x215: {  	s12 =	simm.s32 $0x3A00;
	s10 =	sadd.s32 s3, s10  }
0x216: {  	[tilespmem:s12], [sflag:$0x1] =	stream.linear.gather [hbm4b:s10+s2], $0x80, $0x38;
	[tilespmem:$0x8100] =	vst v63  }
0x217: {  	s12 =	spop (v2sf)  }
0x218: {  	(v2sf) =	vpush v0, $0x7;
	s10 =	sand.u32 $0x1FFFFFF0, s12  }
0x219: {  	s12 =	simm.s32 $0x3A80;
	s10 =	sadd.s32 s3, s10  }
0x21a: {  	[tilespmem:s12], [sflag:$0x1] =	stream.linear.gather [hbm4b:s10+s2], $0x80, $0x38;
	[tilespmem:$0x8100] =	vst v63  }
0x21b: {  	s12 =	spop (v2sf)  }
0x21c: {  	(v2sf) =	vpush v0, $0x8;
	s10 =	sand.u32 $0x1FFFFFF0, s12  }
0x21d: {  	s12 =	simm.s32 $0x3B00;
	s10 =	sadd.s32 s3, s10  }
0x21e: {  	[tilespmem:s12], [sflag:$0x1] =	stream.linear.gather [hbm4b:s10+s2], $0x80, $0x38;
	[tilespmem:$0x8100] =	vst v63  }
0x21f: {  	s12 =	spop (v2sf)  }
0x220: {  	(v2sf) =	vpush v0, $0x9;
	s10 =	sand.u32 $0x1FFFFFF0, s12  }
0x221: {  	s12 =	simm.s32 $0x3B80;
	s10 =	sadd.s32 s3, s10  }
0x222: {  	[tilespmem:s12], [sflag:$0x1] =	stream.linear.gather [hbm4b:s10+s2], $0x80, $0x38;
	[tilespmem:$0x8100] =	vst v63  }
0x223: {  	s12 =	spop (v2sf)  }
0x224: {  	(v2sf) =	vpush v0, $0xA;
	s10 =	sand.u32 $0x1FFFFFF0, s12  }
0x225: {  	s12 =	simm.s32 $0x3C00;
	s10 =	sadd.s32 s3, s10  }
0x226: {  	[tilespmem:s12], [sflag:$0x1] =	stream.linear.gather [hbm4b:s10+s2], $0x80, $0x38;
	[tilespmem:$0x8100] =	vst v63  }
0x227: {  	s12 =	spop (v2sf)  }
0x228: {  	(v2sf) =	vpush v0, $0xB;
	s10 =	sand.u32 $0x1FFFFFF0, s12  }
0x229: {  	s12 =	simm.s32 $0x3C80;
	s10 =	sadd.s32 s3, s10  }
0x22a: {  	[tilespmem:s12], [sflag:$0x1] =	stream.linear.gather [hbm4b:s10+s2], $0x80, $0x38;
	[tilespmem:$0x8100] =	vst v63  }
0x22b: {  	s12 =	spop (v2sf)  }
0x22c: {  	(v2sf) =	vpush v0, $0xC;
	s10 =	sand.u32 $0x1FFFFFF0, s12  }
0x22d: {  	s12 =	simm.s32 $0x3D00;
	s10 =	sadd.s32 s3, s10  }
0x22e: {  	[tilespmem:s12], [sflag:$0x1] =	stream.linear.gather [hbm4b:s10+s2], $0x80, $0x38;
	[tilespmem:$0x8100] =	vst v63  }
0x22f: {  	s12 =	spop (v2sf)  }
0x230: {  	(v2sf) =	vpush v0, $0xD;
	s10 =	sand.u32 $0x1FFFFFF0, s12  }
0x231: {  	s12 =	simm.s32 $0x3D80;
	s10 =	sadd.s32 s3, s10  }
0x232: {  	[tilespmem:s12], [sflag:$0x1] =	stream.linear.gather [hbm4b:s10+s2], $0x80, $0x38;
	[tilespmem:$0x8100] =	vst v63  }
0x233: {  	s12 =	spop (v2sf)  }
0x234: {  	(v2sf) =	vpush v0, $0xE;
	s10 =	sand.u32 $0x1FFFFFF0, s12  }
0x235: {  	s12 =	simm.s32 $0x3E00;
	s10 =	sadd.s32 s3, s10  }
0x236: {  	[tilespmem:s12], [sflag:$0x1] =	stream.linear.gather [hbm4b:s10+s2], $0x80, $0x38;
	[tilespmem:$0x8100] =	vst v63  }
0x237: {  	s12 =	spop (v2sf)  }
0x238: {  	(v2sf) =	vpush v0, $0xF;
	s10 =	sand.u32 $0x1FFFFFF0, s12  }
0x239: {  	s12 =	simm.s32 $0x3E80;
	s10 =	sadd.s32 s3, s10  }
0x23a: {  	[tilespmem:s12], [sflag:$0x1] =	stream.linear.gather [hbm4b:s10+s2], $0x80, $0x38;
	[tilespmem:$0x8100] =	vst v63  }
0x23b: {  	s12 =	spop (v2sf)  }
0x23c: {  	s10 =	sand.u32 $0x1FFFFFF0, s12  }
0x23d: {  	s12 =	simm.s32 $0x3F00;
	s10 =	sadd.s32 s3, s10  }
0x23e: {  	[tilespmem:s12], [sflag:$0x1] =	stream.linear.gather [hbm4b:s10+s2], $0x80, $0x38;
	[tilespmem:$0x8100] =	vst v63  }
0x23f: {  	s12 =	spop (v2sf)  }
0x240: {  	s10 =	sand.u32 $0x1FFFFFF0, s12  }
0x241: {  	s12 =	simm.s32 $0x3F80;
	s10 =	sadd.s32 s3, s10  }
0x242: {  	[tilespmem:s12], [sflag:$0x1] =	stream.linear.gather [hbm4b:s10+s2], $0x80, $0x38;
	[tilespmem:$0x8100] =	vst v63  }
0x243: {  	s12 =	spop (v2sf)  }
0x244: {  	s10 =	sand.u32 $0x1FFFFFF0, s12  }
0x245: {  	s12 =	simm.s32 $0x4000;
	s10 =	sadd.s32 s3, s10  }
0x246: {  	[tilespmem:s12], [sflag:$0x1] =	stream.linear.gather [hbm4b:s10+s2], $0x80, $0x38;
	[tilespmem:$0x8100] =	vst v63  }
0x247: {  	s12 =	spop (v2sf)  }
0x248: {  	s10 =	sand.u32 $0x1FFFFFF0, s12  }
0x249: {  	s12 =	simm.s32 $0x4080;
	s10 =	sadd.s32 s3, s10  }
0x24a: {  	[tilespmem:s12], [sflag:$0x1] =	stream.linear.gather [hbm4b:s10+s2], $0x80, $0x38;
	[tilespmem:$0x8100] =	vst v63  }
0x24b: {  	v56 =	vld [tilespmem:$0x80];
	_ =	sdelay $0x4  }
0x24c: {  	v0 =	vshll.u32 v56, $0x4  }
0x24d: {  	(v2sf) =	vpush v0, $0x0;
	_ =	sdelay $0x1  }
0x24e: {  	(v2sf) =	vpush v0, $0x1;
	_ =	sdelay $0x4  }
0x24f: {  	(v2sf) =	vpush v0, $0x2;
	_ =	sdelay $0x3  }
0x250: {  	(v2sf) =	vpush v0, $0x3;
	_ =	sdelay $0x3  }
0x251: {  	s12 =	spop (v2sf);
	(v2sf) =	vpush v0, $0x4  }
0x252: {  	s10 =	sand.u32 $0x1FFFFFF0, s12  }
0x253: {  	s12 =	spop (v2sf);
	s10 =	sadd.s32 s3, s10  }
0x254: {  	[tilespmem:s30], [sflag:$0x1] =	stream.linear.gather [hbm4b:s10+s2], $0x80, $0x38;
	[tilespmem:$0x8100] =	vst v63  }
0x255: {  	(v2sf) =	vpush v0, $0x5;
	s10 =	sand.u32 $0x1FFFFFF0, s12  }
0x256: {  	s12 =	simm.s32 $0x4180;
	s10 =	sadd.s32 s3, s10  }
0x257: {  	[tilespmem:s12], [sflag:$0x1] =	stream.linear.gather [hbm4b:s10+s2], $0x80, $0x38;
	[tilespmem:$0x8100] =	vst v63  }
0x258: {  	s12 =	spop (v2sf)  }
0x259: {  	(v2sf) =	vpush v0, $0x6;
	s10 =	sand.u32 $0x1FFFFFF0, s12  }
0x25a: {  	s12 =	simm.s32 $0x4200;
	s10 =	sadd.s32 s3, s10  }
0x25b: {  	[tilespmem:s12], [sflag:$0x1] =	stream.linear.gather [hbm4b:s10+s2], $0x80, $0x38;
	[tilespmem:$0x8100] =	vst v63  }
0x25c: {  	s12 =	spop (v2sf)  }
0x25d: {  	(v2sf) =	vpush v0, $0x7;
	s10 =	sand.u32 $0x1FFFFFF0, s12  }
0x25e: {  	s12 =	simm.s32 $0x4280;
	s10 =	sadd.s32 s3, s10  }
0x25f: {  	[tilespmem:s12], [sflag:$0x1] =	stream.linear.gather [hbm4b:s10+s2], $0x80, $0x38;
	[tilespmem:$0x8100] =	vst v63  }
0x260: {  	s12 =	spop (v2sf)  }
0x261: {  	(v2sf) =	vpush v0, $0x8;
	s10 =	sand.u32 $0x1FFFFFF0, s12  }
0x262: {  	s12 =	simm.s32 $0x4300;
	s10 =	sadd.s32 s3, s10  }
0x263: {  	[tilespmem:s12], [sflag:$0x1] =	stream.linear.gather [hbm4b:s10+s2], $0x80, $0x38;
	[tilespmem:$0x8100] =	vst v63  }
0x264: {  	s12 =	spop (v2sf)  }
0x265: {  	(v2sf) =	vpush v0, $0x9;
	s10 =	sand.u32 $0x1FFFFFF0, s12  }
0x266: {  	s12 =	simm.s32 $0x4380;
	s10 =	sadd.s32 s3, s10  }
0x267: {  	[tilespmem:s12], [sflag:$0x1] =	stream.linear.gather [hbm4b:s10+s2], $0x80, $0x38;
	[tilespmem:$0x8100] =	vst v63  }
0x268: {  	s12 =	spop (v2sf)  }
0x269: {  	(v2sf) =	vpush v0, $0xA;
	s10 =	sand.u32 $0x1FFFFFF0, s12  }
0x26a: {  	s12 =	simm.s32 $0x4400;
	s10 =	sadd.s32 s3, s10  }
0x26b: {  	[tilespmem:s12], [sflag:$0x1] =	stream.linear.gather [hbm4b:s10+s2], $0x80, $0x38;
	[tilespmem:$0x8100] =	vst v63  }
0x26c: {  	s12 =	spop (v2sf)  }
0x26d: {  	(v2sf) =	vpush v0, $0xB;
	s10 =	sand.u32 $0x1FFFFFF0, s12  }
0x26e: {  	s12 =	simm.s32 $0x4480;
	s10 =	sadd.s32 s3, s10  }
0x26f: {  	[tilespmem:s12], [sflag:$0x1] =	stream.linear.gather [hbm4b:s10+s2], $0x80, $0x38;
	[tilespmem:$0x8100] =	vst v63  }
0x270: {  	s12 =	spop (v2sf)  }
0x271: {  	(v2sf) =	vpush v0, $0xC;
	s10 =	sand.u32 $0x1FFFFFF0, s12  }
0x272: {  	s12 =	simm.s32 $0x4500;
	s10 =	sadd.s32 s3, s10  }
0x273: {  	[tilespmem:s12], [sflag:$0x1] =	stream.linear.gather [hbm4b:s10+s2], $0x80, $0x38;
	[tilespmem:$0x8100] =	vst v63  }
0x274: {  	s12 =	spop (v2sf)  }
0x275: {  	(v2sf) =	vpush v0, $0xD;
	s10 =	sand.u32 $0x1FFFFFF0, s12  }
0x276: {  	s12 =	simm.s32 $0x4580;
	s10 =	sadd.s32 s3, s10  }
0x277: {  	[tilespmem:s12], [sflag:$0x1] =	stream.linear.gather [hbm4b:s10+s2], $0x80, $0x38;
	[tilespmem:$0x8100] =	vst v63  }
0x278: {  	s12 =	spop (v2sf)  }
0x279: {  	(v2sf) =	vpush v0, $0xE;
	s10 =	sand.u32 $0x1FFFFFF0, s12  }
0x27a: {  	s12 =	simm.s32 $0x4600;
	s10 =	sadd.s32 s3, s10  }
0x27b: {  	[tilespmem:s12], [sflag:$0x1] =	stream.linear.gather [hbm4b:s10+s2], $0x80, $0x38;
	[tilespmem:$0x8100] =	vst v63  }
0x27c: {  	s12 =	spop (v2sf)  }
0x27d: {  	(v2sf) =	vpush v0, $0xF;
	s10 =	sand.u32 $0x1FFFFFF0, s12  }
0x27e: {  	s12 =	simm.s32 $0x4680;
	s10 =	sadd.s32 s3, s10  }
0x27f: {  	[tilespmem:s12], [sflag:$0x1] =	stream.linear.gather [hbm4b:s10+s2], $0x80, $0x38;
	[tilespmem:$0x8100] =	vst v63  }
0x280: {  	s12 =	spop (v2sf)  }
0x281: {  	s10 =	sand.u32 $0x1FFFFFF0, s12  }
0x282: {  	s12 =	simm.s32 $0x4700;
	s10 =	sadd.s32 s3, s10  }
0x283: {  	[tilespmem:s12], [sflag:$0x1] =	stream.linear.gather [hbm4b:s10+s2], $0x80, $0x38;
	[tilespmem:$0x8100] =	vst v63  }
0x284: {  	s12 =	spop (v2sf)  }
0x285: {  	s10 =	sand.u32 $0x1FFFFFF0, s12  }
0x286: {  	s12 =	simm.s32 $0x4780;
	s10 =	sadd.s32 s3, s10  }
0x287: {  	[tilespmem:s12], [sflag:$0x1] =	stream.linear.gather [hbm4b:s10+s2], $0x80, $0x38;
	[tilespmem:$0x8100] =	vst v63  }
0x288: {  	s12 =	spop (v2sf)  }
0x289: {  	s10 =	sand.u32 $0x1FFFFFF0, s12  }
0x28a: {  	s12 =	simm.s32 $0x4800;
	s10 =	sadd.s32 s3, s10  }
0x28b: {  	[tilespmem:s12], [sflag:$0x1] =	stream.linear.gather [hbm4b:s10+s2], $0x80, $0x38;
	[tilespmem:$0x8100] =	vst v63  }
0x28c: {  	s12 =	spop (v2sf)  }
0x28d: {  	s10 =	sand.u32 $0x1FFFFFF0, s12  }
0x28e: {  	s12 =	simm.s32 $0x4880;
	s10 =	sadd.s32 s3, s10  }
0x28f: {  	[tilespmem:s12], [sflag:$0x1] =	stream.linear.gather [hbm4b:s10+s2], $0x80, $0x38;
	[tilespmem:$0x8100] =	vst v63  }
0x290: {  	v57 =	vld [tilespmem:$0x90];
	_ =	sdelay $0x4  }
0x291: {  	v0 =	vshll.u32 v57, $0x4  }
0x292: {  	(v2sf) =	vpush v0, $0x0;
	_ =	sdelay $0x3  }
0x293: {  	(v2sf) =	vpush v0, $0x1;
	_ =	sdelay $0x3  }
0x294: {  	(v2sf) =	vpush v0, $0x2;
	_ =	sdelay $0x3  }
0x295: {  	(v2sf) =	vpush v0, $0x3;
	_ =	sdelay $0x2  }
0x296: {  	s12 =	spop (v2sf)  }
0x297: {  	(v2sf) =	vpush v0, $0x4;
	s10 =	sand.u32 $0x1FFFFFF0, s12  }
0x298: {  	s12 =	simm.s32 $0x4900;
	s10 =	sadd.s32 s3, s10  }
0x299: {  	[tilespmem:s12], [sflag:$0x1] =	stream.linear.gather [hbm4b:s10+s2], $0x80, $0x38;
	[tilespmem:$0x8100] =	vst v63  }
0x29a: {  	s12 =	spop (v2sf)  }
0x29b: {  	(v2sf) =	vpush v0, $0x5;
	s10 =	sand.u32 $0x1FFFFFF0, s12  }
0x29c: {  	s12 =	simm.s32 $0x4980;
	s10 =	sadd.s32 s3, s10  }
0x29d: {  	[tilespmem:s12], [sflag:$0x1] =	stream.linear.gather [hbm4b:s10+s2], $0x80, $0x38;
	[tilespmem:$0x8100] =	vst v63  }
0x29e: {  	s12 =	spop (v2sf)  }
0x29f: {  	(v2sf) =	vpush v0, $0x6;
	s10 =	sand.u32 $0x1FFFFFF0, s12  }
0x2a0: {  	s12 =	simm.s32 $0x4A00;
	s10 =	sadd.s32 s3, s10  }
0x2a1: {  	[tilespmem:s12], [sflag:$0x1] =	stream.linear.gather [hbm4b:s10+s2], $0x80, $0x38;
	[tilespmem:$0x8100] =	vst v63  }
0x2a2: {  	s12 =	spop (v2sf)  }
0x2a3: {  	(v2sf) =	vpush v0, $0x7;
	s10 =	sand.u32 $0x1FFFFFF0, s12  }
0x2a4: {  	s12 =	simm.s32 $0x4A80;
	s10 =	sadd.s32 s3, s10  }
0x2a5: {  	[tilespmem:s12], [sflag:$0x1] =	stream.linear.gather [hbm4b:s10+s2], $0x80, $0x38;
	[tilespmem:$0x8100] =	vst v63  }
0x2a6: {  	s12 =	spop (v2sf)  }
0x2a7: {  	(v2sf) =	vpush v0, $0x8;
	s10 =	sand.u32 $0x1FFFFFF0, s12  }
0x2a8: {  	s12 =	simm.s32 $0x4B00;
	s10 =	sadd.s32 s3, s10  }
0x2a9: {  	[tilespmem:s12], [sflag:$0x1] =	stream.linear.gather [hbm4b:s10+s2], $0x80, $0x38;
	[tilespmem:$0x8100] =	vst v63  }
0x2aa: {  	s12 =	spop (v2sf)  }
0x2ab: {  	(v2sf) =	vpush v0, $0x9;
	s10 =	sand.u32 $0x1FFFFFF0, s12  }
0x2ac: {  	s12 =	simm.s32 $0x4B80;
	s10 =	sadd.s32 s3, s10  }
0x2ad: {  	[tilespmem:s12], [sflag:$0x1] =	stream.linear.gather [hbm4b:s10+s2], $0x80, $0x38;
	[tilespmem:$0x8100] =	vst v63  }
0x2ae: {  	s12 =	spop (v2sf)  }
0x2af: {  	(v2sf) =	vpush v0, $0xA;
	s10 =	sand.u32 $0x1FFFFFF0, s12  }
0x2b0: {  	s12 =	simm.s32 $0x4C00;
	s10 =	sadd.s32 s3, s10  }
0x2b1: {  	[tilespmem:s12], [sflag:$0x1] =	stream.linear.gather [hbm4b:s10+s2], $0x80, $0x38;
	[tilespmem:$0x8100] =	vst v63  }
0x2b2: {  	s12 =	spop (v2sf)  }
0x2b3: {  	(v2sf) =	vpush v0, $0xB;
	s10 =	sand.u32 $0x1FFFFFF0, s12  }
0x2b4: {  	s12 =	simm.s32 $0x4C80;
	s10 =	sadd.s32 s3, s10  }
0x2b5: {  	[tilespmem:s12], [sflag:$0x1] =	stream.linear.gather [hbm4b:s10+s2], $0x80, $0x38;
	[tilespmem:$0x8100] =	vst v63  }
0x2b6: {  	s12 =	spop (v2sf)  }
0x2b7: {  	(v2sf) =	vpush v0, $0xC;
	s10 =	sand.u32 $0x1FFFFFF0, s12  }
0x2b8: {  	s12 =	simm.s32 $0x4D00;
	s10 =	sadd.s32 s3, s10  }
0x2b9: {  	[tilespmem:s12], [sflag:$0x1] =	stream.linear.gather [hbm4b:s10+s2], $0x80, $0x38;
	[tilespmem:$0x8100] =	vst v63  }
0x2ba: {  	s12 =	spop (v2sf)  }
0x2bb: {  	(v2sf) =	vpush v0, $0xD;
	s10 =	sand.u32 $0x1FFFFFF0, s12  }
0x2bc: {  	s12 =	simm.s32 $0x4D80;
	s10 =	sadd.s32 s3, s10  }
0x2bd: {  	[tilespmem:s12], [sflag:$0x1] =	stream.linear.gather [hbm4b:s10+s2], $0x80, $0x38;
	[tilespmem:$0x8100] =	vst v63  }
0x2be: {  	s12 =	spop (v2sf)  }
0x2bf: {  	(v2sf) =	vpush v0, $0xE;
	s10 =	sand.u32 $0x1FFFFFF0, s12  }
0x2c0: {  	s12 =	simm.s32 $0x4E00;
	s10 =	sadd.s32 s3, s10  }
0x2c1: {  	[tilespmem:s12], [sflag:$0x1] =	stream.linear.gather [hbm4b:s10+s2], $0x80, $0x38;
	[tilespmem:$0x8100] =	vst v63  }
0x2c2: {  	s12 =	spop (v2sf)  }
0x2c3: {  	(v2sf) =	vpush v0, $0xF;
	s10 =	sand.u32 $0x1FFFFFF0, s12  }
0x2c4: {  	s12 =	simm.s32 $0x4E80;
	s10 =	sadd.s32 s3, s10  }
0x2c5: {  	[tilespmem:s12], [sflag:$0x1] =	stream.linear.gather [hbm4b:s10+s2], $0x80, $0x38;
	[tilespmem:$0x8100] =	vst v63  }
0x2c6: {  	s12 =	spop (v2sf)  }
0x2c7: {  	s10 =	sand.u32 $0x1FFFFFF0, s12  }
0x2c8: {  	s12 =	simm.s32 $0x4F00;
	s10 =	sadd.s32 s3, s10  }
0x2c9: {  	[tilespmem:s12], [sflag:$0x1] =	stream.linear.gather [hbm4b:s10+s2], $0x80, $0x38;
	[tilespmem:$0x8100] =	vst v63  }
0x2ca: {  	s12 =	spop (v2sf)  }
0x2cb: {  	s10 =	sand.u32 $0x1FFFFFF0, s12  }
0x2cc: {  	s12 =	simm.s32 $0x4F80;
	s10 =	sadd.s32 s3, s10  }
0x2cd: {  	[tilespmem:s12], [sflag:$0x1] =	stream.linear.gather [hbm4b:s10+s2], $0x80, $0x38;
	[tilespmem:$0x8100] =	vst v63  }
0x2ce: {  	s12 =	spop (v2sf)  }
0x2cf: {  	s10 =	sand.u32 $0x1FFFFFF0, s12  }
0x2d0: {  	s12 =	simm.s32 $0x5000;
	s10 =	sadd.s32 s3, s10  }
0x2d1: {  	[tilespmem:s12], [sflag:$0x1] =	stream.linear.gather [hbm4b:s10+s2], $0x80, $0x38;
	[tilespmem:$0x8100] =	vst v63  }
0x2d2: {  	s12 =	spop (v2sf)  }
0x2d3: {  	s10 =	sand.u32 $0x1FFFFFF0, s12  }
0x2d4: {  	s12 =	simm.s32 $0x5080;
	s10 =	sadd.s32 s3, s10  }
0x2d5: {  	[tilespmem:s12], [sflag:$0x1] =	stream.linear.gather [hbm4b:s10+s2], $0x80, $0x38;
	[tilespmem:$0x8100] =	vst v63  }
0x2d6: {  	v58 =	vld [tilespmem:$0xA0];
	_ =	sdelay $0x4  }
0x2d7: {  	v0 =	vshll.u32 v58, $0x4  }
0x2d8: {  	(v2sf) =	vpush v0, $0x0;
	_ =	sdelay $0x3  }
0x2d9: {  	(v2sf) =	vpush v0, $0x1;
	_ =	sdelay $0x3  }
0x2da: {  	(v2sf) =	vpush v0, $0x2;
	_ =	sdelay $0x3  }
0x2db: {  	(v2sf) =	vpush v0, $0x3;
	_ =	sdelay $0x2  }
0x2dc: {  	s12 =	spop (v2sf)  }
0x2dd: {  	(v2sf) =	vpush v0, $0x4;
	s10 =	sand.u32 $0x1FFFFFF0, s12  }
0x2de: {  	s12 =	simm.s32 $0x5100;
	s10 =	sadd.s32 s3, s10  }
0x2df: {  	[tilespmem:s12], [sflag:$0x1] =	stream.linear.gather [hbm4b:s10+s2], $0x80, $0x38;
	[tilespmem:$0x8100] =	vst v63  }
0x2e0: {  	s12 =	spop (v2sf)  }
0x2e1: {  	(v2sf) =	vpush v0, $0x5;
	s10 =	sand.u32 $0x1FFFFFF0, s12  }
0x2e2: {  	s12 =	simm.s32 $0x5180;
	s10 =	sadd.s32 s3, s10  }
0x2e3: {  	[tilespmem:s12], [sflag:$0x1] =	stream.linear.gather [hbm4b:s10+s2], $0x80, $0x38;
	[tilespmem:$0x8100] =	vst v63  }
0x2e4: {  	s12 =	spop (v2sf)  }
0x2e5: {  	(v2sf) =	vpush v0, $0x6;
	s10 =	sand.u32 $0x1FFFFFF0, s12  }
0x2e6: {  	s12 =	simm.s32 $0x5200;
	s10 =	sadd.s32 s3, s10  }
0x2e7: {  	[tilespmem:s12], [sflag:$0x1] =	stream.linear.gather [hbm4b:s10+s2], $0x80, $0x38;
	[tilespmem:$0x8100] =	vst v63  }
0x2e8: {  	s12 =	spop (v2sf)  }
0x2e9: {  	(v2sf) =	vpush v0, $0x7;
	s10 =	sand.u32 $0x1FFFFFF0, s12  }
0x2ea: {  	s12 =	simm.s32 $0x5280;
	s10 =	sadd.s32 s3, s10  }
0x2eb: {  	[tilespmem:s12], [sflag:$0x1] =	stream.linear.gather [hbm4b:s10+s2], $0x80, $0x38;
	[tilespmem:$0x8100] =	vst v63  }
0x2ec: {  	s12 =	spop (v2sf)  }
0x2ed: {  	(v2sf) =	vpush v0, $0x8;
	s10 =	sand.u32 $0x1FFFFFF0, s12  }
0x2ee: {  	s12 =	simm.s32 $0x5300;
	s10 =	sadd.s32 s3, s10  }
0x2ef: {  	[tilespmem:s12], [sflag:$0x1] =	stream.linear.gather [hbm4b:s10+s2], $0x80, $0x38;
	[tilespmem:$0x8100] =	vst v63  }
0x2f0: {  	s12 =	spop (v2sf)  }
0x2f1: {  	(v2sf) =	vpush v0, $0x9;
	s10 =	sand.u32 $0x1FFFFFF0, s12  }
0x2f2: {  	s12 =	simm.s32 $0x5380;
	s10 =	sadd.s32 s3, s10  }
0x2f3: {  	[tilespmem:s12], [sflag:$0x1] =	stream.linear.gather [hbm4b:s10+s2], $0x80, $0x38;
	[tilespmem:$0x8100] =	vst v63  }
0x2f4: {  	s12 =	spop (v2sf)  }
0x2f5: {  	(v2sf) =	vpush v0, $0xA;
	s10 =	sand.u32 $0x1FFFFFF0, s12  }
0x2f6: {  	s12 =	simm.s32 $0x5400;
	s10 =	sadd.s32 s3, s10  }
0x2f7: {  	[tilespmem:s12], [sflag:$0x1] =	stream.linear.gather [hbm4b:s10+s2], $0x80, $0x38;
	[tilespmem:$0x8100] =	vst v63  }
0x2f8: {  	s12 =	spop (v2sf)  }
0x2f9: {  	(v2sf) =	vpush v0, $0xB;
	s10 =	sand.u32 $0x1FFFFFF0, s12  }
0x2fa: {  	s12 =	simm.s32 $0x5480;
	s10 =	sadd.s32 s3, s10  }
0x2fb: {  	[tilespmem:s12], [sflag:$0x1] =	stream.linear.gather [hbm4b:s10+s2], $0x80, $0x38;
	[tilespmem:$0x8100] =	vst v63  }
0x2fc: {  	s12 =	spop (v2sf)  }
0x2fd: {  	(v2sf) =	vpush v0, $0xC;
	s10 =	sand.u32 $0x1FFFFFF0, s12  }
0x2fe: {  	s12 =	simm.s32 $0x5500;
	s10 =	sadd.s32 s3, s10  }
0x2ff: {  	[tilespmem:s12], [sflag:$0x1] =	stream.linear.gather [hbm4b:s10+s2], $0x80, $0x38;
	[tilespmem:$0x8100] =	vst v63  }
0x300: {  	s12 =	spop (v2sf)  }
0x301: {  	(v2sf) =	vpush v0, $0xD;
	s10 =	sand.u32 $0x1FFFFFF0, s12  }
0x302: {  	s12 =	simm.s32 $0x5580;
	s10 =	sadd.s32 s3, s10  }
0x303: {  	[tilespmem:s12], [sflag:$0x1] =	stream.linear.gather [hbm4b:s10+s2], $0x80, $0x38;
	[tilespmem:$0x8100] =	vst v63  }
0x304: {  	s12 =	spop (v2sf)  }
0x305: {  	(v2sf) =	vpush v0, $0xE;
	s10 =	sand.u32 $0x1FFFFFF0, s12  }
0x306: {  	s12 =	simm.s32 $0x5600;
	s10 =	sadd.s32 s3, s10  }
0x307: {  	[tilespmem:s12], [sflag:$0x1] =	stream.linear.gather [hbm4b:s10+s2], $0x80, $0x38;
	[tilespmem:$0x8100] =	vst v63  }
0x308: {  	s12 =	spop (v2sf)  }
0x309: {  	(v2sf) =	vpush v0, $0xF;
	s10 =	sand.u32 $0x1FFFFFF0, s12  }
0x30a: {  	s12 =	simm.s32 $0x5680;
	s10 =	sadd.s32 s3, s10  }
0x30b: {  	[tilespmem:s12], [sflag:$0x1] =	stream.linear.gather [hbm4b:s10+s2], $0x80, $0x38;
	[tilespmem:$0x8100] =	vst v63  }
0x30c: {  	s12 =	spop (v2sf)  }
0x30d: {  	s10 =	sand.u32 $0x1FFFFFF0, s12  }
0x30e: {  	s12 =	simm.s32 $0x5700;
	s10 =	sadd.s32 s3, s10  }
0x30f: {  	[tilespmem:s12], [sflag:$0x1] =	stream.linear.gather [hbm4b:s10+s2], $0x80, $0x38;
	[tilespmem:$0x8100] =	vst v63  }
0x310: {  	s12 =	spop (v2sf)  }
0x311: {  	s10 =	sand.u32 $0x1FFFFFF0, s12  }
0x312: {  	s12 =	simm.s32 $0x5780;
	s10 =	sadd.s32 s3, s10  }
0x313: {  	[tilespmem:s12], [sflag:$0x1] =	stream.linear.gather [hbm4b:s10+s2], $0x80, $0x38;
	[tilespmem:$0x8100] =	vst v63  }
0x314: {  	s12 =	spop (v2sf)  }
0x315: {  	s10 =	sand.u32 $0x1FFFFFF0, s12  }
0x316: {  	s12 =	simm.s32 $0x5800;
	s10 =	sadd.s32 s3, s10  }
0x317: {  	[tilespmem:s12], [sflag:$0x1] =	stream.linear.gather [hbm4b:s10+s2], $0x80, $0x38;
	[tilespmem:$0x8100] =	vst v63  }
0x318: {  	s12 =	spop (v2sf)  }
0x319: {  	s10 =	sand.u32 $0x1FFFFFF0, s12  }
0x31a: {  	s12 =	simm.s32 $0x5880;
	s10 =	sadd.s32 s3, s10  }
0x31b: {  	[tilespmem:s12], [sflag:$0x1] =	stream.linear.gather [hbm4b:s10+s2], $0x80, $0x38;
	[tilespmem:$0x8100] =	vst v63  }
0x31c: {  	v59 =	vld [tilespmem:$0xB0];
	_ =	sdelay $0x4  }
0x31d: {  	v0 =	vshll.u32 v59, $0x4  }
0x31e: {  	(v2sf) =	vpush v0, $0x0;
	_ =	sdelay $0x3  }
0x31f: {  	(v2sf) =	vpush v0, $0x1;
	_ =	sdelay $0x3  }
0x320: {  	(v2sf) =	vpush v0, $0x2;
	_ =	sdelay $0x3  }
0x321: {  	(v2sf) =	vpush v0, $0x3;
	_ =	sdelay $0x2  }
0x322: {  	s12 =	spop (v2sf)  }
0x323: {  	(v2sf) =	vpush v0, $0x4;
	s10 =	sand.u32 $0x1FFFFFF0, s12  }
0x324: {  	s12 =	simm.s32 $0x5900;
	s10 =	sadd.s32 s3, s10  }
0x325: {  	[tilespmem:s12], [sflag:$0x1] =	stream.linear.gather [hbm4b:s10+s2], $0x80, $0x38;
	[tilespmem:$0x8100] =	vst v63  }
0x326: {  	s12 =	spop (v2sf)  }
0x327: {  	(v2sf) =	vpush v0, $0x5;
	s10 =	sand.u32 $0x1FFFFFF0, s12  }
0x328: {  	s12 =	simm.s32 $0x5980;
	s10 =	sadd.s32 s3, s10  }
0x329: {  	[tilespmem:s12], [sflag:$0x1] =	stream.linear.gather [hbm4b:s10+s2], $0x80, $0x38;
	[tilespmem:$0x8100] =	vst v63  }
0x32a: {  	s12 =	spop (v2sf)  }
0x32b: {  	(v2sf) =	vpush v0, $0x6;
	s10 =	sand.u32 $0x1FFFFFF0, s12  }
0x32c: {  	s12 =	simm.s32 $0x5A00;
	s10 =	sadd.s32 s3, s10  }
0x32d: {  	[tilespmem:s12], [sflag:$0x1] =	stream.linear.gather [hbm4b:s10+s2], $0x80, $0x38;
	[tilespmem:$0x8100] =	vst v63  }
0x32e: {  	s12 =	spop (v2sf)  }
0x32f: {  	(v2sf) =	vpush v0, $0x7;
	s10 =	sand.u32 $0x1FFFFFF0, s12  }
0x330: {  	s12 =	simm.s32 $0x5A80;
	s10 =	sadd.s32 s3, s10  }
0x331: {  	[tilespmem:s12], [sflag:$0x1] =	stream.linear.gather [hbm4b:s10+s2], $0x80, $0x38;
	[tilespmem:$0x8100] =	vst v63  }
0x332: {  	s12 =	spop (v2sf)  }
0x333: {  	(v2sf) =	vpush v0, $0x8;
	s10 =	sand.u32 $0x1FFFFFF0, s12  }
0x334: {  	s12 =	simm.s32 $0x5B00;
	s10 =	sadd.s32 s3, s10  }
0x335: {  	[tilespmem:s12], [sflag:$0x1] =	stream.linear.gather [hbm4b:s10+s2], $0x80, $0x38;
	[tilespmem:$0x8100] =	vst v63  }
0x336: {  	s12 =	spop (v2sf)  }
0x337: {  	(v2sf) =	vpush v0, $0x9;
	s10 =	sand.u32 $0x1FFFFFF0, s12  }
0x338: {  	s12 =	simm.s32 $0x5B80;
	s10 =	sadd.s32 s3, s10  }
0x339: {  	[tilespmem:s12], [sflag:$0x1] =	stream.linear.gather [hbm4b:s10+s2], $0x80, $0x38;
	[tilespmem:$0x8100] =	vst v63  }
0x33a: {  	s12 =	spop (v2sf)  }
0x33b: {  	(v2sf) =	vpush v0, $0xA;
	s10 =	sand.u32 $0x1FFFFFF0, s12  }
0x33c: {  	s12 =	simm.s32 $0x5C00;
	s10 =	sadd.s32 s3, s10  }
0x33d: {  	[tilespmem:s12], [sflag:$0x1] =	stream.linear.gather [hbm4b:s10+s2], $0x80, $0x38;
	[tilespmem:$0x8100] =	vst v63  }
0x33e: {  	s12 =	spop (v2sf)  }
0x33f: {  	(v2sf) =	vpush v0, $0xB;
	s10 =	sand.u32 $0x1FFFFFF0, s12  }
0x340: {  	s12 =	simm.s32 $0x5C80;
	s10 =	sadd.s32 s3, s10  }
0x341: {  	[tilespmem:s12], [sflag:$0x1] =	stream.linear.gather [hbm4b:s10+s2], $0x80, $0x38;
	[tilespmem:$0x8100] =	vst v63  }
0x342: {  	s12 =	spop (v2sf)  }
0x343: {  	(v2sf) =	vpush v0, $0xC;
	s10 =	sand.u32 $0x1FFFFFF0, s12  }
0x344: {  	s12 =	simm.s32 $0x5D00;
	s10 =	sadd.s32 s3, s10  }
0x345: {  	[tilespmem:s12], [sflag:$0x1] =	stream.linear.gather [hbm4b:s10+s2], $0x80, $0x38;
	[tilespmem:$0x8100] =	vst v63  }
0x346: {  	s12 =	spop (v2sf)  }
0x347: {  	(v2sf) =	vpush v0, $0xD;
	s10 =	sand.u32 $0x1FFFFFF0, s12  }
0x348: {  	s12 =	simm.s32 $0x5D80;
	s10 =	sadd.s32 s3, s10  }
0x349: {  	[tilespmem:s12], [sflag:$0x1] =	stream.linear.gather [hbm4b:s10+s2], $0x80, $0x38;
	[tilespmem:$0x8100] =	vst v63  }
0x34a: {  	s12 =	spop (v2sf)  }
0x34b: {  	(v2sf) =	vpush v0, $0xE;
	s10 =	sand.u32 $0x1FFFFFF0, s12  }
0x34c: {  	s12 =	simm.s32 $0x5E00;
	s10 =	sadd.s32 s3, s10  }
0x34d: {  	[tilespmem:s12], [sflag:$0x1] =	stream.linear.gather [hbm4b:s10+s2], $0x80, $0x38;
	[tilespmem:$0x8100] =	vst v63  }
0x34e: {  	s12 =	spop (v2sf)  }
0x34f: {  	(v2sf) =	vpush v0, $0xF;
	s10 =	sand.u32 $0x1FFFFFF0, s12  }
0x350: {  	s12 =	simm.s32 $0x5E80;
	s10 =	sadd.s32 s3, s10  }
0x351: {  	[tilespmem:s12], [sflag:$0x1] =	stream.linear.gather [hbm4b:s10+s2], $0x80, $0x38;
	[tilespmem:$0x8100] =	vst v63  }
0x352: {  	s12 =	spop (v2sf)  }
0x353: {  	s10 =	sand.u32 $0x1FFFFFF0, s12  }
0x354: {  	s12 =	simm.s32 $0x5F00;
	s10 =	sadd.s32 s3, s10  }
0x355: {  	[tilespmem:s12], [sflag:$0x1] =	stream.linear.gather [hbm4b:s10+s2], $0x80, $0x38;
	[tilespmem:$0x8100] =	vst v63  }
0x356: {  	s12 =	spop (v2sf)  }
0x357: {  	s10 =	sand.u32 $0x1FFFFFF0, s12  }
0x358: {  	s12 =	simm.s32 $0x5F80;
	s10 =	sadd.s32 s3, s10  }
0x359: {  	[tilespmem:s12], [sflag:$0x1] =	stream.linear.gather [hbm4b:s10+s2], $0x80, $0x38;
	[tilespmem:$0x8100] =	vst v63  }
0x35a: {  	s12 =	spop (v2sf)  }
0x35b: {  	s10 =	sand.u32 $0x1FFFFFF0, s12  }
0x35c: {  	s12 =	simm.s32 $0x6000;
	s10 =	sadd.s32 s3, s10  }
0x35d: {  	[tilespmem:s12], [sflag:$0x1] =	stream.linear.gather [hbm4b:s10+s2], $0x80, $0x38;
	[tilespmem:$0x8100] =	vst v63  }
0x35e: {  	s12 =	spop (v2sf)  }
0x35f: {  	s10 =	sand.u32 $0x1FFFFFF0, s12  }
0x360: {  	s12 =	simm.s32 $0x6080;
	s10 =	sadd.s32 s3, s10  }
0x361: {  	[tilespmem:s12], [sflag:$0x1] =	stream.linear.gather [hbm4b:s10+s2], $0x80, $0x38;
	[tilespmem:$0x8100] =	vst v63  }
0x362: {  	v60 =	vld [tilespmem:$0xC0];
	_ =	sdelay $0x4  }
0x363: {  	v0 =	vshll.u32 v60, $0x4  }
0x364: {  	(v2sf) =	vpush v0, $0x0;
	_ =	sdelay $0x3  }
0x365: {  	(v2sf) =	vpush v0, $0x1;
	_ =	sdelay $0x3  }
0x366: {  	(v2sf) =	vpush v0, $0x2;
	_ =	sdelay $0x3  }
0x367: {  	(v2sf) =	vpush v0, $0x3;
	_ =	sdelay $0x2  }
0x368: {  	s12 =	spop (v2sf)  }
0x369: {  	(v2sf) =	vpush v0, $0x4;
	s10 =	sand.u32 $0x1FFFFFF0, s12  }
0x36a: {  	s12 =	simm.s32 $0x6100;
	s10 =	sadd.s32 s3, s10  }
0x36b: {  	[tilespmem:s12], [sflag:$0x1] =	stream.linear.gather [hbm4b:s10+s2], $0x80, $0x38;
	[tilespmem:$0x8100] =	vst v63  }
0x36c: {  	s12 =	spop (v2sf)  }
0x36d: {  	(v2sf) =	vpush v0, $0x5;
	s10 =	sand.u32 $0x1FFFFFF0, s12  }
0x36e: {  	s12 =	simm.s32 $0x6180;
	s10 =	sadd.s32 s3, s10  }
0x36f: {  	[tilespmem:s12], [sflag:$0x1] =	stream.linear.gather [hbm4b:s10+s2], $0x80, $0x38;
	[tilespmem:$0x8100] =	vst v63  }
0x370: {  	s12 =	spop (v2sf)  }
0x371: {  	(v2sf) =	vpush v0, $0x6;
	s10 =	sand.u32 $0x1FFFFFF0, s12  }
0x372: {  	s12 =	simm.s32 $0x6200;
	s10 =	sadd.s32 s3, s10  }
0x373: {  	[tilespmem:s12], [sflag:$0x1] =	stream.linear.gather [hbm4b:s10+s2], $0x80, $0x38;
	[tilespmem:$0x8100] =	vst v63  }
0x374: {  	s12 =	spop (v2sf)  }
0x375: {  	(v2sf) =	vpush v0, $0x7;
	s10 =	sand.u32 $0x1FFFFFF0, s12  }
0x376: {  	s12 =	simm.s32 $0x6280;
	s10 =	sadd.s32 s3, s10  }
0x377: {  	[tilespmem:s12], [sflag:$0x1] =	stream.linear.gather [hbm4b:s10+s2], $0x80, $0x38;
	[tilespmem:$0x8100] =	vst v63  }
0x378: {  	s12 =	spop (v2sf)  }
0x379: {  	(v2sf) =	vpush v0, $0x8;
	s10 =	sand.u32 $0x1FFFFFF0, s12  }
0x37a: {  	s12 =	simm.s32 $0x6300;
	s10 =	sadd.s32 s3, s10  }
0x37b: {  	[tilespmem:s12], [sflag:$0x1] =	stream.linear.gather [hbm4b:s10+s2], $0x80, $0x38;
	[tilespmem:$0x8100] =	vst v63  }
0x37c: {  	s12 =	spop (v2sf)  }
0x37d: {  	(v2sf) =	vpush v0, $0x9;
	s10 =	sand.u32 $0x1FFFFFF0, s12  }
0x37e: {  	s12 =	simm.s32 $0x6380;
	s10 =	sadd.s32 s3, s10  }
0x37f: {  	[tilespmem:s12], [sflag:$0x1] =	stream.linear.gather [hbm4b:s10+s2], $0x80, $0x38;
	[tilespmem:$0x8100] =	vst v63  }
0x380: {  	s12 =	spop (v2sf)  }
0x381: {  	(v2sf) =	vpush v0, $0xA;
	s10 =	sand.u32 $0x1FFFFFF0, s12  }
0x382: {  	s12 =	simm.s32 $0x6400;
	s10 =	sadd.s32 s3, s10  }
0x383: {  	[tilespmem:s12], [sflag:$0x1] =	stream.linear.gather [hbm4b:s10+s2], $0x80, $0x38;
	[tilespmem:$0x8100] =	vst v63  }
0x384: {  	s12 =	spop (v2sf)  }
0x385: {  	(v2sf) =	vpush v0, $0xB;
	s10 =	sand.u32 $0x1FFFFFF0, s12  }
0x386: {  	s12 =	simm.s32 $0x6480;
	s10 =	sadd.s32 s3, s10  }
0x387: {  	[tilespmem:s12], [sflag:$0x1] =	stream.linear.gather [hbm4b:s10+s2], $0x80, $0x38;
	[tilespmem:$0x8100] =	vst v63  }
0x388: {  	s12 =	spop (v2sf)  }
0x389: {  	(v2sf) =	vpush v0, $0xC;
	s10 =	sand.u32 $0x1FFFFFF0, s12  }
0x38a: {  	s12 =	simm.s32 $0x6500;
	s10 =	sadd.s32 s3, s10  }
0x38b: {  	[tilespmem:s12], [sflag:$0x1] =	stream.linear.gather [hbm4b:s10+s2], $0x80, $0x38;
	[tilespmem:$0x8100] =	vst v63  }
0x38c: {  	s12 =	spop (v2sf)  }
0x38d: {  	(v2sf) =	vpush v0, $0xD;
	s10 =	sand.u32 $0x1FFFFFF0, s12  }
0x38e: {  	s12 =	simm.s32 $0x6580;
	s10 =	sadd.s32 s3, s10  }
0x38f: {  	[tilespmem:s12], [sflag:$0x1] =	stream.linear.gather [hbm4b:s10+s2], $0x80, $0x38;
	[tilespmem:$0x8100] =	vst v63  }
0x390: {  	s12 =	spop (v2sf)  }
0x391: {  	(v2sf) =	vpush v0, $0xE;
	s10 =	sand.u32 $0x1FFFFFF0, s12  }
0x392: {  	s12 =	simm.s32 $0x6600;
	s10 =	sadd.s32 s3, s10  }
0x393: {  	[tilespmem:s12], [sflag:$0x1] =	stream.linear.gather [hbm4b:s10+s2], $0x80, $0x38;
	[tilespmem:$0x8100] =	vst v63  }
0x394: {  	s12 =	spop (v2sf)  }
0x395: {  	(v2sf) =	vpush v0, $0xF;
	s10 =	sand.u32 $0x1FFFFFF0, s12  }
0x396: {  	s12 =	simm.s32 $0x6680;
	s10 =	sadd.s32 s3, s10  }
0x397: {  	[tilespmem:s12], [sflag:$0x1] =	stream.linear.gather [hbm4b:s10+s2], $0x80, $0x38;
	[tilespmem:$0x8100] =	vst v63  }
0x398: {  	s12 =	spop (v2sf)  }
0x399: {  	s10 =	sand.u32 $0x1FFFFFF0, s12  }
0x39a: {  	s12 =	simm.s32 $0x6700;
	s10 =	sadd.s32 s3, s10  }
0x39b: {  	[tilespmem:s12], [sflag:$0x1] =	stream.linear.gather [hbm4b:s10+s2], $0x80, $0x38;
	[tilespmem:$0x8100] =	vst v63  }
0x39c: {  	s12 =	spop (v2sf)  }
0x39d: {  	s10 =	sand.u32 $0x1FFFFFF0, s12  }
0x39e: {  	s12 =	simm.s32 $0x6780;
	s10 =	sadd.s32 s3, s10  }
0x39f: {  	[tilespmem:s12], [sflag:$0x1] =	stream.linear.gather [hbm4b:s10+s2], $0x80, $0x38;
	[tilespmem:$0x8100] =	vst v63  }
0x3a0: {  	s12 =	spop (v2sf)  }
0x3a1: {  	s10 =	sand.u32 $0x1FFFFFF0, s12  }
0x3a2: {  	s12 =	simm.s32 $0x6800;
	s10 =	sadd.s32 s3, s10  }
0x3a3: {  	[tilespmem:s12], [sflag:$0x1] =	stream.linear.gather [hbm4b:s10+s2], $0x80, $0x38;
	[tilespmem:$0x8100] =	vst v63  }
0x3a4: {  	s12 =	spop (v2sf)  }
0x3a5: {  	s10 =	sand.u32 $0x1FFFFFF0, s12  }
0x3a6: {  	s12 =	simm.s32 $0x6880;
	s10 =	sadd.s32 s3, s10  }
0x3a7: {  	[tilespmem:s12], [sflag:$0x1] =	stream.linear.gather [hbm4b:s10+s2], $0x80, $0x38;
	[tilespmem:$0x8100] =	vst v63  }
0x3a8: {  	v61 =	vld [tilespmem:$0xD0];
	_ =	sdelay $0x4  }
0x3a9: {  	v0 =	vshll.u32 v61, $0x4  }
0x3aa: {  	(v2sf) =	vpush v0, $0x0;
	_ =	sdelay $0x3  }
0x3ab: {  	(v2sf) =	vpush v0, $0x1;
	_ =	sdelay $0x3  }
0x3ac: {  	(v2sf) =	vpush v0, $0x2;
	_ =	sdelay $0x3  }
0x3ad: {  	(v2sf) =	vpush v0, $0x3;
	_ =	sdelay $0x2  }
0x3ae: {  	s12 =	spop (v2sf)  }
0x3af: {  	(v2sf) =	vpush v0, $0x4;
	s10 =	sand.u32 $0x1FFFFFF0, s12  }
0x3b0: {  	s12 =	simm.s32 $0x6900;
	s10 =	sadd.s32 s3, s10  }
0x3b1: {  	[tilespmem:s12], [sflag:$0x1] =	stream.linear.gather [hbm4b:s10+s2], $0x80, $0x38;
	[tilespmem:$0x8100] =	vst v63  }
0x3b2: {  	s12 =	spop (v2sf)  }
0x3b3: {  	(v2sf) =	vpush v0, $0x5;
	s10 =	sand.u32 $0x1FFFFFF0, s12  }
0x3b4: {  	s12 =	simm.s32 $0x6980;
	s10 =	sadd.s32 s3, s10  }
0x3b5: {  	[tilespmem:s12], [sflag:$0x1] =	stream.linear.gather [hbm4b:s10+s2], $0x80, $0x38;
	[tilespmem:$0x8100] =	vst v63  }
0x3b6: {  	s12 =	spop (v2sf)  }
0x3b7: {  	(v2sf) =	vpush v0, $0x6;
	s10 =	sand.u32 $0x1FFFFFF0, s12  }
0x3b8: {  	s12 =	simm.s32 $0x6A00;
	s10 =	sadd.s32 s3, s10  }
0x3b9: {  	[tilespmem:s12], [sflag:$0x1] =	stream.linear.gather [hbm4b:s10+s2], $0x80, $0x38;
	[tilespmem:$0x8100] =	vst v63  }
0x3ba: {  	s12 =	spop (v2sf)  }
0x3bb: {  	(v2sf) =	vpush v0, $0x7;
	s10 =	sand.u32 $0x1FFFFFF0, s12  }
0x3bc: {  	s12 =	simm.s32 $0x6A80;
	s10 =	sadd.s32 s3, s10  }
0x3bd: {  	[tilespmem:s12], [sflag:$0x1] =	stream.linear.gather [hbm4b:s10+s2], $0x80, $0x38;
	[tilespmem:$0x8100] =	vst v63  }
0x3be: {  	s12 =	spop (v2sf)  }
0x3bf: {  	(v2sf) =	vpush v0, $0x8;
	s10 =	sand.u32 $0x1FFFFFF0, s12  }
0x3c0: {  	s12 =	simm.s32 $0x6B00;
	s10 =	sadd.s32 s3, s10  }
0x3c1: {  	[tilespmem:s12], [sflag:$0x1] =	stream.linear.gather [hbm4b:s10+s2], $0x80, $0x38;
	[tilespmem:$0x8100] =	vst v63  }
0x3c2: {  	s12 =	spop (v2sf)  }
0x3c3: {  	(v2sf) =	vpush v0, $0x9;
	s10 =	sand.u32 $0x1FFFFFF0, s12  }
0x3c4: {  	s12 =	simm.s32 $0x6B80;
	s10 =	sadd.s32 s3, s10  }
0x3c5: {  	[tilespmem:s12], [sflag:$0x1] =	stream.linear.gather [hbm4b:s10+s2], $0x80, $0x38;
	[tilespmem:$0x8100] =	vst v63  }
0x3c6: {  	s12 =	spop (v2sf)  }
0x3c7: {  	(v2sf) =	vpush v0, $0xA;
	s10 =	sand.u32 $0x1FFFFFF0, s12  }
0x3c8: {  	s12 =	simm.s32 $0x6C00;
	s10 =	sadd.s32 s3, s10  }
0x3c9: {  	[tilespmem:s12], [sflag:$0x1] =	stream.linear.gather [hbm4b:s10+s2], $0x80, $0x38;
	[tilespmem:$0x8100] =	vst v63  }
0x3ca: {  	s12 =	spop (v2sf)  }
0x3cb: {  	(v2sf) =	vpush v0, $0xB;
	s10 =	sand.u32 $0x1FFFFFF0, s12  }
0x3cc: {  	s12 =	simm.s32 $0x6C80;
	s10 =	sadd.s32 s3, s10  }
0x3cd: {  	[tilespmem:s12], [sflag:$0x1] =	stream.linear.gather [hbm4b:s10+s2], $0x80, $0x38;
	[tilespmem:$0x8100] =	vst v63  }
0x3ce: {  	s12 =	spop (v2sf)  }
0x3cf: {  	(v2sf) =	vpush v0, $0xC;
	s10 =	sand.u32 $0x1FFFFFF0, s12  }
0x3d0: {  	s12 =	simm.s32 $0x6D00;
	s10 =	sadd.s32 s3, s10  }
0x3d1: {  	[tilespmem:s12], [sflag:$0x1] =	stream.linear.gather [hbm4b:s10+s2], $0x80, $0x38;
	[tilespmem:$0x8100] =	vst v63  }
0x3d2: {  	s12 =	spop (v2sf)  }
0x3d3: {  	(v2sf) =	vpush v0, $0xD;
	s10 =	sand.u32 $0x1FFFFFF0, s12  }
0x3d4: {  	s12 =	simm.s32 $0x6D80;
	s10 =	sadd.s32 s3, s10  }
0x3d5: {  	[tilespmem:s12], [sflag:$0x1] =	stream.linear.gather [hbm4b:s10+s2], $0x80, $0x38;
	[tilespmem:$0x8100] =	vst v63  }
0x3d6: {  	s12 =	spop (v2sf)  }
0x3d7: {  	(v2sf) =	vpush v0, $0xE;
	s10 =	sand.u32 $0x1FFFFFF0, s12  }
0x3d8: {  	s12 =	simm.s32 $0x6E00;
	s10 =	sadd.s32 s3, s10  }
0x3d9: {  	[tilespmem:s12], [sflag:$0x1] =	stream.linear.gather [hbm4b:s10+s2], $0x80, $0x38;
	[tilespmem:$0x8100] =	vst v63  }
0x3da: {  	s12 =	spop (v2sf)  }
0x3db: {  	(v2sf) =	vpush v0, $0xF;
	s10 =	sand.u32 $0x1FFFFFF0, s12  }
0x3dc: {  	s12 =	simm.s32 $0x6E80;
	s10 =	sadd.s32 s3, s10  }
0x3dd: {  	[tilespmem:s12], [sflag:$0x1] =	stream.linear.gather [hbm4b:s10+s2], $0x80, $0x38;
	[tilespmem:$0x8100] =	vst v63  }
0x3de: {  	s12 =	spop (v2sf)  }
0x3df: {  	s10 =	sand.u32 $0x1FFFFFF0, s12  }
0x3e0: {  	s12 =	simm.s32 $0x6F00;
	s10 =	sadd.s32 s3, s10  }
0x3e1: {  	[tilespmem:s12], [sflag:$0x1] =	stream.linear.gather [hbm4b:s10+s2], $0x80, $0x38;
	[tilespmem:$0x8100] =	vst v63  }
0x3e2: {  	s12 =	spop (v2sf)  }
0x3e3: {  	s10 =	sand.u32 $0x1FFFFFF0, s12  }
0x3e4: {  	s12 =	simm.s32 $0x6F80;
	s10 =	sadd.s32 s3, s10  }
0x3e5: {  	[tilespmem:s12], [sflag:$0x1] =	stream.linear.gather [hbm4b:s10+s2], $0x80, $0x38;
	[tilespmem:$0x8100] =	vst v63  }
0x3e6: {  	s12 =	spop (v2sf)  }
0x3e7: {  	s10 =	sand.u32 $0x1FFFFFF0, s12  }
0x3e8: {  	s12 =	simm.s32 $0x7000;
	s10 =	sadd.s32 s3, s10  }
0x3e9: {  	[tilespmem:s12], [sflag:$0x1] =	stream.linear.gather [hbm4b:s10+s2], $0x80, $0x38;
	[tilespmem:$0x8100] =	vst v63  }
0x3ea: {  	s12 =	spop (v2sf)  }
0x3eb: {  	s10 =	sand.u32 $0x1FFFFFF0, s12  }
0x3ec: {  	s12 =	simm.s32 $0x7080;
	s10 =	sadd.s32 s3, s10  }
0x3ed: {  	[tilespmem:s12], [sflag:$0x1] =	stream.linear.gather [hbm4b:s10+s2], $0x80, $0x38;
	[tilespmem:$0x8100] =	vst v63  }
0x3ee: {  	v62 =	vld [tilespmem:$0xE0];
	_ =	sdelay $0x4  }
0x3ef: {  	v0 =	vshll.u32 v62, $0x4  }
0x3f0: {  	(v2sf) =	vpush v0, $0x0;
	_ =	sdelay $0x3  }
0x3f1: {  	(v2sf) =	vpush v0, $0x1;
	_ =	sdelay $0x3  }
0x3f2: {  	(v2sf) =	vpush v0, $0x2;
	_ =	sdelay $0x3  }
0x3f3: {  	(v2sf) =	vpush v0, $0x3;
	_ =	sdelay $0x2  }
0x3f4: {  	s12 =	spop (v2sf)  }
0x3f5: {  	(v2sf) =	vpush v0, $0x4;
	s10 =	sand.u32 $0x1FFFFFF0, s12  }
0x3f6: {  	s12 =	simm.s32 $0x7100;
	s10 =	sadd.s32 s3, s10  }
0x3f7: {  	[tilespmem:s12], [sflag:$0x1] =	stream.linear.gather [hbm4b:s10+s2], $0x80, $0x38;
	[tilespmem:$0x8100] =	vst v63  }
0x3f8: {  	s12 =	spop (v2sf)  }
0x3f9: {  	(v2sf) =	vpush v0, $0x5;
	s10 =	sand.u32 $0x1FFFFFF0, s12  }
0x3fa: {  	s12 =	simm.s32 $0x7180;
	s10 =	sadd.s32 s3, s10  }
0x3fb: {  	[tilespmem:s12], [sflag:$0x1] =	stream.linear.gather [hbm4b:s10+s2], $0x80, $0x38;
	[tilespmem:$0x8100] =	vst v63  }
0x3fc: {  	s12 =	spop (v2sf)  }
0x3fd: {  	(v2sf) =	vpush v0, $0x6;
	s10 =	sand.u32 $0x1FFFFFF0, s12  }
0x3fe: {  	s12 =	simm.s32 $0x7200;
	s10 =	sadd.s32 s3, s10  }
0x3ff: {  	[tilespmem:s12], [sflag:$0x1] =	stream.linear.gather [hbm4b:s10+s2], $0x80, $0x38;
	[tilespmem:$0x8100] =	vst v63  }
0x400: {  	s12 =	spop (v2sf)  }
0x401: {  	(v2sf) =	vpush v0, $0x7;
	s10 =	sand.u32 $0x1FFFFFF0, s12  }
0x402: {  	s12 =	simm.s32 $0x7280;
	s10 =	sadd.s32 s3, s10  }
0x403: {  	[tilespmem:s12], [sflag:$0x1] =	stream.linear.gather [hbm4b:s10+s2], $0x80, $0x38;
	[tilespmem:$0x8100] =	vst v63  }
0x404: {  	s12 =	spop (v2sf)  }
0x405: {  	(v2sf) =	vpush v0, $0x8;
	s10 =	sand.u32 $0x1FFFFFF0, s12  }
0x406: {  	s12 =	simm.s32 $0x7300;
	s10 =	sadd.s32 s3, s10  }
0x407: {  	[tilespmem:s12], [sflag:$0x1] =	stream.linear.gather [hbm4b:s10+s2], $0x80, $0x38;
	[tilespmem:$0x8100] =	vst v63  }
0x408: {  	s12 =	spop (v2sf)  }
0x409: {  	(v2sf) =	vpush v0, $0x9;
	s10 =	sand.u32 $0x1FFFFFF0, s12  }
0x40a: {  	s12 =	simm.s32 $0x7380;
	s10 =	sadd.s32 s3, s10  }
0x40b: {  	[tilespmem:s12], [sflag:$0x1] =	stream.linear.gather [hbm4b:s10+s2], $0x80, $0x38;
	[tilespmem:$0x8100] =	vst v63  }
0x40c: {  	s12 =	spop (v2sf)  }
0x40d: {  	(v2sf) =	vpush v0, $0xA;
	s10 =	sand.u32 $0x1FFFFFF0, s12  }
0x40e: {  	s12 =	simm.s32 $0x7400;
	s10 =	sadd.s32 s3, s10  }
0x40f: {  	[tilespmem:s12], [sflag:$0x1] =	stream.linear.gather [hbm4b:s10+s2], $0x80, $0x38;
	[tilespmem:$0x8100] =	vst v63  }
0x410: {  	s12 =	spop (v2sf)  }
0x411: {  	(v2sf) =	vpush v0, $0xB;
	s10 =	sand.u32 $0x1FFFFFF0, s12  }
0x412: {  	s12 =	simm.s32 $0x7480;
	s10 =	sadd.s32 s3, s10  }
0x413: {  	[tilespmem:s12], [sflag:$0x1] =	stream.linear.gather [hbm4b:s10+s2], $0x80, $0x38;
	[tilespmem:$0x8100] =	vst v63  }
0x414: {  	s12 =	spop (v2sf)  }
0x415: {  	(v2sf) =	vpush v0, $0xC;
	s10 =	sand.u32 $0x1FFFFFF0, s12  }
0x416: {  	s12 =	simm.s32 $0x7500;
	s10 =	sadd.s32 s3, s10  }
0x417: {  	[tilespmem:s12], [sflag:$0x1] =	stream.linear.gather [hbm4b:s10+s2], $0x80, $0x38;
	[tilespmem:$0x8100] =	vst v63  }
0x418: {  	s12 =	spop (v2sf)  }
0x419: {  	(v2sf) =	vpush v0, $0xD;
	s10 =	sand.u32 $0x1FFFFFF0, s12  }
0x41a: {  	s12 =	simm.s32 $0x7580;
	s10 =	sadd.s32 s3, s10  }
0x41b: {  	[tilespmem:s12], [sflag:$0x1] =	stream.linear.gather [hbm4b:s10+s2], $0x80, $0x38;
	[tilespmem:$0x8100] =	vst v63  }
0x41c: {  	s12 =	spop (v2sf)  }
0x41d: {  	(v2sf) =	vpush v0, $0xE;
	s10 =	sand.u32 $0x1FFFFFF0, s12  }
0x41e: {  	s12 =	simm.s32 $0x7600;
	s10 =	sadd.s32 s3, s10  }
0x41f: {  	[tilespmem:s12], [sflag:$0x1] =	stream.linear.gather [hbm4b:s10+s2], $0x80, $0x38;
	[tilespmem:$0x8100] =	vst v63  }
0x420: {  	s12 =	spop (v2sf)  }
0x421: {  	(v2sf) =	vpush v0, $0xF;
	s10 =	sand.u32 $0x1FFFFFF0, s12  }
0x422: {  	s12 =	simm.s32 $0x7680;
	s10 =	sadd.s32 s3, s10  }
0x423: {  	[tilespmem:s12], [sflag:$0x1] =	stream.linear.gather [hbm4b:s10+s2], $0x80, $0x38;
	[tilespmem:$0x8100] =	vst v63  }
0x424: {  	s12 =	spop (v2sf)  }
0x425: {  	s10 =	sand.u32 $0x1FFFFFF0, s12  }
0x426: {  	s12 =	simm.s32 $0x7700;
	s10 =	sadd.s32 s3, s10  }
0x427: {  	[tilespmem:s12], [sflag:$0x1] =	stream.linear.gather [hbm4b:s10+s2], $0x80, $0x38;
	[tilespmem:$0x8100] =	vst v63  }
0x428: {  	s12 =	spop (v2sf)  }
0x429: {  	s10 =	sand.u32 $0x1FFFFFF0, s12  }
0x42a: {  	s12 =	simm.s32 $0x7780;
	s10 =	sadd.s32 s3, s10  }
0x42b: {  	[tilespmem:s12], [sflag:$0x1] =	stream.linear.gather [hbm4b:s10+s2], $0x80, $0x38;
	[tilespmem:$0x8100] =	vst v63  }
0x42c: {  	s12 =	spop (v2sf)  }
0x42d: {  	s10 =	sand.u32 $0x1FFFFFF0, s12  }
0x42e: {  	s12 =	simm.s32 $0x7800;
	s10 =	sadd.s32 s3, s10  }
0x42f: {  	[tilespmem:s12], [sflag:$0x1] =	stream.linear.gather [hbm4b:s10+s2], $0x80, $0x38;
	[tilespmem:$0x8100] =	vst v63  }
0x430: {  	s12 =	spop (v2sf)  }
0x431: {  	s10 =	sand.u32 $0x1FFFFFF0, s12  }
0x432: {  	s10 =	sadd.s32 s3, s10  }
0x433: {  	[tilespmem:s13], [sflag:$0x1] =	stream.linear.gather [hbm4b:s10+s2], $0x80, $0x38;
	[tilespmem:$0x8100] =	vst v63  }
0x434: {  	v63 =	vld [tilespmem:$0xF0];
	_ =	sdelay $0x4  }
0x435: {  	v0 =	vshll.u32 v63, $0x4  }
0x436: {  	(v2sf) =	vpush v0, $0x0;
	_ =	sdelay $0x1  }
0x437: {  	(v2sf) =	vpush v0, $0x1;
	_ =	sdelay $0x2  }
0x438: {  	(v2sf) =	vpush v0, $0x2;
	_ =	sdelay $0x2  }
0x439: {  	(v2sf) =	vpush v0, $0x3;
	_ =	sdelay $0x6  }
0x43a: {  	s12 =	spop (v2sf);
	(v2sf) =	vpush v0, $0x4;
	_ =	sdelay $0x1  }
0x43b: {  	s10 =	sand.u32 $0x1FFFFFF0, s12;
	s12 =	spop (v2sf);
	(v2sf) =	vpush v0, $0x5  }
0x43c: {  	s10 =	sadd.s32 s3, s10  }
0x43d: {  	[tilespmem:s14], [sflag:$0x1] =	stream.linear.gather [hbm4b:s10+s2], $0x80, $0x38;
	[tilespmem:$0x8100] =	vst v63  }
0x43e: {  	s10 =	sand.u32 $0x1FFFFFF0, s12;
	s12 =	spop (v2sf);
	(v2sf) =	vpush v0, $0x6  }
0x43f: {  	s10 =	sadd.s32 s3, s10  }
0x440: {  	[tilespmem:s15], [sflag:$0x1] =	stream.linear.gather [hbm4b:s10+s2], $0x80, $0x38;
	[tilespmem:$0x8100] =	vst v63  }
0x441: {  	s10 =	sand.u32 $0x1FFFFFF0, s12;
	s12 =	spop (v2sf);
	(v2sf) =	vpush v0, $0x7;
	_ =	sdelay $0x3  }
0x442: {  	s10 =	sadd.s32 s3, s10  }
0x443: {  	[tilespmem:s16], [sflag:$0x1] =	stream.linear.gather [hbm4b:s10+s2], $0x80, $0x38;
	[tilespmem:$0x8100] =	vst v63  }
0x444: {  	s10 =	sand.u32 $0x1FFFFFF0, s12  }
0x445: {  	s10 =	sadd.s32 s3, s10;
	s12 =	spop (v2sf);
	(v2sf) =	vpush v0, $0x8  }
0x446: {  	[tilespmem:s17], [sflag:$0x1] =	stream.linear.gather [hbm4b:s10+s2], $0x80, $0x38;
	[tilespmem:$0x8100] =	vst v63  }
0x447: {  	s10 =	sand.u32 $0x1FFFFFF0, s12;
	s12 =	spop (v2sf);
	(v2sf) =	vpush v0, $0x9  }
0x448: {  	s10 =	sadd.s32 s3, s10  }
0x449: {  	[tilespmem:s18], [sflag:$0x1] =	stream.linear.gather [hbm4b:s10+s2], $0x80, $0x38;
	[tilespmem:$0x8100] =	vst v63  }
0x44a: {  	s10 =	sand.u32 $0x1FFFFFF0, s12;
	s12 =	spop (v2sf);
	(v2sf) =	vpush v0, $0xA  }
0x44b: {  	s10 =	sadd.s32 s3, s10  }
0x44c: {  	[tilespmem:s19], [sflag:$0x1] =	stream.linear.gather [hbm4b:s10+s2], $0x80, $0x38;
	[tilespmem:$0x8100] =	vst v63  }
0x44d: {  	s10 =	sand.u32 $0x1FFFFFF0, s12;
	s12 =	spop (v2sf);
	(v2sf) =	vpush v0, $0xB;
	_ =	sdelay $0x3  }
0x44e: {  	s10 =	sadd.s32 s3, s10  }
0x44f: {  	[tilespmem:s20], [sflag:$0x1] =	stream.linear.gather [hbm4b:s10+s2], $0x80, $0x38;
	[tilespmem:$0x8100] =	vst v63  }
0x450: {  	s10 =	sand.u32 $0x1FFFFFF0, s12  }
0x451: {  	s10 =	sadd.s32 s3, s10;
	s12 =	spop (v2sf);
	(v2sf) =	vpush v0, $0xC  }
0x452: {  	[tilespmem:s21], [sflag:$0x1] =	stream.linear.gather [hbm4b:s10+s2], $0x80, $0x38;
	[tilespmem:$0x8100] =	vst v63  }
0x453: {  	s10 =	sand.u32 $0x1FFFFFF0, s12;
	s12 =	spop (v2sf);
	(v2sf) =	vpush v0, $0xD  }
0x454: {  	s10 =	sadd.s32 s3, s10  }
0x455: {  	[tilespmem:s22], [sflag:$0x1] =	stream.linear.gather [hbm4b:s10+s2], $0x80, $0x38;
	[tilespmem:$0x8100] =	vst v63  }
0x456: {  	s10 =	sand.u32 $0x1FFFFFF0, s12;
	s12 =	spop (v2sf);
	(v2sf) =	vpush v0, $0xE  }
0x457: {  	s10 =	sadd.s32 s3, s10  }
0x458: {  	[tilespmem:s23], [sflag:$0x1] =	stream.linear.gather [hbm4b:s10+s2], $0x80, $0x38;
	[tilespmem:$0x8100] =	vst v63  }
0x459: {  	s10 =	sand.u32 $0x1FFFFFF0, s12;
	s12 =	spop (v2sf);
	(v2sf) =	vpush v0, $0xF;
	_ =	sdelay $0x1  }
0x45a: {  	s10 =	sadd.s32 s3, s10  }
0x45b: {  	[tilespmem:s24], [sflag:$0x1] =	stream.linear.gather [hbm4b:s10+s2], $0x80, $0x38;
	[tilespmem:$0x8100] =	vst v63  }
0x45c: {  	s10 =	sand.u32 $0x1FFFFFF0, s12  }
0x45d: {  	s10 =	sadd.s32 s3, s10  }
0x45e: {  	[tilespmem:s25], [sflag:$0x1] =	stream.linear.gather [hbm4b:s10+s2], $0x80, $0x38;
	[tilespmem:$0x8100] =	vst v63  }
0x45f: {  	s12 =	spop (v2sf)  }
0x460: {  	s10 =	sand.u32 $0x1FFFFFF0, s12  }
0x461: {  	s12 =	spop (v2sf);
	s10 =	sadd.s32 s3, s10  }
0x462: {  	[tilespmem:s26], [sflag:$0x1] =	stream.linear.gather [hbm4b:s10+s2], $0x80, $0x38;
	[tilespmem:$0x8100] =	vst v63  }
0x463: {  	s10 =	sand.u32 $0x1FFFFFF0, s12  }
0x464: {  	s12 =	spop (v2sf);
	s10 =	sadd.s32 s3, s10  }
0x465: {  	[tilespmem:s28], [sflag:$0x1] =	stream.linear.gather [hbm4b:s10+s2], $0x80, $0x38;
	[tilespmem:$0x8100] =	vst v63  }
0x466: {  	s10 =	sand.u32 $0x1FFFFFF0, s12  }
0x467: {  	s12 =	spop (v2sf);
	s10 =	sadd.s32 s3, s10  }
0x468: {  	[tilespmem:s29], [sflag:$0x1] =	stream.linear.gather [hbm4b:s10+s2], $0x80, $0x38;
	[tilespmem:$0x8100] =	vst v63  }
0x469: {  	s10 =	sand.u32 $0x1FFFFFF0, s12  }
0x46a: {  	s10 =	sadd.s32 s3, s10  }
0x46b: {  	[tilespmem:s31], [sflag:$0x1] =	stream.linear.gather [hbm4b:s10+s2], $0x80, $0x38;
	[tilespmem:$0x8100] =	vst v63  }
0x46c: {  	_ =	swait.ge [sflag:s0], $0x80  }
0x46d: {  	[sflag:s0] =	ssyncset.done $0x0  }
0x46e: {  	[sflag:s0] =	ssyncadd.s32 $0xFFFFFF80  }
0x46f: {  	_ =	swait.ge [sflag:s0], $0x80  }
0x470: {  	[sflag:s0] =	ssyncset.done $0x0  }
0x471: {  	[sflag:s0] =	ssyncadd.s32 $0xFFFFFF80  }
0x472: {  	_ =	swait.ge [sflag:s0], $0x80  }
0x473: {  	[sflag:s0] =	ssyncset.done $0x0  }
0x474: {  	[sflag:s0] =	ssyncadd.s32 $0xFFFFFF80  }
0x475: {  	_ =	swait.ge [sflag:s0], $0x80  }
0x476: {  	[sflag:s0] =	ssyncset.done $0x0  }
0x477: {  	[sflag:s0] =	ssyncadd.s32 $0xFFFFFF80  }
0x478: {  	_ =	swait.ge [sflag:s0], $0x80  }
0x479: {  	[sflag:s0] =	ssyncset.done $0x0  }
0x47a: {  	[sflag:s0] =	ssyncadd.s32 $0xFFFFFF80  }
0x47b: {  	_ =	swait.ge [sflag:s0], $0x80  }
0x47c: {  	[sflag:s0] =	ssyncset.done $0x0  }
0x47d: {  	[sflag:s0] =	ssyncadd.s32 $0xFFFFFF80  }
0x47e: {  	_ =	swait.ge [sflag:s0], $0x80  }
0x47f: {  	[sflag:s0] =	ssyncset.done $0x0  }
0x480: {  	[sflag:s0] =	ssyncadd.s32 $0xFFFFFF80  }
0x481: {  	_ =	swait.ge [sflag:s0], $0x80  }
0x482: {  	s10 =	simm.s32 $0x0;
	[sflag:s0] =	ssyncset.done $0x0  }
.LBB2_2:
0x483: {  	s10 =	sadd.s32 $0x8, s10;
	[sflag:s0] =	ssyncadd.s32 $0xFFFFFF80  }
0x484: {  	_ =	swait.ge [sflag:s0], $0x80;
	p0 =	slt.u32 s10, $0xF8  }
0x485: {  	[sflag:s0] =	ssyncset.done $0x0  }
0x486: {  	[sflag:s0] =	ssyncadd.s32 $0xFFFFFF80  }
0x487: {  	_ =	swait.ge [sflag:s0], $0x80  }
0x488: {  	[sflag:s0] =	ssyncset.done $0x0  }
0x489: {  	[sflag:s0] =	ssyncadd.s32 $0xFFFFFF80  }
0x48a: {  	_ =	swait.ge [sflag:s0], $0x80  }
0x48b: {  	[sflag:s0] =	ssyncset.done $0x0  }
0x48c: {  	[sflag:s0] =	ssyncadd.s32 $0xFFFFFF80  }
0x48d: {  	_ =	swait.ge [sflag:s0], $0x80  }
0x48e: {  	[sflag:s0] =	ssyncset.done $0x0  }
0x48f: {  	[sflag:s0] =	ssyncadd.s32 $0xFFFFFF80  }
0x490: {  	_ =	swait.ge [sflag:s0], $0x80  }
0x491: {  	[sflag:s0] =	ssyncset.done $0x0  }
0x492: {  	[sflag:s0] =	ssyncadd.s32 $0xFFFFFF80  }
0x493: {  	_ =	swait.ge [sflag:s0], $0x80  }
0x494: {  	[sflag:s0] =	ssyncset.done $0x0  }
0x495: {  	[sflag:s0] =	ssyncadd.s32 $0xFFFFFF80  }
.Ltmp0:
0x496: {  	_ =	swait.ge [sflag:s0], $0x80;
	(pc) =	sbr.rel @p0 .LBB2_2-.Ltmp0, $4  }
0x497: {  	[sflag:s0] =	ssyncset.done $0x0  }
0x498: {  	[sflag:s0] =	ssyncadd.s32 $0xFFFFFF80  }
0x499: {  	_ =	swait.ge [sflag:s0], $0x80  }
0x49a: {  	[sflag:s0] =	ssyncset.done $0x0  }
0x49b: {  	[sflag:s0] =	ssyncadd.s32 $0xFFFFFF80  }
0x49c: {  	[hbm4b:s6+s2] =	stream.linear.scatter [tilespmem:s11], [sflag:$0x2], $0x4000, $0x38;
	[tilespmem:$0x8100] =	vst v63  }
0x49d: {  	s1 =	sadd.s32 $0x1, s1;
	_ =	swait.ge [sflag:s9], $0x4000  }
0x49e: {  	p0 =	sne.s32 s1, s8;
	[sflag:s9] =	ssyncset.done $0x0  }
.Ltmp1:
0x49f: {  	[sflag:s9] =	ssyncadd.s32 $0xFFFFC000;
	(pc) =	sbr.rel @p0 .LBB2_1-.Ltmp1, $4  }
0x4a0: {  	[hbm4b:s7+s2] =	stream.linear.scatter [tilespmem:s30], [sflag:$0x2], $0x4000, $0x38;
	[tilespmem:$0x8100] =	vst v63  }
0x4a1: {  	_ =	swait.ge [sflag:s9], $0x4000  }
0x4a2: {  	[sflag:s9] =	ssyncset.done $0x0  }
0x4a3: {  	[sflag:s9] =	ssyncadd.s32 $0xFFFFC000  }
0x4a4: {  	_ =	sfence.sel $0x180000  }
0x4a5: {  	[bflag:$0x0] =	sbarrier.arrive $0xFFFF  }
0x4a6: {  	_ =	strace $0x90000047  }
0x4a7: {  	s0 =	stileid.u32;
	[bflag:$0x2] =	sbarrier.arrive $0xFFFF  }
0x4a8: {  	p0 =	sne.s32 s0, $0x0;
	s0 =	rddreg [dreg:$0x4]  }
0x4a9: {  	s0 =	sadd.s32 @!p0 $0x100000, s0  }
0x4aa: {  	[sflag:s0] =	ssyncadd.tile.s32 @!p0 $0x1;
	_ =	shalt  }
.Lfunc_end2:
_tile_overlayer_lowered:
.L_overlay_start_2:
0x4ab: {  	(tag) =	ssettag $0x2  }
0x4ac: {  	s0 =	rddreg [dreg:$0x0];
	s2 =	stileid.u32  }
0x4ad: {  	s1 =	rddreg [dreg:$0x1];
	p0 =	sne.s32 s2, $0x0  }
0x4ae: {  	s3 =	rddreg [dreg:$0x2];
	[bflag:$0x3] =	sbarrier.arrive $0xFFFF;
	s2 =	simm.s32 @!p0 $0x1C02  }
0x4af: {  	[timem:s3], [sflag:s2] =	dma.local @!p0 [hbm:s0], s1  }
0x4b0: {  	s0 =	simm.s32 @!p0 $0x2  }
0x4b1: {  	_ =	swait.ge @!p0 [sflag:s0], s1  }
0x4b2: {  	s1 =	ssub.s32 @!p0 $0x0, s1;
	[sflag:s0] =	ssyncset.done @!p0 $0x0  }
0x4b3: {  	[sflag:s0] =	ssyncadd.s32 @!p0 s1  }
0x4b4: {  	[bflag:$0x3] =	sbarrier.arrive $0xFFFF  }
0x4b5: {  	_ =	shalt  }

</sc_bundles>
